<compile_context>
chip_gen: v7x
topology: tpu7x:2x2x1
jax: 0.10.2.dev20260603
libtpu: 0.0.44.dev20260713+nightly
codegen_flags: <defaults>
</compile_context>

<pallas_src>
import functools

import numpy as np

import jax
import jax.numpy as jnp
from jax import lax
from jax.experimental import pallas as pl
from jax.experimental.pallas import tpu as pltpu
from jax.experimental.pallas import tpu_sc as plsc

N = 10000
D = 128
NP = 10240
BETA = 0.5
BN_DIV = float(np.sqrt(np.float32(1.0 + 1e-5)))

NW = 32
CHUNK = 128
EC = 80
EPW = EC * CHUNK
EP = NW * EPW
GRP = 8
NGRP = EC // GRP
SCH = 64
SGRP = 16
SEC = EPW // SCH
SNGRP = SEC // SGRP
PAD_IDX = N

ROWS_PER_TILE = NP // 16



def _sc_mesh():
    return plsc.VectorSubcoreMesh(core_axis_name="c", subcore_axis_name="s")


def _hist_body(col_hbm, out_hbm, hist_sh, colv, onesv):
    c = lax.axis_index("c")
    s = lax.axis_index("s")
    wid = s * 2 + c

    def _fill(val, i, _):
        r = i // 8
        q = i % 8
        onesv[r, pl.ds(q * 16, 16)] = jnp.full((16,), val, jnp.float32)
        return 0

    lax.fori_loop(0, CHUNK * 8, functools.partial(_fill, 0.0), 0)
    for k in range(ROWS_PER_TILE // CHUNK):
        pltpu.sync_copy(onesv,
                        hist_sh.at[pl.ds(s * ROWS_PER_TILE + k * CHUNK, CHUNK)])
    lax.fori_loop(0, CHUNK * 8, functools.partial(_fill, 1.0), 0)
    plsc.subcore_barrier()

    pltpu.sync_copy(col_hbm.at[pl.ds(wid * EC, EC)], colv)

    def _scat(j, _):
        pltpu.sync_copy(onesv, hist_sh.at[colv.at[j]], add=True)
        return 0
    lax.fori_loop(0, EC, _scat, 0)

    plsc.subcore_barrier()
    pltpu.sync_copy(hist_sh.at[pl.ds(s * ROWS_PER_TILE, ROWS_PER_TILE)],
                    out_hbm.at[c].at[pl.ds(s * ROWS_PER_TILE, ROWS_PER_TILE)])


def _sc_hist(col_p):
    k = pl.kernel(
        _hist_body,
        out_type=jax.ShapeDtypeStruct((2, NP, D), jnp.float32),
        mesh=_sc_mesh(),
        scratch_types=[
            pltpu.VMEM_SHARED((NP, D), jnp.float32),
            pltpu.VMEM((EC, CHUNK), jnp.int32),
            pltpu.VMEM((CHUNK, D), jnp.float32),
        ],
    )
    return k(col_p)


def _scatter_body(u_hbm, row_hbm, col_hbm, acc_hbm,
                  acc_sh, rowv, colv, rb0, rb1, rb2, rb3, rb4,
                  gs0, gs1, gs2, gs3, gs4):
    c = lax.axis_index("c")
    s = lax.axis_index("s")
    wid = s * 2 + c
    rbs = (rb0, rb1, rb2, rb3, rb4)
    gss = (gs0, gs1, gs2, gs3, gs4)

    def _zfill(i, _):
        r = i // 8
        q = i % 8
        rb0[r, pl.ds(q * 16, 16)] = jnp.zeros((16,), jnp.float32)
        return 0
    lax.fori_loop(0, SCH * 8, _zfill, 0)

    for k in range(ROWS_PER_TILE // SCH):
        pltpu.sync_copy(rb0,
                        acc_sh.at[pl.ds(s * ROWS_PER_TILE + k * SCH, SCH)])
    plsc.subcore_barrier()

    def _group(g, _):
        base = wid * SEC + g * SGRP
        pltpu.sync_copy(row_hbm.at[pl.ds(base, SGRP)], rowv)
        pltpu.sync_copy(col_hbm.at[pl.ds(base, SGRP)], colv)
        for b in range(4):
            pltpu.async_copy(u_hbm.at[rowv.at[b]], rbs[b], gss[b])

        def _step(j, _):
            for b in range(5):
                @pl.when(j % 5 == b)
                def _(b=b):
                    nb = (b + 4) % 5
                    @pl.when(j + 4 < SGRP)
                    def _():
                        pltpu.async_copy(u_hbm.at[rowv.at[j + 4]],
                                         rbs[nb], gss[nb])
                    pltpu.make_async_copy(u_hbm.at[rowv.at[j]],
                                          rbs[b], gss[b]).wait()
                    pltpu.sync_copy(rbs[b], acc_sh.at[colv.at[j]], add=True)
            return 0
        lax.fori_loop(0, SGRP, _step, 0)
        return 0
    lax.fori_loop(0, SNGRP, _group, 0)

    plsc.subcore_barrier()
    pltpu.sync_copy(acc_sh.at[pl.ds(s * ROWS_PER_TILE, ROWS_PER_TILE)],
                    acc_hbm.at[c].at[pl.ds(s * ROWS_PER_TILE, ROWS_PER_TILE)])


def _sc_scatter(u, row_p, col_p):
    k = pl.kernel(
        _scatter_body,
        out_type=jax.ShapeDtypeStruct((2, NP, D), jnp.float32),
        mesh=_sc_mesh(),
        scratch_types=[
            pltpu.VMEM_SHARED((NP, D), jnp.float32),
            pltpu.VMEM((SGRP, SCH), jnp.int32),
            pltpu.VMEM((SGRP, SCH), jnp.int32),
            pltpu.VMEM((SCH, D), jnp.float32),
            pltpu.VMEM((SCH, D), jnp.float32),
            pltpu.VMEM((SCH, D), jnp.float32),
            pltpu.VMEM((SCH, D), jnp.float32),
            pltpu.VMEM((SCH, D), jnp.float32),
            pltpu.SemaphoreType.DMA,
            pltpu.SemaphoreType.DMA,
            pltpu.SemaphoreType.DMA,
            pltpu.SemaphoreType.DMA,
            pltpu.SemaphoreType.DMA,
        ],
    )
    return k(u, row_p, col_p)



BLK = 512
NBLK = NP // BLK


def _b1_body(x_ref, fc0w_ref, fc0b_ref, bn0g_ref, bn0b_ref,
             wqw_ref, wqb_ref, wkw_ref, wkb_ref,
             x0_ref, qs_ref, ks_ref, kvs_ref, vsum_ref):
    i = pl.program_id(0)

    @pl.when(i == 0)
    def _():
        kvs_ref[...] = jnp.zeros_like(kvs_ref)
        vsum_ref[...] = jnp.zeros_like(vsum_ref)

    xb = x_ref[...]
    h = jnp.dot(xb, fc0w_ref[...], preferred_element_type=jnp.float32)
    h = (h + fc0b_ref[...]) * bn0g_ref[...] / BN_DIV + bn0b_ref[...]
    h = jnp.maximum(h, 0.0)
    rows = i * BLK + lax.broadcasted_iota(jnp.int32, (BLK, 1), 0)
    mask = rows < N
    h = jnp.where(mask, h, 0.0)

    q = jnp.dot(h, wqw_ref[...], preferred_element_type=jnp.float32) + wqb_ref[...]
    kk = jnp.dot(h, wkw_ref[...], preferred_element_type=jnp.float32) + wkb_ref[...]
    qn = jnp.sqrt(jnp.sum(q * q, axis=1, keepdims=True))
    kn = jnp.sqrt(jnp.sum(kk * kk, axis=1, keepdims=True))
    qs = jnp.where(mask, q / jnp.broadcast_to(qn, (BLK, D)), 0.0)
    ks = jnp.where(mask, kk / jnp.broadcast_to(kn, (BLK, D)), 0.0)

    x0_ref[...] = h
    qs_ref[...] = qs
    ks_ref[...] = ks
    kvs_ref[...] += lax.dot_general(ks, h, (((0,), (0,)), ((), ())),
                                    preferred_element_type=jnp.float32)
    vsum_ref[...] += jnp.broadcast_to(jnp.sum(h, axis=0, keepdims=True), (8, D))


def _tc_b1(x_p, fc0_w, fc0_b, bn0_g, bn0_b, wq_w, wq_b, wk_w, wk_b):
    row_spec = pl.BlockSpec((BLK, D), lambda i: (i, 0))
    full = lambda shp: pl.BlockSpec(shp, lambda i: tuple(0 for _ in shp))
    vec = pl.BlockSpec((D,), lambda i: (0,))
    return pl.pallas_call(
        _b1_body,
        grid=(NBLK,),
        in_specs=[row_spec, full((D, D)), vec, vec, vec,
                  full((D, D)), vec, full((D, D)), vec],
        out_specs=[row_spec, row_spec, row_spec, full((D, D)), full((8, D))],
        out_shape=[jax.ShapeDtypeStruct((NP, D), jnp.float32),
                   jax.ShapeDtypeStruct((NP, D), jnp.float32),
                   jax.ShapeDtypeStruct((NP, D), jnp.float32),
                   jax.ShapeDtypeStruct((D, D), jnp.float32),
                   jax.ShapeDtypeStruct((8, D), jnp.float32)],
    )(x_p, fc0_w, fc0_b, bn0_g, bn0_b, wq_w, wq_b, wk_w, wk_b)


def _b2_body(qs_ref, x0_ref, kvs_ref, ksmat_ref, vsum_ref, hist_ref,
             a_ref, u0_ref, d2_ref):
    qs = qs_ref[...]
    hb = hist_ref[...]
    deg = hb[0, :, 0:1] + hb[1, :, 0:1]
    dis = jnp.where(deg > 0, lax.rsqrt(jnp.maximum(deg, 1e-30)), 0.0)
    d2 = jnp.broadcast_to(dis, (BLK, D))

    num = jnp.dot(qs, kvs_ref[...], preferred_element_type=jnp.float32)
    num = num + jnp.broadcast_to(vsum_ref[0:1, :], (BLK, D))
    den = jnp.dot(qs, ksmat_ref[...], preferred_element_type=jnp.float32)
    den = den[:, 0:1] + 1.0
    a_ref[...] = num / jnp.broadcast_to(den, (BLK, D))
    d2_ref[...] = d2
    u0_ref[...] = d2 * x0_ref[...]


def _tc_b2(qs, x0, kvs, ksmat, vsum, hist):
    row_spec = pl.BlockSpec((BLK, D), lambda i: (i, 0))
    full = lambda shp: pl.BlockSpec(shp, lambda i: tuple(0 for _ in shp))
    hist_spec = pl.BlockSpec((2, BLK, D), lambda i: (0, i, 0))
    return pl.pallas_call(
        _b2_body,
        grid=(NBLK,),
        in_specs=[row_spec, row_spec, full((D, D)), full((D, D)), full((8, D)),
                  hist_spec],
        out_specs=[row_spec, row_spec, row_spec],
        out_shape=[jax.ShapeDtypeStruct((NP, D), jnp.float32),
                   jax.ShapeDtypeStruct((NP, D), jnp.float32),
                   jax.ShapeDtypeStruct((NP, D), jnp.float32)],
    )(qs, x0, kvs, ksmat, vsum, hist)


def _comb_body(x_ref, acc_ref, a_ref, d2_ref, xn_ref, un_ref):
    acc = acc_ref[...]
    d2 = d2_ref[...]
    gcn = d2 * (acc[0] + acc[1])
    xn = x_ref[...] + BETA * gcn + (1.0 - BETA) * a_ref[...]
    xn_ref[...] = xn
    un_ref[...] = d2 * xn


def _tc_combine(x, acc, a, d2):
    row_spec = pl.BlockSpec((BLK, D), lambda i: (i, 0))
    acc_spec = pl.BlockSpec((2, BLK, D), lambda i: (0, i, 0))
    return pl.pallas_call(
        _comb_body,
        grid=(NBLK,),
        in_specs=[row_spec, acc_spec, row_spec, row_spec],
        out_specs=[row_spec, row_spec],
        out_shape=[jax.ShapeDtypeStruct((NP, D), jnp.float32),
                   jax.ShapeDtypeStruct((NP, D), jnp.float32)],
    )(x, acc, a, d2)


FBLK = 400
NFBLK = N // FBLK


def _final_body(x_ref, acc_ref, a_ref, d2_ref, res_ref,
                wow_ref, wob_ref, bn1g_ref, bn1b_ref, fc1w_ref, fc1b_ref,
                out_ref):
    acc = acc_ref[...]
    gcn = d2_ref[...] * (acc[0] + acc[1])
    x3 = x_ref[...] + BETA * gcn + (1.0 - BETA) * a_ref[...]
    h2 = jnp.dot(x3, wow_ref[...], preferred_element_type=jnp.float32) + wob_ref[...]
    h2 = h2 * bn1g_ref[...] / BN_DIV + bn1b_ref[...]
    h2 = jnp.maximum(h2 + res_ref[...], 0.0)
    out_ref[...] = jnp.dot(h2, fc1w_ref[...], preferred_element_type=jnp.float32) \
        + fc1b_ref[...]


def _tc_final(x2, acc, a, d2, res, wo_w, wo_b, bn1_g, bn1_b, fc1_w, fc1_b):
    row_spec = pl.BlockSpec((FBLK, D), lambda i: (i, 0))
    acc_spec = pl.BlockSpec((2, FBLK, D), lambda i: (0, i, 0))
    full = lambda shp: pl.BlockSpec(shp, lambda i: tuple(0 for _ in shp))
    vec = pl.BlockSpec((D,), lambda i: (0,))
    return pl.pallas_call(
        _final_body,
        grid=(NFBLK,),
        in_specs=[row_spec, acc_spec, row_spec, row_spec, row_spec,
                  full((D, D)), vec, vec, vec, full((D, D)), vec],
        out_specs=pl.BlockSpec((FBLK, D), lambda i: (i, 0)),
        out_shape=jax.ShapeDtypeStruct((N, D), jnp.float32),
    )(x2, acc, a, d2, res, wo_w, wo_b, bn1_g, bn1_b, fc1_w, fc1_b)



def kernel(x, edge_index, fc0_w, fc0_b, bn0_g, bn0_b, wq_w, wq_b, wk_w, wk_b,
           wo_w, wo_b, bn1_g, bn1_b, fc1_w, fc1_b):
    E = edge_index.shape[1]
    pad = jnp.full((EP - E,), PAD_IDX, jnp.int32)
    row_f = jnp.concatenate([edge_index[0], pad])
    col_f = jnp.concatenate([edge_index[1], pad])
    row_p = row_f.reshape(EP // SCH, SCH)
    col_p = col_f.reshape(EP // SCH, SCH)
    col_h = col_f.reshape(EP // CHUNK, CHUNK)
    x_p = jnp.zeros((NP, D), jnp.float32).at[:N].set(x)

    hist = _sc_hist(col_h)
    x0, qs, ks, kvs, vsum = _tc_b1(x_p, fc0_w, fc0_b, bn0_g, bn0_b,
                                   wq_w, wq_b, wk_w, wk_b)
    ks_sum = jnp.sum(ks, axis=0)
    ksmat = jnp.zeros((D, D), jnp.float32).at[:, 0].set(ks_sum)
    a, u0, d2 = _tc_b2(qs, x0, kvs, ksmat, vsum, hist)

    xt, ut = x0, u0
    for _ in range(2):
        acc = _sc_scatter(ut, row_p, col_p)
        xt, ut = _tc_combine(xt, acc, a, d2)
    acc = _sc_scatter(ut, row_p, col_p)
    return _tc_final(xt, acc, a, d2, x0, wo_w, wo_b, bn1_g, bn1_b,
                     fc1_w, fc1_b)

# --- scband reference (transcript-rebuilt; emitter-appended) ---
"""Pipeline reference for scband-pcformer-76038101009026 (READ-ONLY COPY).

The authoritative reference and input builder live on the scoring server;
editing this copy changes nothing except your own understanding.
"""

import jax, jax.numpy as jnp
import numpy as np

N = 10000
E = 320000
D = 128
H = 1
K_ORDER = 3
BETA = 0.5

def _bn(x, g, b):
    # eval-mode BatchNorm1d with running_mean=0, running_var=1
    return x * g / jnp.sqrt(1.0 + 1e-5) + b

def _attn_conv(qs, ks, vs):
    # qs/ks/vs: [B, N, H, D] linear attention, faithful to attn_conv(return_attn=False)
    B = qs.shape[0]
    kvs = jnp.einsum('blhm,blhd->bhmd', ks, vs)
    qkvs = jnp.einsum('bnhm,bhmd->bnhd', qs, kvs)
    vs_sum = jnp.einsum('blhd->bhd', vs)
    num = qkvs + vs_sum[:, None, :, :]
    ks_sum = jnp.einsum('blhm->bhm', ks)
    den = jnp.einsum('bnhm,bhm->bnh', qs, ks_sum)[..., None]
    den = den + jnp.ones_like(den) * B  # original uses qs.shape[0]
    return num / den

def _norm_adj(num_nodes, edge_index):
    row, col = edge_index[0], edge_index[1]
    val = jnp.ones((edge_index.shape[1],), jnp.float32)
    # adj_t stored as (col, row); deg = adj_t.sum(dim=1)
    deg = jax.ops.segment_sum(val, col, num_segments=num_nodes)
    dis = jnp.where(deg > 0, deg ** -0.5, 0.0)
    nval = dis[col] * val * dis[row]
    return row, col, nval

def _glo_attn_conv(x, edge_index, wq_w, wq_b, wk_w, wk_b, wo_w, wo_b):
    n = x.shape[0]
    query = (x @ wq_w + wq_b).reshape(-1, H, D)
    key = (x @ wk_w + wk_b).reshape(-1, H, D)
    qs = query / jnp.linalg.norm(query, axis=2, keepdims=True)
    ks = key / jnp.linalg.norm(key, axis=2, keepdims=True)
    row, col, nval = _norm_adj(n, edge_index)
    xs = jnp.repeat(x[:, None, :], H, axis=1)  # [N,H,D]
    qs_b = qs[None]
    ks_b = ks[None]
    xs_b = xs[None]  # captured once before loop, faithful to original (not refreshed)
    for _ in range(K_ORDER):
        msgs = nval[:, None, None] * xs[row]  # [E,H,D]
        gcn_i = jax.ops.segment_sum(msgs, col, num_segments=n)
        attn_i = _attn_conv(qs_b, ks_b, xs_b)[0]
        xs = xs + BETA * gcn_i + (1.0 - BETA) * attn_i
    x2 = xs.reshape(n, H * D)
    return (x2 @ wo_w + wo_b) / H

def setup_inputs(seed: int = 0):
    key = jax.random.key(seed)
    k = jax.random.split(key, 12)
    s = D ** -0.5
    inp = {}
    inp['x'] = jax.random.normal(k[0], (N, D), dtype=jnp.float32)
    inp['edge_index'] = jax.random.randint(k[1], (2, E), 0, N, dtype=jnp.int32)
    inp['fc0_w'] = jax.random.normal(k[2], (D, D), dtype=jnp.float32) * s
    inp['fc0_b'] = jnp.zeros((D,), jnp.float32)
    inp['bn0_g'] = jnp.ones((D,), jnp.float32)
    inp['bn0_b'] = jnp.zeros((D,), jnp.float32)
    inp['wq_w'] = jax.random.normal(k[3], (D, D * H), dtype=jnp.float32) * s
    inp['wq_b'] = jnp.zeros((D * H,), jnp.float32)
    inp['wk_w'] = jax.random.normal(k[4], (D, D * H), dtype=jnp.float32) * s
    inp['wk_b'] = jnp.zeros((D * H,), jnp.float32)
    inp['wo_w'] = jax.random.normal(k[5], (D * H, D), dtype=jnp.float32) * s
    inp['wo_b'] = jnp.zeros((D,), jnp.float32)
    inp['bn1_g'] = jnp.ones((D,), jnp.float32)
    inp['bn1_b'] = jnp.zeros((D,), jnp.float32)
    inp['fc1_w'] = jax.random.normal(k[6], (D, D), dtype=jnp.float32) * s
    inp['fc1_b'] = jnp.zeros((D,), jnp.float32)
    return inp

def reference(x, edge_index, fc0_w, fc0_b, bn0_g, bn0_b, wq_w, wq_b, wk_w, wk_b, wo_w, wo_b, bn1_g, bn1_b, fc1_w, fc1_b):
    h = x @ fc0_w + fc0_b
    h = _bn(h, bn0_g, bn0_b)
    h = jax.nn.relu(h)
    res = h
    h = _glo_attn_conv(h, edge_index, wq_w, wq_b, wk_w, wk_b, wo_w, wo_b)
    h = _bn(h, bn1_g, bn1_b)
    h = h + res
    h = jax.nn.relu(h)
    out = h @ fc1_w + fc1_b
    return out

if __name__ == "__main__":
    import jax
    _d = setup_inputs()
    print(jax.jit(kernel)(*tuple(_d.values())))

</pallas_src>

<mosaic_0001>
#map = affine_map<(d0, d1) -> (0, 0)>
#map1 = affine_map<(d0, d1) -> (0, 0, 0)>
module attributes {stable_mosaic.version = 14 : i64} {
  func.func @_hist_body(%arg0: i32, %arg1: i32, %arg2: memref<2560x128xi32, #tpu.memory_space<hbm>>, %arg3: memref<2x10240x128xf32, #tpu.memory_space<hbm>>, %arg4: memref<10240x128xf32, #tpu.memory_space<vmem_shared>>, %arg5: memref<80x128xi32, #tpu.memory_space<vmem>>, %arg6: memref<128x128xf32, #tpu.memory_space<vmem>>) attributes {dimension_semantics = [#tpu.dimension_semantics<core_parallel>, #tpu.dimension_semantics<subcore_parallel>], iteration_bounds = array<i64: 2, 16>, scalar_prefetch = 0 : i64, scratch_operands = 3 : i64, tpu.core_type = #tpu.core_type<sc_vector_subcore>, window_params = [{transform_indices = #map}, {transform_indices = #map1}]} {
    %mul3A = arith.constant 2 : i32
    %mul3A_0 = arith.muli %arg1, %mul3A : i32
    %add3A = arith.addi %mul3A_0, %arg0 : i32
    %scan3A = arith.constant 0 : i32
    %scan3A_1 = arith.constant 0 : i32
    %scan3A_2 = arith.constant 1024 : i32
    %scan3A_3 = arith.addi %scan3A_1, %scan3A_2 : i32
    %scan3A_4 = arith.constant 1 : i32
    %scan3A_5 = scf.for %scan3A_48 = %scan3A_1 to %scan3A_3 step %scan3A_4 iter_args(%scan3A_49 = %scan3A) -> (i32)  : i32 {
      %jit3A = arith.constant 8 : i32
      %div3A = arith.divsi %scan3A_48, %jit3A : i32
      %sign3A = arith.constant 0 : i32
      %sign3A_50 = arith.cmpi sgt, %scan3A_48, %sign3A : i32
      %sign3A_51 = arith.extui %sign3A_50 : i1 to i32
      %sign3A_52 = arith.constant 0 : i32
      %sign3A_53 = arith.cmpi slt, %scan3A_48, %sign3A_52 : i32
      %sign3A_54 = arith.extui %sign3A_53 : i1 to i32
      %sign3A_55 = arith.subi %sign3A_51, %sign3A_54 : i32
      %sign3A_56 = arith.constant 0 : i32
      %sign3A_57 = arith.cmpi sgt, %jit3A, %sign3A_56 : i32
      %sign3A_58 = arith.extui %sign3A_57 : i1 to i32
      %sign3A_59 = arith.constant 0 : i32
      %sign3A_60 = arith.cmpi slt, %jit3A, %sign3A_59 : i32
      %sign3A_61 = arith.extui %sign3A_60 : i1 to i32
      %sign3A_62 = arith.subi %sign3A_58, %sign3A_61 : i32
      %ne3A = arith.cmpi ne, %sign3A_55, %sign3A_62 : i32
      %rem3A = arith.remsi %scan3A_48, %jit3A : i32
      %ne3A_63 = arith.constant 0 : i32
      %ne3A_64 = arith.cmpi ne, %rem3A, %ne3A_63 : i32
      %and3A = arith.andi %ne3A, %ne3A_64 : i1
      %sub3A = arith.constant 1 : i32
      %sub3A_65 = arith.subi %div3A, %sub3A : i32
      %select_n3A = arith.select %and3A, %sub3A_65, %div3A : i32
      %jit3A_66 = arith.constant 8 : i32
      %eq3A = arith.constant 0 : i32
      %eq3A_67 = arith.cmpi eq, %jit3A_66, %eq3A : i32
      %jit3A_68 = arith.constant 1 : i32
      %select_n3A_69 = arith.select %eq3A_67, %jit3A_68, %jit3A_66 : i32
      %rem3A_70 = arith.remsi %scan3A_48, %select_n3A_69 : i32
      %ne3A_71 = arith.constant 0 : i32
      %ne3A_72 = arith.cmpi ne, %rem3A_70, %ne3A_71 : i32
      %lt3A = arith.constant 0 : i32
      %lt3A_73 = arith.cmpi slt, %rem3A_70, %lt3A : i32
      %lt3A_74 = arith.constant 0 : i32
      %lt3A_75 = arith.cmpi slt, %select_n3A_69, %lt3A_74 : i32
      %ne3A_76 = arith.xori %lt3A_73, %lt3A_75 : i1
      %and3A_77 = arith.andi %ne3A_76, %ne3A_72 : i1
      %add3A_78 = arith.addi %rem3A_70, %select_n3A_69 : i32
      %select_n3A_79 = arith.select %and3A_77, %add3A_78, %rem3A_70 : i32
      %broadcast_in_dim3A = arith.constant 0.000000e+00 : f32
      %broadcast_in_dim3A_80 = vector.broadcast %broadcast_in_dim3A : f32 to vector<16xf32>
      %mul3A_81 = arith.constant 16 : i32
      %mul3A_82 = arith.muli %select_n3A_79, %mul3A_81 : i32
      %swap3A = arith.index_cast %select_n3A : i32 to index
      %swap3A_83 = arith.index_cast %mul3A_82 : i32 to index
      %swap3A_84 = tpu.vector_load %arg6[%swap3A, %swap3A_83] {strides = array<i32>} : memref<128x128xf32, #tpu.memory_space<vmem>>, vector<1x16xf32>,
      %swap3A_85 = vector.shape_cast %swap3A_84 : vector<1x16xf32> to vector<16xf32>
      %swap3A_86 = vector.shape_cast %broadcast_in_dim3A_80 : vector<16xf32> to vector<1x16xf32>
      tpu.vector_store %arg6[%swap3A, %swap3A_83], %swap3A_86 {strides = array<i32>} : memref<128x128xf32, #tpu.memory_space<vmem>>, vector<1x16xf32>,
      %scan3A_87 = arith.constant 0 : i32
      scf.yield %scan3A_87 : i32
    }
    %scan3A_6 = arith.constant 1024 : i32
    %mul3A_7 = arith.constant 640 : i32
    %mul3A_8 = arith.muli %arg1, %mul3A_7 : i32
    %add3A_9 = arith.constant 0 : i32
    %add3A_10 = arith.addi %mul3A_8, %add3A_9 : i32
    "tpu.region"() ({
      %run_scoped3A = tpu.sem_alloc : memref<!tpu.dma_semaphore, #tpu.memory_space<semaphore_mem>>
      %dma_start3A = arith.constant 0 : i32
      %dma_start3A_48 = tpu.memref_slice %arg4[%add3A_10, %dma_start3A] : memref<10240x128xf32, #tpu.memory_space<vmem_shared>> -> memref<128x128xf32, #tpu.memory_space<vmem_shared>>
      %dma_start3A_49 = arith.constant 0 : i32
      %dma_start3A_50 = tpu.memref_slice %arg4[%add3A_10, %dma_start3A_49] : memref<10240x128xf32, #tpu.memory_space<vmem_shared>> -> memref<128x128xf32, #tpu.memory_space<vmem_shared>>
      tpu.enqueue_dma source(%arg6 : memref<128x128xf32, #tpu.memory_space<vmem>>) target(%dma_start3A_50 : memref<128x128xf32, #tpu.memory_space<vmem_shared>>) target_semaphore(%run_scoped3A : memref<!tpu.dma_semaphore, #tpu.memory_space<semaphore_mem>>)
      %dma_wait3A = arith.constant 0 : i32
      %dma_wait3A_51 = tpu.memref_slice %arg4[%add3A_10, %dma_wait3A] : memref<10240x128xf32, #tpu.memory_space<vmem_shared>> -> memref<128x128xf32, #tpu.memory_space<vmem_shared>>
      %dma_wait3A_52 = arith.constant 0 : i32
      %dma_wait3A_53 = tpu.memref_slice %arg4[%add3A_10, %dma_wait3A_52] : memref<10240x128xf32, #tpu.memory_space<vmem_shared>> -> memref<128x128xf32, #tpu.memory_space<vmem_shared>>
      tpu.wait_dma2 semaphore(%run_scoped3A : memref<!tpu.dma_semaphore, #tpu.memory_space<semaphore_mem>>) src(%arg6 : memref<128x128xf32, #tpu.memory_space<vmem>>) dst(%dma_wait3A_53 : memref<128x128xf32, #tpu.memory_space<vmem_shared>>)
      tpu.yield
    }) : () -> ()
    %mul3A_11 = arith.constant 640 : i32
    %mul3A_12 = arith.muli %arg1, %mul3A_11 : i32
    %add3A_13 = arith.constant 128 : i32
    %add3A_14 = arith.addi %mul3A_12, %add3A_13 : i32
    "tpu.region"() ({
      %run_scoped3A = tpu.sem_alloc : memref<!tpu.dma_semaphore, #tpu.memory_space<semaphore_mem>>
      %dma_start3A = arith.constant 0 : i32
      %dma_start3A_48 = tpu.memref_slice %arg4[%add3A_14, %dma_start3A] : memref<10240x128xf32, #tpu.memory_space<vmem_shared>> -> memref<128x128xf32, #tpu.memory_space<vmem_shared>>
      %dma_start3A_49 = arith.constant 0 : i32
      %dma_start3A_50 = tpu.memref_slice %arg4[%add3A_14, %dma_start3A_49] : memref<10240x128xf32, #tpu.memory_space<vmem_shared>> -> memref<128x128xf32, #tpu.memory_space<vmem_shared>>
      tpu.enqueue_dma source(%arg6 : memref<128x128xf32, #tpu.memory_space<vmem>>) target(%dma_start3A_50 : memref<128x128xf32, #tpu.memory_space<vmem_shared>>) target_semaphore(%run_scoped3A : memref<!tpu.dma_semaphore, #tpu.memory_space<semaphore_mem>>)
      %dma_wait3A = arith.constant 0 : i32
      %dma_wait3A_51 = tpu.memref_slice %arg4[%add3A_14, %dma_wait3A] : memref<10240x128xf32, #tpu.memory_space<vmem_shared>> -> memref<128x128xf32, #tpu.memory_space<vmem_shared>>
      %dma_wait3A_52 = arith.constant 0 : i32
      %dma_wait3A_53 = tpu.memref_slice %arg4[%add3A_14, %dma_wait3A_52] : memref<10240x128xf32, #tpu.memory_space<vmem_shared>> -> memref<128x128xf32, #tpu.memory_space<vmem_shared>>
      tpu.wait_dma2 semaphore(%run_scoped3A : memref<!tpu.dma_semaphore, #tpu.memory_space<semaphore_mem>>) src(%arg6 : memref<128x128xf32, #tpu.memory_space<vmem>>) dst(%dma_wait3A_53 : memref<128x128xf32, #tpu.memory_space<vmem_shared>>)
      tpu.yield
    }) : () -> ()
    %mul3A_15 = arith.constant 640 : i32
    %mul3A_16 = arith.muli %arg1, %mul3A_15 : i32
    %add3A_17 = arith.constant 256 : i32
    %add3A_18 = arith.addi %mul3A_16, %add3A_17 : i32
    "tpu.region"() ({
      %run_scoped3A = tpu.sem_alloc : memref<!tpu.dma_semaphore, #tpu.memory_space<semaphore_mem>>
      %dma_start3A = arith.constant 0 : i32
      %dma_start3A_48 = tpu.memref_slice %arg4[%add3A_18, %dma_start3A] : memref<10240x128xf32, #tpu.memory_space<vmem_shared>> -> memref<128x128xf32, #tpu.memory_space<vmem_shared>>
      %dma_start3A_49 = arith.constant 0 : i32
      %dma_start3A_50 = tpu.memref_slice %arg4[%add3A_18, %dma_start3A_49] : memref<10240x128xf32, #tpu.memory_space<vmem_shared>> -> memref<128x128xf32, #tpu.memory_space<vmem_shared>>
      tpu.enqueue_dma source(%arg6 : memref<128x128xf32, #tpu.memory_space<vmem>>) target(%dma_start3A_50 : memref<128x128xf32, #tpu.memory_space<vmem_shared>>) target_semaphore(%run_scoped3A : memref<!tpu.dma_semaphore, #tpu.memory_space<semaphore_mem>>)
      %dma_wait3A = arith.constant 0 : i32
      %dma_wait3A_51 = tpu.memref_slice %arg4[%add3A_18, %dma_wait3A] : memref<10240x128xf32, #tpu.memory_space<vmem_shared>> -> memref<128x128xf32, #tpu.memory_space<vmem_shared>>
      %dma_wait3A_52 = arith.constant 0 : i32
      %dma_wait3A_53 = tpu.memref_slice %arg4[%add3A_18, %dma_wait3A_52] : memref<10240x128xf32, #tpu.memory_space<vmem_shared>> -> memref<128x128xf32, #tpu.memory_space<vmem_shared>>
      tpu.wait_dma2 semaphore(%run_scoped3A : memref<!tpu.dma_semaphore, #tpu.memory_space<semaphore_mem>>) src(%arg6 : memref<128x128xf32, #tpu.memory_space<vmem>>) dst(%dma_wait3A_53 : memref<128x128xf32, #tpu.memory_space<vmem_shared>>)
      tpu.yield
    }) : () -> ()
    %mul3A_19 = arith.constant 640 : i32
    %mul3A_20 = arith.muli %arg1, %mul3A_19 : i32
    %add3A_21 = arith.constant 384 : i32
    %add3A_22 = arith.addi %mul3A_20, %add3A_21 : i32
    "tpu.region"() ({
      %run_scoped3A = tpu.sem_alloc : memref<!tpu.dma_semaphore, #tpu.memory_space<semaphore_mem>>
      %dma_start3A = arith.constant 0 : i32
      %dma_start3A_48 = tpu.memref_slice %arg4[%add3A_22, %dma_start3A] : memref<10240x128xf32, #tpu.memory_space<vmem_shared>> -> memref<128x128xf32, #tpu.memory_space<vmem_shared>>
      %dma_start3A_49 = arith.constant 0 : i32
      %dma_start3A_50 = tpu.memref_slice %arg4[%add3A_22, %dma_start3A_49] : memref<10240x128xf32, #tpu.memory_space<vmem_shared>> -> memref<128x128xf32, #tpu.memory_space<vmem_shared>>
      tpu.enqueue_dma source(%arg6 : memref<128x128xf32, #tpu.memory_space<vmem>>) target(%dma_start3A_50 : memref<128x128xf32, #tpu.memory_space<vmem_shared>>) target_semaphore(%run_scoped3A : memref<!tpu.dma_semaphore, #tpu.memory_space<semaphore_mem>>)
      %dma_wait3A = arith.constant 0 : i32
      %dma_wait3A_51 = tpu.memref_slice %arg4[%add3A_22, %dma_wait3A] : memref<10240x128xf32, #tpu.memory_space<vmem_shared>> -> memref<128x128xf32, #tpu.memory_space<vmem_shared>>
      %dma_wait3A_52 = arith.constant 0 : i32
      %dma_wait3A_53 = tpu.memref_slice %arg4[%add3A_22, %dma_wait3A_52] : memref<10240x128xf32, #tpu.memory_space<vmem_shared>> -> memref<128x128xf32, #tpu.memory_space<vmem_shared>>
      tpu.wait_dma2 semaphore(%run_scoped3A : memref<!tpu.dma_semaphore, #tpu.memory_space<semaphore_mem>>) src(%arg6 : memref<128x128xf32, #tpu.memory_space<vmem>>) dst(%dma_wait3A_53 : memref<128x128xf32, #tpu.memory_space<vmem_shared>>)
      tpu.yield
    }) : () -> ()
    %mul3A_23 = arith.constant 640 : i32
    %mul3A_24 = arith.muli %arg1, %mul3A_23 : i32
    %add3A_25 = arith.constant 512 : i32
    %add3A_26 = arith.addi %mul3A_24, %add3A_25 : i32
    "tpu.region"() ({
      %run_scoped3A = tpu.sem_alloc : memref<!tpu.dma_semaphore, #tpu.memory_space<semaphore_mem>>
      %dma_start3A = arith.constant 0 : i32
      %dma_start3A_48 = tpu.memref_slice %arg4[%add3A_26, %dma_start3A] : memref<10240x128xf32, #tpu.memory_space<vmem_shared>> -> memref<128x128xf32, #tpu.memory_space<vmem_shared>>
      %dma_start3A_49 = arith.constant 0 : i32
      %dma_start3A_50 = tpu.memref_slice %arg4[%add3A_26, %dma_start3A_49] : memref<10240x128xf32, #tpu.memory_space<vmem_shared>> -> memref<128x128xf32, #tpu.memory_space<vmem_shared>>
      tpu.enqueue_dma source(%arg6 : memref<128x128xf32, #tpu.memory_space<vmem>>) target(%dma_start3A_50 : memref<128x128xf32, #tpu.memory_space<vmem_shared>>) target_semaphore(%run_scoped3A : memref<!tpu.dma_semaphore, #tpu.memory_space<semaphore_mem>>)
      %dma_wait3A = arith.constant 0 : i32
      %dma_wait3A_51 = tpu.memref_slice %arg4[%add3A_26, %dma_wait3A] : memref<10240x128xf32, #tpu.memory_space<vmem_shared>> -> memref<128x128xf32, #tpu.memory_space<vmem_shared>>
      %dma_wait3A_52 = arith.constant 0 : i32
      %dma_wait3A_53 = tpu.memref_slice %arg4[%add3A_26, %dma_wait3A_52] : memref<10240x128xf32, #tpu.memory_space<vmem_shared>> -> memref<128x128xf32, #tpu.memory_space<vmem_shared>>
      tpu.wait_dma2 semaphore(%run_scoped3A : memref<!tpu.dma_semaphore, #tpu.memory_space<semaphore_mem>>) src(%arg6 : memref<128x128xf32, #tpu.memory_space<vmem>>) dst(%dma_wait3A_53 : memref<128x128xf32, #tpu.memory_space<vmem_shared>>)
      tpu.yield
    }) : () -> ()
    %scan3A_27 = arith.constant 0 : i32
    %scan3A_28 = arith.constant 0 : i32
    %scan3A_29 = arith.constant 1024 : i32
    %scan3A_30 = arith.addi %scan3A_28, %scan3A_29 : i32
    %scan3A_31 = arith.constant 1 : i32
    %scan3A_32 = scf.for %scan3A_48 = %scan3A_28 to %scan3A_30 step %scan3A_31 iter_args(%scan3A_49 = %scan3A_27) -> (i32)  : i32 {
      %jit3A = arith.constant 8 : i32
      %div3A = arith.divsi %scan3A_48, %jit3A : i32
      %sign3A = arith.constant 0 : i32
      %sign3A_50 = arith.cmpi sgt, %scan3A_48, %sign3A : i32
      %sign3A_51 = arith.extui %sign3A_50 : i1 to i32
      %sign3A_52 = arith.constant 0 : i32
      %sign3A_53 = arith.cmpi slt, %scan3A_48, %sign3A_52 : i32
      %sign3A_54 = arith.extui %sign3A_53 : i1 to i32
      %sign3A_55 = arith.subi %sign3A_51, %sign3A_54 : i32
      %sign3A_56 = arith.constant 0 : i32
      %sign3A_57 = arith.cmpi sgt, %jit3A, %sign3A_56 : i32
      %sign3A_58 = arith.extui %sign3A_57 : i1 to i32
      %sign3A_59 = arith.constant 0 : i32
      %sign3A_60 = arith.cmpi slt, %jit3A, %sign3A_59 : i32
      %sign3A_61 = arith.extui %sign3A_60 : i1 to i32
      %sign3A_62 = arith.subi %sign3A_58, %sign3A_61 : i32
      %ne3A = arith.cmpi ne, %sign3A_55, %sign3A_62 : i32
      %rem3A = arith.remsi %scan3A_48, %jit3A : i32
      %ne3A_63 = arith.constant 0 : i32
      %ne3A_64 = arith.cmpi ne, %rem3A, %ne3A_63 : i32
      %and3A = arith.andi %ne3A, %ne3A_64 : i1
      %sub3A = arith.constant 1 : i32
      %sub3A_65 = arith.subi %div3A, %sub3A : i32
      %select_n3A = arith.select %and3A, %sub3A_65, %div3A : i32
      %jit3A_66 = arith.constant 8 : i32
      %eq3A = arith.constant 0 : i32
      %eq3A_67 = arith.cmpi eq, %jit3A_66, %eq3A : i32
      %jit3A_68 = arith.constant 1 : i32
      %select_n3A_69 = arith.select %eq3A_67, %jit3A_68, %jit3A_66 : i32
      %rem3A_70 = arith.remsi %scan3A_48, %select_n3A_69 : i32
      %ne3A_71 = arith.constant 0 : i32
      %ne3A_72 = arith.cmpi ne, %rem3A_70, %ne3A_71 : i32
      %lt3A = arith.constant 0 : i32
      %lt3A_73 = arith.cmpi slt, %rem3A_70, %lt3A : i32
      %lt3A_74 = arith.constant 0 : i32
      %lt3A_75 = arith.cmpi slt, %select_n3A_69, %lt3A_74 : i32
      %ne3A_76 = arith.xori %lt3A_73, %lt3A_75 : i1
      %and3A_77 = arith.andi %ne3A_76, %ne3A_72 : i1
      %add3A_78 = arith.addi %rem3A_70, %select_n3A_69 : i32
      %select_n3A_79 = arith.select %and3A_77, %add3A_78, %rem3A_70 : i32
      %broadcast_in_dim3A = arith.constant 1.000000e+00 : f32
      %broadcast_in_dim3A_80 = vector.broadcast %broadcast_in_dim3A : f32 to vector<16xf32>
      %mul3A_81 = arith.constant 16 : i32
      %mul3A_82 = arith.muli %select_n3A_79, %mul3A_81 : i32
      %swap3A = arith.index_cast %select_n3A : i32 to index
      %swap3A_83 = arith.index_cast %mul3A_82 : i32 to index
      %swap3A_84 = tpu.vector_load %arg6[%swap3A, %swap3A_83] {strides = array<i32>} : memref<128x128xf32, #tpu.memory_space<vmem>>, vector<1x16xf32>,
      %swap3A_85 = vector.shape_cast %swap3A_84 : vector<1x16xf32> to vector<16xf32>
      %swap3A_86 = vector.shape_cast %broadcast_in_dim3A_80 : vector<16xf32> to vector<1x16xf32>
      tpu.vector_store %arg6[%swap3A, %swap3A_83], %swap3A_86 {strides = array<i32>} : memref<128x128xf32, #tpu.memory_space<vmem>>, vector<1x16xf32>,
      %scan3A_87 = arith.constant 0 : i32
      scf.yield %scan3A_87 : i32
    }
    %scan3A_33 = arith.constant 1024 : i32
    %barrier3A = arith.constant 0 : index
    tpu.barrier barrier_id(%barrier3A)
    %mul3A_34 = arith.constant 80 : i32
    %mul3A_35 = arith.muli %add3A, %mul3A_34 : i32
    "tpu.region"() ({
      %run_scoped3A = tpu.sem_alloc : memref<!tpu.dma_semaphore, #tpu.memory_space<semaphore_mem>>
      %dma_start3A = arith.constant 0 : i32
      %dma_start3A_48 = tpu.memref_slice %arg2[%mul3A_35, %dma_start3A] : memref<2560x128xi32, #tpu.memory_space<hbm>> -> memref<80x128xi32, #tpu.memory_space<hbm>>
      %dma_start3A_49 = arith.constant 0 : i32
      %dma_start3A_50 = tpu.memref_slice %arg2[%mul3A_35, %dma_start3A_49] : memref<2560x128xi32, #tpu.memory_space<hbm>> -> memref<80x128xi32, #tpu.memory_space<hbm>>
      tpu.enqueue_dma source(%dma_start3A_50 : memref<80x128xi32, #tpu.memory_space<hbm>>) target(%arg5 : memref<80x128xi32, #tpu.memory_space<vmem>>) target_semaphore(%run_scoped3A : memref<!tpu.dma_semaphore, #tpu.memory_space<semaphore_mem>>)
      %dma_wait3A = arith.constant 0 : i32
      %dma_wait3A_51 = tpu.memref_slice %arg2[%mul3A_35, %dma_wait3A] : memref<2560x128xi32, #tpu.memory_space<hbm>> -> memref<80x128xi32, #tpu.memory_space<hbm>>
      %dma_wait3A_52 = arith.constant 0 : i32
      %dma_wait3A_53 = tpu.memref_slice %arg2[%mul3A_35, %dma_wait3A_52] : memref<2560x128xi32, #tpu.memory_space<hbm>> -> memref<80x128xi32, #tpu.memory_space<hbm>>
      tpu.wait_dma2 semaphore(%run_scoped3A : memref<!tpu.dma_semaphore, #tpu.memory_space<semaphore_mem>>) src(%dma_wait3A_53 : memref<80x128xi32, #tpu.memory_space<hbm>>) dst(%arg5 : memref<80x128xi32, #tpu.memory_space<vmem>>)
      tpu.yield
    }) : () -> ()
    %scan3A_36 = arith.constant 0 : i32
    %scan3A_37 = arith.constant 0 : i32
    %scan3A_38 = arith.constant 80 : i32
    %scan3A_39 = arith.addi %scan3A_37, %scan3A_38 : i32
    %scan3A_40 = arith.constant 1 : i32
    %scan3A_41 = scf.for %scan3A_48 = %scan3A_37 to %scan3A_39 step %scan3A_40 iter_args(%scan3A_49 = %scan3A_36) -> (i32)  : i32 {
      "tpu.region"() ({
        %run_scoped3A = tpu.sem_alloc : memref<!tpu.dma_semaphore, #tpu.memory_space<semaphore_mem>>
        %dma_start3A = arith.constant 0 : i32
        %dma_start3A_51 = tpu.memref_slice %arg5[%scan3A_48, %dma_start3A] : memref<80x128xi32, #tpu.memory_space<vmem>> -> memref<1x128xi32, #tpu.memory_space<vmem>>
        %dma_start3A_52 = tpu.memref_squeeze %dma_start3A_51 : memref<1x128xi32, #tpu.memory_space<vmem>> -> memref<128xi32, #tpu.memory_space<vmem>>
        %dma_start3A_53 = arith.constant 0 : i32
        %dma_start3A_54 = arith.constant 0 : i32
        %dma_start3A_55 = tpu.memref_slice %arg4[%dma_start3A_53, %dma_start3A_54] : memref<10240x128xf32, #tpu.memory_space<vmem_shared>> -> memref<10240x128xf32, #tpu.memory_space<vmem_shared>>
        tpu.enqueue_indirect_dma source(%arg6 : memref<128x128xf32, #tpu.memory_space<vmem>>) target(%dma_start3A_55 : memref<10240x128xf32, #tpu.memory_space<vmem_shared>>) offsets(%dma_start3A_52 : memref<128xi32, #tpu.memory_space<vmem>>) semaphore(%run_scoped3A : memref<!tpu.dma_semaphore, #tpu.memory_space<semaphore_mem>>) {add = true}
        %dma_wait3A = arith.constant 0 : i32
        %dma_wait3A_56 = tpu.memref_slice %arg5[%scan3A_48, %dma_wait3A] : memref<80x128xi32, #tpu.memory_space<vmem>> -> memref<1x128xi32, #tpu.memory_space<vmem>>
        %dma_wait3A_57 = tpu.memref_squeeze %dma_wait3A_56 : memref<1x128xi32, #tpu.memory_space<vmem>> -> memref<128xi32, #tpu.memory_space<vmem>>
        %dma_wait3A_58 = arith.constant 0 : i32
        %dma_wait3A_59 = arith.constant 0 : i32
        %dma_wait3A_60 = tpu.memref_slice %arg4[%dma_wait3A_58, %dma_wait3A_59] : memref<10240x128xf32, #tpu.memory_space<vmem_shared>> -> memref<10240x128xf32, #tpu.memory_space<vmem_shared>>
        tpu.wait_indirect_dma semaphore(%run_scoped3A : memref<!tpu.dma_semaphore, #tpu.memory_space<semaphore_mem>>) src(%arg6 : memref<128x128xf32, #tpu.memory_space<vmem>>) dst(%dma_wait3A_60 : memref<10240x128xf32, #tpu.memory_space<vmem_shared>>)
        tpu.yield
      }) : () -> ()
      %scan3A_50 = arith.constant 0 : i32
      scf.yield %scan3A_50 : i32
    }
    %scan3A_42 = arith.constant 80 : i32
    %barrier3A_43 = arith.constant 0 : index
    tpu.barrier barrier_id(%barrier3A_43)
    %mul3A_44 = arith.constant 640 : i32
    %mul3A_45 = arith.muli %arg1, %mul3A_44 : i32
    %mul3A_46 = arith.constant 640 : i32
    %mul3A_47 = arith.muli %arg1, %mul3A_46 : i32
    "tpu.region"() ({
      %run_scoped3A = tpu.sem_alloc : memref<!tpu.dma_semaphore, #tpu.memory_space<semaphore_mem>>
      %dma_start3A = arith.constant 0 : i32
      %dma_start3A_48 = arith.constant 0 : i32
      %dma_start3A_49 = tpu.memref_slice %arg3[%arg0, %dma_start3A, %dma_start3A_48] : memref<2x10240x128xf32, #tpu.memory_space<hbm>> -> memref<1x10240x128xf32, #tpu.memory_space<hbm>>
      %dma_start3A_50 = tpu.memref_squeeze %dma_start3A_49 : memref<1x10240x128xf32, #tpu.memory_space<hbm>> -> memref<10240x128xf32, #tpu.memory_space<hbm>>
      %dma_start3A_51 = arith.constant 0 : i32
      %dma_start3A_52 = tpu.memref_slice %dma_start3A_50[%mul3A_47, %dma_start3A_51] : memref<10240x128xf32, #tpu.memory_space<hbm>> -> memref<640x128xf32, #tpu.memory_space<hbm>>
      %dma_start3A_53 = arith.constant 0 : i32
      %dma_start3A_54 = tpu.memref_slice %arg4[%mul3A_45, %dma_start3A_53] : memref<10240x128xf32, #tpu.memory_space<vmem_shared>> -> memref<640x128xf32, #tpu.memory_space<vmem_shared>>
      tpu.enqueue_dma source(%dma_start3A_54 : memref<640x128xf32, #tpu.memory_space<vmem_shared>>) target(%dma_start3A_52 : memref<640x128xf32, #tpu.memory_space<hbm>>) target_semaphore(%run_scoped3A : memref<!tpu.dma_semaphore, #tpu.memory_space<semaphore_mem>>)
      %dma_wait3A = arith.constant 0 : i32
      %dma_wait3A_55 = arith.constant 0 : i32
      %dma_wait3A_56 = tpu.memref_slice %arg3[%arg0, %dma_wait3A, %dma_wait3A_55] : memref<2x10240x128xf32, #tpu.memory_space<hbm>> -> memref<1x10240x128xf32, #tpu.memory_space<hbm>>
      %dma_wait3A_57 = tpu.memref_squeeze %dma_wait3A_56 : memref<1x10240x128xf32, #tpu.memory_space<hbm>> -> memref<10240x128xf32, #tpu.memory_space<hbm>>
      %dma_wait3A_58 = arith.constant 0 : i32
      %dma_wait3A_59 = tpu.memref_slice %dma_wait3A_57[%mul3A_47, %dma_wait3A_58] : memref<10240x128xf32, #tpu.memory_space<hbm>> -> memref<640x128xf32, #tpu.memory_space<hbm>>
      %dma_wait3A_60 = arith.constant 0 : i32
      %dma_wait3A_61 = tpu.memref_slice %arg4[%mul3A_45, %dma_wait3A_60] : memref<10240x128xf32, #tpu.memory_space<vmem_shared>> -> memref<640x128xf32, #tpu.memory_space<vmem_shared>>
      tpu.wait_dma2 semaphore(%run_scoped3A : memref<!tpu.dma_semaphore, #tpu.memory_space<semaphore_mem>>) src(%dma_wait3A_61 : memref<640x128xf32, #tpu.memory_space<vmem_shared>>) dst(%dma_wait3A_59 : memref<640x128xf32, #tpu.memory_space<hbm>>)
      tpu.yield
    }) : () -> ()
    return
  }
}

#map = affine_map<(d0, d1) -> (0, 0)>
#map1 = affine_map<(d0, d1) -> (0, 0, 0)>
module attributes {stable_mosaic.version = 14 : i64} {
  func.func @_scatter_body(%arg0: i32, %arg1: i32, %arg2: memref<10240x128xf32, #tpu.memory_space<hbm>>, %arg3: memref<5120x64xi32, #tpu.memory_space<hbm>>, %arg4: memref<5120x64xi32, #tpu.memory_space<hbm>>, %arg5: memref<2x10240x128xf32, #tpu.memory_space<hbm>>, %arg6: memref<10240x128xf32, #tpu.memory_space<vmem_shared>>, %arg7: memref<16x64xi32, #tpu.memory_space<vmem>>, %arg8: memref<16x64xi32, #tpu.memory_space<vmem>>, %arg9: memref<64x128xf32, #tpu.memory_space<vmem>>, %arg10: memref<64x128xf32, #tpu.memory_space<vmem>>, %arg11: memref<64x128xf32, #tpu.memory_space<vmem>>, %arg12: memref<64x128xf32, #tpu.memory_space<vmem>>, %arg13: memref<64x128xf32, #tpu.memory_space<vmem>>, %arg14: memref<!tpu.dma_semaphore, #tpu.memory_space<semaphore_mem>>, %arg15: memref<!tpu.dma_semaphore, #tpu.memory_space<semaphore_mem>>, %arg16: memref<!tpu.dma_semaphore, #tpu.memory_space<semaphore_mem>>, %arg17: memref<!tpu.dma_semaphore, #tpu.memory_space<semaphore_mem>>, %arg18: memref<!tpu.dma_semaphore, #tpu.memory_space<semaphore_mem>>) attributes {dimension_semantics = [#tpu.dimension_semantics<core_parallel>, #tpu.dimension_semantics<subcore_parallel>], iteration_bounds = array<i64: 2, 16>, scalar_prefetch = 0 : i64, scratch_operands = 13 : i64, tpu.core_type = #tpu.core_type<sc_vector_subcore>, window_params = [{transform_indices = #map}, {transform_indices = #map}, {transform_indices = #map}, {transform_indices = #map1}]} {
    %mul3A = arith.constant 2 : i32
    %mul3A_0 = arith.muli %arg1, %mul3A : i32
    %add3A = arith.addi %mul3A_0, %arg0 : i32
    %scan3A = arith.constant 0 : i32
    %scan3A_1 = arith.constant 0 : i32
    %scan3A_2 = arith.constant 512 : i32
    %scan3A_3 = arith.addi %scan3A_1, %scan3A_2 : i32
    %scan3A_4 = arith.constant 1 : i32
    %scan3A_5 = scf.for %scan3A_59 = %scan3A_1 to %scan3A_3 step %scan3A_4 iter_args(%scan3A_60 = %scan3A) -> (i32)  : i32 {
      %jit3A = arith.constant 8 : i32
      %div3A = arith.divsi %scan3A_59, %jit3A : i32
      %sign3A = arith.constant 0 : i32
      %sign3A_61 = arith.cmpi sgt, %scan3A_59, %sign3A : i32
      %sign3A_62 = arith.extui %sign3A_61 : i1 to i32
      %sign3A_63 = arith.constant 0 : i32
      %sign3A_64 = arith.cmpi slt, %scan3A_59, %sign3A_63 : i32
      %sign3A_65 = arith.extui %sign3A_64 : i1 to i32
      %sign3A_66 = arith.subi %sign3A_62, %sign3A_65 : i32
      %sign3A_67 = arith.constant 0 : i32
      %sign3A_68 = arith.cmpi sgt, %jit3A, %sign3A_67 : i32
      %sign3A_69 = arith.extui %sign3A_68 : i1 to i32
      %sign3A_70 = arith.constant 0 : i32
      %sign3A_71 = arith.cmpi slt, %jit3A, %sign3A_70 : i32
      %sign3A_72 = arith.extui %sign3A_71 : i1 to i32
      %sign3A_73 = arith.subi %sign3A_69, %sign3A_72 : i32
      %ne3A = arith.cmpi ne, %sign3A_66, %sign3A_73 : i32
      %rem3A = arith.remsi %scan3A_59, %jit3A : i32
      %ne3A_74 = arith.constant 0 : i32
      %ne3A_75 = arith.cmpi ne, %rem3A, %ne3A_74 : i32
      %and3A = arith.andi %ne3A, %ne3A_75 : i1
      %sub3A = arith.constant 1 : i32
      %sub3A_76 = arith.subi %div3A, %sub3A : i32
      %select_n3A = arith.select %and3A, %sub3A_76, %div3A : i32
      %jit3A_77 = arith.constant 8 : i32
      %eq3A = arith.constant 0 : i32
      %eq3A_78 = arith.cmpi eq, %jit3A_77, %eq3A : i32
      %jit3A_79 = arith.constant 1 : i32
      %select_n3A_80 = arith.select %eq3A_78, %jit3A_79, %jit3A_77 : i32
      %rem3A_81 = arith.remsi %scan3A_59, %select_n3A_80 : i32
      %ne3A_82 = arith.constant 0 : i32
      %ne3A_83 = arith.cmpi ne, %rem3A_81, %ne3A_82 : i32
      %lt3A = arith.constant 0 : i32
      %lt3A_84 = arith.cmpi slt, %rem3A_81, %lt3A : i32
      %lt3A_85 = arith.constant 0 : i32
      %lt3A_86 = arith.cmpi slt, %select_n3A_80, %lt3A_85 : i32
      %ne3A_87 = arith.xori %lt3A_84, %lt3A_86 : i1
      %and3A_88 = arith.andi %ne3A_87, %ne3A_83 : i1
      %add3A_89 = arith.addi %rem3A_81, %select_n3A_80 : i32
      %select_n3A_90 = arith.select %and3A_88, %add3A_89, %rem3A_81 : i32
      %broadcast_in_dim3A = arith.constant 0.000000e+00 : f32
      %broadcast_in_dim3A_91 = vector.broadcast %broadcast_in_dim3A : f32 to vector<16xf32>
      %mul3A_92 = arith.constant 16 : i32
      %mul3A_93 = arith.muli %select_n3A_90, %mul3A_92 : i32
      %swap3A = arith.index_cast %select_n3A : i32 to index
      %swap3A_94 = arith.index_cast %mul3A_93 : i32 to index
      %swap3A_95 = tpu.vector_load %arg9[%swap3A, %swap3A_94] {strides = array<i32>} : memref<64x128xf32, #tpu.memory_space<vmem>>, vector<1x16xf32>,
      %swap3A_96 = vector.shape_cast %swap3A_95 : vector<1x16xf32> to vector<16xf32>
      %swap3A_97 = vector.shape_cast %broadcast_in_dim3A_91 : vector<16xf32> to vector<1x16xf32>
      tpu.vector_store %arg9[%swap3A, %swap3A_94], %swap3A_97 {strides = array<i32>} : memref<64x128xf32, #tpu.memory_space<vmem>>, vector<1x16xf32>,
      %scan3A_98 = arith.constant 0 : i32
      scf.yield %scan3A_98 : i32
    }
    %scan3A_6 = arith.constant 512 : i32
    %mul3A_7 = arith.constant 640 : i32
    %mul3A_8 = arith.muli %arg1, %mul3A_7 : i32
    %add3A_9 = arith.constant 0 : i32
    %add3A_10 = arith.addi %mul3A_8, %add3A_9 : i32
    "tpu.region"() ({
      %run_scoped3A = tpu.sem_alloc : memref<!tpu.dma_semaphore, #tpu.memory_space<semaphore_mem>>
      %dma_start3A = arith.constant 0 : i32
      %dma_start3A_59 = tpu.memref_slice %arg6[%add3A_10, %dma_start3A] : memref<10240x128xf32, #tpu.memory_space<vmem_shared>> -> memref<64x128xf32, #tpu.memory_space<vmem_shared>>
      %dma_start3A_60 = arith.constant 0 : i32
      %dma_start3A_61 = tpu.memref_slice %arg6[%add3A_10, %dma_start3A_60] : memref<10240x128xf32, #tpu.memory_space<vmem_shared>> -> memref<64x128xf32, #tpu.memory_space<vmem_shared>>
      tpu.enqueue_dma source(%arg9 : memref<64x128xf32, #tpu.memory_space<vmem>>) target(%dma_start3A_61 : memref<64x128xf32, #tpu.memory_space<vmem_shared>>) target_semaphore(%run_scoped3A : memref<!tpu.dma_semaphore, #tpu.memory_space<semaphore_mem>>)
      %dma_wait3A = arith.constant 0 : i32
      %dma_wait3A_62 = tpu.memref_slice %arg6[%add3A_10, %dma_wait3A] : memref<10240x128xf32, #tpu.memory_space<vmem_shared>> -> memref<64x128xf32, #tpu.memory_space<vmem_shared>>
      %dma_wait3A_63 = arith.constant 0 : i32
      %dma_wait3A_64 = tpu.memref_slice %arg6[%add3A_10, %dma_wait3A_63] : memref<10240x128xf32, #tpu.memory_space<vmem_shared>> -> memref<64x128xf32, #tpu.memory_space<vmem_shared>>
      tpu.wait_dma2 semaphore(%run_scoped3A : memref<!tpu.dma_semaphore, #tpu.memory_space<semaphore_mem>>) src(%arg9 : memref<64x128xf32, #tpu.memory_space<vmem>>) dst(%dma_wait3A_64 : memref<64x128xf32, #tpu.memory_space<vmem_shared>>)
      tpu.yield
    }) : () -> ()
    %mul3A_11 = arith.constant 640 : i32
    %mul3A_12 = arith.muli %arg1, %mul3A_11 : i32
    %add3A_13 = arith.constant 64 : i32
    %add3A_14 = arith.addi %mul3A_12, %add3A_13 : i32
    "tpu.region"() ({
      %run_scoped3A = tpu.sem_alloc : memref<!tpu.dma_semaphore, #tpu.memory_space<semaphore_mem>>
      %dma_start3A = arith.constant 0 : i32
      %dma_start3A_59 = tpu.memref_slice %arg6[%add3A_14, %dma_start3A] : memref<10240x128xf32, #tpu.memory_space<vmem_shared>> -> memref<64x128xf32, #tpu.memory_space<vmem_shared>>
      %dma_start3A_60 = arith.constant 0 : i32
      %dma_start3A_61 = tpu.memref_slice %arg6[%add3A_14, %dma_start3A_60] : memref<10240x128xf32, #tpu.memory_space<vmem_shared>> -> memref<64x128xf32, #tpu.memory_space<vmem_shared>>
      tpu.enqueue_dma source(%arg9 : memref<64x128xf32, #tpu.memory_space<vmem>>) target(%dma_start3A_61 : memref<64x128xf32, #tpu.memory_space<vmem_shared>>) target_semaphore(%run_scoped3A : memref<!tpu.dma_semaphore, #tpu.memory_space<semaphore_mem>>)
      %dma_wait3A = arith.constant 0 : i32
      %dma_wait3A_62 = tpu.memref_slice %arg6[%add3A_14, %dma_wait3A] : memref<10240x128xf32, #tpu.memory_space<vmem_shared>> -> memref<64x128xf32, #tpu.memory_space<vmem_shared>>
      %dma_wait3A_63 = arith.constant 0 : i32
      %dma_wait3A_64 = tpu.memref_slice %arg6[%add3A_14, %dma_wait3A_63] : memref<10240x128xf32, #tpu.memory_space<vmem_shared>> -> memref<64x128xf32, #tpu.memory_space<vmem_shared>>
      tpu.wait_dma2 semaphore(%run_scoped3A : memref<!tpu.dma_semaphore, #tpu.memory_space<semaphore_mem>>) src(%arg9 : memref<64x128xf32, #tpu.memory_space<vmem>>) dst(%dma_wait3A_64 : memref<64x128xf32, #tpu.memory_space<vmem_shared>>)
      tpu.yield
    }) : () -> ()
    %mul3A_15 = arith.constant 640 : i32
    %mul3A_16 = arith.muli %arg1, %mul3A_15 : i32
    %add3A_17 = arith.constant 128 : i32
    %add3A_18 = arith.addi %mul3A_16, %add3A_17 : i32
    "tpu.region"() ({
      %run_scoped3A = tpu.sem_alloc : memref<!tpu.dma_semaphore, #tpu.memory_space<semaphore_mem>>
      %dma_start3A = arith.constant 0 : i32
      %dma_start3A_59 = tpu.memref_slice %arg6[%add3A_18, %dma_start3A] : memref<10240x128xf32, #tpu.memory_space<vmem_shared>> -> memref<64x128xf32, #tpu.memory_space<vmem_shared>>
      %dma_start3A_60 = arith.constant 0 : i32
      %dma_start3A_61 = tpu.memref_slice %arg6[%add3A_18, %dma_start3A_60] : memref<10240x128xf32, #tpu.memory_space<vmem_shared>> -> memref<64x128xf32, #tpu.memory_space<vmem_shared>>
      tpu.enqueue_dma source(%arg9 : memref<64x128xf32, #tpu.memory_space<vmem>>) target(%dma_start3A_61 : memref<64x128xf32, #tpu.memory_space<vmem_shared>>) target_semaphore(%run_scoped3A : memref<!tpu.dma_semaphore, #tpu.memory_space<semaphore_mem>>)
      %dma_wait3A = arith.constant 0 : i32
      %dma_wait3A_62 = tpu.memref_slice %arg6[%add3A_18, %dma_wait3A] : memref<10240x128xf32, #tpu.memory_space<vmem_shared>> -> memref<64x128xf32, #tpu.memory_space<vmem_shared>>
      %dma_wait3A_63 = arith.constant 0 : i32
      %dma_wait3A_64 = tpu.memref_slice %arg6[%add3A_18, %dma_wait3A_63] : memref<10240x128xf32, #tpu.memory_space<vmem_shared>> -> memref<64x128xf32, #tpu.memory_space<vmem_shared>>
      tpu.wait_dma2 semaphore(%run_scoped3A : memref<!tpu.dma_semaphore, #tpu.memory_space<semaphore_mem>>) src(%arg9 : memref<64x128xf32, #tpu.memory_space<vmem>>) dst(%dma_wait3A_64 : memref<64x128xf32, #tpu.memory_space<vmem_shared>>)
      tpu.yield
    }) : () -> ()
    %mul3A_19 = arith.constant 640 : i32
    %mul3A_20 = arith.muli %arg1, %mul3A_19 : i32
    %add3A_21 = arith.constant 192 : i32
    %add3A_22 = arith.addi %mul3A_20, %add3A_21 : i32
    "tpu.region"() ({
      %run_scoped3A = tpu.sem_alloc : memref<!tpu.dma_semaphore, #tpu.memory_space<semaphore_mem>>
      %dma_start3A = arith.constant 0 : i32
      %dma_start3A_59 = tpu.memref_slice %arg6[%add3A_22, %dma_start3A] : memref<10240x128xf32, #tpu.memory_space<vmem_shared>> -> memref<64x128xf32, #tpu.memory_space<vmem_shared>>
      %dma_start3A_60 = arith.constant 0 : i32
      %dma_start3A_61 = tpu.memref_slice %arg6[%add3A_22, %dma_start3A_60] : memref<10240x128xf32, #tpu.memory_space<vmem_shared>> -> memref<64x128xf32, #tpu.memory_space<vmem_shared>>
      tpu.enqueue_dma source(%arg9 : memref<64x128xf32, #tpu.memory_space<vmem>>) target(%dma_start3A_61 : memref<64x128xf32, #tpu.memory_space<vmem_shared>>) target_semaphore(%run_scoped3A : memref<!tpu.dma_semaphore, #tpu.memory_space<semaphore_mem>>)
      %dma_wait3A = arith.constant 0 : i32
      %dma_wait3A_62 = tpu.memref_slice %arg6[%add3A_22, %dma_wait3A] : memref<10240x128xf32, #tpu.memory_space<vmem_shared>> -> memref<64x128xf32, #tpu.memory_space<vmem_shared>>
      %dma_wait3A_63 = arith.constant 0 : i32
      %dma_wait3A_64 = tpu.memref_slice %arg6[%add3A_22, %dma_wait3A_63] : memref<10240x128xf32, #tpu.memory_space<vmem_shared>> -> memref<64x128xf32, #tpu.memory_space<vmem_shared>>
      tpu.wait_dma2 semaphore(%run_scoped3A : memref<!tpu.dma_semaphore, #tpu.memory_space<semaphore_mem>>) src(%arg9 : memref<64x128xf32, #tpu.memory_space<vmem>>) dst(%dma_wait3A_64 : memref<64x128xf32, #tpu.memory_space<vmem_shared>>)
      tpu.yield
    }) : () -> ()
    %mul3A_23 = arith.constant 640 : i32
    %mul3A_24 = arith.muli %arg1, %mul3A_23 : i32
    %add3A_25 = arith.constant 256 : i32
    %add3A_26 = arith.addi %mul3A_24, %add3A_25 : i32
    "tpu.region"() ({
      %run_scoped3A = tpu.sem_alloc : memref<!tpu.dma_semaphore, #tpu.memory_space<semaphore_mem>>
      %dma_start3A = arith.constant 0 : i32
      %dma_start3A_59 = tpu.memref_slice %arg6[%add3A_26, %dma_start3A] : memref<10240x128xf32, #tpu.memory_space<vmem_shared>> -> memref<64x128xf32, #tpu.memory_space<vmem_shared>>
      %dma_start3A_60 = arith.constant 0 : i32
      %dma_start3A_61 = tpu.memref_slice %arg6[%add3A_26, %dma_start3A_60] : memref<10240x128xf32, #tpu.memory_space<vmem_shared>> -> memref<64x128xf32, #tpu.memory_space<vmem_shared>>
      tpu.enqueue_dma source(%arg9 : memref<64x128xf32, #tpu.memory_space<vmem>>) target(%dma_start3A_61 : memref<64x128xf32, #tpu.memory_space<vmem_shared>>) target_semaphore(%run_scoped3A : memref<!tpu.dma_semaphore, #tpu.memory_space<semaphore_mem>>)
      %dma_wait3A = arith.constant 0 : i32
      %dma_wait3A_62 = tpu.memref_slice %arg6[%add3A_26, %dma_wait3A] : memref<10240x128xf32, #tpu.memory_space<vmem_shared>> -> memref<64x128xf32, #tpu.memory_space<vmem_shared>>
      %dma_wait3A_63 = arith.constant 0 : i32
      %dma_wait3A_64 = tpu.memref_slice %arg6[%add3A_26, %dma_wait3A_63] : memref<10240x128xf32, #tpu.memory_space<vmem_shared>> -> memref<64x128xf32, #tpu.memory_space<vmem_shared>>
      tpu.wait_dma2 semaphore(%run_scoped3A : memref<!tpu.dma_semaphore, #tpu.memory_space<semaphore_mem>>) src(%arg9 : memref<64x128xf32, #tpu.memory_space<vmem>>) dst(%dma_wait3A_64 : memref<64x128xf32, #tpu.memory_space<vmem_shared>>)
      tpu.yield
    }) : () -> ()
    %mul3A_27 = arith.constant 640 : i32
    %mul3A_28 = arith.muli %arg1, %mul3A_27 : i32
    %add3A_29 = arith.constant 320 : i32
    %add3A_30 = arith.addi %mul3A_28, %add3A_29 : i32
    "tpu.region"() ({
      %run_scoped3A = tpu.sem_alloc : memref<!tpu.dma_semaphore, #tpu.memory_space<semaphore_mem>>
      %dma_start3A = arith.constant 0 : i32
      %dma_start3A_59 = tpu.memref_slice %arg6[%add3A_30, %dma_start3A] : memref<10240x128xf32, #tpu.memory_space<vmem_shared>> -> memref<64x128xf32, #tpu.memory_space<vmem_shared>>
      %dma_start3A_60 = arith.constant 0 : i32
      %dma_start3A_61 = tpu.memref_slice %arg6[%add3A_30, %dma_start3A_60] : memref<10240x128xf32, #tpu.memory_space<vmem_shared>> -> memref<64x128xf32, #tpu.memory_space<vmem_shared>>
      tpu.enqueue_dma source(%arg9 : memref<64x128xf32, #tpu.memory_space<vmem>>) target(%dma_start3A_61 : memref<64x128xf32, #tpu.memory_space<vmem_shared>>) target_semaphore(%run_scoped3A : memref<!tpu.dma_semaphore, #tpu.memory_space<semaphore_mem>>)
      %dma_wait3A = arith.constant 0 : i32
      %dma_wait3A_62 = tpu.memref_slice %arg6[%add3A_30, %dma_wait3A] : memref<10240x128xf32, #tpu.memory_space<vmem_shared>> -> memref<64x128xf32, #tpu.memory_space<vmem_shared>>
      %dma_wait3A_63 = arith.constant 0 : i32
      %dma_wait3A_64 = tpu.memref_slice %arg6[%add3A_30, %dma_wait3A_63] : memref<10240x128xf32, #tpu.memory_space<vmem_shared>> -> memref<64x128xf32, #tpu.memory_space<vmem_shared>>
      tpu.wait_dma2 semaphore(%run_scoped3A : memref<!tpu.dma_semaphore, #tpu.memory_space<semaphore_mem>>) src(%arg9 : memref<64x128xf32, #tpu.memory_space<vmem>>) dst(%dma_wait3A_64 : memref<64x128xf32, #tpu.memory_space<vmem_shared>>)
      tpu.yield
    }) : () -> ()
    %mul3A_31 = arith.constant 640 : i32
    %mul3A_32 = arith.muli %arg1, %mul3A_31 : i32
    %add3A_33 = arith.constant 384 : i32
    %add3A_34 = arith.addi %mul3A_32, %add3A_33 : i32
    "tpu.region"() ({
      %run_scoped3A = tpu.sem_alloc : memref<!tpu.dma_semaphore, #tpu.memory_space<semaphore_mem>>
      %dma_start3A = arith.constant 0 : i32
      %dma_start3A_59 = tpu.memref_slice %arg6[%add3A_34, %dma_start3A] : memref<10240x128xf32, #tpu.memory_space<vmem_shared>> -> memref<64x128xf32, #tpu.memory_space<vmem_shared>>
      %dma_start3A_60 = arith.constant 0 : i32
      %dma_start3A_61 = tpu.memref_slice %arg6[%add3A_34, %dma_start3A_60] : memref<10240x128xf32, #tpu.memory_space<vmem_shared>> -> memref<64x128xf32, #tpu.memory_space<vmem_shared>>
      tpu.enqueue_dma source(%arg9 : memref<64x128xf32, #tpu.memory_space<vmem>>) target(%dma_start3A_61 : memref<64x128xf32, #tpu.memory_space<vmem_shared>>) target_semaphore(%run_scoped3A : memref<!tpu.dma_semaphore, #tpu.memory_space<semaphore_mem>>)
      %dma_wait3A = arith.constant 0 : i32
      %dma_wait3A_62 = tpu.memref_slice %arg6[%add3A_34, %dma_wait3A] : memref<10240x128xf32, #tpu.memory_space<vmem_shared>> -> memref<64x128xf32, #tpu.memory_space<vmem_shared>>
      %dma_wait3A_63 = arith.constant 0 : i32
      %dma_wait3A_64 = tpu.memref_slice %arg6[%add3A_34, %dma_wait3A_63] : memref<10240x128xf32, #tpu.memory_space<vmem_shared>> -> memref<64x128xf32, #tpu.memory_space<vmem_shared>>
      tpu.wait_dma2 semaphore(%run_scoped3A : memref<!tpu.dma_semaphore, #tpu.memory_space<semaphore_mem>>) src(%arg9 : memref<64x128xf32, #tpu.memory_space<vmem>>) dst(%dma_wait3A_64 : memref<64x128xf32, #tpu.memory_space<vmem_shared>>)
      tpu.yield
    }) : () -> ()
    %mul3A_35 = arith.constant 640 : i32
    %mul3A_36 = arith.muli %arg1, %mul3A_35 : i32
    %add3A_37 = arith.constant 448 : i32
    %add3A_38 = arith.addi %mul3A_36, %add3A_37 : i32
    "tpu.region"() ({
      %run_scoped3A = tpu.sem_alloc : memref<!tpu.dma_semaphore, #tpu.memory_space<semaphore_mem>>
      %dma_start3A = arith.constant 0 : i32
      %dma_start3A_59 = tpu.memref_slice %arg6[%add3A_38, %dma_start3A] : memref<10240x128xf32, #tpu.memory_space<vmem_shared>> -> memref<64x128xf32, #tpu.memory_space<vmem_shared>>
      %dma_start3A_60 = arith.constant 0 : i32
      %dma_start3A_61 = tpu.memref_slice %arg6[%add3A_38, %dma_start3A_60] : memref<10240x128xf32, #tpu.memory_space<vmem_shared>> -> memref<64x128xf32, #tpu.memory_space<vmem_shared>>
      tpu.enqueue_dma source(%arg9 : memref<64x128xf32, #tpu.memory_space<vmem>>) target(%dma_start3A_61 : memref<64x128xf32, #tpu.memory_space<vmem_shared>>) target_semaphore(%run_scoped3A : memref<!tpu.dma_semaphore, #tpu.memory_space<semaphore_mem>>)
      %dma_wait3A = arith.constant 0 : i32
      %dma_wait3A_62 = tpu.memref_slice %arg6[%add3A_38, %dma_wait3A] : memref<10240x128xf32, #tpu.memory_space<vmem_shared>> -> memref<64x128xf32, #tpu.memory_space<vmem_shared>>
      %dma_wait3A_63 = arith.constant 0 : i32
      %dma_wait3A_64 = tpu.memref_slice %arg6[%add3A_38, %dma_wait3A_63] : memref<10240x128xf32, #tpu.memory_space<vmem_shared>> -> memref<64x128xf32, #tpu.memory_space<vmem_shared>>
      tpu.wait_dma2 semaphore(%run_scoped3A : memref<!tpu.dma_semaphore, #tpu.memory_space<semaphore_mem>>) src(%arg9 : memref<64x128xf32, #tpu.memory_space<vmem>>) dst(%dma_wait3A_64 : memref<64x128xf32, #tpu.memory_space<vmem_shared>>)
      tpu.yield
    }) : () -> ()
    %mul3A_39 = arith.constant 640 : i32
    %mul3A_40 = arith.muli %arg1, %mul3A_39 : i32
    %add3A_41 = arith.constant 512 : i32
    %add3A_42 = arith.addi %mul3A_40, %add3A_41 : i32
    "tpu.region"() ({
      %run_scoped3A = tpu.sem_alloc : memref<!tpu.dma_semaphore, #tpu.memory_space<semaphore_mem>>
      %dma_start3A = arith.constant 0 : i32
      %dma_start3A_59 = tpu.memref_slice %arg6[%add3A_42, %dma_start3A] : memref<10240x128xf32, #tpu.memory_space<vmem_shared>> -> memref<64x128xf32, #tpu.memory_space<vmem_shared>>
      %dma_start3A_60 = arith.constant 0 : i32
      %dma_start3A_61 = tpu.memref_slice %arg6[%add3A_42, %dma_start3A_60] : memref<10240x128xf32, #tpu.memory_space<vmem_shared>> -> memref<64x128xf32, #tpu.memory_space<vmem_shared>>
      tpu.enqueue_dma source(%arg9 : memref<64x128xf32, #tpu.memory_space<vmem>>) target(%dma_start3A_61 : memref<64x128xf32, #tpu.memory_space<vmem_shared>>) target_semaphore(%run_scoped3A : memref<!tpu.dma_semaphore, #tpu.memory_space<semaphore_mem>>)
      %dma_wait3A = arith.constant 0 : i32
      %dma_wait3A_62 = tpu.memref_slice %arg6[%add3A_42, %dma_wait3A] : memref<10240x128xf32, #tpu.memory_space<vmem_shared>> -> memref<64x128xf32, #tpu.memory_space<vmem_shared>>
      %dma_wait3A_63 = arith.constant 0 : i32
      %dma_wait3A_64 = tpu.memref_slice %arg6[%add3A_42, %dma_wait3A_63] : memref<10240x128xf32, #tpu.memory_space<vmem_shared>> -> memref<64x128xf32, #tpu.memory_space<vmem_shared>>
      tpu.wait_dma2 semaphore(%run_scoped3A : memref<!tpu.dma_semaphore, #tpu.memory_space<semaphore_mem>>) src(%arg9 : memref<64x128xf32, #tpu.memory_space<vmem>>) dst(%dma_wait3A_64 : memref<64x128xf32, #tpu.memory_space<vmem_shared>>)
      tpu.yield
    }) : () -> ()
    %mul3A_43 = arith.constant 640 : i32
    %mul3A_44 = arith.muli %arg1, %mul3A_43 : i32
    %add3A_45 = arith.constant 576 : i32
    %add3A_46 = arith.addi %mul3A_44, %add3A_45 : i32
    "tpu.region"() ({
      %run_scoped3A = tpu.sem_alloc : memref<!tpu.dma_semaphore, #tpu.memory_space<semaphore_mem>>
      %dma_start3A = arith.constant 0 : i32
      %dma_start3A_59 = tpu.memref_slice %arg6[%add3A_46, %dma_start3A] : memref<10240x128xf32, #tpu.memory_space<vmem_shared>> -> memref<64x128xf32, #tpu.memory_space<vmem_shared>>
      %dma_start3A_60 = arith.constant 0 : i32
      %dma_start3A_61 = tpu.memref_slice %arg6[%add3A_46, %dma_start3A_60] : memref<10240x128xf32, #tpu.memory_space<vmem_shared>> -> memref<64x128xf32, #tpu.memory_space<vmem_shared>>
      tpu.enqueue_dma source(%arg9 : memref<64x128xf32, #tpu.memory_space<vmem>>) target(%dma_start3A_61 : memref<64x128xf32, #tpu.memory_space<vmem_shared>>) target_semaphore(%run_scoped3A : memref<!tpu.dma_semaphore, #tpu.memory_space<semaphore_mem>>)
      %dma_wait3A = arith.constant 0 : i32
      %dma_wait3A_62 = tpu.memref_slice %arg6[%add3A_46, %dma_wait3A] : memref<10240x128xf32, #tpu.memory_space<vmem_shared>> -> memref<64x128xf32, #tpu.memory_space<vmem_shared>>
      %dma_wait3A_63 = arith.constant 0 : i32
      %dma_wait3A_64 = tpu.memref_slice %arg6[%add3A_46, %dma_wait3A_63] : memref<10240x128xf32, #tpu.memory_space<vmem_shared>> -> memref<64x128xf32, #tpu.memory_space<vmem_shared>>
      tpu.wait_dma2 semaphore(%run_scoped3A : memref<!tpu.dma_semaphore, #tpu.memory_space<semaphore_mem>>) src(%arg9 : memref<64x128xf32, #tpu.memory_space<vmem>>) dst(%dma_wait3A_64 : memref<64x128xf32, #tpu.memory_space<vmem_shared>>)
      tpu.yield
    }) : () -> ()
    %barrier3A = arith.constant 0 : index
    tpu.barrier barrier_id(%barrier3A)
    %scan3A_47 = arith.constant 0 : i32
    %scan3A_48 = arith.constant 0 : i32
    %scan3A_49 = arith.constant 10 : i32
    %scan3A_50 = arith.addi %scan3A_48, %scan3A_49 : i32
    %scan3A_51 = arith.constant 1 : i32
    %scan3A_52 = scf.for %scan3A_59 = %scan3A_48 to %scan3A_50 step %scan3A_51 iter_args(%scan3A_60 = %scan3A_47) -> (i32)  : i32 {
      %mul3A_61 = arith.constant 160 : i32
      %mul3A_62 = arith.muli %add3A, %mul3A_61 : i32
      %mul3A_63 = arith.constant 16 : i32
      %mul3A_64 = arith.muli %scan3A_59, %mul3A_63 : i32
      %add3A_65 = arith.addi %mul3A_62, %mul3A_64 : i32
      "tpu.region"() ({
        %run_scoped3A = tpu.sem_alloc : memref<!tpu.dma_semaphore, #tpu.memory_space<semaphore_mem>>
        %dma_start3A_101 = arith.constant 0 : i32
        %dma_start3A_102 = tpu.memref_slice %arg3[%add3A_65, %dma_start3A_101] : memref<5120x64xi32, #tpu.memory_space<hbm>> -> memref<16x64xi32, #tpu.memory_space<hbm>>
        %dma_start3A_103 = arith.constant 0 : i32
        %dma_start3A_104 = tpu.memref_slice %arg3[%add3A_65, %dma_start3A_103] : memref<5120x64xi32, #tpu.memory_space<hbm>> -> memref<16x64xi32, #tpu.memory_space<hbm>>
        tpu.enqueue_dma source(%dma_start3A_104 : memref<16x64xi32, #tpu.memory_space<hbm>>) target(%arg7 : memref<16x64xi32, #tpu.memory_space<vmem>>) target_semaphore(%run_scoped3A : memref<!tpu.dma_semaphore, #tpu.memory_space<semaphore_mem>>)
        %dma_wait3A = arith.constant 0 : i32
        %dma_wait3A_105 = tpu.memref_slice %arg3[%add3A_65, %dma_wait3A] : memref<5120x64xi32, #tpu.memory_space<hbm>> -> memref<16x64xi32, #tpu.memory_space<hbm>>
        %dma_wait3A_106 = arith.constant 0 : i32
        %dma_wait3A_107 = tpu.memref_slice %arg3[%add3A_65, %dma_wait3A_106] : memref<5120x64xi32, #tpu.memory_space<hbm>> -> memref<16x64xi32, #tpu.memory_space<hbm>>
        tpu.wait_dma2 semaphore(%run_scoped3A : memref<!tpu.dma_semaphore, #tpu.memory_space<semaphore_mem>>) src(%dma_wait3A_107 : memref<16x64xi32, #tpu.memory_space<hbm>>) dst(%arg7 : memref<16x64xi32, #tpu.memory_space<vmem>>)
        tpu.yield
      }) : () -> ()
      "tpu.region"() ({
        %run_scoped3A = tpu.sem_alloc : memref<!tpu.dma_semaphore, #tpu.memory_space<semaphore_mem>>
        %dma_start3A_101 = arith.constant 0 : i32
        %dma_start3A_102 = tpu.memref_slice %arg4[%add3A_65, %dma_start3A_101] : memref<5120x64xi32, #tpu.memory_space<hbm>> -> memref<16x64xi32, #tpu.memory_space<hbm>>
        %dma_start3A_103 = arith.constant 0 : i32
        %dma_start3A_104 = tpu.memref_slice %arg4[%add3A_65, %dma_start3A_103] : memref<5120x64xi32, #tpu.memory_space<hbm>> -> memref<16x64xi32, #tpu.memory_space<hbm>>
        tpu.enqueue_dma source(%dma_start3A_104 : memref<16x64xi32, #tpu.memory_space<hbm>>) target(%arg8 : memref<16x64xi32, #tpu.memory_space<vmem>>) target_semaphore(%run_scoped3A : memref<!tpu.dma_semaphore, #tpu.memory_space<semaphore_mem>>)
        %dma_wait3A = arith.constant 0 : i32
        %dma_wait3A_105 = tpu.memref_slice %arg4[%add3A_65, %dma_wait3A] : memref<5120x64xi32, #tpu.memory_space<hbm>> -> memref<16x64xi32, #tpu.memory_space<hbm>>
        %dma_wait3A_106 = arith.constant 0 : i32
        %dma_wait3A_107 = tpu.memref_slice %arg4[%add3A_65, %dma_wait3A_106] : memref<5120x64xi32, #tpu.memory_space<hbm>> -> memref<16x64xi32, #tpu.memory_space<hbm>>
        tpu.wait_dma2 semaphore(%run_scoped3A : memref<!tpu.dma_semaphore, #tpu.memory_space<semaphore_mem>>) src(%dma_wait3A_107 : memref<16x64xi32, #tpu.memory_space<hbm>>) dst(%arg8 : memref<16x64xi32, #tpu.memory_space<vmem>>)
        tpu.yield
      }) : () -> ()
      %dma_start3A = arith.constant 0 : i32
      %dma_start3A_66 = arith.constant 0 : i32
      %dma_start3A_67 = tpu.memref_slice %arg7[%dma_start3A, %dma_start3A_66] : memref<16x64xi32, #tpu.memory_space<vmem>> -> memref<1x64xi32, #tpu.memory_space<vmem>>
      %dma_start3A_68 = tpu.memref_squeeze %dma_start3A_67 : memref<1x64xi32, #tpu.memory_space<vmem>> -> memref<64xi32, #tpu.memory_space<vmem>>
      %dma_start3A_69 = arith.constant 0 : i32
      %dma_start3A_70 = arith.constant 0 : i32
      %dma_start3A_71 = tpu.memref_slice %arg2[%dma_start3A_69, %dma_start3A_70] : memref<10240x128xf32, #tpu.memory_space<hbm>> -> memref<10240x128xf32, #tpu.memory_space<hbm>>
      tpu.enqueue_indirect_dma source(%dma_start3A_71 : memref<10240x128xf32, #tpu.memory_space<hbm>>) target(%arg9 : memref<64x128xf32, #tpu.memory_space<vmem>>) offsets(%dma_start3A_68 : memref<64xi32, #tpu.memory_space<vmem>>) semaphore(%arg14 : memref<!tpu.dma_semaphore, #tpu.memory_space<semaphore_mem>>)
      %dma_start3A_72 = arith.constant 1 : i32
      %dma_start3A_73 = arith.constant 0 : i32
      %dma_start3A_74 = tpu.memref_slice %arg7[%dma_start3A_72, %dma_start3A_73] : memref<16x64xi32, #tpu.memory_space<vmem>> -> memref<1x64xi32, #tpu.memory_space<vmem>>
      %dma_start3A_75 = tpu.memref_squeeze %dma_start3A_74 : memref<1x64xi32, #tpu.memory_space<vmem>> -> memref<64xi32, #tpu.memory_space<vmem>>
      %dma_start3A_76 = arith.constant 0 : i32
      %dma_start3A_77 = arith.constant 0 : i32
      %dma_start3A_78 = tpu.memref_slice %arg2[%dma_start3A_76, %dma_start3A_77] : memref<10240x128xf32, #tpu.memory_space<hbm>> -> memref<10240x128xf32, #tpu.memory_space<hbm>>
      tpu.enqueue_indirect_dma source(%dma_start3A_78 : memref<10240x128xf32, #tpu.memory_space<hbm>>) target(%arg10 : memref<64x128xf32, #tpu.memory_space<vmem>>) offsets(%dma_start3A_75 : memref<64xi32, #tpu.memory_space<vmem>>) semaphore(%arg15 : memref<!tpu.dma_semaphore, #tpu.memory_space<semaphore_mem>>)
      %dma_start3A_79 = arith.constant 2 : i32
      %dma_start3A_80 = arith.constant 0 : i32
      %dma_start3A_81 = tpu.memref_slice %arg7[%dma_start3A_79, %dma_start3A_80] : memref<16x64xi32, #tpu.memory_space<vmem>> -> memref<1x64xi32, #tpu.memory_space<vmem>>
      %dma_start3A_82 = tpu.memref_squeeze %dma_start3A_81 : memref<1x64xi32, #tpu.memory_space<vmem>> -> memref<64xi32, #tpu.memory_space<vmem>>
      %dma_start3A_83 = arith.constant 0 : i32
      %dma_start3A_84 = arith.constant 0 : i32
      %dma_start3A_85 = tpu.memref_slice %arg2[%dma_start3A_83, %dma_start3A_84] : memref<10240x128xf32, #tpu.memory_space<hbm>> -> memref<10240x128xf32, #tpu.memory_space<hbm>>
      tpu.enqueue_indirect_dma source(%dma_start3A_85 : memref<10240x128xf32, #tpu.memory_space<hbm>>) target(%arg11 : memref<64x128xf32, #tpu.memory_space<vmem>>) offsets(%dma_start3A_82 : memref<64xi32, #tpu.memory_space<vmem>>) semaphore(%arg16 : memref<!tpu.dma_semaphore, #tpu.memory_space<semaphore_mem>>)
      %dma_start3A_86 = arith.constant 3 : i32
      %dma_start3A_87 = arith.constant 0 : i32
      %dma_start3A_88 = tpu.memref_slice %arg7[%dma_start3A_86, %dma_start3A_87] : memref<16x64xi32, #tpu.memory_space<vmem>> -> memref<1x64xi32, #tpu.memory_space<vmem>>
      %dma_start3A_89 = tpu.memref_squeeze %dma_start3A_88 : memref<1x64xi32, #tpu.memory_space<vmem>> -> memref<64xi32, #tpu.memory_space<vmem>>
      %dma_start3A_90 = arith.constant 0 : i32
      %dma_start3A_91 = arith.constant 0 : i32
      %dma_start3A_92 = tpu.memref_slice %arg2[%dma_start3A_90, %dma_start3A_91] : memref<10240x128xf32, #tpu.memory_space<hbm>> -> memref<10240x128xf32, #tpu.memory_space<hbm>>
      tpu.enqueue_indirect_dma source(%dma_start3A_92 : memref<10240x128xf32, #tpu.memory_space<hbm>>) target(%arg12 : memref<64x128xf32, #tpu.memory_space<vmem>>) offsets(%dma_start3A_89 : memref<64xi32, #tpu.memory_space<vmem>>) semaphore(%arg17 : memref<!tpu.dma_semaphore, #tpu.memory_space<semaphore_mem>>)
      %scan3A_93 = arith.constant 0 : i32
      %scan3A_94 = arith.constant 0 : i32
      %scan3A_95 = arith.constant 16 : i32
      %scan3A_96 = arith.addi %scan3A_94, %scan3A_95 : i32
      %scan3A_97 = arith.constant 1 : i32
      %scan3A_98 = scf.for %scan3A_101 = %scan3A_94 to %scan3A_96 step %scan3A_97 iter_args(%scan3A_102 = %scan3A_93) -> (i32)  : i32 {
        %jit3A = arith.constant 5 : i32
        %eq3A = arith.constant 0 : i32
        %eq3A_103 = arith.cmpi eq, %jit3A, %eq3A : i32
        %jit3A_104 = arith.constant 1 : i32
        %select_n3A = arith.select %eq3A_103, %jit3A_104, %jit3A : i32
        %rem3A = arith.remsi %scan3A_101, %select_n3A : i32
        %ne3A = arith.constant 0 : i32
        %ne3A_105 = arith.cmpi ne, %rem3A, %ne3A : i32
        %lt3A = arith.constant 0 : i32
        %lt3A_106 = arith.cmpi slt, %rem3A, %lt3A : i32
        %lt3A_107 = arith.constant 0 : i32
        %lt3A_108 = arith.cmpi slt, %select_n3A, %lt3A_107 : i32
        %ne3A_109 = arith.xori %lt3A_106, %lt3A_108 : i1
        %and3A = arith.andi %ne3A_109, %ne3A_105 : i1
        %add3A_110 = arith.addi %rem3A, %select_n3A : i32
        %select_n3A_111 = arith.select %and3A, %add3A_110, %rem3A : i32
        %eq3A_112 = arith.constant 0 : i32
        %eq3A_113 = arith.cmpi eq, %select_n3A_111, %eq3A_112 : i32
        %convert_element_type3A = arith.extui %eq3A_113 : i1 to i32
        %cond3A = arith.constant 0 : i32
        %cond3A_114 = arith.cmpi ne, %convert_element_type3A, %cond3A : i32
        scf.if %cond3A_114 {
          %add3A_200 = arith.constant 4 : i32
          %add3A_201 = arith.addi %scan3A_101, %add3A_200 : i32
          %lt3A_202 = arith.constant 16 : i32
          %lt3A_203 = arith.cmpi slt, %add3A_201, %lt3A_202 : i32
          %convert_element_type3A_204 = arith.extui %lt3A_203 : i1 to i32
          %cond3A_205 = arith.constant 0 : i32
          %cond3A_206 = arith.cmpi ne, %convert_element_type3A_204, %cond3A_205 : i32
          scf.if %cond3A_206 {
            %add3A_212 = arith.constant 4 : i32
            %add3A_213 = arith.addi %scan3A_101, %add3A_212 : i32
            %dma_start3A_214 = arith.constant 0 : i32
            %dma_start3A_215 = tpu.memref_slice %arg7[%add3A_213, %dma_start3A_214] : memref<16x64xi32, #tpu.memory_space<vmem>> -> memref<1x64xi32, #tpu.memory_space<vmem>>
            %dma_start3A_216 = tpu.memref_squeeze %dma_start3A_215 : memref<1x64xi32, #tpu.memory_space<vmem>> -> memref<64xi32, #tpu.memory_space<vmem>>
            %dma_start3A_217 = arith.constant 0 : i32
            %dma_start3A_218 = arith.constant 0 : i32
            %dma_start3A_219 = tpu.memref_slice %arg2[%dma_start3A_217, %dma_start3A_218] : memref<10240x128xf32, #tpu.memory_space<hbm>> -> memref<10240x128xf32, #tpu.memory_space<hbm>>
            tpu.enqueue_indirect_dma source(%dma_start3A_219 : memref<10240x128xf32, #tpu.memory_space<hbm>>) target(%arg13 : memref<64x128xf32, #tpu.memory_space<vmem>>) offsets(%dma_start3A_216 : memref<64xi32, #tpu.memory_space<vmem>>) semaphore(%arg18 : memref<!tpu.dma_semaphore, #tpu.memory_space<semaphore_mem>>)
          } else {
          }
          %dma_wait3A = arith.constant 0 : i32
          %dma_wait3A_207 = tpu.memref_slice %arg7[%scan3A_101, %dma_wait3A] : memref<16x64xi32, #tpu.memory_space<vmem>> -> memref<1x64xi32, #tpu.memory_space<vmem>>
          %dma_wait3A_208 = tpu.memref_squeeze %dma_wait3A_207 : memref<1x64xi32, #tpu.memory_space<vmem>> -> memref<64xi32, #tpu.memory_space<vmem>>
          %dma_wait3A_209 = arith.constant 0 : i32
          %dma_wait3A_210 = arith.constant 0 : i32
          %dma_wait3A_211 = tpu.memref_slice %arg2[%dma_wait3A_209, %dma_wait3A_210] : memref<10240x128xf32, #tpu.memory_space<hbm>> -> memref<10240x128xf32, #tpu.memory_space<hbm>>
          tpu.wait_indirect_dma semaphore(%arg14 : memref<!tpu.dma_semaphore, #tpu.memory_space<semaphore_mem>>) src(%dma_wait3A_211 : memref<10240x128xf32, #tpu.memory_space<hbm>>) dst(%arg9 : memref<64x128xf32, #tpu.memory_space<vmem>>)
          "tpu.region"() ({
            %run_scoped3A = tpu.sem_alloc : memref<!tpu.dma_semaphore, #tpu.memory_space<semaphore_mem>>
            %dma_start3A_212 = arith.constant 0 : i32
            %dma_start3A_213 = tpu.memref_slice %arg8[%scan3A_101, %dma_start3A_212] : memref<16x64xi32, #tpu.memory_space<vmem>> -> memref<1x64xi32, #tpu.memory_space<vmem>>
            %dma_start3A_214 = tpu.memref_squeeze %dma_start3A_213 : memref<1x64xi32, #tpu.memory_space<vmem>> -> memref<64xi32, #tpu.memory_space<vmem>>
            %dma_start3A_215 = arith.constant 0 : i32
            %dma_start3A_216 = arith.constant 0 : i32
            %dma_start3A_217 = tpu.memref_slice %arg6[%dma_start3A_215, %dma_start3A_216] : memref<10240x128xf32, #tpu.memory_space<vmem_shared>> -> memref<10240x128xf32, #tpu.memory_space<vmem_shared>>
            tpu.enqueue_indirect_dma source(%arg9 : memref<64x128xf32, #tpu.memory_space<vmem>>) target(%dma_start3A_217 : memref<10240x128xf32, #tpu.memory_space<vmem_shared>>) offsets(%dma_start3A_214 : memref<64xi32, #tpu.memory_space<vmem>>) semaphore(%run_scoped3A : memref<!tpu.dma_semaphore, #tpu.memory_space<semaphore_mem>>) {add = true}
            %dma_wait3A_218 = arith.constant 0 : i32
            %dma_wait3A_219 = tpu.memref_slice %arg8[%scan3A_101, %dma_wait3A_218] : memref<16x64xi32, #tpu.memory_space<vmem>> -> memref<1x64xi32, #tpu.memory_space<vmem>>
            %dma_wait3A_220 = tpu.memref_squeeze %dma_wait3A_219 : memref<1x64xi32, #tpu.memory_space<vmem>> -> memref<64xi32, #tpu.memory_space<vmem>>
            %dma_wait3A_221 = arith.constant 0 : i32
            %dma_wait3A_222 = arith.constant 0 : i32
            %dma_wait3A_223 = tpu.memref_slice %arg6[%dma_wait3A_221, %dma_wait3A_222] : memref<10240x128xf32, #tpu.memory_space<vmem_shared>> -> memref<10240x128xf32, #tpu.memory_space<vmem_shared>>
            tpu.wait_indirect_dma semaphore(%run_scoped3A : memref<!tpu.dma_semaphore, #tpu.memory_space<semaphore_mem>>) src(%arg9 : memref<64x128xf32, #tpu.memory_space<vmem>>) dst(%dma_wait3A_223 : memref<10240x128xf32, #tpu.memory_space<vmem_shared>>)
            tpu.yield
          }) : () -> ()
        } else {
        }
        %jit3A_115 = arith.constant 5 : i32
        %eq3A_116 = arith.constant 0 : i32
        %eq3A_117 = arith.cmpi eq, %jit3A_115, %eq3A_116 : i32
        %jit3A_118 = arith.constant 1 : i32
        %select_n3A_119 = arith.select %eq3A_117, %jit3A_118, %jit3A_115 : i32
        %rem3A_120 = arith.remsi %scan3A_101, %select_n3A_119 : i32
        %ne3A_121 = arith.constant 0 : i32
        %ne3A_122 = arith.cmpi ne, %rem3A_120, %ne3A_121 : i32
        %lt3A_123 = arith.constant 0 : i32
        %lt3A_124 = arith.cmpi slt, %rem3A_120, %lt3A_123 : i32
        %lt3A_125 = arith.constant 0 : i32
        %lt3A_126 = arith.cmpi slt, %select_n3A_119, %lt3A_125 : i32
        %ne3A_127 = arith.xori %lt3A_124, %lt3A_126 : i1
        %and3A_128 = arith.andi %ne3A_127, %ne3A_122 : i1
        %add3A_129 = arith.addi %rem3A_120, %select_n3A_119 : i32
        %select_n3A_130 = arith.select %and3A_128, %add3A_129, %rem3A_120 : i32
        %eq3A_131 = arith.constant 1 : i32
        %eq3A_132 = arith.cmpi eq, %select_n3A_130, %eq3A_131 : i32
        %convert_element_type3A_133 = arith.extui %eq3A_132 : i1 to i32
        %cond3A_134 = arith.constant 0 : i32
        %cond3A_135 = arith.cmpi ne, %convert_element_type3A_133, %cond3A_134 : i32
        scf.if %cond3A_135 {
          %add3A_200 = arith.constant 4 : i32
          %add3A_201 = arith.addi %scan3A_101, %add3A_200 : i32
          %lt3A_202 = arith.constant 16 : i32
          %lt3A_203 = arith.cmpi slt, %add3A_201, %lt3A_202 : i32
          %convert_element_type3A_204 = arith.extui %lt3A_203 : i1 to i32
          %cond3A_205 = arith.constant 0 : i32
          %cond3A_206 = arith.cmpi ne, %convert_element_type3A_204, %cond3A_205 : i32
          scf.if %cond3A_206 {
            %add3A_212 = arith.constant 4 : i32
            %add3A_213 = arith.addi %scan3A_101, %add3A_212 : i32
            %dma_start3A_214 = arith.constant 0 : i32
            %dma_start3A_215 = tpu.memref_slice %arg7[%add3A_213, %dma_start3A_214] : memref<16x64xi32, #tpu.memory_space<vmem>> -> memref<1x64xi32, #tpu.memory_space<vmem>>
            %dma_start3A_216 = tpu.memref_squeeze %dma_start3A_215 : memref<1x64xi32, #tpu.memory_space<vmem>> -> memref<64xi32, #tpu.memory_space<vmem>>
            %dma_start3A_217 = arith.constant 0 : i32
            %dma_start3A_218 = arith.constant 0 : i32
            %dma_start3A_219 = tpu.memref_slice %arg2[%dma_start3A_217, %dma_start3A_218] : memref<10240x128xf32, #tpu.memory_space<hbm>> -> memref<10240x128xf32, #tpu.memory_space<hbm>>
            tpu.enqueue_indirect_dma source(%dma_start3A_219 : memref<10240x128xf32, #tpu.memory_space<hbm>>) target(%arg9 : memref<64x128xf32, #tpu.memory_space<vmem>>) offsets(%dma_start3A_216 : memref<64xi32, #tpu.memory_space<vmem>>) semaphore(%arg14 : memref<!tpu.dma_semaphore, #tpu.memory_space<semaphore_mem>>)
          } else {
          }
          %dma_wait3A = arith.constant 0 : i32
          %dma_wait3A_207 = tpu.memref_slice %arg7[%scan3A_101, %dma_wait3A] : memref<16x64xi32, #tpu.memory_space<vmem>> -> memref<1x64xi32, #tpu.memory_space<vmem>>
          %dma_wait3A_208 = tpu.memref_squeeze %dma_wait3A_207 : memref<1x64xi32, #tpu.memory_space<vmem>> -> memref<64xi32, #tpu.memory_space<vmem>>
          %dma_wait3A_209 = arith.constant 0 : i32
          %dma_wait3A_210 = arith.constant 0 : i32
          %dma_wait3A_211 = tpu.memref_slice %arg2[%dma_wait3A_209, %dma_wait3A_210] : memref<10240x128xf32, #tpu.memory_space<hbm>> -> memref<10240x128xf32, #tpu.memory_space<hbm>>
          tpu.wait_indirect_dma semaphore(%arg15 : memref<!tpu.dma_semaphore, #tpu.memory_space<semaphore_mem>>) src(%dma_wait3A_211 : memref<10240x128xf32, #tpu.memory_space<hbm>>) dst(%arg10 : memref<64x128xf32, #tpu.memory_space<vmem>>)
          "tpu.region"() ({
            %run_scoped3A = tpu.sem_alloc : memref<!tpu.dma_semaphore, #tpu.memory_space<semaphore_mem>>
            %dma_start3A_212 = arith.constant 0 : i32
            %dma_start3A_213 = tpu.memref_slice %arg8[%scan3A_101, %dma_start3A_212] : memref<16x64xi32, #tpu.memory_space<vmem>> -> memref<1x64xi32, #tpu.memory_space<vmem>>
            %dma_start3A_214 = tpu.memref_squeeze %dma_start3A_213 : memref<1x64xi32, #tpu.memory_space<vmem>> -> memref<64xi32, #tpu.memory_space<vmem>>
            %dma_start3A_215 = arith.constant 0 : i32
            %dma_start3A_216 = arith.constant 0 : i32
            %dma_start3A_217 = tpu.memref_slice %arg6[%dma_start3A_215, %dma_start3A_216] : memref<10240x128xf32, #tpu.memory_space<vmem_shared>> -> memref<10240x128xf32, #tpu.memory_space<vmem_shared>>
            tpu.enqueue_indirect_dma source(%arg10 : memref<64x128xf32, #tpu.memory_space<vmem>>) target(%dma_start3A_217 : memref<10240x128xf32, #tpu.memory_space<vmem_shared>>) offsets(%dma_start3A_214 : memref<64xi32, #tpu.memory_space<vmem>>) semaphore(%run_scoped3A : memref<!tpu.dma_semaphore, #tpu.memory_space<semaphore_mem>>) {add = true}
            %dma_wait3A_218 = arith.constant 0 : i32
            %dma_wait3A_219 = tpu.memref_slice %arg8[%scan3A_101, %dma_wait3A_218] : memref<16x64xi32, #tpu.memory_space<vmem>> -> memref<1x64xi32, #tpu.memory_space<vmem>>
            %dma_wait3A_220 = tpu.memref_squeeze %dma_wait3A_219 : memref<1x64xi32, #tpu.memory_space<vmem>> -> memref<64xi32, #tpu.memory_space<vmem>>
            %dma_wait3A_221 = arith.constant 0 : i32
            %dma_wait3A_222 = arith.constant 0 : i32
            %dma_wait3A_223 = tpu.memref_slice %arg6[%dma_wait3A_221, %dma_wait3A_222] : memref<10240x128xf32, #tpu.memory_space<vmem_shared>> -> memref<10240x128xf32, #tpu.memory_space<vmem_shared>>
            tpu.wait_indirect_dma semaphore(%run_scoped3A : memref<!tpu.dma_semaphore, #tpu.memory_space<semaphore_mem>>) src(%arg10 : memref<64x128xf32, #tpu.memory_space<vmem>>) dst(%dma_wait3A_223 : memref<10240x128xf32, #tpu.memory_space<vmem_shared>>)
            tpu.yield
          }) : () -> ()
        } else {
        }
        %jit3A_136 = arith.constant 5 : i32
        %eq3A_137 = arith.constant 0 : i32
        %eq3A_138 = arith.cmpi eq, %jit3A_136, %eq3A_137 : i32
        %jit3A_139 = arith.constant 1 : i32
        %select_n3A_140 = arith.select %eq3A_138, %jit3A_139, %jit3A_136 : i32
        %rem3A_141 = arith.remsi %scan3A_101, %select_n3A_140 : i32
        %ne3A_142 = arith.constant 0 : i32
        %ne3A_143 = arith.cmpi ne, %rem3A_141, %ne3A_142 : i32
        %lt3A_144 = arith.constant 0 : i32
        %lt3A_145 = arith.cmpi slt, %rem3A_141, %lt3A_144 : i32
        %lt3A_146 = arith.constant 0 : i32
        %lt3A_147 = arith.cmpi slt, %select_n3A_140, %lt3A_146 : i32
        %ne3A_148 = arith.xori %lt3A_145, %lt3A_147 : i1
        %and3A_149 = arith.andi %ne3A_148, %ne3A_143 : i1
        %add3A_150 = arith.addi %rem3A_141, %select_n3A_140 : i32
        %select_n3A_151 = arith.select %and3A_149, %add3A_150, %rem3A_141 : i32
        %eq3A_152 = arith.constant 2 : i32
        %eq3A_153 = arith.cmpi eq, %select_n3A_151, %eq3A_152 : i32
        %convert_element_type3A_154 = arith.extui %eq3A_153 : i1 to i32
        %cond3A_155 = arith.constant 0 : i32
        %cond3A_156 = arith.cmpi ne, %convert_element_type3A_154, %cond3A_155 : i32
        scf.if %cond3A_156 {
          %add3A_200 = arith.constant 4 : i32
          %add3A_201 = arith.addi %scan3A_101, %add3A_200 : i32
          %lt3A_202 = arith.constant 16 : i32
          %lt3A_203 = arith.cmpi slt, %add3A_201, %lt3A_202 : i32
          %convert_element_type3A_204 = arith.extui %lt3A_203 : i1 to i32
          %cond3A_205 = arith.constant 0 : i32
          %cond3A_206 = arith.cmpi ne, %convert_element_type3A_204, %cond3A_205 : i32
          scf.if %cond3A_206 {
            %add3A_212 = arith.constant 4 : i32
            %add3A_213 = arith.addi %scan3A_101, %add3A_212 : i32
            %dma_start3A_214 = arith.constant 0 : i32
            %dma_start3A_215 = tpu.memref_slice %arg7[%add3A_213, %dma_start3A_214] : memref<16x64xi32, #tpu.memory_space<vmem>> -> memref<1x64xi32, #tpu.memory_space<vmem>>
            %dma_start3A_216 = tpu.memref_squeeze %dma_start3A_215 : memref<1x64xi32, #tpu.memory_space<vmem>> -> memref<64xi32, #tpu.memory_space<vmem>>
            %dma_start3A_217 = arith.constant 0 : i32
            %dma_start3A_218 = arith.constant 0 : i32
            %dma_start3A_219 = tpu.memref_slice %arg2[%dma_start3A_217, %dma_start3A_218] : memref<10240x128xf32, #tpu.memory_space<hbm>> -> memref<10240x128xf32, #tpu.memory_space<hbm>>
            tpu.enqueue_indirect_dma source(%dma_start3A_219 : memref<10240x128xf32, #tpu.memory_space<hbm>>) target(%arg10 : memref<64x128xf32, #tpu.memory_space<vmem>>) offsets(%dma_start3A_216 : memref<64xi32, #tpu.memory_space<vmem>>) semaphore(%arg15 : memref<!tpu.dma_semaphore, #tpu.memory_space<semaphore_mem>>)
          } else {
          }
          %dma_wait3A = arith.constant 0 : i32
          %dma_wait3A_207 = tpu.memref_slice %arg7[%scan3A_101, %dma_wait3A] : memref<16x64xi32, #tpu.memory_space<vmem>> -> memref<1x64xi32, #tpu.memory_space<vmem>>
          %dma_wait3A_208 = tpu.memref_squeeze %dma_wait3A_207 : memref<1x64xi32, #tpu.memory_space<vmem>> -> memref<64xi32, #tpu.memory_space<vmem>>
          %dma_wait3A_209 = arith.constant 0 : i32
          %dma_wait3A_210 = arith.constant 0 : i32
          %dma_wait3A_211 = tpu.memref_slice %arg2[%dma_wait3A_209, %dma_wait3A_210] : memref<10240x128xf32, #tpu.memory_space<hbm>> -> memref<10240x128xf32, #tpu.memory_space<hbm>>
          tpu.wait_indirect_dma semaphore(%arg16 : memref<!tpu.dma_semaphore, #tpu.memory_space<semaphore_mem>>) src(%dma_wait3A_211 : memref<10240x128xf32, #tpu.memory_space<hbm>>) dst(%arg11 : memref<64x128xf32, #tpu.memory_space<vmem>>)
          "tpu.region"() ({
            %run_scoped3A = tpu.sem_alloc : memref<!tpu.dma_semaphore, #tpu.memory_space<semaphore_mem>>
            %dma_start3A_212 = arith.constant 0 : i32
            %dma_start3A_213 = tpu.memref_slice %arg8[%scan3A_101, %dma_start3A_212] : memref<16x64xi32, #tpu.memory_space<vmem>> -> memref<1x64xi32, #tpu.memory_space<vmem>>
            %dma_start3A_214 = tpu.memref_squeeze %dma_start3A_213 : memref<1x64xi32, #tpu.memory_space<vmem>> -> memref<64xi32, #tpu.memory_space<vmem>>
            %dma_start3A_215 = arith.constant 0 : i32
            %dma_start3A_216 = arith.constant 0 : i32
            %dma_start3A_217 = tpu.memref_slice %arg6[%dma_start3A_215, %dma_start3A_216] : memref<10240x128xf32, #tpu.memory_space<vmem_shared>> -> memref<10240x128xf32, #tpu.memory_space<vmem_shared>>
            tpu.enqueue_indirect_dma source(%arg11 : memref<64x128xf32, #tpu.memory_space<vmem>>) target(%dma_start3A_217 : memref<10240x128xf32, #tpu.memory_space<vmem_shared>>) offsets(%dma_start3A_214 : memref<64xi32, #tpu.memory_space<vmem>>) semaphore(%run_scoped3A : memref<!tpu.dma_semaphore, #tpu.memory_space<semaphore_mem>>) {add = true}
            %dma_wait3A_218 = arith.constant 0 : i32
            %dma_wait3A_219 = tpu.memref_slice %arg8[%scan3A_101, %dma_wait3A_218] : memref<16x64xi32, #tpu.memory_space<vmem>> -> memref<1x64xi32, #tpu.memory_space<vmem>>
            %dma_wait3A_220 = tpu.memref_squeeze %dma_wait3A_219 : memref<1x64xi32, #tpu.memory_space<vmem>> -> memref<64xi32, #tpu.memory_space<vmem>>
            %dma_wait3A_221 = arith.constant 0 : i32
            %dma_wait3A_222 = arith.constant 0 : i32
            %dma_wait3A_223 = tpu.memref_slice %arg6[%dma_wait3A_221, %dma_wait3A_222] : memref<10240x128xf32, #tpu.memory_space<vmem_shared>> -> memref<10240x128xf32, #tpu.memory_space<vmem_shared>>
            tpu.wait_indirect_dma semaphore(%run_scoped3A : memref<!tpu.dma_semaphore, #tpu.memory_space<semaphore_mem>>) src(%arg11 : memref<64x128xf32, #tpu.memory_space<vmem>>) dst(%dma_wait3A_223 : memref<10240x128xf32, #tpu.memory_space<vmem_shared>>)
            tpu.yield
          }) : () -> ()
        } else {
        }
        %jit3A_157 = arith.constant 5 : i32
        %eq3A_158 = arith.constant 0 : i32
        %eq3A_159 = arith.cmpi eq, %jit3A_157, %eq3A_158 : i32
        %jit3A_160 = arith.constant 1 : i32
        %select_n3A_161 = arith.select %eq3A_159, %jit3A_160, %jit3A_157 : i32
        %rem3A_162 = arith.remsi %scan3A_101, %select_n3A_161 : i32
        %ne3A_163 = arith.constant 0 : i32
        %ne3A_164 = arith.cmpi ne, %rem3A_162, %ne3A_163 : i32
        %lt3A_165 = arith.constant 0 : i32
        %lt3A_166 = arith.cmpi slt, %rem3A_162, %lt3A_165 : i32
        %lt3A_167 = arith.constant 0 : i32
        %lt3A_168 = arith.cmpi slt, %select_n3A_161, %lt3A_167 : i32
        %ne3A_169 = arith.xori %lt3A_166, %lt3A_168 : i1
        %and3A_170 = arith.andi %ne3A_169, %ne3A_164 : i1
        %add3A_171 = arith.addi %rem3A_162, %select_n3A_161 : i32
        %select_n3A_172 = arith.select %and3A_170, %add3A_171, %rem3A_162 : i32
        %eq3A_173 = arith.constant 3 : i32
        %eq3A_174 = arith.cmpi eq, %select_n3A_172, %eq3A_173 : i32
        %convert_element_type3A_175 = arith.extui %eq3A_174 : i1 to i32
        %cond3A_176 = arith.constant 0 : i32
        %cond3A_177 = arith.cmpi ne, %convert_element_type3A_175, %cond3A_176 : i32
        scf.if %cond3A_177 {
          %add3A_200 = arith.constant 4 : i32
          %add3A_201 = arith.addi %scan3A_101, %add3A_200 : i32
          %lt3A_202 = arith.constant 16 : i32
          %lt3A_203 = arith.cmpi slt, %add3A_201, %lt3A_202 : i32
          %convert_element_type3A_204 = arith.extui %lt3A_203 : i1 to i32
          %cond3A_205 = arith.constant 0 : i32
          %cond3A_206 = arith.cmpi ne, %convert_element_type3A_204, %cond3A_205 : i32
          scf.if %cond3A_206 {
            %add3A_212 = arith.constant 4 : i32
            %add3A_213 = arith.addi %scan3A_101, %add3A_212 : i32
            %dma_start3A_214 = arith.constant 0 : i32
            %dma_start3A_215 = tpu.memref_slice %arg7[%add3A_213, %dma_start3A_214] : memref<16x64xi32, #tpu.memory_space<vmem>> -> memref<1x64xi32, #tpu.memory_space<vmem>>
            %dma_start3A_216 = tpu.memref_squeeze %dma_start3A_215 : memref<1x64xi32, #tpu.memory_space<vmem>> -> memref<64xi32, #tpu.memory_space<vmem>>
            %dma_start3A_217 = arith.constant 0 : i32
            %dma_start3A_218 = arith.constant 0 : i32
            %dma_start3A_219 = tpu.memref_slice %arg2[%dma_start3A_217, %dma_start3A_218] : memref<10240x128xf32, #tpu.memory_space<hbm>> -> memref<10240x128xf32, #tpu.memory_space<hbm>>
            tpu.enqueue_indirect_dma source(%dma_start3A_219 : memref<10240x128xf32, #tpu.memory_space<hbm>>) target(%arg11 : memref<64x128xf32, #tpu.memory_space<vmem>>) offsets(%dma_start3A_216 : memref<64xi32, #tpu.memory_space<vmem>>) semaphore(%arg16 : memref<!tpu.dma_semaphore, #tpu.memory_space<semaphore_mem>>)
          } else {
          }
          %dma_wait3A = arith.constant 0 : i32
          %dma_wait3A_207 = tpu.memref_slice %arg7[%scan3A_101, %dma_wait3A] : memref<16x64xi32, #tpu.memory_space<vmem>> -> memref<1x64xi32, #tpu.memory_space<vmem>>
          %dma_wait3A_208 = tpu.memref_squeeze %dma_wait3A_207 : memref<1x64xi32, #tpu.memory_space<vmem>> -> memref<64xi32, #tpu.memory_space<vmem>>
          %dma_wait3A_209 = arith.constant 0 : i32
          %dma_wait3A_210 = arith.constant 0 : i32
          %dma_wait3A_211 = tpu.memref_slice %arg2[%dma_wait3A_209, %dma_wait3A_210] : memref<10240x128xf32, #tpu.memory_space<hbm>> -> memref<10240x128xf32, #tpu.memory_space<hbm>>
          tpu.wait_indirect_dma semaphore(%arg17 : memref<!tpu.dma_semaphore, #tpu.memory_space<semaphore_mem>>) src(%dma_wait3A_211 : memref<10240x128xf32, #tpu.memory_space<hbm>>) dst(%arg12 : memref<64x128xf32, #tpu.memory_space<vmem>>)
          "tpu.region"() ({
            %run_scoped3A = tpu.sem_alloc : memref<!tpu.dma_semaphore, #tpu.memory_space<semaphore_mem>>
            %dma_start3A_212 = arith.constant 0 : i32
            %dma_start3A_213 = tpu.memref_slice %arg8[%scan3A_101, %dma_start3A_212] : memref<16x64xi32, #tpu.memory_space<vmem>> -> memref<1x64xi32, #tpu.memory_space<vmem>>
            %dma_start3A_214 = tpu.memref_squeeze %dma_start3A_213 : memref<1x64xi32, #tpu.memory_space<vmem>> -> memref<64xi32, #tpu.memory_space<vmem>>
            %dma_start3A_215 = arith.constant 0 : i32
            %dma_start3A_216 = arith.constant 0 : i32
            %dma_start3A_217 = tpu.memref_slice %arg6[%dma_start3A_215, %dma_start3A_216] : memref<10240x128xf32, #tpu.memory_space<vmem_shared>> -> memref<10240x128xf32, #tpu.memory_space<vmem_shared>>
            tpu.enqueue_indirect_dma source(%arg12 : memref<64x128xf32, #tpu.memory_space<vmem>>) target(%dma_start3A_217 : memref<10240x128xf32, #tpu.memory_space<vmem_shared>>) offsets(%dma_start3A_214 : memref<64xi32, #tpu.memory_space<vmem>>) semaphore(%run_scoped3A : memref<!tpu.dma_semaphore, #tpu.memory_space<semaphore_mem>>) {add = true}
            %dma_wait3A_218 = arith.constant 0 : i32
            %dma_wait3A_219 = tpu.memref_slice %arg8[%scan3A_101, %dma_wait3A_218] : memref<16x64xi32, #tpu.memory_space<vmem>> -> memref<1x64xi32, #tpu.memory_space<vmem>>
            %dma_wait3A_220 = tpu.memref_squeeze %dma_wait3A_219 : memref<1x64xi32, #tpu.memory_space<vmem>> -> memref<64xi32, #tpu.memory_space<vmem>>
            %dma_wait3A_221 = arith.constant 0 : i32
            %dma_wait3A_222 = arith.constant 0 : i32
            %dma_wait3A_223 = tpu.memref_slice %arg6[%dma_wait3A_221, %dma_wait3A_222] : memref<10240x128xf32, #tpu.memory_space<vmem_shared>> -> memref<10240x128xf32, #tpu.memory_space<vmem_shared>>
            tpu.wait_indirect_dma semaphore(%run_scoped3A : memref<!tpu.dma_semaphore, #tpu.memory_space<semaphore_mem>>) src(%arg12 : memref<64x128xf32, #tpu.memory_space<vmem>>) dst(%dma_wait3A_223 : memref<10240x128xf32, #tpu.memory_space<vmem_shared>>)
            tpu.yield
          }) : () -> ()
        } else {
        }
        %jit3A_178 = arith.constant 5 : i32
        %eq3A_179 = arith.constant 0 : i32
        %eq3A_180 = arith.cmpi eq, %jit3A_178, %eq3A_179 : i32
        %jit3A_181 = arith.constant 1 : i32
        %select_n3A_182 = arith.select %eq3A_180, %jit3A_181, %jit3A_178 : i32
        %rem3A_183 = arith.remsi %scan3A_101, %select_n3A_182 : i32
        %ne3A_184 = arith.constant 0 : i32
        %ne3A_185 = arith.cmpi ne, %rem3A_183, %ne3A_184 : i32
        %lt3A_186 = arith.constant 0 : i32
        %lt3A_187 = arith.cmpi slt, %rem3A_183, %lt3A_186 : i32
        %lt3A_188 = arith.constant 0 : i32
        %lt3A_189 = arith.cmpi slt, %select_n3A_182, %lt3A_188 : i32
        %ne3A_190 = arith.xori %lt3A_187, %lt3A_189 : i1
        %and3A_191 = arith.andi %ne3A_190, %ne3A_185 : i1
        %add3A_192 = arith.addi %rem3A_183, %select_n3A_182 : i32
        %select_n3A_193 = arith.select %and3A_191, %add3A_192, %rem3A_183 : i32
        %eq3A_194 = arith.constant 4 : i32
        %eq3A_195 = arith.cmpi eq, %select_n3A_193, %eq3A_194 : i32
        %convert_element_type3A_196 = arith.extui %eq3A_195 : i1 to i32
        %cond3A_197 = arith.constant 0 : i32
        %cond3A_198 = arith.cmpi ne, %convert_element_type3A_196, %cond3A_197 : i32
        scf.if %cond3A_198 {
          %add3A_200 = arith.constant 4 : i32
          %add3A_201 = arith.addi %scan3A_101, %add3A_200 : i32
          %lt3A_202 = arith.constant 16 : i32
          %lt3A_203 = arith.cmpi slt, %add3A_201, %lt3A_202 : i32
          %convert_element_type3A_204 = arith.extui %lt3A_203 : i1 to i32
          %cond3A_205 = arith.constant 0 : i32
          %cond3A_206 = arith.cmpi ne, %convert_element_type3A_204, %cond3A_205 : i32
          scf.if %cond3A_206 {
            %add3A_212 = arith.constant 4 : i32
            %add3A_213 = arith.addi %scan3A_101, %add3A_212 : i32
            %dma_start3A_214 = arith.constant 0 : i32
            %dma_start3A_215 = tpu.memref_slice %arg7[%add3A_213, %dma_start3A_214] : memref<16x64xi32, #tpu.memory_space<vmem>> -> memref<1x64xi32, #tpu.memory_space<vmem>>
            %dma_start3A_216 = tpu.memref_squeeze %dma_start3A_215 : memref<1x64xi32, #tpu.memory_space<vmem>> -> memref<64xi32, #tpu.memory_space<vmem>>
            %dma_start3A_217 = arith.constant 0 : i32
            %dma_start3A_218 = arith.constant 0 : i32
            %dma_start3A_219 = tpu.memref_slice %arg2[%dma_start3A_217, %dma_start3A_218] : memref<10240x128xf32, #tpu.memory_space<hbm>> -> memref<10240x128xf32, #tpu.memory_space<hbm>>
            tpu.enqueue_indirect_dma source(%dma_start3A_219 : memref<10240x128xf32, #tpu.memory_space<hbm>>) target(%arg12 : memref<64x128xf32, #tpu.memory_space<vmem>>) offsets(%dma_start3A_216 : memref<64xi32, #tpu.memory_space<vmem>>) semaphore(%arg17 : memref<!tpu.dma_semaphore, #tpu.memory_space<semaphore_mem>>)
          } else {
          }
          %dma_wait3A = arith.constant 0 : i32
          %dma_wait3A_207 = tpu.memref_slice %arg7[%scan3A_101, %dma_wait3A] : memref<16x64xi32, #tpu.memory_space<vmem>> -> memref<1x64xi32, #tpu.memory_space<vmem>>
          %dma_wait3A_208 = tpu.memref_squeeze %dma_wait3A_207 : memref<1x64xi32, #tpu.memory_space<vmem>> -> memref<64xi32, #tpu.memory_space<vmem>>
          %dma_wait3A_209 = arith.constant 0 : i32
          %dma_wait3A_210 = arith.constant 0 : i32
          %dma_wait3A_211 = tpu.memref_slice %arg2[%dma_wait3A_209, %dma_wait3A_210] : memref<10240x128xf32, #tpu.memory_space<hbm>> -> memref<10240x128xf32, #tpu.memory_space<hbm>>
          tpu.wait_indirect_dma semaphore(%arg18 : memref<!tpu.dma_semaphore, #tpu.memory_space<semaphore_mem>>) src(%dma_wait3A_211 : memref<10240x128xf32, #tpu.memory_space<hbm>>) dst(%arg13 : memref<64x128xf32, #tpu.memory_space<vmem>>)
          "tpu.region"() ({
            %run_scoped3A = tpu.sem_alloc : memref<!tpu.dma_semaphore, #tpu.memory_space<semaphore_mem>>
            %dma_start3A_212 = arith.constant 0 : i32
            %dma_start3A_213 = tpu.memref_slice %arg8[%scan3A_101, %dma_start3A_212] : memref<16x64xi32, #tpu.memory_space<vmem>> -> memref<1x64xi32, #tpu.memory_space<vmem>>
            %dma_start3A_214 = tpu.memref_squeeze %dma_start3A_213 : memref<1x64xi32, #tpu.memory_space<vmem>> -> memref<64xi32, #tpu.memory_space<vmem>>
            %dma_start3A_215 = arith.constant 0 : i32
            %dma_start3A_216 = arith.constant 0 : i32
            %dma_start3A_217 = tpu.memref_slice %arg6[%dma_start3A_215, %dma_start3A_216] : memref<10240x128xf32, #tpu.memory_space<vmem_shared>> -> memref<10240x128xf32, #tpu.memory_space<vmem_shared>>
            tpu.enqueue_indirect_dma source(%arg13 : memref<64x128xf32, #tpu.memory_space<vmem>>) target(%dma_start3A_217 : memref<10240x128xf32, #tpu.memory_space<vmem_shared>>) offsets(%dma_start3A_214 : memref<64xi32, #tpu.memory_space<vmem>>) semaphore(%run_scoped3A : memref<!tpu.dma_semaphore, #tpu.memory_space<semaphore_mem>>) {add = true}
            %dma_wait3A_218 = arith.constant 0 : i32
            %dma_wait3A_219 = tpu.memref_slice %arg8[%scan3A_101, %dma_wait3A_218] : memref<16x64xi32, #tpu.memory_space<vmem>> -> memref<1x64xi32, #tpu.memory_space<vmem>>
            %dma_wait3A_220 = tpu.memref_squeeze %dma_wait3A_219 : memref<1x64xi32, #tpu.memory_space<vmem>> -> memref<64xi32, #tpu.memory_space<vmem>>
            %dma_wait3A_221 = arith.constant 0 : i32
            %dma_wait3A_222 = arith.constant 0 : i32
            %dma_wait3A_223 = tpu.memref_slice %arg6[%dma_wait3A_221, %dma_wait3A_222] : memref<10240x128xf32, #tpu.memory_space<vmem_shared>> -> memref<10240x128xf32, #tpu.memory_space<vmem_shared>>
            tpu.wait_indirect_dma semaphore(%run_scoped3A : memref<!tpu.dma_semaphore, #tpu.memory_space<semaphore_mem>>) src(%arg13 : memref<64x128xf32, #tpu.memory_space<vmem>>) dst(%dma_wait3A_223 : memref<10240x128xf32, #tpu.memory_space<vmem_shared>>)
            tpu.yield
          }) : () -> ()
        } else {
        }
        %scan3A_199 = arith.constant 0 : i32
        scf.yield %scan3A_199 : i32
      }
      %scan3A_99 = arith.constant 16 : i32
      %scan3A_100 = arith.constant 0 : i32
      scf.yield %scan3A_100 : i32
    }
    %scan3A_53 = arith.constant 10 : i32
    %barrier3A_54 = arith.constant 0 : index
    tpu.barrier barrier_id(%barrier3A_54)
    %mul3A_55 = arith.constant 640 : i32
    %mul3A_56 = arith.muli %arg1, %mul3A_55 : i32
    %mul3A_57 = arith.constant 640 : i32
    %mul3A_58 = arith.muli %arg1, %mul3A_57 : i32
    "tpu.region"() ({
      %run_scoped3A = tpu.sem_alloc : memref<!tpu.dma_semaphore, #tpu.memory_space<semaphore_mem>>
      %dma_start3A = arith.constant 0 : i32
      %dma_start3A_59 = arith.constant 0 : i32
      %dma_start3A_60 = tpu.memref_slice %arg5[%arg0, %dma_start3A, %dma_start3A_59] : memref<2x10240x128xf32, #tpu.memory_space<hbm>> -> memref<1x10240x128xf32, #tpu.memory_space<hbm>>
      %dma_start3A_61 = tpu.memref_squeeze %dma_start3A_60 : memref<1x10240x128xf32, #tpu.memory_space<hbm>> -> memref<10240x128xf32, #tpu.memory_space<hbm>>
      %dma_start3A_62 = arith.constant 0 : i32
      %dma_start3A_63 = tpu.memref_slice %dma_start3A_61[%mul3A_58, %dma_start3A_62] : memref<10240x128xf32, #tpu.memory_space<hbm>> -> memref<640x128xf32, #tpu.memory_space<hbm>>
      %dma_start3A_64 = arith.constant 0 : i32
      %dma_start3A_65 = tpu.memref_slice %arg6[%mul3A_56, %dma_start3A_64] : memref<10240x128xf32, #tpu.memory_space<vmem_shared>> -> memref<640x128xf32, #tpu.memory_space<vmem_shared>>
      tpu.enqueue_dma source(%dma_start3A_65 : memref<640x128xf32, #tpu.memory_space<vmem_shared>>) target(%dma_start3A_63 : memref<640x128xf32, #tpu.memory_space<hbm>>) target_semaphore(%run_scoped3A : memref<!tpu.dma_semaphore, #tpu.memory_space<semaphore_mem>>)
      %dma_wait3A = arith.constant 0 : i32
      %dma_wait3A_66 = arith.constant 0 : i32
      %dma_wait3A_67 = tpu.memref_slice %arg5[%arg0, %dma_wait3A, %dma_wait3A_66] : memref<2x10240x128xf32, #tpu.memory_space<hbm>> -> memref<1x10240x128xf32, #tpu.memory_space<hbm>>
      %dma_wait3A_68 = tpu.memref_squeeze %dma_wait3A_67 : memref<1x10240x128xf32, #tpu.memory_space<hbm>> -> memref<10240x128xf32, #tpu.memory_space<hbm>>
      %dma_wait3A_69 = arith.constant 0 : i32
      %dma_wait3A_70 = tpu.memref_slice %dma_wait3A_68[%mul3A_58, %dma_wait3A_69] : memref<10240x128xf32, #tpu.memory_space<hbm>> -> memref<640x128xf32, #tpu.memory_space<hbm>>
      %dma_wait3A_71 = arith.constant 0 : i32
      %dma_wait3A_72 = tpu.memref_slice %arg6[%mul3A_56, %dma_wait3A_71] : memref<10240x128xf32, #tpu.memory_space<vmem_shared>> -> memref<640x128xf32, #tpu.memory_space<vmem_shared>>
      tpu.wait_dma2 semaphore(%run_scoped3A : memref<!tpu.dma_semaphore, #tpu.memory_space<semaphore_mem>>) src(%dma_wait3A_72 : memref<640x128xf32, #tpu.memory_space<vmem_shared>>) dst(%dma_wait3A_70 : memref<640x128xf32, #tpu.memory_space<hbm>>)
      tpu.yield
    }) : () -> ()
    return
  }
}

#map = affine_map<(d0, d1) -> (0, 0)>
#map1 = affine_map<(d0, d1) -> (0, 0, 0)>
module attributes {stable_mosaic.version = 14 : i64} {
  func.func @_scatter_body(%arg0: i32, %arg1: i32, %arg2: memref<10240x128xf32, #tpu.memory_space<hbm>>, %arg3: memref<5120x64xi32, #tpu.memory_space<hbm>>, %arg4: memref<5120x64xi32, #tpu.memory_space<hbm>>, %arg5: memref<2x10240x128xf32, #tpu.memory_space<hbm>>, %arg6: memref<10240x128xf32, #tpu.memory_space<vmem_shared>>, %arg7: memref<16x64xi32, #tpu.memory_space<vmem>>, %arg8: memref<16x64xi32, #tpu.memory_space<vmem>>, %arg9: memref<64x128xf32, #tpu.memory_space<vmem>>, %arg10: memref<64x128xf32, #tpu.memory_space<vmem>>, %arg11: memref<64x128xf32, #tpu.memory_space<vmem>>, %arg12: memref<64x128xf32, #tpu.memory_space<vmem>>, %arg13: memref<64x128xf32, #tpu.memory_space<vmem>>, %arg14: memref<!tpu.dma_semaphore, #tpu.memory_space<semaphore_mem>>, %arg15: memref<!tpu.dma_semaphore, #tpu.memory_space<semaphore_mem>>, %arg16: memref<!tpu.dma_semaphore, #tpu.memory_space<semaphore_mem>>, %arg17: memref<!tpu.dma_semaphore, #tpu.memory_space<semaphore_mem>>, %arg18: memref<!tpu.dma_semaphore, #tpu.memory_space<semaphore_mem>>) attributes {dimension_semantics = [#tpu.dimension_semantics<core_parallel>, #tpu.dimension_semantics<subcore_parallel>], iteration_bounds = array<i64: 2, 16>, scalar_prefetch = 0 : i64, scratch_operands = 13 : i64, tpu.core_type = #tpu.core_type<sc_vector_subcore>, window_params = [{transform_indices = #map}, {transform_indices = #map}, {transform_indices = #map}, {transform_indices = #map1}]} {
    %mul3A = arith.constant 2 : i32
    %mul3A_0 = arith.muli %arg1, %mul3A : i32
    %add3A = arith.addi %mul3A_0, %arg0 : i32
    %scan3A = arith.constant 0 : i32
    %scan3A_1 = arith.constant 0 : i32
    %scan3A_2 = arith.constant 512 : i32
    %scan3A_3 = arith.addi %scan3A_1, %scan3A_2 : i32
    %scan3A_4 = arith.constant 1 : i32
    %scan3A_5 = scf.for %scan3A_59 = %scan3A_1 to %scan3A_3 step %scan3A_4 iter_args(%scan3A_60 = %scan3A) -> (i32)  : i32 {
      %jit3A = arith.constant 8 : i32
      %div3A = arith.divsi %scan3A_59, %jit3A : i32
      %sign3A = arith.constant 0 : i32
      %sign3A_61 = arith.cmpi sgt, %scan3A_59, %sign3A : i32
      %sign3A_62 = arith.extui %sign3A_61 : i1 to i32
      %sign3A_63 = arith.constant 0 : i32
      %sign3A_64 = arith.cmpi slt, %scan3A_59, %sign3A_63 : i32
      %sign3A_65 = arith.extui %sign3A_64 : i1 to i32
      %sign3A_66 = arith.subi %sign3A_62, %sign3A_65 : i32
      %sign3A_67 = arith.constant 0 : i32
      %sign3A_68 = arith.cmpi sgt, %jit3A, %sign3A_67 : i32
      %sign3A_69 = arith.extui %sign3A_68 : i1 to i32
      %sign3A_70 = arith.constant 0 : i32
      %sign3A_71 = arith.cmpi slt, %jit3A, %sign3A_70 : i32
      %sign3A_72 = arith.extui %sign3A_71 : i1 to i32
      %sign3A_73 = arith.subi %sign3A_69, %sign3A_72 : i32
      %ne3A = arith.cmpi ne, %sign3A_66, %sign3A_73 : i32
      %rem3A = arith.remsi %scan3A_59, %jit3A : i32
      %ne3A_74 = arith.constant 0 : i32
      %ne3A_75 = arith.cmpi ne, %rem3A, %ne3A_74 : i32
      %and3A = arith.andi %ne3A, %ne3A_75 : i1
      %sub3A = arith.constant 1 : i32
      %sub3A_76 = arith.subi %div3A, %sub3A : i32
      %select_n3A = arith.select %and3A, %sub3A_76, %div3A : i32
      %jit3A_77 = arith.constant 8 : i32
      %eq3A = arith.constant 0 : i32
      %eq3A_78 = arith.cmpi eq, %jit3A_77, %eq3A : i32
      %jit3A_79 = arith.constant 1 : i32
      %select_n3A_80 = arith.select %eq3A_78, %jit3A_79, %jit3A_77 : i32
      %rem3A_81 = arith.remsi %scan3A_59, %select_n3A_80 : i32
      %ne3A_82 = arith.constant 0 : i32
      %ne3A_83 = arith.cmpi ne, %rem3A_81, %ne3A_82 : i32
      %lt3A = arith.constant 0 : i32
      %lt3A_84 = arith.cmpi slt, %rem3A_81, %lt3A : i32
      %lt3A_85 = arith.constant 0 : i32
      %lt3A_86 = arith.cmpi slt, %select_n3A_80, %lt3A_85 : i32
      %ne3A_87 = arith.xori %lt3A_84, %lt3A_86 : i1
      %and3A_88 = arith.andi %ne3A_87, %ne3A_83 : i1
      %add3A_89 = arith.addi %rem3A_81, %select_n3A_80 : i32
      %select_n3A_90 = arith.select %and3A_88, %add3A_89, %rem3A_81 : i32
      %broadcast_in_dim3A = arith.constant 0.000000e+00 : f32
      %broadcast_in_dim3A_91 = vector.broadcast %broadcast_in_dim3A : f32 to vector<16xf32>
      %mul3A_92 = arith.constant 16 : i32
      %mul3A_93 = arith.muli %select_n3A_90, %mul3A_92 : i32
      %swap3A = arith.index_cast %select_n3A : i32 to index
      %swap3A_94 = arith.index_cast %mul3A_93 : i32 to index
      %swap3A_95 = tpu.vector_load %arg9[%swap3A, %swap3A_94] {strides = array<i32>} : memref<64x128xf32, #tpu.memory_space<vmem>>, vector<1x16xf32>,
      %swap3A_96 = vector.shape_cast %swap3A_95 : vector<1x16xf32> to vector<16xf32>
      %swap3A_97 = vector.shape_cast %broadcast_in_dim3A_91 : vector<16xf32> to vector<1x16xf32>
      tpu.vector_store %arg9[%swap3A, %swap3A_94], %swap3A_97 {strides = array<i32>} : memref<64x128xf32, #tpu.memory_space<vmem>>, vector<1x16xf32>,
      %scan3A_98 = arith.constant 0 : i32
      scf.yield %scan3A_98 : i32
    }
    %scan3A_6 = arith.constant 512 : i32
    %mul3A_7 = arith.constant 640 : i32
    %mul3A_8 = arith.muli %arg1, %mul3A_7 : i32
    %add3A_9 = arith.constant 0 : i32
    %add3A_10 = arith.addi %mul3A_8, %add3A_9 : i32
    "tpu.region"() ({
      %run_scoped3A = tpu.sem_alloc : memref<!tpu.dma_semaphore, #tpu.memory_space<semaphore_mem>>
      %dma_start3A = arith.constant 0 : i32
      %dma_start3A_59 = tpu.memref_slice %arg6[%add3A_10, %dma_start3A] : memref<10240x128xf32, #tpu.memory_space<vmem_shared>> -> memref<64x128xf32, #tpu.memory_space<vmem_shared>>
      %dma_start3A_60 = arith.constant 0 : i32
      %dma_start3A_61 = tpu.memref_slice %arg6[%add3A_10, %dma_start3A_60] : memref<10240x128xf32, #tpu.memory_space<vmem_shared>> -> memref<64x128xf32, #tpu.memory_space<vmem_shared>>
      tpu.enqueue_dma source(%arg9 : memref<64x128xf32, #tpu.memory_space<vmem>>) target(%dma_start3A_61 : memref<64x128xf32, #tpu.memory_space<vmem_shared>>) target_semaphore(%run_scoped3A : memref<!tpu.dma_semaphore, #tpu.memory_space<semaphore_mem>>)
      %dma_wait3A = arith.constant 0 : i32
      %dma_wait3A_62 = tpu.memref_slice %arg6[%add3A_10, %dma_wait3A] : memref<10240x128xf32, #tpu.memory_space<vmem_shared>> -> memref<64x128xf32, #tpu.memory_space<vmem_shared>>
      %dma_wait3A_63 = arith.constant 0 : i32
      %dma_wait3A_64 = tpu.memref_slice %arg6[%add3A_10, %dma_wait3A_63] : memref<10240x128xf32, #tpu.memory_space<vmem_shared>> -> memref<64x128xf32, #tpu.memory_space<vmem_shared>>
      tpu.wait_dma2 semaphore(%run_scoped3A : memref<!tpu.dma_semaphore, #tpu.memory_space<semaphore_mem>>) src(%arg9 : memref<64x128xf32, #tpu.memory_space<vmem>>) dst(%dma_wait3A_64 : memref<64x128xf32, #tpu.memory_space<vmem_shared>>)
      tpu.yield
    }) : () -> ()
    %mul3A_11 = arith.constant 640 : i32
    %mul3A_12 = arith.muli %arg1, %mul3A_11 : i32
    %add3A_13 = arith.constant 64 : i32
    %add3A_14 = arith.addi %mul3A_12, %add3A_13 : i32
    "tpu.region"() ({
      %run_scoped3A = tpu.sem_alloc : memref<!tpu.dma_semaphore, #tpu.memory_space<semaphore_mem>>
      %dma_start3A = arith.constant 0 : i32
      %dma_start3A_59 = tpu.memref_slice %arg6[%add3A_14, %dma_start3A] : memref<10240x128xf32, #tpu.memory_space<vmem_shared>> -> memref<64x128xf32, #tpu.memory_space<vmem_shared>>
      %dma_start3A_60 = arith.constant 0 : i32
      %dma_start3A_61 = tpu.memref_slice %arg6[%add3A_14, %dma_start3A_60] : memref<10240x128xf32, #tpu.memory_space<vmem_shared>> -> memref<64x128xf32, #tpu.memory_space<vmem_shared>>
      tpu.enqueue_dma source(%arg9 : memref<64x128xf32, #tpu.memory_space<vmem>>) target(%dma_start3A_61 : memref<64x128xf32, #tpu.memory_space<vmem_shared>>) target_semaphore(%run_scoped3A : memref<!tpu.dma_semaphore, #tpu.memory_space<semaphore_mem>>)
      %dma_wait3A = arith.constant 0 : i32
      %dma_wait3A_62 = tpu.memref_slice %arg6[%add3A_14, %dma_wait3A] : memref<10240x128xf32, #tpu.memory_space<vmem_shared>> -> memref<64x128xf32, #tpu.memory_space<vmem_shared>>
      %dma_wait3A_63 = arith.constant 0 : i32
      %dma_wait3A_64 = tpu.memref_slice %arg6[%add3A_14, %dma_wait3A_63] : memref<10240x128xf32, #tpu.memory_space<vmem_shared>> -> memref<64x128xf32, #tpu.memory_space<vmem_shared>>
      tpu.wait_dma2 semaphore(%run_scoped3A : memref<!tpu.dma_semaphore, #tpu.memory_space<semaphore_mem>>) src(%arg9 : memref<64x128xf32, #tpu.memory_space<vmem>>) dst(%dma_wait3A_64 : memref<64x128xf32, #tpu.memory_space<vmem_shared>>)
      tpu.yield
    }) : () -> ()
    %mul3A_15 = arith.constant 640 : i32
    %mul3A_16 = arith.muli %arg1, %mul3A_15 : i32
    %add3A_17 = arith.constant 128 : i32
    %add3A_18 = arith.addi %mul3A_16, %add3A_17 : i32
    "tpu.region"() ({
      %run_scoped3A = tpu.sem_alloc : memref<!tpu.dma_semaphore, #tpu.memory_space<semaphore_mem>>
      %dma_start3A = arith.constant 0 : i32
      %dma_start3A_59 = tpu.memref_slice %arg6[%add3A_18, %dma_start3A] : memref<10240x128xf32, #tpu.memory_space<vmem_shared>> -> memref<64x128xf32, #tpu.memory_space<vmem_shared>>
      %dma_start3A_60 = arith.constant 0 : i32
      %dma_start3A_61 = tpu.memref_slice %arg6[%add3A_18, %dma_start3A_60] : memref<10240x128xf32, #tpu.memory_space<vmem_shared>> -> memref<64x128xf32, #tpu.memory_space<vmem_shared>>
      tpu.enqueue_dma source(%arg9 : memref<64x128xf32, #tpu.memory_space<vmem>>) target(%dma_start3A_61 : memref<64x128xf32, #tpu.memory_space<vmem_shared>>) target_semaphore(%run_scoped3A : memref<!tpu.dma_semaphore, #tpu.memory_space<semaphore_mem>>)
      %dma_wait3A = arith.constant 0 : i32
      %dma_wait3A_62 = tpu.memref_slice %arg6[%add3A_18, %dma_wait3A] : memref<10240x128xf32, #tpu.memory_space<vmem_shared>> -> memref<64x128xf32, #tpu.memory_space<vmem_shared>>
      %dma_wait3A_63 = arith.constant 0 : i32
      %dma_wait3A_64 = tpu.memref_slice %arg6[%add3A_18, %dma_wait3A_63] : memref<10240x128xf32, #tpu.memory_space<vmem_shared>> -> memref<64x128xf32, #tpu.memory_space<vmem_shared>>
      tpu.wait_dma2 semaphore(%run_scoped3A : memref<!tpu.dma_semaphore, #tpu.memory_space<semaphore_mem>>) src(%arg9 : memref<64x128xf32, #tpu.memory_space<vmem>>) dst(%dma_wait3A_64 : memref<64x128xf32, #tpu.memory_space<vmem_shared>>)
      tpu.yield
    }) : () -> ()
    %mul3A_19 = arith.constant 640 : i32
    %mul3A_20 = arith.muli %arg1, %mul3A_19 : i32
    %add3A_21 = arith.constant 192 : i32
    %add3A_22 = arith.addi %mul3A_20, %add3A_21 : i32
    "tpu.region"() ({
      %run_scoped3A = tpu.sem_alloc : memref<!tpu.dma_semaphore, #tpu.memory_space<semaphore_mem>>
      %dma_start3A = arith.constant 0 : i32
      %dma_start3A_59 = tpu.memref_slice %arg6[%add3A_22, %dma_start3A] : memref<10240x128xf32, #tpu.memory_space<vmem_shared>> -> memref<64x128xf32, #tpu.memory_space<vmem_shared>>
      %dma_start3A_60 = arith.constant 0 : i32
      %dma_start3A_61 = tpu.memref_slice %arg6[%add3A_22, %dma_start3A_60] : memref<10240x128xf32, #tpu.memory_space<vmem_shared>> -> memref<64x128xf32, #tpu.memory_space<vmem_shared>>
      tpu.enqueue_dma source(%arg9 : memref<64x128xf32, #tpu.memory_space<vmem>>) target(%dma_start3A_61 : memref<64x128xf32, #tpu.memory_space<vmem_shared>>) target_semaphore(%run_scoped3A : memref<!tpu.dma_semaphore, #tpu.memory_space<semaphore_mem>>)
      %dma_wait3A = arith.constant 0 : i32
      %dma_wait3A_62 = tpu.memref_slice %arg6[%add3A_22, %dma_wait3A] : memref<10240x128xf32, #tpu.memory_space<vmem_shared>> -> memref<64x128xf32, #tpu.memory_space<vmem_shared>>
      %dma_wait3A_63 = arith.constant 0 : i32
      %dma_wait3A_64 = tpu.memref_slice %arg6[%add3A_22, %dma_wait3A_63] : memref<10240x128xf32, #tpu.memory_space<vmem_shared>> -> memref<64x128xf32, #tpu.memory_space<vmem_shared>>
      tpu.wait_dma2 semaphore(%run_scoped3A : memref<!tpu.dma_semaphore, #tpu.memory_space<semaphore_mem>>) src(%arg9 : memref<64x128xf32, #tpu.memory_space<vmem>>) dst(%dma_wait3A_64 : memref<64x128xf32, #tpu.memory_space<vmem_shared>>)
      tpu.yield
    }) : () -> ()
    %mul3A_23 = arith.constant 640 : i32
    %mul3A_24 = arith.muli %arg1, %mul3A_23 : i32
    %add3A_25 = arith.constant 256 : i32
    %add3A_26 = arith.addi %mul3A_24, %add3A_25 : i32
    "tpu.region"() ({
      %run_scoped3A = tpu.sem_alloc : memref<!tpu.dma_semaphore, #tpu.memory_space<semaphore_mem>>
      %dma_start3A = arith.constant 0 : i32
      %dma_start3A_59 = tpu.memref_slice %arg6[%add3A_26, %dma_start3A] : memref<10240x128xf32, #tpu.memory_space<vmem_shared>> -> memref<64x128xf32, #tpu.memory_space<vmem_shared>>
      %dma_start3A_60 = arith.constant 0 : i32
      %dma_start3A_61 = tpu.memref_slice %arg6[%add3A_26, %dma_start3A_60] : memref<10240x128xf32, #tpu.memory_space<vmem_shared>> -> memref<64x128xf32, #tpu.memory_space<vmem_shared>>
      tpu.enqueue_dma source(%arg9 : memref<64x128xf32, #tpu.memory_space<vmem>>) target(%dma_start3A_61 : memref<64x128xf32, #tpu.memory_space<vmem_shared>>) target_semaphore(%run_scoped3A : memref<!tpu.dma_semaphore, #tpu.memory_space<semaphore_mem>>)
      %dma_wait3A = arith.constant 0 : i32
      %dma_wait3A_62 = tpu.memref_slice %arg6[%add3A_26, %dma_wait3A] : memref<10240x128xf32, #tpu.memory_space<vmem_shared>> -> memref<64x128xf32, #tpu.memory_space<vmem_shared>>
      %dma_wait3A_63 = arith.constant 0 : i32
      %dma_wait3A_64 = tpu.memref_slice %arg6[%add3A_26, %dma_wait3A_63] : memref<10240x128xf32, #tpu.memory_space<vmem_shared>> -> memref<64x128xf32, #tpu.memory_space<vmem_shared>>
      tpu.wait_dma2 semaphore(%run_scoped3A : memref<!tpu.dma_semaphore, #tpu.memory_space<semaphore_mem>>) src(%arg9 : memref<64x128xf32, #tpu.memory_space<vmem>>) dst(%dma_wait3A_64 : memref<64x128xf32, #tpu.memory_space<vmem_shared>>)
      tpu.yield
    }) : () -> ()
    %mul3A_27 = arith.constant 640 : i32
    %mul3A_28 = arith.muli %arg1, %mul3A_27 : i32
    %add3A_29 = arith.constant 320 : i32
    %add3A_30 = arith.addi %mul3A_28, %add3A_29 : i32
    "tpu.region"() ({
      %run_scoped3A = tpu.sem_alloc : memref<!tpu.dma_semaphore, #tpu.memory_space<semaphore_mem>>
      %dma_start3A = arith.constant 0 : i32
      %dma_start3A_59 = tpu.memref_slice %arg6[%add3A_30, %dma_start3A] : memref<10240x128xf32, #tpu.memory_space<vmem_shared>> -> memref<64x128xf32, #tpu.memory_space<vmem_shared>>
      %dma_start3A_60 = arith.constant 0 : i32
      %dma_start3A_61 = tpu.memref_slice %arg6[%add3A_30, %dma_start3A_60] : memref<10240x128xf32, #tpu.memory_space<vmem_shared>> -> memref<64x128xf32, #tpu.memory_space<vmem_shared>>
      tpu.enqueue_dma source(%arg9 : memref<64x128xf32, #tpu.memory_space<vmem>>) target(%dma_start3A_61 : memref<64x128xf32, #tpu.memory_space<vmem_shared>>) target_semaphore(%run_scoped3A : memref<!tpu.dma_semaphore, #tpu.memory_space<semaphore_mem>>)
      %dma_wait3A = arith.constant 0 : i32
      %dma_wait3A_62 = tpu.memref_slice %arg6[%add3A_30, %dma_wait3A] : memref<10240x128xf32, #tpu.memory_space<vmem_shared>> -> memref<64x128xf32, #tpu.memory_space<vmem_shared>>
      %dma_wait3A_63 = arith.constant 0 : i32
      %dma_wait3A_64 = tpu.memref_slice %arg6[%add3A_30, %dma_wait3A_63] : memref<10240x128xf32, #tpu.memory_space<vmem_shared>> -> memref<64x128xf32, #tpu.memory_space<vmem_shared>>
      tpu.wait_dma2 semaphore(%run_scoped3A : memref<!tpu.dma_semaphore, #tpu.memory_space<semaphore_mem>>) src(%arg9 : memref<64x128xf32, #tpu.memory_space<vmem>>) dst(%dma_wait3A_64 : memref<64x128xf32, #tpu.memory_space<vmem_shared>>)
      tpu.yield
    }) : () -> ()
    %mul3A_31 = arith.constant 640 : i32
    %mul3A_32 = arith.muli %arg1, %mul3A_31 : i32
    %add3A_33 = arith.constant 384 : i32
    %add3A_34 = arith.addi %mul3A_32, %add3A_33 : i32
    "tpu.region"() ({
      %run_scoped3A = tpu.sem_alloc : memref<!tpu.dma_semaphore, #tpu.memory_space<semaphore_mem>>
      %dma_start3A = arith.constant 0 : i32
      %dma_start3A_59 = tpu.memref_slice %arg6[%add3A_34, %dma_start3A] : memref<10240x128xf32, #tpu.memory_space<vmem_shared>> -> memref<64x128xf32, #tpu.memory_space<vmem_shared>>
      %dma_start3A_60 = arith.constant 0 : i32
      %dma_start3A_61 = tpu.memref_slice %arg6[%add3A_34, %dma_start3A_60] : memref<10240x128xf32, #tpu.memory_space<vmem_shared>> -> memref<64x128xf32, #tpu.memory_space<vmem_shared>>
      tpu.enqueue_dma source(%arg9 : memref<64x128xf32, #tpu.memory_space<vmem>>) target(%dma_start3A_61 : memref<64x128xf32, #tpu.memory_space<vmem_shared>>) target_semaphore(%run_scoped3A : memref<!tpu.dma_semaphore, #tpu.memory_space<semaphore_mem>>)
      %dma_wait3A = arith.constant 0 : i32
      %dma_wait3A_62 = tpu.memref_slice %arg6[%add3A_34, %dma_wait3A] : memref<10240x128xf32, #tpu.memory_space<vmem_shared>> -> memref<64x128xf32, #tpu.memory_space<vmem_shared>>
      %dma_wait3A_63 = arith.constant 0 : i32
      %dma_wait3A_64 = tpu.memref_slice %arg6[%add3A_34, %dma_wait3A_63] : memref<10240x128xf32, #tpu.memory_space<vmem_shared>> -> memref<64x128xf32, #tpu.memory_space<vmem_shared>>
      tpu.wait_dma2 semaphore(%run_scoped3A : memref<!tpu.dma_semaphore, #tpu.memory_space<semaphore_mem>>) src(%arg9 : memref<64x128xf32, #tpu.memory_space<vmem>>) dst(%dma_wait3A_64 : memref<64x128xf32, #tpu.memory_space<vmem_shared>>)
      tpu.yield
    }) : () -> ()
    %mul3A_35 = arith.constant 640 : i32
    %mul3A_36 = arith.muli %arg1, %mul3A_35 : i32
    %add3A_37 = arith.constant 448 : i32
    %add3A_38 = arith.addi %mul3A_36, %add3A_37 : i32
    "tpu.region"() ({
      %run_scoped3A = tpu.sem_alloc : memref<!tpu.dma_semaphore, #tpu.memory_space<semaphore_mem>>
      %dma_start3A = arith.constant 0 : i32
      %dma_start3A_59 = tpu.memref_slice %arg6[%add3A_38, %dma_start3A] : memref<10240x128xf32, #tpu.memory_space<vmem_shared>> -> memref<64x128xf32, #tpu.memory_space<vmem_shared>>
      %dma_start3A_60 = arith.constant 0 : i32
      %dma_start3A_61 = tpu.memref_slice %arg6[%add3A_38, %dma_start3A_60] : memref<10240x128xf32, #tpu.memory_space<vmem_shared>> -> memref<64x128xf32, #tpu.memory_space<vmem_shared>>
      tpu.enqueue_dma source(%arg9 : memref<64x128xf32, #tpu.memory_space<vmem>>) target(%dma_start3A_61 : memref<64x128xf32, #tpu.memory_space<vmem_shared>>) target_semaphore(%run_scoped3A : memref<!tpu.dma_semaphore, #tpu.memory_space<semaphore_mem>>)
      %dma_wait3A = arith.constant 0 : i32
      %dma_wait3A_62 = tpu.memref_slice %arg6[%add3A_38, %dma_wait3A] : memref<10240x128xf32, #tpu.memory_space<vmem_shared>> -> memref<64x128xf32, #tpu.memory_space<vmem_shared>>
      %dma_wait3A_63 = arith.constant 0 : i32
      %dma_wait3A_64 = tpu.memref_slice %arg6[%add3A_38, %dma_wait3A_63] : memref<10240x128xf32, #tpu.memory_space<vmem_shared>> -> memref<64x128xf32, #tpu.memory_space<vmem_shared>>
      tpu.wait_dma2 semaphore(%run_scoped3A : memref<!tpu.dma_semaphore, #tpu.memory_space<semaphore_mem>>) src(%arg9 : memref<64x128xf32, #tpu.memory_space<vmem>>) dst(%dma_wait3A_64 : memref<64x128xf32, #tpu.memory_space<vmem_shared>>)
      tpu.yield
    }) : () -> ()
    %mul3A_39 = arith.constant 640 : i32
    %mul3A_40 = arith.muli %arg1, %mul3A_39 : i32
    %add3A_41 = arith.constant 512 : i32
    %add3A_42 = arith.addi %mul3A_40, %add3A_41 : i32
    "tpu.region"() ({
      %run_scoped3A = tpu.sem_alloc : memref<!tpu.dma_semaphore, #tpu.memory_space<semaphore_mem>>
      %dma_start3A = arith.constant 0 : i32
      %dma_start3A_59 = tpu.memref_slice %arg6[%add3A_42, %dma_start3A] : memref<10240x128xf32, #tpu.memory_space<vmem_shared>> -> memref<64x128xf32, #tpu.memory_space<vmem_shared>>
      %dma_start3A_60 = arith.constant 0 : i32
      %dma_start3A_61 = tpu.memref_slice %arg6[%add3A_42, %dma_start3A_60] : memref<10240x128xf32, #tpu.memory_space<vmem_shared>> -> memref<64x128xf32, #tpu.memory_space<vmem_shared>>
      tpu.enqueue_dma source(%arg9 : memref<64x128xf32, #tpu.memory_space<vmem>>) target(%dma_start3A_61 : memref<64x128xf32, #tpu.memory_space<vmem_shared>>) target_semaphore(%run_scoped3A : memref<!tpu.dma_semaphore, #tpu.memory_space<semaphore_mem>>)
      %dma_wait3A = arith.constant 0 : i32
      %dma_wait3A_62 = tpu.memref_slice %arg6[%add3A_42, %dma_wait3A] : memref<10240x128xf32, #tpu.memory_space<vmem_shared>> -> memref<64x128xf32, #tpu.memory_space<vmem_shared>>
      %dma_wait3A_63 = arith.constant 0 : i32
      %dma_wait3A_64 = tpu.memref_slice %arg6[%add3A_42, %dma_wait3A_63] : memref<10240x128xf32, #tpu.memory_space<vmem_shared>> -> memref<64x128xf32, #tpu.memory_space<vmem_shared>>
      tpu.wait_dma2 semaphore(%run_scoped3A : memref<!tpu.dma_semaphore, #tpu.memory_space<semaphore_mem>>) src(%arg9 : memref<64x128xf32, #tpu.memory_space<vmem>>) dst(%dma_wait3A_64 : memref<64x128xf32, #tpu.memory_space<vmem_shared>>)
      tpu.yield
    }) : () -> ()
    %mul3A_43 = arith.constant 640 : i32
    %mul3A_44 = arith.muli %arg1, %mul3A_43 : i32
    %add3A_45 = arith.constant 576 : i32
    %add3A_46 = arith.addi %mul3A_44, %add3A_45 : i32
    "tpu.region"() ({
      %run_scoped3A = tpu.sem_alloc : memref<!tpu.dma_semaphore, #tpu.memory_space<semaphore_mem>>
      %dma_start3A = arith.constant 0 : i32
      %dma_start3A_59 = tpu.memref_slice %arg6[%add3A_46, %dma_start3A] : memref<10240x128xf32, #tpu.memory_space<vmem_shared>> -> memref<64x128xf32, #tpu.memory_space<vmem_shared>>
      %dma_start3A_60 = arith.constant 0 : i32
      %dma_start3A_61 = tpu.memref_slice %arg6[%add3A_46, %dma_start3A_60] : memref<10240x128xf32, #tpu.memory_space<vmem_shared>> -> memref<64x128xf32, #tpu.memory_space<vmem_shared>>
      tpu.enqueue_dma source(%arg9 : memref<64x128xf32, #tpu.memory_space<vmem>>) target(%dma_start3A_61 : memref<64x128xf32, #tpu.memory_space<vmem_shared>>) target_semaphore(%run_scoped3A : memref<!tpu.dma_semaphore, #tpu.memory_space<semaphore_mem>>)
      %dma_wait3A = arith.constant 0 : i32
      %dma_wait3A_62 = tpu.memref_slice %arg6[%add3A_46, %dma_wait3A] : memref<10240x128xf32, #tpu.memory_space<vmem_shared>> -> memref<64x128xf32, #tpu.memory_space<vmem_shared>>
      %dma_wait3A_63 = arith.constant 0 : i32
      %dma_wait3A_64 = tpu.memref_slice %arg6[%add3A_46, %dma_wait3A_63] : memref<10240x128xf32, #tpu.memory_space<vmem_shared>> -> memref<64x128xf32, #tpu.memory_space<vmem_shared>>
      tpu.wait_dma2 semaphore(%run_scoped3A : memref<!tpu.dma_semaphore, #tpu.memory_space<semaphore_mem>>) src(%arg9 : memref<64x128xf32, #tpu.memory_space<vmem>>) dst(%dma_wait3A_64 : memref<64x128xf32, #tpu.memory_space<vmem_shared>>)
      tpu.yield
    }) : () -> ()
    %barrier3A = arith.constant 0 : index
    tpu.barrier barrier_id(%barrier3A)
    %scan3A_47 = arith.constant 0 : i32
    %scan3A_48 = arith.constant 0 : i32
    %scan3A_49 = arith.constant 10 : i32
    %scan3A_50 = arith.addi %scan3A_48, %scan3A_49 : i32
    %scan3A_51 = arith.constant 1 : i32
    %scan3A_52 = scf.for %scan3A_59 = %scan3A_48 to %scan3A_50 step %scan3A_51 iter_args(%scan3A_60 = %scan3A_47) -> (i32)  : i32 {
      %mul3A_61 = arith.constant 160 : i32
      %mul3A_62 = arith.muli %add3A, %mul3A_61 : i32
      %mul3A_63 = arith.constant 16 : i32
      %mul3A_64 = arith.muli %scan3A_59, %mul3A_63 : i32
      %add3A_65 = arith.addi %mul3A_62, %mul3A_64 : i32
      "tpu.region"() ({
        %run_scoped3A = tpu.sem_alloc : memref<!tpu.dma_semaphore, #tpu.memory_space<semaphore_mem>>
        %dma_start3A_101 = arith.constant 0 : i32
        %dma_start3A_102 = tpu.memref_slice %arg3[%add3A_65, %dma_start3A_101] : memref<5120x64xi32, #tpu.memory_space<hbm>> -> memref<16x64xi32, #tpu.memory_space<hbm>>
        %dma_start3A_103 = arith.constant 0 : i32
        %dma_start3A_104 = tpu.memref_slice %arg3[%add3A_65, %dma_start3A_103] : memref<5120x64xi32, #tpu.memory_space<hbm>> -> memref<16x64xi32, #tpu.memory_space<hbm>>
        tpu.enqueue_dma source(%dma_start3A_104 : memref<16x64xi32, #tpu.memory_space<hbm>>) target(%arg7 : memref<16x64xi32, #tpu.memory_space<vmem>>) target_semaphore(%run_scoped3A : memref<!tpu.dma_semaphore, #tpu.memory_space<semaphore_mem>>)
        %dma_wait3A = arith.constant 0 : i32
        %dma_wait3A_105 = tpu.memref_slice %arg3[%add3A_65, %dma_wait3A] : memref<5120x64xi32, #tpu.memory_space<hbm>> -> memref<16x64xi32, #tpu.memory_space<hbm>>
        %dma_wait3A_106 = arith.constant 0 : i32
        %dma_wait3A_107 = tpu.memref_slice %arg3[%add3A_65, %dma_wait3A_106] : memref<5120x64xi32, #tpu.memory_space<hbm>> -> memref<16x64xi32, #tpu.memory_space<hbm>>
        tpu.wait_dma2 semaphore(%run_scoped3A : memref<!tpu.dma_semaphore, #tpu.memory_space<semaphore_mem>>) src(%dma_wait3A_107 : memref<16x64xi32, #tpu.memory_space<hbm>>) dst(%arg7 : memref<16x64xi32, #tpu.memory_space<vmem>>)
        tpu.yield
      }) : () -> ()
      "tpu.region"() ({
        %run_scoped3A = tpu.sem_alloc : memref<!tpu.dma_semaphore, #tpu.memory_space<semaphore_mem>>
        %dma_start3A_101 = arith.constant 0 : i32
        %dma_start3A_102 = tpu.memref_slice %arg4[%add3A_65, %dma_start3A_101] : memref<5120x64xi32, #tpu.memory_space<hbm>> -> memref<16x64xi32, #tpu.memory_space<hbm>>
        %dma_start3A_103 = arith.constant 0 : i32
        %dma_start3A_104 = tpu.memref_slice %arg4[%add3A_65, %dma_start3A_103] : memref<5120x64xi32, #tpu.memory_space<hbm>> -> memref<16x64xi32, #tpu.memory_space<hbm>>
        tpu.enqueue_dma source(%dma_start3A_104 : memref<16x64xi32, #tpu.memory_space<hbm>>) target(%arg8 : memref<16x64xi32, #tpu.memory_space<vmem>>) target_semaphore(%run_scoped3A : memref<!tpu.dma_semaphore, #tpu.memory_space<semaphore_mem>>)
        %dma_wait3A = arith.constant 0 : i32
        %dma_wait3A_105 = tpu.memref_slice %arg4[%add3A_65, %dma_wait3A] : memref<5120x64xi32, #tpu.memory_space<hbm>> -> memref<16x64xi32, #tpu.memory_space<hbm>>
        %dma_wait3A_106 = arith.constant 0 : i32
        %dma_wait3A_107 = tpu.memref_slice %arg4[%add3A_65, %dma_wait3A_106] : memref<5120x64xi32, #tpu.memory_space<hbm>> -> memref<16x64xi32, #tpu.memory_space<hbm>>
        tpu.wait_dma2 semaphore(%run_scoped3A : memref<!tpu.dma_semaphore, #tpu.memory_space<semaphore_mem>>) src(%dma_wait3A_107 : memref<16x64xi32, #tpu.memory_space<hbm>>) dst(%arg8 : memref<16x64xi32, #tpu.memory_space<vmem>>)
        tpu.yield
      }) : () -> ()
      %dma_start3A = arith.constant 0 : i32
      %dma_start3A_66 = arith.constant 0 : i32
      %dma_start3A_67 = tpu.memref_slice %arg7[%dma_start3A, %dma_start3A_66] : memref<16x64xi32, #tpu.memory_space<vmem>> -> memref<1x64xi32, #tpu.memory_space<vmem>>
      %dma_start3A_68 = tpu.memref_squeeze %dma_start3A_67 : memref<1x64xi32, #tpu.memory_space<vmem>> -> memref<64xi32, #tpu.memory_space<vmem>>
      %dma_start3A_69 = arith.constant 0 : i32
      %dma_start3A_70 = arith.constant 0 : i32
      %dma_start3A_71 = tpu.memref_slice %arg2[%dma_start3A_69, %dma_start3A_70] : memref<10240x128xf32, #tpu.memory_space<hbm>> -> memref<10240x128xf32, #tpu.memory_space<hbm>>
      tpu.enqueue_indirect_dma source(%dma_start3A_71 : memref<10240x128xf32, #tpu.memory_space<hbm>>) target(%arg9 : memref<64x128xf32, #tpu.memory_space<vmem>>) offsets(%dma_start3A_68 : memref<64xi32, #tpu.memory_space<vmem>>) semaphore(%arg14 : memref<!tpu.dma_semaphore, #tpu.memory_space<semaphore_mem>>)
      %dma_start3A_72 = arith.constant 1 : i32
      %dma_start3A_73 = arith.constant 0 : i32
      %dma_start3A_74 = tpu.memref_slice %arg7[%dma_start3A_72, %dma_start3A_73] : memref<16x64xi32, #tpu.memory_space<vmem>> -> memref<1x64xi32, #tpu.memory_space<vmem>>
      %dma_start3A_75 = tpu.memref_squeeze %dma_start3A_74 : memref<1x64xi32, #tpu.memory_space<vmem>> -> memref<64xi32, #tpu.memory_space<vmem>>
      %dma_start3A_76 = arith.constant 0 : i32
      %dma_start3A_77 = arith.constant 0 : i32
      %dma_start3A_78 = tpu.memref_slice %arg2[%dma_start3A_76, %dma_start3A_77] : memref<10240x128xf32, #tpu.memory_space<hbm>> -> memref<10240x128xf32, #tpu.memory_space<hbm>>
      tpu.enqueue_indirect_dma source(%dma_start3A_78 : memref<10240x128xf32, #tpu.memory_space<hbm>>) target(%arg10 : memref<64x128xf32, #tpu.memory_space<vmem>>) offsets(%dma_start3A_75 : memref<64xi32, #tpu.memory_space<vmem>>) semaphore(%arg15 : memref<!tpu.dma_semaphore, #tpu.memory_space<semaphore_mem>>)
      %dma_start3A_79 = arith.constant 2 : i32
      %dma_start3A_80 = arith.constant 0 : i32
      %dma_start3A_81 = tpu.memref_slice %arg7[%dma_start3A_79, %dma_start3A_80] : memref<16x64xi32, #tpu.memory_space<vmem>> -> memref<1x64xi32, #tpu.memory_space<vmem>>
      %dma_start3A_82 = tpu.memref_squeeze %dma_start3A_81 : memref<1x64xi32, #tpu.memory_space<vmem>> -> memref<64xi32, #tpu.memory_space<vmem>>
      %dma_start3A_83 = arith.constant 0 : i32
      %dma_start3A_84 = arith.constant 0 : i32
      %dma_start3A_85 = tpu.memref_slice %arg2[%dma_start3A_83, %dma_start3A_84] : memref<10240x128xf32, #tpu.memory_space<hbm>> -> memref<10240x128xf32, #tpu.memory_space<hbm>>
      tpu.enqueue_indirect_dma source(%dma_start3A_85 : memref<10240x128xf32, #tpu.memory_space<hbm>>) target(%arg11 : memref<64x128xf32, #tpu.memory_space<vmem>>) offsets(%dma_start3A_82 : memref<64xi32, #tpu.memory_space<vmem>>) semaphore(%arg16 : memref<!tpu.dma_semaphore, #tpu.memory_space<semaphore_mem>>)
      %dma_start3A_86 = arith.constant 3 : i32
      %dma_start3A_87 = arith.constant 0 : i32
      %dma_start3A_88 = tpu.memref_slice %arg7[%dma_start3A_86, %dma_start3A_87] : memref<16x64xi32, #tpu.memory_space<vmem>> -> memref<1x64xi32, #tpu.memory_space<vmem>>
      %dma_start3A_89 = tpu.memref_squeeze %dma_start3A_88 : memref<1x64xi32, #tpu.memory_space<vmem>> -> memref<64xi32, #tpu.memory_space<vmem>>
      %dma_start3A_90 = arith.constant 0 : i32
      %dma_start3A_91 = arith.constant 0 : i32
      %dma_start3A_92 = tpu.memref_slice %arg2[%dma_start3A_90, %dma_start3A_91] : memref<10240x128xf32, #tpu.memory_space<hbm>> -> memref<10240x128xf32, #tpu.memory_space<hbm>>
      tpu.enqueue_indirect_dma source(%dma_start3A_92 : memref<10240x128xf32, #tpu.memory_space<hbm>>) target(%arg12 : memref<64x128xf32, #tpu.memory_space<vmem>>) offsets(%dma_start3A_89 : memref<64xi32, #tpu.memory_space<vmem>>) semaphore(%arg17 : memref<!tpu.dma_semaphore, #tpu.memory_space<semaphore_mem>>)
      %scan3A_93 = arith.constant 0 : i32
      %scan3A_94 = arith.constant 0 : i32
      %scan3A_95 = arith.constant 16 : i32
      %scan3A_96 = arith.addi %scan3A_94, %scan3A_95 : i32
      %scan3A_97 = arith.constant 1 : i32
      %scan3A_98 = scf.for %scan3A_101 = %scan3A_94 to %scan3A_96 step %scan3A_97 iter_args(%scan3A_102 = %scan3A_93) -> (i32)  : i32 {
        %jit3A = arith.constant 5 : i32
        %eq3A = arith.constant 0 : i32
        %eq3A_103 = arith.cmpi eq, %jit3A, %eq3A : i32
        %jit3A_104 = arith.constant 1 : i32
        %select_n3A = arith.select %eq3A_103, %jit3A_104, %jit3A : i32
        %rem3A = arith.remsi %scan3A_101, %select_n3A : i32
        %ne3A = arith.constant 0 : i32
        %ne3A_105 = arith.cmpi ne, %rem3A, %ne3A : i32
        %lt3A = arith.constant 0 : i32
        %lt3A_106 = arith.cmpi slt, %rem3A, %lt3A : i32
        %lt3A_107 = arith.constant 0 : i32
        %lt3A_108 = arith.cmpi slt, %select_n3A, %lt3A_107 : i32
        %ne3A_109 = arith.xori %lt3A_106, %lt3A_108 : i1
        %and3A = arith.andi %ne3A_109, %ne3A_105 : i1
        %add3A_110 = arith.addi %rem3A, %select_n3A : i32
        %select_n3A_111 = arith.select %and3A, %add3A_110, %rem3A : i32
        %eq3A_112 = arith.constant 0 : i32
        %eq3A_113 = arith.cmpi eq, %select_n3A_111, %eq3A_112 : i32
        %convert_element_type3A = arith.extui %eq3A_113 : i1 to i32
        %cond3A = arith.constant 0 : i32
        %cond3A_114 = arith.cmpi ne, %convert_element_type3A, %cond3A : i32
        scf.if %cond3A_114 {
          %add3A_200 = arith.constant 4 : i32
          %add3A_201 = arith.addi %scan3A_101, %add3A_200 : i32
          %lt3A_202 = arith.constant 16 : i32
          %lt3A_203 = arith.cmpi slt, %add3A_201, %lt3A_202 : i32
          %convert_element_type3A_204 = arith.extui %lt3A_203 : i1 to i32
          %cond3A_205 = arith.constant 0 : i32
          %cond3A_206 = arith.cmpi ne, %convert_element_type3A_204, %cond3A_205 : i32
          scf.if %cond3A_206 {
            %add3A_212 = arith.constant 4 : i32
            %add3A_213 = arith.addi %scan3A_101, %add3A_212 : i32
            %dma_start3A_214 = arith.constant 0 : i32
            %dma_start3A_215 = tpu.memref_slice %arg7[%add3A_213, %dma_start3A_214] : memref<16x64xi32, #tpu.memory_space<vmem>> -> memref<1x64xi32, #tpu.memory_space<vmem>>
            %dma_start3A_216 = tpu.memref_squeeze %dma_start3A_215 : memref<1x64xi32, #tpu.memory_space<vmem>> -> memref<64xi32, #tpu.memory_space<vmem>>
            %dma_start3A_217 = arith.constant 0 : i32
            %dma_start3A_218 = arith.constant 0 : i32
            %dma_start3A_219 = tpu.memref_slice %arg2[%dma_start3A_217, %dma_start3A_218] : memref<10240x128xf32, #tpu.memory_space<hbm>> -> memref<10240x128xf32, #tpu.memory_space<hbm>>
            tpu.enqueue_indirect_dma source(%dma_start3A_219 : memref<10240x128xf32, #tpu.memory_space<hbm>>) target(%arg13 : memref<64x128xf32, #tpu.memory_space<vmem>>) offsets(%dma_start3A_216 : memref<64xi32, #tpu.memory_space<vmem>>) semaphore(%arg18 : memref<!tpu.dma_semaphore, #tpu.memory_space<semaphore_mem>>)
          } else {
          }
          %dma_wait3A = arith.constant 0 : i32
          %dma_wait3A_207 = tpu.memref_slice %arg7[%scan3A_101, %dma_wait3A] : memref<16x64xi32, #tpu.memory_space<vmem>> -> memref<1x64xi32, #tpu.memory_space<vmem>>
          %dma_wait3A_208 = tpu.memref_squeeze %dma_wait3A_207 : memref<1x64xi32, #tpu.memory_space<vmem>> -> memref<64xi32, #tpu.memory_space<vmem>>
          %dma_wait3A_209 = arith.constant 0 : i32
          %dma_wait3A_210 = arith.constant 0 : i32
          %dma_wait3A_211 = tpu.memref_slice %arg2[%dma_wait3A_209, %dma_wait3A_210] : memref<10240x128xf32, #tpu.memory_space<hbm>> -> memref<10240x128xf32, #tpu.memory_space<hbm>>
          tpu.wait_indirect_dma semaphore(%arg14 : memref<!tpu.dma_semaphore, #tpu.memory_space<semaphore_mem>>) src(%dma_wait3A_211 : memref<10240x128xf32, #tpu.memory_space<hbm>>) dst(%arg9 : memref<64x128xf32, #tpu.memory_space<vmem>>)
          "tpu.region"() ({
            %run_scoped3A = tpu.sem_alloc : memref<!tpu.dma_semaphore, #tpu.memory_space<semaphore_mem>>
            %dma_start3A_212 = arith.constant 0 : i32
            %dma_start3A_213 = tpu.memref_slice %arg8[%scan3A_101, %dma_start3A_212] : memref<16x64xi32, #tpu.memory_space<vmem>> -> memref<1x64xi32, #tpu.memory_space<vmem>>
            %dma_start3A_214 = tpu.memref_squeeze %dma_start3A_213 : memref<1x64xi32, #tpu.memory_space<vmem>> -> memref<64xi32, #tpu.memory_space<vmem>>
            %dma_start3A_215 = arith.constant 0 : i32
            %dma_start3A_216 = arith.constant 0 : i32
            %dma_start3A_217 = tpu.memref_slice %arg6[%dma_start3A_215, %dma_start3A_216] : memref<10240x128xf32, #tpu.memory_space<vmem_shared>> -> memref<10240x128xf32, #tpu.memory_space<vmem_shared>>
            tpu.enqueue_indirect_dma source(%arg9 : memref<64x128xf32, #tpu.memory_space<vmem>>) target(%dma_start3A_217 : memref<10240x128xf32, #tpu.memory_space<vmem_shared>>) offsets(%dma_start3A_214 : memref<64xi32, #tpu.memory_space<vmem>>) semaphore(%run_scoped3A : memref<!tpu.dma_semaphore, #tpu.memory_space<semaphore_mem>>) {add = true}
            %dma_wait3A_218 = arith.constant 0 : i32
            %dma_wait3A_219 = tpu.memref_slice %arg8[%scan3A_101, %dma_wait3A_218] : memref<16x64xi32, #tpu.memory_space<vmem>> -> memref<1x64xi32, #tpu.memory_space<vmem>>
            %dma_wait3A_220 = tpu.memref_squeeze %dma_wait3A_219 : memref<1x64xi32, #tpu.memory_space<vmem>> -> memref<64xi32, #tpu.memory_space<vmem>>
            %dma_wait3A_221 = arith.constant 0 : i32
            %dma_wait3A_222 = arith.constant 0 : i32
            %dma_wait3A_223 = tpu.memref_slice %arg6[%dma_wait3A_221, %dma_wait3A_222] : memref<10240x128xf32, #tpu.memory_space<vmem_shared>> -> memref<10240x128xf32, #tpu.memory_space<vmem_shared>>
            tpu.wait_indirect_dma semaphore(%run_scoped3A : memref<!tpu.dma_semaphore, #tpu.memory_space<semaphore_mem>>) src(%arg9 : memref<64x128xf32, #tpu.memory_space<vmem>>) dst(%dma_wait3A_223 : memref<10240x128xf32, #tpu.memory_space<vmem_shared>>)
            tpu.yield
          }) : () -> ()
        } else {
        }
        %jit3A_115 = arith.constant 5 : i32
        %eq3A_116 = arith.constant 0 : i32
        %eq3A_117 = arith.cmpi eq, %jit3A_115, %eq3A_116 : i32
        %jit3A_118 = arith.constant 1 : i32
        %select_n3A_119 = arith.select %eq3A_117, %jit3A_118, %jit3A_115 : i32
        %rem3A_120 = arith.remsi %scan3A_101, %select_n3A_119 : i32
        %ne3A_121 = arith.constant 0 : i32
        %ne3A_122 = arith.cmpi ne, %rem3A_120, %ne3A_121 : i32
        %lt3A_123 = arith.constant 0 : i32
        %lt3A_124 = arith.cmpi slt, %rem3A_120, %lt3A_123 : i32
        %lt3A_125 = arith.constant 0 : i32
        %lt3A_126 = arith.cmpi slt, %select_n3A_119, %lt3A_125 : i32
        %ne3A_127 = arith.xori %lt3A_124, %lt3A_126 : i1
        %and3A_128 = arith.andi %ne3A_127, %ne3A_122 : i1
        %add3A_129 = arith.addi %rem3A_120, %select_n3A_119 : i32
        %select_n3A_130 = arith.select %and3A_128, %add3A_129, %rem3A_120 : i32
        %eq3A_131 = arith.constant 1 : i32
        %eq3A_132 = arith.cmpi eq, %select_n3A_130, %eq3A_131 : i32
        %convert_element_type3A_133 = arith.extui %eq3A_132 : i1 to i32
        %cond3A_134 = arith.constant 0 : i32
        %cond3A_135 = arith.cmpi ne, %convert_element_type3A_133, %cond3A_134 : i32
        scf.if %cond3A_135 {
          %add3A_200 = arith.constant 4 : i32
          %add3A_201 = arith.addi %scan3A_101, %add3A_200 : i32
          %lt3A_202 = arith.constant 16 : i32
          %lt3A_203 = arith.cmpi slt, %add3A_201, %lt3A_202 : i32
          %convert_element_type3A_204 = arith.extui %lt3A_203 : i1 to i32
          %cond3A_205 = arith.constant 0 : i32
          %cond3A_206 = arith.cmpi ne, %convert_element_type3A_204, %cond3A_205 : i32
          scf.if %cond3A_206 {
            %add3A_212 = arith.constant 4 : i32
            %add3A_213 = arith.addi %scan3A_101, %add3A_212 : i32
            %dma_start3A_214 = arith.constant 0 : i32
            %dma_start3A_215 = tpu.memref_slice %arg7[%add3A_213, %dma_start3A_214] : memref<16x64xi32, #tpu.memory_space<vmem>> -> memref<1x64xi32, #tpu.memory_space<vmem>>
            %dma_start3A_216 = tpu.memref_squeeze %dma_start3A_215 : memref<1x64xi32, #tpu.memory_space<vmem>> -> memref<64xi32, #tpu.memory_space<vmem>>
            %dma_start3A_217 = arith.constant 0 : i32
            %dma_start3A_218 = arith.constant 0 : i32
            %dma_start3A_219 = tpu.memref_slice %arg2[%dma_start3A_217, %dma_start3A_218] : memref<10240x128xf32, #tpu.memory_space<hbm>> -> memref<10240x128xf32, #tpu.memory_space<hbm>>
            tpu.enqueue_indirect_dma source(%dma_start3A_219 : memref<10240x128xf32, #tpu.memory_space<hbm>>) target(%arg9 : memref<64x128xf32, #tpu.memory_space<vmem>>) offsets(%dma_start3A_216 : memref<64xi32, #tpu.memory_space<vmem>>) semaphore(%arg14 : memref<!tpu.dma_semaphore, #tpu.memory_space<semaphore_mem>>)
          } else {
          }
          %dma_wait3A = arith.constant 0 : i32
          %dma_wait3A_207 = tpu.memref_slice %arg7[%scan3A_101, %dma_wait3A] : memref<16x64xi32, #tpu.memory_space<vmem>> -> memref<1x64xi32, #tpu.memory_space<vmem>>
          %dma_wait3A_208 = tpu.memref_squeeze %dma_wait3A_207 : memref<1x64xi32, #tpu.memory_space<vmem>> -> memref<64xi32, #tpu.memory_space<vmem>>
          %dma_wait3A_209 = arith.constant 0 : i32
          %dma_wait3A_210 = arith.constant 0 : i32
          %dma_wait3A_211 = tpu.memref_slice %arg2[%dma_wait3A_209, %dma_wait3A_210] : memref<10240x128xf32, #tpu.memory_space<hbm>> -> memref<10240x128xf32, #tpu.memory_space<hbm>>
          tpu.wait_indirect_dma semaphore(%arg15 : memref<!tpu.dma_semaphore, #tpu.memory_space<semaphore_mem>>) src(%dma_wait3A_211 : memref<10240x128xf32, #tpu.memory_space<hbm>>) dst(%arg10 : memref<64x128xf32, #tpu.memory_space<vmem>>)
          "tpu.region"() ({
            %run_scoped3A = tpu.sem_alloc : memref<!tpu.dma_semaphore, #tpu.memory_space<semaphore_mem>>
            %dma_start3A_212 = arith.constant 0 : i32
            %dma_start3A_213 = tpu.memref_slice %arg8[%scan3A_101, %dma_start3A_212] : memref<16x64xi32, #tpu.memory_space<vmem>> -> memref<1x64xi32, #tpu.memory_space<vmem>>
            %dma_start3A_214 = tpu.memref_squeeze %dma_start3A_213 : memref<1x64xi32, #tpu.memory_space<vmem>> -> memref<64xi32, #tpu.memory_space<vmem>>
            %dma_start3A_215 = arith.constant 0 : i32
            %dma_start3A_216 = arith.constant 0 : i32
            %dma_start3A_217 = tpu.memref_slice %arg6[%dma_start3A_215, %dma_start3A_216] : memref<10240x128xf32, #tpu.memory_space<vmem_shared>> -> memref<10240x128xf32, #tpu.memory_space<vmem_shared>>
            tpu.enqueue_indirect_dma source(%arg10 : memref<64x128xf32, #tpu.memory_space<vmem>>) target(%dma_start3A_217 : memref<10240x128xf32, #tpu.memory_space<vmem_shared>>) offsets(%dma_start3A_214 : memref<64xi32, #tpu.memory_space<vmem>>) semaphore(%run_scoped3A : memref<!tpu.dma_semaphore, #tpu.memory_space<semaphore_mem>>) {add = true}
            %dma_wait3A_218 = arith.constant 0 : i32
            %dma_wait3A_219 = tpu.memref_slice %arg8[%scan3A_101, %dma_wait3A_218] : memref<16x64xi32, #tpu.memory_space<vmem>> -> memref<1x64xi32, #tpu.memory_space<vmem>>
            %dma_wait3A_220 = tpu.memref_squeeze %dma_wait3A_219 : memref<1x64xi32, #tpu.memory_space<vmem>> -> memref<64xi32, #tpu.memory_space<vmem>>
            %dma_wait3A_221 = arith.constant 0 : i32
            %dma_wait3A_222 = arith.constant 0 : i32
            %dma_wait3A_223 = tpu.memref_slice %arg6[%dma_wait3A_221, %dma_wait3A_222] : memref<10240x128xf32, #tpu.memory_space<vmem_shared>> -> memref<10240x128xf32, #tpu.memory_space<vmem_shared>>
            tpu.wait_indirect_dma semaphore(%run_scoped3A : memref<!tpu.dma_semaphore, #tpu.memory_space<semaphore_mem>>) src(%arg10 : memref<64x128xf32, #tpu.memory_space<vmem>>) dst(%dma_wait3A_223 : memref<10240x128xf32, #tpu.memory_space<vmem_shared>>)
            tpu.yield
          }) : () -> ()
        } else {
        }
        %jit3A_136 = arith.constant 5 : i32
        %eq3A_137 = arith.constant 0 : i32
        %eq3A_138 = arith.cmpi eq, %jit3A_136, %eq3A_137 : i32
        %jit3A_139 = arith.constant 1 : i32
        %select_n3A_140 = arith.select %eq3A_138, %jit3A_139, %jit3A_136 : i32
        %rem3A_141 = arith.remsi %scan3A_101, %select_n3A_140 : i32
        %ne3A_142 = arith.constant 0 : i32
        %ne3A_143 = arith.cmpi ne, %rem3A_141, %ne3A_142 : i32
        %lt3A_144 = arith.constant 0 : i32
        %lt3A_145 = arith.cmpi slt, %rem3A_141, %lt3A_144 : i32
        %lt3A_146 = arith.constant 0 : i32
        %lt3A_147 = arith.cmpi slt, %select_n3A_140, %lt3A_146 : i32
        %ne3A_148 = arith.xori %lt3A_145, %lt3A_147 : i1
        %and3A_149 = arith.andi %ne3A_148, %ne3A_143 : i1
        %add3A_150 = arith.addi %rem3A_141, %select_n3A_140 : i32
        %select_n3A_151 = arith.select %and3A_149, %add3A_150, %rem3A_141 : i32
        %eq3A_152 = arith.constant 2 : i32
        %eq3A_153 = arith.cmpi eq, %select_n3A_151, %eq3A_152 : i32
        %convert_element_type3A_154 = arith.extui %eq3A_153 : i1 to i32
        %cond3A_155 = arith.constant 0 : i32
        %cond3A_156 = arith.cmpi ne, %convert_element_type3A_154, %cond3A_155 : i32
        scf.if %cond3A_156 {
          %add3A_200 = arith.constant 4 : i32
          %add3A_201 = arith.addi %scan3A_101, %add3A_200 : i32
          %lt3A_202 = arith.constant 16 : i32
          %lt3A_203 = arith.cmpi slt, %add3A_201, %lt3A_202 : i32
          %convert_element_type3A_204 = arith.extui %lt3A_203 : i1 to i32
          %cond3A_205 = arith.constant 0 : i32
          %cond3A_206 = arith.cmpi ne, %convert_element_type3A_204, %cond3A_205 : i32
          scf.if %cond3A_206 {
            %add3A_212 = arith.constant 4 : i32
            %add3A_213 = arith.addi %scan3A_101, %add3A_212 : i32
            %dma_start3A_214 = arith.constant 0 : i32
            %dma_start3A_215 = tpu.memref_slice %arg7[%add3A_213, %dma_start3A_214] : memref<16x64xi32, #tpu.memory_space<vmem>> -> memref<1x64xi32, #tpu.memory_space<vmem>>
            %dma_start3A_216 = tpu.memref_squeeze %dma_start3A_215 : memref<1x64xi32, #tpu.memory_space<vmem>> -> memref<64xi32, #tpu.memory_space<vmem>>
            %dma_start3A_217 = arith.constant 0 : i32
            %dma_start3A_218 = arith.constant 0 : i32
            %dma_start3A_219 = tpu.memref_slice %arg2[%dma_start3A_217, %dma_start3A_218] : memref<10240x128xf32, #tpu.memory_space<hbm>> -> memref<10240x128xf32, #tpu.memory_space<hbm>>
            tpu.enqueue_indirect_dma source(%dma_start3A_219 : memref<10240x128xf32, #tpu.memory_space<hbm>>) target(%arg10 : memref<64x128xf32, #tpu.memory_space<vmem>>) offsets(%dma_start3A_216 : memref<64xi32, #tpu.memory_space<vmem>>) semaphore(%arg15 : memref<!tpu.dma_semaphore, #tpu.memory_space<semaphore_mem>>)
          } else {
          }
          %dma_wait3A = arith.constant 0 : i32
          %dma_wait3A_207 = tpu.memref_slice %arg7[%scan3A_101, %dma_wait3A] : memref<16x64xi32, #tpu.memory_space<vmem>> -> memref<1x64xi32, #tpu.memory_space<vmem>>
          %dma_wait3A_208 = tpu.memref_squeeze %dma_wait3A_207 : memref<1x64xi32, #tpu.memory_space<vmem>> -> memref<64xi32, #tpu.memory_space<vmem>>
          %dma_wait3A_209 = arith.constant 0 : i32
          %dma_wait3A_210 = arith.constant 0 : i32
          %dma_wait3A_211 = tpu.memref_slice %arg2[%dma_wait3A_209, %dma_wait3A_210] : memref<10240x128xf32, #tpu.memory_space<hbm>> -> memref<10240x128xf32, #tpu.memory_space<hbm>>
          tpu.wait_indirect_dma semaphore(%arg16 : memref<!tpu.dma_semaphore, #tpu.memory_space<semaphore_mem>>) src(%dma_wait3A_211 : memref<10240x128xf32, #tpu.memory_space<hbm>>) dst(%arg11 : memref<64x128xf32, #tpu.memory_space<vmem>>)
          "tpu.region"() ({
            %run_scoped3A = tpu.sem_alloc : memref<!tpu.dma_semaphore, #tpu.memory_space<semaphore_mem>>
            %dma_start3A_212 = arith.constant 0 : i32
            %dma_start3A_213 = tpu.memref_slice %arg8[%scan3A_101, %dma_start3A_212] : memref<16x64xi32, #tpu.memory_space<vmem>> -> memref<1x64xi32, #tpu.memory_space<vmem>>
            %dma_start3A_214 = tpu.memref_squeeze %dma_start3A_213 : memref<1x64xi32, #tpu.memory_space<vmem>> -> memref<64xi32, #tpu.memory_space<vmem>>
            %dma_start3A_215 = arith.constant 0 : i32
            %dma_start3A_216 = arith.constant 0 : i32
            %dma_start3A_217 = tpu.memref_slice %arg6[%dma_start3A_215, %dma_start3A_216] : memref<10240x128xf32, #tpu.memory_space<vmem_shared>> -> memref<10240x128xf32, #tpu.memory_space<vmem_shared>>
            tpu.enqueue_indirect_dma source(%arg11 : memref<64x128xf32, #tpu.memory_space<vmem>>) target(%dma_start3A_217 : memref<10240x128xf32, #tpu.memory_space<vmem_shared>>) offsets(%dma_start3A_214 : memref<64xi32, #tpu.memory_space<vmem>>) semaphore(%run_scoped3A : memref<!tpu.dma_semaphore, #tpu.memory_space<semaphore_mem>>) {add = true}
            %dma_wait3A_218 = arith.constant 0 : i32
            %dma_wait3A_219 = tpu.memref_slice %arg8[%scan3A_101, %dma_wait3A_218] : memref<16x64xi32, #tpu.memory_space<vmem>> -> memref<1x64xi32, #tpu.memory_space<vmem>>
            %dma_wait3A_220 = tpu.memref_squeeze %dma_wait3A_219 : memref<1x64xi32, #tpu.memory_space<vmem>> -> memref<64xi32, #tpu.memory_space<vmem>>
            %dma_wait3A_221 = arith.constant 0 : i32
            %dma_wait3A_222 = arith.constant 0 : i32
            %dma_wait3A_223 = tpu.memref_slice %arg6[%dma_wait3A_221, %dma_wait3A_222] : memref<10240x128xf32, #tpu.memory_space<vmem_shared>> -> memref<10240x128xf32, #tpu.memory_space<vmem_shared>>
            tpu.wait_indirect_dma semaphore(%run_scoped3A : memref<!tpu.dma_semaphore, #tpu.memory_space<semaphore_mem>>) src(%arg11 : memref<64x128xf32, #tpu.memory_space<vmem>>) dst(%dma_wait3A_223 : memref<10240x128xf32, #tpu.memory_space<vmem_shared>>)
            tpu.yield
          }) : () -> ()
        } else {
        }
        %jit3A_157 = arith.constant 5 : i32
        %eq3A_158 = arith.constant 0 : i32
        %eq3A_159 = arith.cmpi eq, %jit3A_157, %eq3A_158 : i32
        %jit3A_160 = arith.constant 1 : i32
        %select_n3A_161 = arith.select %eq3A_159, %jit3A_160, %jit3A_157 : i32
        %rem3A_162 = arith.remsi %scan3A_101, %select_n3A_161 : i32
        %ne3A_163 = arith.constant 0 : i32
        %ne3A_164 = arith.cmpi ne, %rem3A_162, %ne3A_163 : i32
        %lt3A_165 = arith.constant 0 : i32
        %lt3A_166 = arith.cmpi slt, %rem3A_162, %lt3A_165 : i32
        %lt3A_167 = arith.constant 0 : i32
        %lt3A_168 = arith.cmpi slt, %select_n3A_161, %lt3A_167 : i32
        %ne3A_169 = arith.xori %lt3A_166, %lt3A_168 : i1
        %and3A_170 = arith.andi %ne3A_169, %ne3A_164 : i1
        %add3A_171 = arith.addi %rem3A_162, %select_n3A_161 : i32
        %select_n3A_172 = arith.select %and3A_170, %add3A_171, %rem3A_162 : i32
        %eq3A_173 = arith.constant 3 : i32
        %eq3A_174 = arith.cmpi eq, %select_n3A_172, %eq3A_173 : i32
        %convert_element_type3A_175 = arith.extui %eq3A_174 : i1 to i32
        %cond3A_176 = arith.constant 0 : i32
        %cond3A_177 = arith.cmpi ne, %convert_element_type3A_175, %cond3A_176 : i32
        scf.if %cond3A_177 {
          %add3A_200 = arith.constant 4 : i32
          %add3A_201 = arith.addi %scan3A_101, %add3A_200 : i32
          %lt3A_202 = arith.constant 16 : i32
          %lt3A_203 = arith.cmpi slt, %add3A_201, %lt3A_202 : i32
          %convert_element_type3A_204 = arith.extui %lt3A_203 : i1 to i32
          %cond3A_205 = arith.constant 0 : i32
          %cond3A_206 = arith.cmpi ne, %convert_element_type3A_204, %cond3A_205 : i32
          scf.if %cond3A_206 {
            %add3A_212 = arith.constant 4 : i32
            %add3A_213 = arith.addi %scan3A_101, %add3A_212 : i32
            %dma_start3A_214 = arith.constant 0 : i32
            %dma_start3A_215 = tpu.memref_slice %arg7[%add3A_213, %dma_start3A_214] : memref<16x64xi32, #tpu.memory_space<vmem>> -> memref<1x64xi32, #tpu.memory_space<vmem>>
            %dma_start3A_216 = tpu.memref_squeeze %dma_start3A_215 : memref<1x64xi32, #tpu.memory_space<vmem>> -> memref<64xi32, #tpu.memory_space<vmem>>
            %dma_start3A_217 = arith.constant 0 : i32
            %dma_start3A_218 = arith.constant 0 : i32
            %dma_start3A_219 = tpu.memref_slice %arg2[%dma_start3A_217, %dma_start3A_218] : memref<10240x128xf32, #tpu.memory_space<hbm>> -> memref<10240x128xf32, #tpu.memory_space<hbm>>
            tpu.enqueue_indirect_dma source(%dma_start3A_219 : memref<10240x128xf32, #tpu.memory_space<hbm>>) target(%arg11 : memref<64x128xf32, #tpu.memory_space<vmem>>) offsets(%dma_start3A_216 : memref<64xi32, #tpu.memory_space<vmem>>) semaphore(%arg16 : memref<!tpu.dma_semaphore, #tpu.memory_space<semaphore_mem>>)
          } else {
          }
          %dma_wait3A = arith.constant 0 : i32
          %dma_wait3A_207 = tpu.memref_slice %arg7[%scan3A_101, %dma_wait3A] : memref<16x64xi32, #tpu.memory_space<vmem>> -> memref<1x64xi32, #tpu.memory_space<vmem>>
          %dma_wait3A_208 = tpu.memref_squeeze %dma_wait3A_207 : memref<1x64xi32, #tpu.memory_space<vmem>> -> memref<64xi32, #tpu.memory_space<vmem>>
          %dma_wait3A_209 = arith.constant 0 : i32
          %dma_wait3A_210 = arith.constant 0 : i32
          %dma_wait3A_211 = tpu.memref_slice %arg2[%dma_wait3A_209, %dma_wait3A_210] : memref<10240x128xf32, #tpu.memory_space<hbm>> -> memref<10240x128xf32, #tpu.memory_space<hbm>>
          tpu.wait_indirect_dma semaphore(%arg17 : memref<!tpu.dma_semaphore, #tpu.memory_space<semaphore_mem>>) src(%dma_wait3A_211 : memref<10240x128xf32, #tpu.memory_space<hbm>>) dst(%arg12 : memref<64x128xf32, #tpu.memory_space<vmem>>)
          "tpu.region"() ({
            %run_scoped3A = tpu.sem_alloc : memref<!tpu.dma_semaphore, #tpu.memory_space<semaphore_mem>>
            %dma_start3A_212 = arith.constant 0 : i32
            %dma_start3A_213 = tpu.memref_slice %arg8[%scan3A_101, %dma_start3A_212] : memref<16x64xi32, #tpu.memory_space<vmem>> -> memref<1x64xi32, #tpu.memory_space<vmem>>
            %dma_start3A_214 = tpu.memref_squeeze %dma_start3A_213 : memref<1x64xi32, #tpu.memory_space<vmem>> -> memref<64xi32, #tpu.memory_space<vmem>>
            %dma_start3A_215 = arith.constant 0 : i32
            %dma_start3A_216 = arith.constant 0 : i32
            %dma_start3A_217 = tpu.memref_slice %arg6[%dma_start3A_215, %dma_start3A_216] : memref<10240x128xf32, #tpu.memory_space<vmem_shared>> -> memref<10240x128xf32, #tpu.memory_space<vmem_shared>>
            tpu.enqueue_indirect_dma source(%arg12 : memref<64x128xf32, #tpu.memory_space<vmem>>) target(%dma_start3A_217 : memref<10240x128xf32, #tpu.memory_space<vmem_shared>>) offsets(%dma_start3A_214 : memref<64xi32, #tpu.memory_space<vmem>>) semaphore(%run_scoped3A : memref<!tpu.dma_semaphore, #tpu.memory_space<semaphore_mem>>) {add = true}
            %dma_wait3A_218 = arith.constant 0 : i32
            %dma_wait3A_219 = tpu.memref_slice %arg8[%scan3A_101, %dma_wait3A_218] : memref<16x64xi32, #tpu.memory_space<vmem>> -> memref<1x64xi32, #tpu.memory_space<vmem>>
            %dma_wait3A_220 = tpu.memref_squeeze %dma_wait3A_219 : memref<1x64xi32, #tpu.memory_space<vmem>> -> memref<64xi32, #tpu.memory_space<vmem>>
            %dma_wait3A_221 = arith.constant 0 : i32
            %dma_wait3A_222 = arith.constant 0 : i32
            %dma_wait3A_223 = tpu.memref_slice %arg6[%dma_wait3A_221, %dma_wait3A_222] : memref<10240x128xf32, #tpu.memory_space<vmem_shared>> -> memref<10240x128xf32, #tpu.memory_space<vmem_shared>>
            tpu.wait_indirect_dma semaphore(%run_scoped3A : memref<!tpu.dma_semaphore, #tpu.memory_space<semaphore_mem>>) src(%arg12 : memref<64x128xf32, #tpu.memory_space<vmem>>) dst(%dma_wait3A_223 : memref<10240x128xf32, #tpu.memory_space<vmem_shared>>)
            tpu.yield
          }) : () -> ()
        } else {
        }
        %jit3A_178 = arith.constant 5 : i32
        %eq3A_179 = arith.constant 0 : i32
        %eq3A_180 = arith.cmpi eq, %jit3A_178, %eq3A_179 : i32
        %jit3A_181 = arith.constant 1 : i32
        %select_n3A_182 = arith.select %eq3A_180, %jit3A_181, %jit3A_178 : i32
        %rem3A_183 = arith.remsi %scan3A_101, %select_n3A_182 : i32
        %ne3A_184 = arith.constant 0 : i32
        %ne3A_185 = arith.cmpi ne, %rem3A_183, %ne3A_184 : i32
        %lt3A_186 = arith.constant 0 : i32
        %lt3A_187 = arith.cmpi slt, %rem3A_183, %lt3A_186 : i32
        %lt3A_188 = arith.constant 0 : i32
        %lt3A_189 = arith.cmpi slt, %select_n3A_182, %lt3A_188 : i32
        %ne3A_190 = arith.xori %lt3A_187, %lt3A_189 : i1
        %and3A_191 = arith.andi %ne3A_190, %ne3A_185 : i1
        %add3A_192 = arith.addi %rem3A_183, %select_n3A_182 : i32
        %select_n3A_193 = arith.select %and3A_191, %add3A_192, %rem3A_183 : i32
        %eq3A_194 = arith.constant 4 : i32
        %eq3A_195 = arith.cmpi eq, %select_n3A_193, %eq3A_194 : i32
        %convert_element_type3A_196 = arith.extui %eq3A_195 : i1 to i32
        %cond3A_197 = arith.constant 0 : i32
        %cond3A_198 = arith.cmpi ne, %convert_element_type3A_196, %cond3A_197 : i32
        scf.if %cond3A_198 {
          %add3A_200 = arith.constant 4 : i32
          %add3A_201 = arith.addi %scan3A_101, %add3A_200 : i32
          %lt3A_202 = arith.constant 16 : i32
          %lt3A_203 = arith.cmpi slt, %add3A_201, %lt3A_202 : i32
          %convert_element_type3A_204 = arith.extui %lt3A_203 : i1 to i32
          %cond3A_205 = arith.constant 0 : i32
          %cond3A_206 = arith.cmpi ne, %convert_element_type3A_204, %cond3A_205 : i32
          scf.if %cond3A_206 {
            %add3A_212 = arith.constant 4 : i32
            %add3A_213 = arith.addi %scan3A_101, %add3A_212 : i32
            %dma_start3A_214 = arith.constant 0 : i32
            %dma_start3A_215 = tpu.memref_slice %arg7[%add3A_213, %dma_start3A_214] : memref<16x64xi32, #tpu.memory_space<vmem>> -> memref<1x64xi32, #tpu.memory_space<vmem>>
            %dma_start3A_216 = tpu.memref_squeeze %dma_start3A_215 : memref<1x64xi32, #tpu.memory_space<vmem>> -> memref<64xi32, #tpu.memory_space<vmem>>
            %dma_start3A_217 = arith.constant 0 : i32
            %dma_start3A_218 = arith.constant 0 : i32
            %dma_start3A_219 = tpu.memref_slice %arg2[%dma_start3A_217, %dma_start3A_218] : memref<10240x128xf32, #tpu.memory_space<hbm>> -> memref<10240x128xf32, #tpu.memory_space<hbm>>
            tpu.enqueue_indirect_dma source(%dma_start3A_219 : memref<10240x128xf32, #tpu.memory_space<hbm>>) target(%arg12 : memref<64x128xf32, #tpu.memory_space<vmem>>) offsets(%dma_start3A_216 : memref<64xi32, #tpu.memory_space<vmem>>) semaphore(%arg17 : memref<!tpu.dma_semaphore, #tpu.memory_space<semaphore_mem>>)
          } else {
          }
          %dma_wait3A = arith.constant 0 : i32
          %dma_wait3A_207 = tpu.memref_slice %arg7[%scan3A_101, %dma_wait3A] : memref<16x64xi32, #tpu.memory_space<vmem>> -> memref<1x64xi32, #tpu.memory_space<vmem>>
          %dma_wait3A_208 = tpu.memref_squeeze %dma_wait3A_207 : memref<1x64xi32, #tpu.memory_space<vmem>> -> memref<64xi32, #tpu.memory_space<vmem>>
          %dma_wait3A_209 = arith.constant 0 : i32
          %dma_wait3A_210 = arith.constant 0 : i32
          %dma_wait3A_211 = tpu.memref_slice %arg2[%dma_wait3A_209, %dma_wait3A_210] : memref<10240x128xf32, #tpu.memory_space<hbm>> -> memref<10240x128xf32, #tpu.memory_space<hbm>>
          tpu.wait_indirect_dma semaphore(%arg18 : memref<!tpu.dma_semaphore, #tpu.memory_space<semaphore_mem>>) src(%dma_wait3A_211 : memref<10240x128xf32, #tpu.memory_space<hbm>>) dst(%arg13 : memref<64x128xf32, #tpu.memory_space<vmem>>)
          "tpu.region"() ({
            %run_scoped3A = tpu.sem_alloc : memref<!tpu.dma_semaphore, #tpu.memory_space<semaphore_mem>>
            %dma_start3A_212 = arith.constant 0 : i32
            %dma_start3A_213 = tpu.memref_slice %arg8[%scan3A_101, %dma_start3A_212] : memref<16x64xi32, #tpu.memory_space<vmem>> -> memref<1x64xi32, #tpu.memory_space<vmem>>
            %dma_start3A_214 = tpu.memref_squeeze %dma_start3A_213 : memref<1x64xi32, #tpu.memory_space<vmem>> -> memref<64xi32, #tpu.memory_space<vmem>>
            %dma_start3A_215 = arith.constant 0 : i32
            %dma_start3A_216 = arith.constant 0 : i32
            %dma_start3A_217 = tpu.memref_slice %arg6[%dma_start3A_215, %dma_start3A_216] : memref<10240x128xf32, #tpu.memory_space<vmem_shared>> -> memref<10240x128xf32, #tpu.memory_space<vmem_shared>>
            tpu.enqueue_indirect_dma source(%arg13 : memref<64x128xf32, #tpu.memory_space<vmem>>) target(%dma_start3A_217 : memref<10240x128xf32, #tpu.memory_space<vmem_shared>>) offsets(%dma_start3A_214 : memref<64xi32, #tpu.memory_space<vmem>>) semaphore(%run_scoped3A : memref<!tpu.dma_semaphore, #tpu.memory_space<semaphore_mem>>) {add = true}
            %dma_wait3A_218 = arith.constant 0 : i32
            %dma_wait3A_219 = tpu.memref_slice %arg8[%scan3A_101, %dma_wait3A_218] : memref<16x64xi32, #tpu.memory_space<vmem>> -> memref<1x64xi32, #tpu.memory_space<vmem>>
            %dma_wait3A_220 = tpu.memref_squeeze %dma_wait3A_219 : memref<1x64xi32, #tpu.memory_space<vmem>> -> memref<64xi32, #tpu.memory_space<vmem>>
            %dma_wait3A_221 = arith.constant 0 : i32
            %dma_wait3A_222 = arith.constant 0 : i32
            %dma_wait3A_223 = tpu.memref_slice %arg6[%dma_wait3A_221, %dma_wait3A_222] : memref<10240x128xf32, #tpu.memory_space<vmem_shared>> -> memref<10240x128xf32, #tpu.memory_space<vmem_shared>>
            tpu.wait_indirect_dma semaphore(%run_scoped3A : memref<!tpu.dma_semaphore, #tpu.memory_space<semaphore_mem>>) src(%arg13 : memref<64x128xf32, #tpu.memory_space<vmem>>) dst(%dma_wait3A_223 : memref<10240x128xf32, #tpu.memory_space<vmem_shared>>)
            tpu.yield
          }) : () -> ()
        } else {
        }
        %scan3A_199 = arith.constant 0 : i32
        scf.yield %scan3A_199 : i32
      }
      %scan3A_99 = arith.constant 16 : i32
      %scan3A_100 = arith.constant 0 : i32
      scf.yield %scan3A_100 : i32
    }
    %scan3A_53 = arith.constant 10 : i32
    %barrier3A_54 = arith.constant 0 : index
    tpu.barrier barrier_id(%barrier3A_54)
    %mul3A_55 = arith.constant 640 : i32
    %mul3A_56 = arith.muli %arg1, %mul3A_55 : i32
    %mul3A_57 = arith.constant 640 : i32
    %mul3A_58 = arith.muli %arg1, %mul3A_57 : i32
    "tpu.region"() ({
      %run_scoped3A = tpu.sem_alloc : memref<!tpu.dma_semaphore, #tpu.memory_space<semaphore_mem>>
      %dma_start3A = arith.constant 0 : i32
      %dma_start3A_59 = arith.constant 0 : i32
      %dma_start3A_60 = tpu.memref_slice %arg5[%arg0, %dma_start3A, %dma_start3A_59] : memref<2x10240x128xf32, #tpu.memory_space<hbm>> -> memref<1x10240x128xf32, #tpu.memory_space<hbm>>
      %dma_start3A_61 = tpu.memref_squeeze %dma_start3A_60 : memref<1x10240x128xf32, #tpu.memory_space<hbm>> -> memref<10240x128xf32, #tpu.memory_space<hbm>>
      %dma_start3A_62 = arith.constant 0 : i32
      %dma_start3A_63 = tpu.memref_slice %dma_start3A_61[%mul3A_58, %dma_start3A_62] : memref<10240x128xf32, #tpu.memory_space<hbm>> -> memref<640x128xf32, #tpu.memory_space<hbm>>
      %dma_start3A_64 = arith.constant 0 : i32
      %dma_start3A_65 = tpu.memref_slice %arg6[%mul3A_56, %dma_start3A_64] : memref<10240x128xf32, #tpu.memory_space<vmem_shared>> -> memref<640x128xf32, #tpu.memory_space<vmem_shared>>
      tpu.enqueue_dma source(%dma_start3A_65 : memref<640x128xf32, #tpu.memory_space<vmem_shared>>) target(%dma_start3A_63 : memref<640x128xf32, #tpu.memory_space<hbm>>) target_semaphore(%run_scoped3A : memref<!tpu.dma_semaphore, #tpu.memory_space<semaphore_mem>>)
      %dma_wait3A = arith.constant 0 : i32
      %dma_wait3A_66 = arith.constant 0 : i32
      %dma_wait3A_67 = tpu.memref_slice %arg5[%arg0, %dma_wait3A, %dma_wait3A_66] : memref<2x10240x128xf32, #tpu.memory_space<hbm>> -> memref<1x10240x128xf32, #tpu.memory_space<hbm>>
      %dma_wait3A_68 = tpu.memref_squeeze %dma_wait3A_67 : memref<1x10240x128xf32, #tpu.memory_space<hbm>> -> memref<10240x128xf32, #tpu.memory_space<hbm>>
      %dma_wait3A_69 = arith.constant 0 : i32
      %dma_wait3A_70 = tpu.memref_slice %dma_wait3A_68[%mul3A_58, %dma_wait3A_69] : memref<10240x128xf32, #tpu.memory_space<hbm>> -> memref<640x128xf32, #tpu.memory_space<hbm>>
      %dma_wait3A_71 = arith.constant 0 : i32
      %dma_wait3A_72 = tpu.memref_slice %arg6[%mul3A_56, %dma_wait3A_71] : memref<10240x128xf32, #tpu.memory_space<vmem_shared>> -> memref<640x128xf32, #tpu.memory_space<vmem_shared>>
      tpu.wait_dma2 semaphore(%run_scoped3A : memref<!tpu.dma_semaphore, #tpu.memory_space<semaphore_mem>>) src(%dma_wait3A_72 : memref<640x128xf32, #tpu.memory_space<vmem_shared>>) dst(%dma_wait3A_70 : memref<640x128xf32, #tpu.memory_space<hbm>>)
      tpu.yield
    }) : () -> ()
    return
  }
}

#map = affine_map<(d0, d1) -> (0, 0)>
#map1 = affine_map<(d0, d1) -> (0, 0, 0)>
module attributes {stable_mosaic.version = 14 : i64} {
  func.func @_scatter_body(%arg0: i32, %arg1: i32, %arg2: memref<10240x128xf32, #tpu.memory_space<hbm>>, %arg3: memref<5120x64xi32, #tpu.memory_space<hbm>>, %arg4: memref<5120x64xi32, #tpu.memory_space<hbm>>, %arg5: memref<2x10240x128xf32, #tpu.memory_space<hbm>>, %arg6: memref<10240x128xf32, #tpu.memory_space<vmem_shared>>, %arg7: memref<16x64xi32, #tpu.memory_space<vmem>>, %arg8: memref<16x64xi32, #tpu.memory_space<vmem>>, %arg9: memref<64x128xf32, #tpu.memory_space<vmem>>, %arg10: memref<64x128xf32, #tpu.memory_space<vmem>>, %arg11: memref<64x128xf32, #tpu.memory_space<vmem>>, %arg12: memref<64x128xf32, #tpu.memory_space<vmem>>, %arg13: memref<64x128xf32, #tpu.memory_space<vmem>>, %arg14: memref<!tpu.dma_semaphore, #tpu.memory_space<semaphore_mem>>, %arg15: memref<!tpu.dma_semaphore, #tpu.memory_space<semaphore_mem>>, %arg16: memref<!tpu.dma_semaphore, #tpu.memory_space<semaphore_mem>>, %arg17: memref<!tpu.dma_semaphore, #tpu.memory_space<semaphore_mem>>, %arg18: memref<!tpu.dma_semaphore, #tpu.memory_space<semaphore_mem>>) attributes {dimension_semantics = [#tpu.dimension_semantics<core_parallel>, #tpu.dimension_semantics<subcore_parallel>], iteration_bounds = array<i64: 2, 16>, scalar_prefetch = 0 : i64, scratch_operands = 13 : i64, tpu.core_type = #tpu.core_type<sc_vector_subcore>, window_params = [{transform_indices = #map}, {transform_indices = #map}, {transform_indices = #map}, {transform_indices = #map1}]} {
    %mul3A = arith.constant 2 : i32
    %mul3A_0 = arith.muli %arg1, %mul3A : i32
    %add3A = arith.addi %mul3A_0, %arg0 : i32
    %scan3A = arith.constant 0 : i32
    %scan3A_1 = arith.constant 0 : i32
    %scan3A_2 = arith.constant 512 : i32
    %scan3A_3 = arith.addi %scan3A_1, %scan3A_2 : i32
    %scan3A_4 = arith.constant 1 : i32
    %scan3A_5 = scf.for %scan3A_59 = %scan3A_1 to %scan3A_3 step %scan3A_4 iter_args(%scan3A_60 = %scan3A) -> (i32)  : i32 {
      %jit3A = arith.constant 8 : i32
      %div3A = arith.divsi %scan3A_59, %jit3A : i32
      %sign3A = arith.constant 0 : i32
      %sign3A_61 = arith.cmpi sgt, %scan3A_59, %sign3A : i32
      %sign3A_62 = arith.extui %sign3A_61 : i1 to i32
      %sign3A_63 = arith.constant 0 : i32
      %sign3A_64 = arith.cmpi slt, %scan3A_59, %sign3A_63 : i32
      %sign3A_65 = arith.extui %sign3A_64 : i1 to i32
      %sign3A_66 = arith.subi %sign3A_62, %sign3A_65 : i32
      %sign3A_67 = arith.constant 0 : i32
      %sign3A_68 = arith.cmpi sgt, %jit3A, %sign3A_67 : i32
      %sign3A_69 = arith.extui %sign3A_68 : i1 to i32
      %sign3A_70 = arith.constant 0 : i32
      %sign3A_71 = arith.cmpi slt, %jit3A, %sign3A_70 : i32
      %sign3A_72 = arith.extui %sign3A_71 : i1 to i32
      %sign3A_73 = arith.subi %sign3A_69, %sign3A_72 : i32
      %ne3A = arith.cmpi ne, %sign3A_66, %sign3A_73 : i32
      %rem3A = arith.remsi %scan3A_59, %jit3A : i32
      %ne3A_74 = arith.constant 0 : i32
      %ne3A_75 = arith.cmpi ne, %rem3A, %ne3A_74 : i32
      %and3A = arith.andi %ne3A, %ne3A_75 : i1
      %sub3A = arith.constant 1 : i32
      %sub3A_76 = arith.subi %div3A, %sub3A : i32
      %select_n3A = arith.select %and3A, %sub3A_76, %div3A : i32
      %jit3A_77 = arith.constant 8 : i32
      %eq3A = arith.constant 0 : i32
      %eq3A_78 = arith.cmpi eq, %jit3A_77, %eq3A : i32
      %jit3A_79 = arith.constant 1 : i32
      %select_n3A_80 = arith.select %eq3A_78, %jit3A_79, %jit3A_77 : i32
      %rem3A_81 = arith.remsi %scan3A_59, %select_n3A_80 : i32
      %ne3A_82 = arith.constant 0 : i32
      %ne3A_83 = arith.cmpi ne, %rem3A_81, %ne3A_82 : i32
      %lt3A = arith.constant 0 : i32
      %lt3A_84 = arith.cmpi slt, %rem3A_81, %lt3A : i32
      %lt3A_85 = arith.constant 0 : i32
      %lt3A_86 = arith.cmpi slt, %select_n3A_80, %lt3A_85 : i32
      %ne3A_87 = arith.xori %lt3A_84, %lt3A_86 : i1
      %and3A_88 = arith.andi %ne3A_87, %ne3A_83 : i1
      %add3A_89 = arith.addi %rem3A_81, %select_n3A_80 : i32
      %select_n3A_90 = arith.select %and3A_88, %add3A_89, %rem3A_81 : i32
      %broadcast_in_dim3A = arith.constant 0.000000e+00 : f32
      %broadcast_in_dim3A_91 = vector.broadcast %broadcast_in_dim3A : f32 to vector<16xf32>
      %mul3A_92 = arith.constant 16 : i32
      %mul3A_93 = arith.muli %select_n3A_90, %mul3A_92 : i32
      %swap3A = arith.index_cast %select_n3A : i32 to index
      %swap3A_94 = arith.index_cast %mul3A_93 : i32 to index
      %swap3A_95 = tpu.vector_load %arg9[%swap3A, %swap3A_94] {strides = array<i32>} : memref<64x128xf32, #tpu.memory_space<vmem>>, vector<1x16xf32>,
      %swap3A_96 = vector.shape_cast %swap3A_95 : vector<1x16xf32> to vector<16xf32>
      %swap3A_97 = vector.shape_cast %broadcast_in_dim3A_91 : vector<16xf32> to vector<1x16xf32>
      tpu.vector_store %arg9[%swap3A, %swap3A_94], %swap3A_97 {strides = array<i32>} : memref<64x128xf32, #tpu.memory_space<vmem>>, vector<1x16xf32>,
      %scan3A_98 = arith.constant 0 : i32
      scf.yield %scan3A_98 : i32
    }
    %scan3A_6 = arith.constant 512 : i32
    %mul3A_7 = arith.constant 640 : i32
    %mul3A_8 = arith.muli %arg1, %mul3A_7 : i32
    %add3A_9 = arith.constant 0 : i32
    %add3A_10 = arith.addi %mul3A_8, %add3A_9 : i32
    "tpu.region"() ({
      %run_scoped3A = tpu.sem_alloc : memref<!tpu.dma_semaphore, #tpu.memory_space<semaphore_mem>>
      %dma_start3A = arith.constant 0 : i32
      %dma_start3A_59 = tpu.memref_slice %arg6[%add3A_10, %dma_start3A] : memref<10240x128xf32, #tpu.memory_space<vmem_shared>> -> memref<64x128xf32, #tpu.memory_space<vmem_shared>>
      %dma_start3A_60 = arith.constant 0 : i32
      %dma_start3A_61 = tpu.memref_slice %arg6[%add3A_10, %dma_start3A_60] : memref<10240x128xf32, #tpu.memory_space<vmem_shared>> -> memref<64x128xf32, #tpu.memory_space<vmem_shared>>
      tpu.enqueue_dma source(%arg9 : memref<64x128xf32, #tpu.memory_space<vmem>>) target(%dma_start3A_61 : memref<64x128xf32, #tpu.memory_space<vmem_shared>>) target_semaphore(%run_scoped3A : memref<!tpu.dma_semaphore, #tpu.memory_space<semaphore_mem>>)
      %dma_wait3A = arith.constant 0 : i32
      %dma_wait3A_62 = tpu.memref_slice %arg6[%add3A_10, %dma_wait3A] : memref<10240x128xf32, #tpu.memory_space<vmem_shared>> -> memref<64x128xf32, #tpu.memory_space<vmem_shared>>
      %dma_wait3A_63 = arith.constant 0 : i32
      %dma_wait3A_64 = tpu.memref_slice %arg6[%add3A_10, %dma_wait3A_63] : memref<10240x128xf32, #tpu.memory_space<vmem_shared>> -> memref<64x128xf32, #tpu.memory_space<vmem_shared>>
      tpu.wait_dma2 semaphore(%run_scoped3A : memref<!tpu.dma_semaphore, #tpu.memory_space<semaphore_mem>>) src(%arg9 : memref<64x128xf32, #tpu.memory_space<vmem>>) dst(%dma_wait3A_64 : memref<64x128xf32, #tpu.memory_space<vmem_shared>>)
      tpu.yield
    }) : () -> ()
    %mul3A_11 = arith.constant 640 : i32
    %mul3A_12 = arith.muli %arg1, %mul3A_11 : i32
    %add3A_13 = arith.constant 64 : i32
    %add3A_14 = arith.addi %mul3A_12, %add3A_13 : i32
    "tpu.region"() ({
      %run_scoped3A = tpu.sem_alloc : memref<!tpu.dma_semaphore, #tpu.memory_space<semaphore_mem>>
      %dma_start3A = arith.constant 0 : i32
      %dma_start3A_59 = tpu.memref_slice %arg6[%add3A_14, %dma_start3A] : memref<10240x128xf32, #tpu.memory_space<vmem_shared>> -> memref<64x128xf32, #tpu.memory_space<vmem_shared>>
      %dma_start3A_60 = arith.constant 0 : i32
      %dma_start3A_61 = tpu.memref_slice %arg6[%add3A_14, %dma_start3A_60] : memref<10240x128xf32, #tpu.memory_space<vmem_shared>> -> memref<64x128xf32, #tpu.memory_space<vmem_shared>>
      tpu.enqueue_dma source(%arg9 : memref<64x128xf32, #tpu.memory_space<vmem>>) target(%dma_start3A_61 : memref<64x128xf32, #tpu.memory_space<vmem_shared>>) target_semaphore(%run_scoped3A : memref<!tpu.dma_semaphore, #tpu.memory_space<semaphore_mem>>)
      %dma_wait3A = arith.constant 0 : i32
      %dma_wait3A_62 = tpu.memref_slice %arg6[%add3A_14, %dma_wait3A] : memref<10240x128xf32, #tpu.memory_space<vmem_shared>> -> memref<64x128xf32, #tpu.memory_space<vmem_shared>>
      %dma_wait3A_63 = arith.constant 0 : i32
      %dma_wait3A_64 = tpu.memref_slice %arg6[%add3A_14, %dma_wait3A_63] : memref<10240x128xf32, #tpu.memory_space<vmem_shared>> -> memref<64x128xf32, #tpu.memory_space<vmem_shared>>
      tpu.wait_dma2 semaphore(%run_scoped3A : memref<!tpu.dma_semaphore, #tpu.memory_space<semaphore_mem>>) src(%arg9 : memref<64x128xf32, #tpu.memory_space<vmem>>) dst(%dma_wait3A_64 : memref<64x128xf32, #tpu.memory_space<vmem_shared>>)
      tpu.yield
    }) : () -> ()
    %mul3A_15 = arith.constant 640 : i32
    %mul3A_16 = arith.muli %arg1, %mul3A_15 : i32
    %add3A_17 = arith.constant 128 : i32
    %add3A_18 = arith.addi %mul3A_16, %add3A_17 : i32
    "tpu.region"() ({
      %run_scoped3A = tpu.sem_alloc : memref<!tpu.dma_semaphore, #tpu.memory_space<semaphore_mem>>
      %dma_start3A = arith.constant 0 : i32
      %dma_start3A_59 = tpu.memref_slice %arg6[%add3A_18, %dma_start3A] : memref<10240x128xf32, #tpu.memory_space<vmem_shared>> -> memref<64x128xf32, #tpu.memory_space<vmem_shared>>
      %dma_start3A_60 = arith.constant 0 : i32
      %dma_start3A_61 = tpu.memref_slice %arg6[%add3A_18, %dma_start3A_60] : memref<10240x128xf32, #tpu.memory_space<vmem_shared>> -> memref<64x128xf32, #tpu.memory_space<vmem_shared>>
      tpu.enqueue_dma source(%arg9 : memref<64x128xf32, #tpu.memory_space<vmem>>) target(%dma_start3A_61 : memref<64x128xf32, #tpu.memory_space<vmem_shared>>) target_semaphore(%run_scoped3A : memref<!tpu.dma_semaphore, #tpu.memory_space<semaphore_mem>>)
      %dma_wait3A = arith.constant 0 : i32
      %dma_wait3A_62 = tpu.memref_slice %arg6[%add3A_18, %dma_wait3A] : memref<10240x128xf32, #tpu.memory_space<vmem_shared>> -> memref<64x128xf32, #tpu.memory_space<vmem_shared>>
      %dma_wait3A_63 = arith.constant 0 : i32
      %dma_wait3A_64 = tpu.memref_slice %arg6[%add3A_18, %dma_wait3A_63] : memref<10240x128xf32, #tpu.memory_space<vmem_shared>> -> memref<64x128xf32, #tpu.memory_space<vmem_shared>>
      tpu.wait_dma2 semaphore(%run_scoped3A : memref<!tpu.dma_semaphore, #tpu.memory_space<semaphore_mem>>) src(%arg9 : memref<64x128xf32, #tpu.memory_space<vmem>>) dst(%dma_wait3A_64 : memref<64x128xf32, #tpu.memory_space<vmem_shared>>)
      tpu.yield
    }) : () -> ()
    %mul3A_19 = arith.constant 640 : i32
    %mul3A_20 = arith.muli %arg1, %mul3A_19 : i32
    %add3A_21 = arith.constant 192 : i32
    %add3A_22 = arith.addi %mul3A_20, %add3A_21 : i32
    "tpu.region"() ({
      %run_scoped3A = tpu.sem_alloc : memref<!tpu.dma_semaphore, #tpu.memory_space<semaphore_mem>>
      %dma_start3A = arith.constant 0 : i32
      %dma_start3A_59 = tpu.memref_slice %arg6[%add3A_22, %dma_start3A] : memref<10240x128xf32, #tpu.memory_space<vmem_shared>> -> memref<64x128xf32, #tpu.memory_space<vmem_shared>>
      %dma_start3A_60 = arith.constant 0 : i32
      %dma_start3A_61 = tpu.memref_slice %arg6[%add3A_22, %dma_start3A_60] : memref<10240x128xf32, #tpu.memory_space<vmem_shared>> -> memref<64x128xf32, #tpu.memory_space<vmem_shared>>
      tpu.enqueue_dma source(%arg9 : memref<64x128xf32, #tpu.memory_space<vmem>>) target(%dma_start3A_61 : memref<64x128xf32, #tpu.memory_space<vmem_shared>>) target_semaphore(%run_scoped3A : memref<!tpu.dma_semaphore, #tpu.memory_space<semaphore_mem>>)
      %dma_wait3A = arith.constant 0 : i32
      %dma_wait3A_62 = tpu.memref_slice %arg6[%add3A_22, %dma_wait3A] : memref<10240x128xf32, #tpu.memory_space<vmem_shared>> -> memref<64x128xf32, #tpu.memory_space<vmem_shared>>
      %dma_wait3A_63 = arith.constant 0 : i32
      %dma_wait3A_64 = tpu.memref_slice %arg6[%add3A_22, %dma_wait3A_63] : memref<10240x128xf32, #tpu.memory_space<vmem_shared>> -> memref<64x128xf32, #tpu.memory_space<vmem_shared>>
      tpu.wait_dma2 semaphore(%run_scoped3A : memref<!tpu.dma_semaphore, #tpu.memory_space<semaphore_mem>>) src(%arg9 : memref<64x128xf32, #tpu.memory_space<vmem>>) dst(%dma_wait3A_64 : memref<64x128xf32, #tpu.memory_space<vmem_shared>>)
      tpu.yield
    }) : () -> ()
    %mul3A_23 = arith.constant 640 : i32
    %mul3A_24 = arith.muli %arg1, %mul3A_23 : i32
    %add3A_25 = arith.constant 256 : i32
    %add3A_26 = arith.addi %mul3A_24, %add3A_25 : i32
    "tpu.region"() ({
      %run_scoped3A = tpu.sem_alloc : memref<!tpu.dma_semaphore, #tpu.memory_space<semaphore_mem>>
      %dma_start3A = arith.constant 0 : i32
      %dma_start3A_59 = tpu.memref_slice %arg6[%add3A_26, %dma_start3A] : memref<10240x128xf32, #tpu.memory_space<vmem_shared>> -> memref<64x128xf32, #tpu.memory_space<vmem_shared>>
      %dma_start3A_60 = arith.constant 0 : i32
      %dma_start3A_61 = tpu.memref_slice %arg6[%add3A_26, %dma_start3A_60] : memref<10240x128xf32, #tpu.memory_space<vmem_shared>> -> memref<64x128xf32, #tpu.memory_space<vmem_shared>>
      tpu.enqueue_dma source(%arg9 : memref<64x128xf32, #tpu.memory_space<vmem>>) target(%dma_start3A_61 : memref<64x128xf32, #tpu.memory_space<vmem_shared>>) target_semaphore(%run_scoped3A : memref<!tpu.dma_semaphore, #tpu.memory_space<semaphore_mem>>)
      %dma_wait3A = arith.constant 0 : i32
      %dma_wait3A_62 = tpu.memref_slice %arg6[%add3A_26, %dma_wait3A] : memref<10240x128xf32, #tpu.memory_space<vmem_shared>> -> memref<64x128xf32, #tpu.memory_space<vmem_shared>>
      %dma_wait3A_63 = arith.constant 0 : i32
      %dma_wait3A_64 = tpu.memref_slice %arg6[%add3A_26, %dma_wait3A_63] : memref<10240x128xf32, #tpu.memory_space<vmem_shared>> -> memref<64x128xf32, #tpu.memory_space<vmem_shared>>
      tpu.wait_dma2 semaphore(%run_scoped3A : memref<!tpu.dma_semaphore, #tpu.memory_space<semaphore_mem>>) src(%arg9 : memref<64x128xf32, #tpu.memory_space<vmem>>) dst(%dma_wait3A_64 : memref<64x128xf32, #tpu.memory_space<vmem_shared>>)
      tpu.yield
    }) : () -> ()
    %mul3A_27 = arith.constant 640 : i32
    %mul3A_28 = arith.muli %arg1, %mul3A_27 : i32
    %add3A_29 = arith.constant 320 : i32
    %add3A_30 = arith.addi %mul3A_28, %add3A_29 : i32
    "tpu.region"() ({
      %run_scoped3A = tpu.sem_alloc : memref<!tpu.dma_semaphore, #tpu.memory_space<semaphore_mem>>
      %dma_start3A = arith.constant 0 : i32
      %dma_start3A_59 = tpu.memref_slice %arg6[%add3A_30, %dma_start3A] : memref<10240x128xf32, #tpu.memory_space<vmem_shared>> -> memref<64x128xf32, #tpu.memory_space<vmem_shared>>
      %dma_start3A_60 = arith.constant 0 : i32
      %dma_start3A_61 = tpu.memref_slice %arg6[%add3A_30, %dma_start3A_60] : memref<10240x128xf32, #tpu.memory_space<vmem_shared>> -> memref<64x128xf32, #tpu.memory_space<vmem_shared>>
      tpu.enqueue_dma source(%arg9 : memref<64x128xf32, #tpu.memory_space<vmem>>) target(%dma_start3A_61 : memref<64x128xf32, #tpu.memory_space<vmem_shared>>) target_semaphore(%run_scoped3A : memref<!tpu.dma_semaphore, #tpu.memory_space<semaphore_mem>>)
      %dma_wait3A = arith.constant 0 : i32
      %dma_wait3A_62 = tpu.memref_slice %arg6[%add3A_30, %dma_wait3A] : memref<10240x128xf32, #tpu.memory_space<vmem_shared>> -> memref<64x128xf32, #tpu.memory_space<vmem_shared>>
      %dma_wait3A_63 = arith.constant 0 : i32
      %dma_wait3A_64 = tpu.memref_slice %arg6[%add3A_30, %dma_wait3A_63] : memref<10240x128xf32, #tpu.memory_space<vmem_shared>> -> memref<64x128xf32, #tpu.memory_space<vmem_shared>>
      tpu.wait_dma2 semaphore(%run_scoped3A : memref<!tpu.dma_semaphore, #tpu.memory_space<semaphore_mem>>) src(%arg9 : memref<64x128xf32, #tpu.memory_space<vmem>>) dst(%dma_wait3A_64 : memref<64x128xf32, #tpu.memory_space<vmem_shared>>)
      tpu.yield
    }) : () -> ()
    %mul3A_31 = arith.constant 640 : i32
    %mul3A_32 = arith.muli %arg1, %mul3A_31 : i32
    %add3A_33 = arith.constant 384 : i32
    %add3A_34 = arith.addi %mul3A_32, %add3A_33 : i32
    "tpu.region"() ({
      %run_scoped3A = tpu.sem_alloc : memref<!tpu.dma_semaphore, #tpu.memory_space<semaphore_mem>>
      %dma_start3A = arith.constant 0 : i32
      %dma_start3A_59 = tpu.memref_slice %arg6[%add3A_34, %dma_start3A] : memref<10240x128xf32, #tpu.memory_space<vmem_shared>> -> memref<64x128xf32, #tpu.memory_space<vmem_shared>>
      %dma_start3A_60 = arith.constant 0 : i32
      %dma_start3A_61 = tpu.memref_slice %arg6[%add3A_34, %dma_start3A_60] : memref<10240x128xf32, #tpu.memory_space<vmem_shared>> -> memref<64x128xf32, #tpu.memory_space<vmem_shared>>
      tpu.enqueue_dma source(%arg9 : memref<64x128xf32, #tpu.memory_space<vmem>>) target(%dma_start3A_61 : memref<64x128xf32, #tpu.memory_space<vmem_shared>>) target_semaphore(%run_scoped3A : memref<!tpu.dma_semaphore, #tpu.memory_space<semaphore_mem>>)
      %dma_wait3A = arith.constant 0 : i32
      %dma_wait3A_62 = tpu.memref_slice %arg6[%add3A_34, %dma_wait3A] : memref<10240x128xf32, #tpu.memory_space<vmem_shared>> -> memref<64x128xf32, #tpu.memory_space<vmem_shared>>
      %dma_wait3A_63 = arith.constant 0 : i32
      %dma_wait3A_64 = tpu.memref_slice %arg6[%add3A_34, %dma_wait3A_63] : memref<10240x128xf32, #tpu.memory_space<vmem_shared>> -> memref<64x128xf32, #tpu.memory_space<vmem_shared>>
      tpu.wait_dma2 semaphore(%run_scoped3A : memref<!tpu.dma_semaphore, #tpu.memory_space<semaphore_mem>>) src(%arg9 : memref<64x128xf32, #tpu.memory_space<vmem>>) dst(%dma_wait3A_64 : memref<64x128xf32, #tpu.memory_space<vmem_shared>>)
      tpu.yield
    }) : () -> ()
    %mul3A_35 = arith.constant 640 : i32
    %mul3A_36 = arith.muli %arg1, %mul3A_35 : i32
    %add3A_37 = arith.constant 448 : i32
    %add3A_38 = arith.addi %mul3A_36, %add3A_37 : i32
    "tpu.region"() ({
      %run_scoped3A = tpu.sem_alloc : memref<!tpu.dma_semaphore, #tpu.memory_space<semaphore_mem>>
      %dma_start3A = arith.constant 0 : i32
      %dma_start3A_59 = tpu.memref_slice %arg6[%add3A_38, %dma_start3A] : memref<10240x128xf32, #tpu.memory_space<vmem_shared>> -> memref<64x128xf32, #tpu.memory_space<vmem_shared>>
      %dma_start3A_60 = arith.constant 0 : i32
      %dma_start3A_61 = tpu.memref_slice %arg6[%add3A_38, %dma_start3A_60] : memref<10240x128xf32, #tpu.memory_space<vmem_shared>> -> memref<64x128xf32, #tpu.memory_space<vmem_shared>>
      tpu.enqueue_dma source(%arg9 : memref<64x128xf32, #tpu.memory_space<vmem>>) target(%dma_start3A_61 : memref<64x128xf32, #tpu.memory_space<vmem_shared>>) target_semaphore(%run_scoped3A : memref<!tpu.dma_semaphore, #tpu.memory_space<semaphore_mem>>)
      %dma_wait3A = arith.constant 0 : i32
      %dma_wait3A_62 = tpu.memref_slice %arg6[%add3A_38, %dma_wait3A] : memref<10240x128xf32, #tpu.memory_space<vmem_shared>> -> memref<64x128xf32, #tpu.memory_space<vmem_shared>>
      %dma_wait3A_63 = arith.constant 0 : i32
      %dma_wait3A_64 = tpu.memref_slice %arg6[%add3A_38, %dma_wait3A_63] : memref<10240x128xf32, #tpu.memory_space<vmem_shared>> -> memref<64x128xf32, #tpu.memory_space<vmem_shared>>
      tpu.wait_dma2 semaphore(%run_scoped3A : memref<!tpu.dma_semaphore, #tpu.memory_space<semaphore_mem>>) src(%arg9 : memref<64x128xf32, #tpu.memory_space<vmem>>) dst(%dma_wait3A_64 : memref<64x128xf32, #tpu.memory_space<vmem_shared>>)
      tpu.yield
    }) : () -> ()
    %mul3A_39 = arith.constant 640 : i32
    %mul3A_40 = arith.muli %arg1, %mul3A_39 : i32
    %add3A_41 = arith.constant 512 : i32
    %add3A_42 = arith.addi %mul3A_40, %add3A_41 : i32
    "tpu.region"() ({
      %run_scoped3A = tpu.sem_alloc : memref<!tpu.dma_semaphore, #tpu.memory_space<semaphore_mem>>
      %dma_start3A = arith.constant 0 : i32
      %dma_start3A_59 = tpu.memref_slice %arg6[%add3A_42, %dma_start3A] : memref<10240x128xf32, #tpu.memory_space<vmem_shared>> -> memref<64x128xf32, #tpu.memory_space<vmem_shared>>
      %dma_start3A_60 = arith.constant 0 : i32
      %dma_start3A_61 = tpu.memref_slice %arg6[%add3A_42, %dma_start3A_60] : memref<10240x128xf32, #tpu.memory_space<vmem_shared>> -> memref<64x128xf32, #tpu.memory_space<vmem_shared>>
      tpu.enqueue_dma source(%arg9 : memref<64x128xf32, #tpu.memory_space<vmem>>) target(%dma_start3A_61 : memref<64x128xf32, #tpu.memory_space<vmem_shared>>) target_semaphore(%run_scoped3A : memref<!tpu.dma_semaphore, #tpu.memory_space<semaphore_mem>>)
      %dma_wait3A = arith.constant 0 : i32
      %dma_wait3A_62 = tpu.memref_slice %arg6[%add3A_42, %dma_wait3A] : memref<10240x128xf32, #tpu.memory_space<vmem_shared>> -> memref<64x128xf32, #tpu.memory_space<vmem_shared>>
      %dma_wait3A_63 = arith.constant 0 : i32
      %dma_wait3A_64 = tpu.memref_slice %arg6[%add3A_42, %dma_wait3A_63] : memref<10240x128xf32, #tpu.memory_space<vmem_shared>> -> memref<64x128xf32, #tpu.memory_space<vmem_shared>>
      tpu.wait_dma2 semaphore(%run_scoped3A : memref<!tpu.dma_semaphore, #tpu.memory_space<semaphore_mem>>) src(%arg9 : memref<64x128xf32, #tpu.memory_space<vmem>>) dst(%dma_wait3A_64 : memref<64x128xf32, #tpu.memory_space<vmem_shared>>)
      tpu.yield
    }) : () -> ()
    %mul3A_43 = arith.constant 640 : i32
    %mul3A_44 = arith.muli %arg1, %mul3A_43 : i32
    %add3A_45 = arith.constant 576 : i32
    %add3A_46 = arith.addi %mul3A_44, %add3A_45 : i32
    "tpu.region"() ({
      %run_scoped3A = tpu.sem_alloc : memref<!tpu.dma_semaphore, #tpu.memory_space<semaphore_mem>>
      %dma_start3A = arith.constant 0 : i32
      %dma_start3A_59 = tpu.memref_slice %arg6[%add3A_46, %dma_start3A] : memref<10240x128xf32, #tpu.memory_space<vmem_shared>> -> memref<64x128xf32, #tpu.memory_space<vmem_shared>>
      %dma_start3A_60 = arith.constant 0 : i32
      %dma_start3A_61 = tpu.memref_slice %arg6[%add3A_46, %dma_start3A_60] : memref<10240x128xf32, #tpu.memory_space<vmem_shared>> -> memref<64x128xf32, #tpu.memory_space<vmem_shared>>
      tpu.enqueue_dma source(%arg9 : memref<64x128xf32, #tpu.memory_space<vmem>>) target(%dma_start3A_61 : memref<64x128xf32, #tpu.memory_space<vmem_shared>>) target_semaphore(%run_scoped3A : memref<!tpu.dma_semaphore, #tpu.memory_space<semaphore_mem>>)
      %dma_wait3A = arith.constant 0 : i32
      %dma_wait3A_62 = tpu.memref_slice %arg6[%add3A_46, %dma_wait3A] : memref<10240x128xf32, #tpu.memory_space<vmem_shared>> -> memref<64x128xf32, #tpu.memory_space<vmem_shared>>
      %dma_wait3A_63 = arith.constant 0 : i32
      %dma_wait3A_64 = tpu.memref_slice %arg6[%add3A_46, %dma_wait3A_63] : memref<10240x128xf32, #tpu.memory_space<vmem_shared>> -> memref<64x128xf32, #tpu.memory_space<vmem_shared>>
      tpu.wait_dma2 semaphore(%run_scoped3A : memref<!tpu.dma_semaphore, #tpu.memory_space<semaphore_mem>>) src(%arg9 : memref<64x128xf32, #tpu.memory_space<vmem>>) dst(%dma_wait3A_64 : memref<64x128xf32, #tpu.memory_space<vmem_shared>>)
      tpu.yield
    }) : () -> ()
    %barrier3A = arith.constant 0 : index
    tpu.barrier barrier_id(%barrier3A)
    %scan3A_47 = arith.constant 0 : i32
    %scan3A_48 = arith.constant 0 : i32
    %scan3A_49 = arith.constant 10 : i32
    %scan3A_50 = arith.addi %scan3A_48, %scan3A_49 : i32
    %scan3A_51 = arith.constant 1 : i32
    %scan3A_52 = scf.for %scan3A_59 = %scan3A_48 to %scan3A_50 step %scan3A_51 iter_args(%scan3A_60 = %scan3A_47) -> (i32)  : i32 {
      %mul3A_61 = arith.constant 160 : i32
      %mul3A_62 = arith.muli %add3A, %mul3A_61 : i32
      %mul3A_63 = arith.constant 16 : i32
      %mul3A_64 = arith.muli %scan3A_59, %mul3A_63 : i32
      %add3A_65 = arith.addi %mul3A_62, %mul3A_64 : i32
      "tpu.region"() ({
        %run_scoped3A = tpu.sem_alloc : memref<!tpu.dma_semaphore, #tpu.memory_space<semaphore_mem>>
        %dma_start3A_101 = arith.constant 0 : i32
        %dma_start3A_102 = tpu.memref_slice %arg3[%add3A_65, %dma_start3A_101] : memref<5120x64xi32, #tpu.memory_space<hbm>> -> memref<16x64xi32, #tpu.memory_space<hbm>>
        %dma_start3A_103 = arith.constant 0 : i32
        %dma_start3A_104 = tpu.memref_slice %arg3[%add3A_65, %dma_start3A_103] : memref<5120x64xi32, #tpu.memory_space<hbm>> -> memref<16x64xi32, #tpu.memory_space<hbm>>
        tpu.enqueue_dma source(%dma_start3A_104 : memref<16x64xi32, #tpu.memory_space<hbm>>) target(%arg7 : memref<16x64xi32, #tpu.memory_space<vmem>>) target_semaphore(%run_scoped3A : memref<!tpu.dma_semaphore, #tpu.memory_space<semaphore_mem>>)
        %dma_wait3A = arith.constant 0 : i32
        %dma_wait3A_105 = tpu.memref_slice %arg3[%add3A_65, %dma_wait3A] : memref<5120x64xi32, #tpu.memory_space<hbm>> -> memref<16x64xi32, #tpu.memory_space<hbm>>
        %dma_wait3A_106 = arith.constant 0 : i32
        %dma_wait3A_107 = tpu.memref_slice %arg3[%add3A_65, %dma_wait3A_106] : memref<5120x64xi32, #tpu.memory_space<hbm>> -> memref<16x64xi32, #tpu.memory_space<hbm>>
        tpu.wait_dma2 semaphore(%run_scoped3A : memref<!tpu.dma_semaphore, #tpu.memory_space<semaphore_mem>>) src(%dma_wait3A_107 : memref<16x64xi32, #tpu.memory_space<hbm>>) dst(%arg7 : memref<16x64xi32, #tpu.memory_space<vmem>>)
        tpu.yield
      }) : () -> ()
      "tpu.region"() ({
        %run_scoped3A = tpu.sem_alloc : memref<!tpu.dma_semaphore, #tpu.memory_space<semaphore_mem>>
        %dma_start3A_101 = arith.constant 0 : i32
        %dma_start3A_102 = tpu.memref_slice %arg4[%add3A_65, %dma_start3A_101] : memref<5120x64xi32, #tpu.memory_space<hbm>> -> memref<16x64xi32, #tpu.memory_space<hbm>>
        %dma_start3A_103 = arith.constant 0 : i32
        %dma_start3A_104 = tpu.memref_slice %arg4[%add3A_65, %dma_start3A_103] : memref<5120x64xi32, #tpu.memory_space<hbm>> -> memref<16x64xi32, #tpu.memory_space<hbm>>
        tpu.enqueue_dma source(%dma_start3A_104 : memref<16x64xi32, #tpu.memory_space<hbm>>) target(%arg8 : memref<16x64xi32, #tpu.memory_space<vmem>>) target_semaphore(%run_scoped3A : memref<!tpu.dma_semaphore, #tpu.memory_space<semaphore_mem>>)
        %dma_wait3A = arith.constant 0 : i32
        %dma_wait3A_105 = tpu.memref_slice %arg4[%add3A_65, %dma_wait3A] : memref<5120x64xi32, #tpu.memory_space<hbm>> -> memref<16x64xi32, #tpu.memory_space<hbm>>
        %dma_wait3A_106 = arith.constant 0 : i32
        %dma_wait3A_107 = tpu.memref_slice %arg4[%add3A_65, %dma_wait3A_106] : memref<5120x64xi32, #tpu.memory_space<hbm>> -> memref<16x64xi32, #tpu.memory_space<hbm>>
        tpu.wait_dma2 semaphore(%run_scoped3A : memref<!tpu.dma_semaphore, #tpu.memory_space<semaphore_mem>>) src(%dma_wait3A_107 : memref<16x64xi32, #tpu.memory_space<hbm>>) dst(%arg8 : memref<16x64xi32, #tpu.memory_space<vmem>>)
        tpu.yield
      }) : () -> ()
      %dma_start3A = arith.constant 0 : i32
      %dma_start3A_66 = arith.constant 0 : i32
      %dma_start3A_67 = tpu.memref_slice %arg7[%dma_start3A, %dma_start3A_66] : memref<16x64xi32, #tpu.memory_space<vmem>> -> memref<1x64xi32, #tpu.memory_space<vmem>>
      %dma_start3A_68 = tpu.memref_squeeze %dma_start3A_67 : memref<1x64xi32, #tpu.memory_space<vmem>> -> memref<64xi32, #tpu.memory_space<vmem>>
      %dma_start3A_69 = arith.constant 0 : i32
      %dma_start3A_70 = arith.constant 0 : i32
      %dma_start3A_71 = tpu.memref_slice %arg2[%dma_start3A_69, %dma_start3A_70] : memref<10240x128xf32, #tpu.memory_space<hbm>> -> memref<10240x128xf32, #tpu.memory_space<hbm>>
      tpu.enqueue_indirect_dma source(%dma_start3A_71 : memref<10240x128xf32, #tpu.memory_space<hbm>>) target(%arg9 : memref<64x128xf32, #tpu.memory_space<vmem>>) offsets(%dma_start3A_68 : memref<64xi32, #tpu.memory_space<vmem>>) semaphore(%arg14 : memref<!tpu.dma_semaphore, #tpu.memory_space<semaphore_mem>>)
      %dma_start3A_72 = arith.constant 1 : i32
      %dma_start3A_73 = arith.constant 0 : i32
      %dma_start3A_74 = tpu.memref_slice %arg7[%dma_start3A_72, %dma_start3A_73] : memref<16x64xi32, #tpu.memory_space<vmem>> -> memref<1x64xi32, #tpu.memory_space<vmem>>
      %dma_start3A_75 = tpu.memref_squeeze %dma_start3A_74 : memref<1x64xi32, #tpu.memory_space<vmem>> -> memref<64xi32, #tpu.memory_space<vmem>>
      %dma_start3A_76 = arith.constant 0 : i32
      %dma_start3A_77 = arith.constant 0 : i32
      %dma_start3A_78 = tpu.memref_slice %arg2[%dma_start3A_76, %dma_start3A_77] : memref<10240x128xf32, #tpu.memory_space<hbm>> -> memref<10240x128xf32, #tpu.memory_space<hbm>>
      tpu.enqueue_indirect_dma source(%dma_start3A_78 : memref<10240x128xf32, #tpu.memory_space<hbm>>) target(%arg10 : memref<64x128xf32, #tpu.memory_space<vmem>>) offsets(%dma_start3A_75 : memref<64xi32, #tpu.memory_space<vmem>>) semaphore(%arg15 : memref<!tpu.dma_semaphore, #tpu.memory_space<semaphore_mem>>)
      %dma_start3A_79 = arith.constant 2 : i32
      %dma_start3A_80 = arith.constant 0 : i32
      %dma_start3A_81 = tpu.memref_slice %arg7[%dma_start3A_79, %dma_start3A_80] : memref<16x64xi32, #tpu.memory_space<vmem>> -> memref<1x64xi32, #tpu.memory_space<vmem>>
      %dma_start3A_82 = tpu.memref_squeeze %dma_start3A_81 : memref<1x64xi32, #tpu.memory_space<vmem>> -> memref<64xi32, #tpu.memory_space<vmem>>
      %dma_start3A_83 = arith.constant 0 : i32
      %dma_start3A_84 = arith.constant 0 : i32
      %dma_start3A_85 = tpu.memref_slice %arg2[%dma_start3A_83, %dma_start3A_84] : memref<10240x128xf32, #tpu.memory_space<hbm>> -> memref<10240x128xf32, #tpu.memory_space<hbm>>
      tpu.enqueue_indirect_dma source(%dma_start3A_85 : memref<10240x128xf32, #tpu.memory_space<hbm>>) target(%arg11 : memref<64x128xf32, #tpu.memory_space<vmem>>) offsets(%dma_start3A_82 : memref<64xi32, #tpu.memory_space<vmem>>) semaphore(%arg16 : memref<!tpu.dma_semaphore, #tpu.memory_space<semaphore_mem>>)
      %dma_start3A_86 = arith.constant 3 : i32
      %dma_start3A_87 = arith.constant 0 : i32
      %dma_start3A_88 = tpu.memref_slice %arg7[%dma_start3A_86, %dma_start3A_87] : memref<16x64xi32, #tpu.memory_space<vmem>> -> memref<1x64xi32, #tpu.memory_space<vmem>>
      %dma_start3A_89 = tpu.memref_squeeze %dma_start3A_88 : memref<1x64xi32, #tpu.memory_space<vmem>> -> memref<64xi32, #tpu.memory_space<vmem>>
      %dma_start3A_90 = arith.constant 0 : i32
      %dma_start3A_91 = arith.constant 0 : i32
      %dma_start3A_92 = tpu.memref_slice %arg2[%dma_start3A_90, %dma_start3A_91] : memref<10240x128xf32, #tpu.memory_space<hbm>> -> memref<10240x128xf32, #tpu.memory_space<hbm>>
      tpu.enqueue_indirect_dma source(%dma_start3A_92 : memref<10240x128xf32, #tpu.memory_space<hbm>>) target(%arg12 : memref<64x128xf32, #tpu.memory_space<vmem>>) offsets(%dma_start3A_89 : memref<64xi32, #tpu.memory_space<vmem>>) semaphore(%arg17 : memref<!tpu.dma_semaphore, #tpu.memory_space<semaphore_mem>>)
      %scan3A_93 = arith.constant 0 : i32
      %scan3A_94 = arith.constant 0 : i32
      %scan3A_95 = arith.constant 16 : i32
      %scan3A_96 = arith.addi %scan3A_94, %scan3A_95 : i32
      %scan3A_97 = arith.constant 1 : i32
      %scan3A_98 = scf.for %scan3A_101 = %scan3A_94 to %scan3A_96 step %scan3A_97 iter_args(%scan3A_102 = %scan3A_93) -> (i32)  : i32 {
        %jit3A = arith.constant 5 : i32
        %eq3A = arith.constant 0 : i32
        %eq3A_103 = arith.cmpi eq, %jit3A, %eq3A : i32
        %jit3A_104 = arith.constant 1 : i32
        %select_n3A = arith.select %eq3A_103, %jit3A_104, %jit3A : i32
        %rem3A = arith.remsi %scan3A_101, %select_n3A : i32
        %ne3A = arith.constant 0 : i32
        %ne3A_105 = arith.cmpi ne, %rem3A, %ne3A : i32
        %lt3A = arith.constant 0 : i32
        %lt3A_106 = arith.cmpi slt, %rem3A, %lt3A : i32
        %lt3A_107 = arith.constant 0 : i32
        %lt3A_108 = arith.cmpi slt, %select_n3A, %lt3A_107 : i32
        %ne3A_109 = arith.xori %lt3A_106, %lt3A_108 : i1
        %and3A = arith.andi %ne3A_109, %ne3A_105 : i1
        %add3A_110 = arith.addi %rem3A, %select_n3A : i32
        %select_n3A_111 = arith.select %and3A, %add3A_110, %rem3A : i32
        %eq3A_112 = arith.constant 0 : i32
        %eq3A_113 = arith.cmpi eq, %select_n3A_111, %eq3A_112 : i32
        %convert_element_type3A = arith.extui %eq3A_113 : i1 to i32
        %cond3A = arith.constant 0 : i32
        %cond3A_114 = arith.cmpi ne, %convert_element_type3A, %cond3A : i32
        scf.if %cond3A_114 {
          %add3A_200 = arith.constant 4 : i32
          %add3A_201 = arith.addi %scan3A_101, %add3A_200 : i32
          %lt3A_202 = arith.constant 16 : i32
          %lt3A_203 = arith.cmpi slt, %add3A_201, %lt3A_202 : i32
          %convert_element_type3A_204 = arith.extui %lt3A_203 : i1 to i32
          %cond3A_205 = arith.constant 0 : i32
          %cond3A_206 = arith.cmpi ne, %convert_element_type3A_204, %cond3A_205 : i32
          scf.if %cond3A_206 {
            %add3A_212 = arith.constant 4 : i32
            %add3A_213 = arith.addi %scan3A_101, %add3A_212 : i32
            %dma_start3A_214 = arith.constant 0 : i32
            %dma_start3A_215 = tpu.memref_slice %arg7[%add3A_213, %dma_start3A_214] : memref<16x64xi32, #tpu.memory_space<vmem>> -> memref<1x64xi32, #tpu.memory_space<vmem>>
            %dma_start3A_216 = tpu.memref_squeeze %dma_start3A_215 : memref<1x64xi32, #tpu.memory_space<vmem>> -> memref<64xi32, #tpu.memory_space<vmem>>
            %dma_start3A_217 = arith.constant 0 : i32
            %dma_start3A_218 = arith.constant 0 : i32
            %dma_start3A_219 = tpu.memref_slice %arg2[%dma_start3A_217, %dma_start3A_218] : memref<10240x128xf32, #tpu.memory_space<hbm>> -> memref<10240x128xf32, #tpu.memory_space<hbm>>
            tpu.enqueue_indirect_dma source(%dma_start3A_219 : memref<10240x128xf32, #tpu.memory_space<hbm>>) target(%arg13 : memref<64x128xf32, #tpu.memory_space<vmem>>) offsets(%dma_start3A_216 : memref<64xi32, #tpu.memory_space<vmem>>) semaphore(%arg18 : memref<!tpu.dma_semaphore, #tpu.memory_space<semaphore_mem>>)
          } else {
          }
          %dma_wait3A = arith.constant 0 : i32
          %dma_wait3A_207 = tpu.memref_slice %arg7[%scan3A_101, %dma_wait3A] : memref<16x64xi32, #tpu.memory_space<vmem>> -> memref<1x64xi32, #tpu.memory_space<vmem>>
          %dma_wait3A_208 = tpu.memref_squeeze %dma_wait3A_207 : memref<1x64xi32, #tpu.memory_space<vmem>> -> memref<64xi32, #tpu.memory_space<vmem>>
          %dma_wait3A_209 = arith.constant 0 : i32
          %dma_wait3A_210 = arith.constant 0 : i32
          %dma_wait3A_211 = tpu.memref_slice %arg2[%dma_wait3A_209, %dma_wait3A_210] : memref<10240x128xf32, #tpu.memory_space<hbm>> -> memref<10240x128xf32, #tpu.memory_space<hbm>>
          tpu.wait_indirect_dma semaphore(%arg14 : memref<!tpu.dma_semaphore, #tpu.memory_space<semaphore_mem>>) src(%dma_wait3A_211 : memref<10240x128xf32, #tpu.memory_space<hbm>>) dst(%arg9 : memref<64x128xf32, #tpu.memory_space<vmem>>)
          "tpu.region"() ({
            %run_scoped3A = tpu.sem_alloc : memref<!tpu.dma_semaphore, #tpu.memory_space<semaphore_mem>>
            %dma_start3A_212 = arith.constant 0 : i32
            %dma_start3A_213 = tpu.memref_slice %arg8[%scan3A_101, %dma_start3A_212] : memref<16x64xi32, #tpu.memory_space<vmem>> -> memref<1x64xi32, #tpu.memory_space<vmem>>
            %dma_start3A_214 = tpu.memref_squeeze %dma_start3A_213 : memref<1x64xi32, #tpu.memory_space<vmem>> -> memref<64xi32, #tpu.memory_space<vmem>>
            %dma_start3A_215 = arith.constant 0 : i32
            %dma_start3A_216 = arith.constant 0 : i32
            %dma_start3A_217 = tpu.memref_slice %arg6[%dma_start3A_215, %dma_start3A_216] : memref<10240x128xf32, #tpu.memory_space<vmem_shared>> -> memref<10240x128xf32, #tpu.memory_space<vmem_shared>>
            tpu.enqueue_indirect_dma source(%arg9 : memref<64x128xf32, #tpu.memory_space<vmem>>) target(%dma_start3A_217 : memref<10240x128xf32, #tpu.memory_space<vmem_shared>>) offsets(%dma_start3A_214 : memref<64xi32, #tpu.memory_space<vmem>>) semaphore(%run_scoped3A : memref<!tpu.dma_semaphore, #tpu.memory_space<semaphore_mem>>) {add = true}
            %dma_wait3A_218 = arith.constant 0 : i32
            %dma_wait3A_219 = tpu.memref_slice %arg8[%scan3A_101, %dma_wait3A_218] : memref<16x64xi32, #tpu.memory_space<vmem>> -> memref<1x64xi32, #tpu.memory_space<vmem>>
            %dma_wait3A_220 = tpu.memref_squeeze %dma_wait3A_219 : memref<1x64xi32, #tpu.memory_space<vmem>> -> memref<64xi32, #tpu.memory_space<vmem>>
            %dma_wait3A_221 = arith.constant 0 : i32
            %dma_wait3A_222 = arith.constant 0 : i32
            %dma_wait3A_223 = tpu.memref_slice %arg6[%dma_wait3A_221, %dma_wait3A_222] : memref<10240x128xf32, #tpu.memory_space<vmem_shared>> -> memref<10240x128xf32, #tpu.memory_space<vmem_shared>>
            tpu.wait_indirect_dma semaphore(%run_scoped3A : memref<!tpu.dma_semaphore, #tpu.memory_space<semaphore_mem>>) src(%arg9 : memref<64x128xf32, #tpu.memory_space<vmem>>) dst(%dma_wait3A_223 : memref<10240x128xf32, #tpu.memory_space<vmem_shared>>)
            tpu.yield
          }) : () -> ()
        } else {
        }
        %jit3A_115 = arith.constant 5 : i32
        %eq3A_116 = arith.constant 0 : i32
        %eq3A_117 = arith.cmpi eq, %jit3A_115, %eq3A_116 : i32
        %jit3A_118 = arith.constant 1 : i32
        %select_n3A_119 = arith.select %eq3A_117, %jit3A_118, %jit3A_115 : i32
        %rem3A_120 = arith.remsi %scan3A_101, %select_n3A_119 : i32
        %ne3A_121 = arith.constant 0 : i32
        %ne3A_122 = arith.cmpi ne, %rem3A_120, %ne3A_121 : i32
        %lt3A_123 = arith.constant 0 : i32
        %lt3A_124 = arith.cmpi slt, %rem3A_120, %lt3A_123 : i32
        %lt3A_125 = arith.constant 0 : i32
        %lt3A_126 = arith.cmpi slt, %select_n3A_119, %lt3A_125 : i32
        %ne3A_127 = arith.xori %lt3A_124, %lt3A_126 : i1
        %and3A_128 = arith.andi %ne3A_127, %ne3A_122 : i1
        %add3A_129 = arith.addi %rem3A_120, %select_n3A_119 : i32
        %select_n3A_130 = arith.select %and3A_128, %add3A_129, %rem3A_120 : i32
        %eq3A_131 = arith.constant 1 : i32
        %eq3A_132 = arith.cmpi eq, %select_n3A_130, %eq3A_131 : i32
        %convert_element_type3A_133 = arith.extui %eq3A_132 : i1 to i32
        %cond3A_134 = arith.constant 0 : i32
        %cond3A_135 = arith.cmpi ne, %convert_element_type3A_133, %cond3A_134 : i32
        scf.if %cond3A_135 {
          %add3A_200 = arith.constant 4 : i32
          %add3A_201 = arith.addi %scan3A_101, %add3A_200 : i32
          %lt3A_202 = arith.constant 16 : i32
          %lt3A_203 = arith.cmpi slt, %add3A_201, %lt3A_202 : i32
          %convert_element_type3A_204 = arith.extui %lt3A_203 : i1 to i32
          %cond3A_205 = arith.constant 0 : i32
          %cond3A_206 = arith.cmpi ne, %convert_element_type3A_204, %cond3A_205 : i32
          scf.if %cond3A_206 {
            %add3A_212 = arith.constant 4 : i32
            %add3A_213 = arith.addi %scan3A_101, %add3A_212 : i32
            %dma_start3A_214 = arith.constant 0 : i32
            %dma_start3A_215 = tpu.memref_slice %arg7[%add3A_213, %dma_start3A_214] : memref<16x64xi32, #tpu.memory_space<vmem>> -> memref<1x64xi32, #tpu.memory_space<vmem>>
            %dma_start3A_216 = tpu.memref_squeeze %dma_start3A_215 : memref<1x64xi32, #tpu.memory_space<vmem>> -> memref<64xi32, #tpu.memory_space<vmem>>
            %dma_start3A_217 = arith.constant 0 : i32
            %dma_start3A_218 = arith.constant 0 : i32
            %dma_start3A_219 = tpu.memref_slice %arg2[%dma_start3A_217, %dma_start3A_218] : memref<10240x128xf32, #tpu.memory_space<hbm>> -> memref<10240x128xf32, #tpu.memory_space<hbm>>
            tpu.enqueue_indirect_dma source(%dma_start3A_219 : memref<10240x128xf32, #tpu.memory_space<hbm>>) target(%arg9 : memref<64x128xf32, #tpu.memory_space<vmem>>) offsets(%dma_start3A_216 : memref<64xi32, #tpu.memory_space<vmem>>) semaphore(%arg14 : memref<!tpu.dma_semaphore, #tpu.memory_space<semaphore_mem>>)
          } else {
          }
          %dma_wait3A = arith.constant 0 : i32
          %dma_wait3A_207 = tpu.memref_slice %arg7[%scan3A_101, %dma_wait3A] : memref<16x64xi32, #tpu.memory_space<vmem>> -> memref<1x64xi32, #tpu.memory_space<vmem>>
          %dma_wait3A_208 = tpu.memref_squeeze %dma_wait3A_207 : memref<1x64xi32, #tpu.memory_space<vmem>> -> memref<64xi32, #tpu.memory_space<vmem>>
          %dma_wait3A_209 = arith.constant 0 : i32
          %dma_wait3A_210 = arith.constant 0 : i32
          %dma_wait3A_211 = tpu.memref_slice %arg2[%dma_wait3A_209, %dma_wait3A_210] : memref<10240x128xf32, #tpu.memory_space<hbm>> -> memref<10240x128xf32, #tpu.memory_space<hbm>>
          tpu.wait_indirect_dma semaphore(%arg15 : memref<!tpu.dma_semaphore, #tpu.memory_space<semaphore_mem>>) src(%dma_wait3A_211 : memref<10240x128xf32, #tpu.memory_space<hbm>>) dst(%arg10 : memref<64x128xf32, #tpu.memory_space<vmem>>)
          "tpu.region"() ({
            %run_scoped3A = tpu.sem_alloc : memref<!tpu.dma_semaphore, #tpu.memory_space<semaphore_mem>>
            %dma_start3A_212 = arith.constant 0 : i32
            %dma_start3A_213 = tpu.memref_slice %arg8[%scan3A_101, %dma_start3A_212] : memref<16x64xi32, #tpu.memory_space<vmem>> -> memref<1x64xi32, #tpu.memory_space<vmem>>
            %dma_start3A_214 = tpu.memref_squeeze %dma_start3A_213 : memref<1x64xi32, #tpu.memory_space<vmem>> -> memref<64xi32, #tpu.memory_space<vmem>>
            %dma_start3A_215 = arith.constant 0 : i32
            %dma_start3A_216 = arith.constant 0 : i32
            %dma_start3A_217 = tpu.memref_slice %arg6[%dma_start3A_215, %dma_start3A_216] : memref<10240x128xf32, #tpu.memory_space<vmem_shared>> -> memref<10240x128xf32, #tpu.memory_space<vmem_shared>>
            tpu.enqueue_indirect_dma source(%arg10 : memref<64x128xf32, #tpu.memory_space<vmem>>) target(%dma_start3A_217 : memref<10240x128xf32, #tpu.memory_space<vmem_shared>>) offsets(%dma_start3A_214 : memref<64xi32, #tpu.memory_space<vmem>>) semaphore(%run_scoped3A : memref<!tpu.dma_semaphore, #tpu.memory_space<semaphore_mem>>) {add = true}
            %dma_wait3A_218 = arith.constant 0 : i32
            %dma_wait3A_219 = tpu.memref_slice %arg8[%scan3A_101, %dma_wait3A_218] : memref<16x64xi32, #tpu.memory_space<vmem>> -> memref<1x64xi32, #tpu.memory_space<vmem>>
            %dma_wait3A_220 = tpu.memref_squeeze %dma_wait3A_219 : memref<1x64xi32, #tpu.memory_space<vmem>> -> memref<64xi32, #tpu.memory_space<vmem>>
            %dma_wait3A_221 = arith.constant 0 : i32
            %dma_wait3A_222 = arith.constant 0 : i32
            %dma_wait3A_223 = tpu.memref_slice %arg6[%dma_wait3A_221, %dma_wait3A_222] : memref<10240x128xf32, #tpu.memory_space<vmem_shared>> -> memref<10240x128xf32, #tpu.memory_space<vmem_shared>>
            tpu.wait_indirect_dma semaphore(%run_scoped3A : memref<!tpu.dma_semaphore, #tpu.memory_space<semaphore_mem>>) src(%arg10 : memref<64x128xf32, #tpu.memory_space<vmem>>) dst(%dma_wait3A_223 : memref<10240x128xf32, #tpu.memory_space<vmem_shared>>)
            tpu.yield
          }) : () -> ()
        } else {
        }
        %jit3A_136 = arith.constant 5 : i32
        %eq3A_137 = arith.constant 0 : i32
        %eq3A_138 = arith.cmpi eq, %jit3A_136, %eq3A_137 : i32
        %jit3A_139 = arith.constant 1 : i32
        %select_n3A_140 = arith.select %eq3A_138, %jit3A_139, %jit3A_136 : i32
        %rem3A_141 = arith.remsi %scan3A_101, %select_n3A_140 : i32
        %ne3A_142 = arith.constant 0 : i32
        %ne3A_143 = arith.cmpi ne, %rem3A_141, %ne3A_142 : i32
        %lt3A_144 = arith.constant 0 : i32
        %lt3A_145 = arith.cmpi slt, %rem3A_141, %lt3A_144 : i32
        %lt3A_146 = arith.constant 0 : i32
        %lt3A_147 = arith.cmpi slt, %select_n3A_140, %lt3A_146 : i32
        %ne3A_148 = arith.xori %lt3A_145, %lt3A_147 : i1
        %and3A_149 = arith.andi %ne3A_148, %ne3A_143 : i1
        %add3A_150 = arith.addi %rem3A_141, %select_n3A_140 : i32
        %select_n3A_151 = arith.select %and3A_149, %add3A_150, %rem3A_141 : i32
        %eq3A_152 = arith.constant 2 : i32
        %eq3A_153 = arith.cmpi eq, %select_n3A_151, %eq3A_152 : i32
        %convert_element_type3A_154 = arith.extui %eq3A_153 : i1 to i32
        %cond3A_155 = arith.constant 0 : i32
        %cond3A_156 = arith.cmpi ne, %convert_element_type3A_154, %cond3A_155 : i32
        scf.if %cond3A_156 {
          %add3A_200 = arith.constant 4 : i32
          %add3A_201 = arith.addi %scan3A_101, %add3A_200 : i32
          %lt3A_202 = arith.constant 16 : i32
          %lt3A_203 = arith.cmpi slt, %add3A_201, %lt3A_202 : i32
          %convert_element_type3A_204 = arith.extui %lt3A_203 : i1 to i32
          %cond3A_205 = arith.constant 0 : i32
          %cond3A_206 = arith.cmpi ne, %convert_element_type3A_204, %cond3A_205 : i32
          scf.if %cond3A_206 {
            %add3A_212 = arith.constant 4 : i32
            %add3A_213 = arith.addi %scan3A_101, %add3A_212 : i32
            %dma_start3A_214 = arith.constant 0 : i32
            %dma_start3A_215 = tpu.memref_slice %arg7[%add3A_213, %dma_start3A_214] : memref<16x64xi32, #tpu.memory_space<vmem>> -> memref<1x64xi32, #tpu.memory_space<vmem>>
            %dma_start3A_216 = tpu.memref_squeeze %dma_start3A_215 : memref<1x64xi32, #tpu.memory_space<vmem>> -> memref<64xi32, #tpu.memory_space<vmem>>
            %dma_start3A_217 = arith.constant 0 : i32
            %dma_start3A_218 = arith.constant 0 : i32
            %dma_start3A_219 = tpu.memref_slice %arg2[%dma_start3A_217, %dma_start3A_218] : memref<10240x128xf32, #tpu.memory_space<hbm>> -> memref<10240x128xf32, #tpu.memory_space<hbm>>
            tpu.enqueue_indirect_dma source(%dma_start3A_219 : memref<10240x128xf32, #tpu.memory_space<hbm>>) target(%arg10 : memref<64x128xf32, #tpu.memory_space<vmem>>) offsets(%dma_start3A_216 : memref<64xi32, #tpu.memory_space<vmem>>) semaphore(%arg15 : memref<!tpu.dma_semaphore, #tpu.memory_space<semaphore_mem>>)
          } else {
          }
          %dma_wait3A = arith.constant 0 : i32
          %dma_wait3A_207 = tpu.memref_slice %arg7[%scan3A_101, %dma_wait3A] : memref<16x64xi32, #tpu.memory_space<vmem>> -> memref<1x64xi32, #tpu.memory_space<vmem>>
          %dma_wait3A_208 = tpu.memref_squeeze %dma_wait3A_207 : memref<1x64xi32, #tpu.memory_space<vmem>> -> memref<64xi32, #tpu.memory_space<vmem>>
          %dma_wait3A_209 = arith.constant 0 : i32
          %dma_wait3A_210 = arith.constant 0 : i32
          %dma_wait3A_211 = tpu.memref_slice %arg2[%dma_wait3A_209, %dma_wait3A_210] : memref<10240x128xf32, #tpu.memory_space<hbm>> -> memref<10240x128xf32, #tpu.memory_space<hbm>>
          tpu.wait_indirect_dma semaphore(%arg16 : memref<!tpu.dma_semaphore, #tpu.memory_space<semaphore_mem>>) src(%dma_wait3A_211 : memref<10240x128xf32, #tpu.memory_space<hbm>>) dst(%arg11 : memref<64x128xf32, #tpu.memory_space<vmem>>)
          "tpu.region"() ({
            %run_scoped3A = tpu.sem_alloc : memref<!tpu.dma_semaphore, #tpu.memory_space<semaphore_mem>>
            %dma_start3A_212 = arith.constant 0 : i32
            %dma_start3A_213 = tpu.memref_slice %arg8[%scan3A_101, %dma_start3A_212] : memref<16x64xi32, #tpu.memory_space<vmem>> -> memref<1x64xi32, #tpu.memory_space<vmem>>
            %dma_start3A_214 = tpu.memref_squeeze %dma_start3A_213 : memref<1x64xi32, #tpu.memory_space<vmem>> -> memref<64xi32, #tpu.memory_space<vmem>>
            %dma_start3A_215 = arith.constant 0 : i32
            %dma_start3A_216 = arith.constant 0 : i32
            %dma_start3A_217 = tpu.memref_slice %arg6[%dma_start3A_215, %dma_start3A_216] : memref<10240x128xf32, #tpu.memory_space<vmem_shared>> -> memref<10240x128xf32, #tpu.memory_space<vmem_shared>>
            tpu.enqueue_indirect_dma source(%arg11 : memref<64x128xf32, #tpu.memory_space<vmem>>) target(%dma_start3A_217 : memref<10240x128xf32, #tpu.memory_space<vmem_shared>>) offsets(%dma_start3A_214 : memref<64xi32, #tpu.memory_space<vmem>>) semaphore(%run_scoped3A : memref<!tpu.dma_semaphore, #tpu.memory_space<semaphore_mem>>) {add = true}
            %dma_wait3A_218 = arith.constant 0 : i32
            %dma_wait3A_219 = tpu.memref_slice %arg8[%scan3A_101, %dma_wait3A_218] : memref<16x64xi32, #tpu.memory_space<vmem>> -> memref<1x64xi32, #tpu.memory_space<vmem>>
            %dma_wait3A_220 = tpu.memref_squeeze %dma_wait3A_219 : memref<1x64xi32, #tpu.memory_space<vmem>> -> memref<64xi32, #tpu.memory_space<vmem>>
            %dma_wait3A_221 = arith.constant 0 : i32
            %dma_wait3A_222 = arith.constant 0 : i32
            %dma_wait3A_223 = tpu.memref_slice %arg6[%dma_wait3A_221, %dma_wait3A_222] : memref<10240x128xf32, #tpu.memory_space<vmem_shared>> -> memref<10240x128xf32, #tpu.memory_space<vmem_shared>>
            tpu.wait_indirect_dma semaphore(%run_scoped3A : memref<!tpu.dma_semaphore, #tpu.memory_space<semaphore_mem>>) src(%arg11 : memref<64x128xf32, #tpu.memory_space<vmem>>) dst(%dma_wait3A_223 : memref<10240x128xf32, #tpu.memory_space<vmem_shared>>)
            tpu.yield
          }) : () -> ()
        } else {
        }
        %jit3A_157 = arith.constant 5 : i32
        %eq3A_158 = arith.constant 0 : i32
        %eq3A_159 = arith.cmpi eq, %jit3A_157, %eq3A_158 : i32
        %jit3A_160 = arith.constant 1 : i32
        %select_n3A_161 = arith.select %eq3A_159, %jit3A_160, %jit3A_157 : i32
        %rem3A_162 = arith.remsi %scan3A_101, %select_n3A_161 : i32
        %ne3A_163 = arith.constant 0 : i32
        %ne3A_164 = arith.cmpi ne, %rem3A_162, %ne3A_163 : i32
        %lt3A_165 = arith.constant 0 : i32
        %lt3A_166 = arith.cmpi slt, %rem3A_162, %lt3A_165 : i32
        %lt3A_167 = arith.constant 0 : i32
        %lt3A_168 = arith.cmpi slt, %select_n3A_161, %lt3A_167 : i32
        %ne3A_169 = arith.xori %lt3A_166, %lt3A_168 : i1
        %and3A_170 = arith.andi %ne3A_169, %ne3A_164 : i1
        %add3A_171 = arith.addi %rem3A_162, %select_n3A_161 : i32
        %select_n3A_172 = arith.select %and3A_170, %add3A_171, %rem3A_162 : i32
        %eq3A_173 = arith.constant 3 : i32
        %eq3A_174 = arith.cmpi eq, %select_n3A_172, %eq3A_173 : i32
        %convert_element_type3A_175 = arith.extui %eq3A_174 : i1 to i32
        %cond3A_176 = arith.constant 0 : i32
        %cond3A_177 = arith.cmpi ne, %convert_element_type3A_175, %cond3A_176 : i32
        scf.if %cond3A_177 {
          %add3A_200 = arith.constant 4 : i32
          %add3A_201 = arith.addi %scan3A_101, %add3A_200 : i32
          %lt3A_202 = arith.constant 16 : i32
          %lt3A_203 = arith.cmpi slt, %add3A_201, %lt3A_202 : i32
          %convert_element_type3A_204 = arith.extui %lt3A_203 : i1 to i32
          %cond3A_205 = arith.constant 0 : i32
          %cond3A_206 = arith.cmpi ne, %convert_element_type3A_204, %cond3A_205 : i32
          scf.if %cond3A_206 {
            %add3A_212 = arith.constant 4 : i32
            %add3A_213 = arith.addi %scan3A_101, %add3A_212 : i32
            %dma_start3A_214 = arith.constant 0 : i32
            %dma_start3A_215 = tpu.memref_slice %arg7[%add3A_213, %dma_start3A_214] : memref<16x64xi32, #tpu.memory_space<vmem>> -> memref<1x64xi32, #tpu.memory_space<vmem>>
            %dma_start3A_216 = tpu.memref_squeeze %dma_start3A_215 : memref<1x64xi32, #tpu.memory_space<vmem>> -> memref<64xi32, #tpu.memory_space<vmem>>
            %dma_start3A_217 = arith.constant 0 : i32
            %dma_start3A_218 = arith.constant 0 : i32
            %dma_start3A_219 = tpu.memref_slice %arg2[%dma_start3A_217, %dma_start3A_218] : memref<10240x128xf32, #tpu.memory_space<hbm>> -> memref<10240x128xf32, #tpu.memory_space<hbm>>
            tpu.enqueue_indirect_dma source(%dma_start3A_219 : memref<10240x128xf32, #tpu.memory_space<hbm>>) target(%arg11 : memref<64x128xf32, #tpu.memory_space<vmem>>) offsets(%dma_start3A_216 : memref<64xi32, #tpu.memory_space<vmem>>) semaphore(%arg16 : memref<!tpu.dma_semaphore, #tpu.memory_space<semaphore_mem>>)
          } else {
          }
          %dma_wait3A = arith.constant 0 : i32
          %dma_wait3A_207 = tpu.memref_slice %arg7[%scan3A_101, %dma_wait3A] : memref<16x64xi32, #tpu.memory_space<vmem>> -> memref<1x64xi32, #tpu.memory_space<vmem>>
          %dma_wait3A_208 = tpu.memref_squeeze %dma_wait3A_207 : memref<1x64xi32, #tpu.memory_space<vmem>> -> memref<64xi32, #tpu.memory_space<vmem>>
          %dma_wait3A_209 = arith.constant 0 : i32
          %dma_wait3A_210 = arith.constant 0 : i32
          %dma_wait3A_211 = tpu.memref_slice %arg2[%dma_wait3A_209, %dma_wait3A_210] : memref<10240x128xf32, #tpu.memory_space<hbm>> -> memref<10240x128xf32, #tpu.memory_space<hbm>>
          tpu.wait_indirect_dma semaphore(%arg17 : memref<!tpu.dma_semaphore, #tpu.memory_space<semaphore_mem>>) src(%dma_wait3A_211 : memref<10240x128xf32, #tpu.memory_space<hbm>>) dst(%arg12 : memref<64x128xf32, #tpu.memory_space<vmem>>)
          "tpu.region"() ({
            %run_scoped3A = tpu.sem_alloc : memref<!tpu.dma_semaphore, #tpu.memory_space<semaphore_mem>>
            %dma_start3A_212 = arith.constant 0 : i32
            %dma_start3A_213 = tpu.memref_slice %arg8[%scan3A_101, %dma_start3A_212] : memref<16x64xi32, #tpu.memory_space<vmem>> -> memref<1x64xi32, #tpu.memory_space<vmem>>
            %dma_start3A_214 = tpu.memref_squeeze %dma_start3A_213 : memref<1x64xi32, #tpu.memory_space<vmem>> -> memref<64xi32, #tpu.memory_space<vmem>>
            %dma_start3A_215 = arith.constant 0 : i32
            %dma_start3A_216 = arith.constant 0 : i32
            %dma_start3A_217 = tpu.memref_slice %arg6[%dma_start3A_215, %dma_start3A_216] : memref<10240x128xf32, #tpu.memory_space<vmem_shared>> -> memref<10240x128xf32, #tpu.memory_space<vmem_shared>>
            tpu.enqueue_indirect_dma source(%arg12 : memref<64x128xf32, #tpu.memory_space<vmem>>) target(%dma_start3A_217 : memref<10240x128xf32, #tpu.memory_space<vmem_shared>>) offsets(%dma_start3A_214 : memref<64xi32, #tpu.memory_space<vmem>>) semaphore(%run_scoped3A : memref<!tpu.dma_semaphore, #tpu.memory_space<semaphore_mem>>) {add = true}
            %dma_wait3A_218 = arith.constant 0 : i32
            %dma_wait3A_219 = tpu.memref_slice %arg8[%scan3A_101, %dma_wait3A_218] : memref<16x64xi32, #tpu.memory_space<vmem>> -> memref<1x64xi32, #tpu.memory_space<vmem>>
            %dma_wait3A_220 = tpu.memref_squeeze %dma_wait3A_219 : memref<1x64xi32, #tpu.memory_space<vmem>> -> memref<64xi32, #tpu.memory_space<vmem>>
            %dma_wait3A_221 = arith.constant 0 : i32
            %dma_wait3A_222 = arith.constant 0 : i32
            %dma_wait3A_223 = tpu.memref_slice %arg6[%dma_wait3A_221, %dma_wait3A_222] : memref<10240x128xf32, #tpu.memory_space<vmem_shared>> -> memref<10240x128xf32, #tpu.memory_space<vmem_shared>>
            tpu.wait_indirect_dma semaphore(%run_scoped3A : memref<!tpu.dma_semaphore, #tpu.memory_space<semaphore_mem>>) src(%arg12 : memref<64x128xf32, #tpu.memory_space<vmem>>) dst(%dma_wait3A_223 : memref<10240x128xf32, #tpu.memory_space<vmem_shared>>)
            tpu.yield
          }) : () -> ()
        } else {
        }
        %jit3A_178 = arith.constant 5 : i32
        %eq3A_179 = arith.constant 0 : i32
        %eq3A_180 = arith.cmpi eq, %jit3A_178, %eq3A_179 : i32
        %jit3A_181 = arith.constant 1 : i32
        %select_n3A_182 = arith.select %eq3A_180, %jit3A_181, %jit3A_178 : i32
        %rem3A_183 = arith.remsi %scan3A_101, %select_n3A_182 : i32
        %ne3A_184 = arith.constant 0 : i32
        %ne3A_185 = arith.cmpi ne, %rem3A_183, %ne3A_184 : i32
        %lt3A_186 = arith.constant 0 : i32
        %lt3A_187 = arith.cmpi slt, %rem3A_183, %lt3A_186 : i32
        %lt3A_188 = arith.constant 0 : i32
        %lt3A_189 = arith.cmpi slt, %select_n3A_182, %lt3A_188 : i32
        %ne3A_190 = arith.xori %lt3A_187, %lt3A_189 : i1
        %and3A_191 = arith.andi %ne3A_190, %ne3A_185 : i1
        %add3A_192 = arith.addi %rem3A_183, %select_n3A_182 : i32
        %select_n3A_193 = arith.select %and3A_191, %add3A_192, %rem3A_183 : i32
        %eq3A_194 = arith.constant 4 : i32
        %eq3A_195 = arith.cmpi eq, %select_n3A_193, %eq3A_194 : i32
        %convert_element_type3A_196 = arith.extui %eq3A_195 : i1 to i32
        %cond3A_197 = arith.constant 0 : i32
        %cond3A_198 = arith.cmpi ne, %convert_element_type3A_196, %cond3A_197 : i32
        scf.if %cond3A_198 {
          %add3A_200 = arith.constant 4 : i32
          %add3A_201 = arith.addi %scan3A_101, %add3A_200 : i32
          %lt3A_202 = arith.constant 16 : i32
          %lt3A_203 = arith.cmpi slt, %add3A_201, %lt3A_202 : i32
          %convert_element_type3A_204 = arith.extui %lt3A_203 : i1 to i32
          %cond3A_205 = arith.constant 0 : i32
          %cond3A_206 = arith.cmpi ne, %convert_element_type3A_204, %cond3A_205 : i32
          scf.if %cond3A_206 {
            %add3A_212 = arith.constant 4 : i32
            %add3A_213 = arith.addi %scan3A_101, %add3A_212 : i32
            %dma_start3A_214 = arith.constant 0 : i32
            %dma_start3A_215 = tpu.memref_slice %arg7[%add3A_213, %dma_start3A_214] : memref<16x64xi32, #tpu.memory_space<vmem>> -> memref<1x64xi32, #tpu.memory_space<vmem>>
            %dma_start3A_216 = tpu.memref_squeeze %dma_start3A_215 : memref<1x64xi32, #tpu.memory_space<vmem>> -> memref<64xi32, #tpu.memory_space<vmem>>
            %dma_start3A_217 = arith.constant 0 : i32
            %dma_start3A_218 = arith.constant 0 : i32
            %dma_start3A_219 = tpu.memref_slice %arg2[%dma_start3A_217, %dma_start3A_218] : memref<10240x128xf32, #tpu.memory_space<hbm>> -> memref<10240x128xf32, #tpu.memory_space<hbm>>
            tpu.enqueue_indirect_dma source(%dma_start3A_219 : memref<10240x128xf32, #tpu.memory_space<hbm>>) target(%arg12 : memref<64x128xf32, #tpu.memory_space<vmem>>) offsets(%dma_start3A_216 : memref<64xi32, #tpu.memory_space<vmem>>) semaphore(%arg17 : memref<!tpu.dma_semaphore, #tpu.memory_space<semaphore_mem>>)
          } else {
          }
          %dma_wait3A = arith.constant 0 : i32
          %dma_wait3A_207 = tpu.memref_slice %arg7[%scan3A_101, %dma_wait3A] : memref<16x64xi32, #tpu.memory_space<vmem>> -> memref<1x64xi32, #tpu.memory_space<vmem>>
          %dma_wait3A_208 = tpu.memref_squeeze %dma_wait3A_207 : memref<1x64xi32, #tpu.memory_space<vmem>> -> memref<64xi32, #tpu.memory_space<vmem>>
          %dma_wait3A_209 = arith.constant 0 : i32
          %dma_wait3A_210 = arith.constant 0 : i32
          %dma_wait3A_211 = tpu.memref_slice %arg2[%dma_wait3A_209, %dma_wait3A_210] : memref<10240x128xf32, #tpu.memory_space<hbm>> -> memref<10240x128xf32, #tpu.memory_space<hbm>>
          tpu.wait_indirect_dma semaphore(%arg18 : memref<!tpu.dma_semaphore, #tpu.memory_space<semaphore_mem>>) src(%dma_wait3A_211 : memref<10240x128xf32, #tpu.memory_space<hbm>>) dst(%arg13 : memref<64x128xf32, #tpu.memory_space<vmem>>)
          "tpu.region"() ({
            %run_scoped3A = tpu.sem_alloc : memref<!tpu.dma_semaphore, #tpu.memory_space<semaphore_mem>>
            %dma_start3A_212 = arith.constant 0 : i32
            %dma_start3A_213 = tpu.memref_slice %arg8[%scan3A_101, %dma_start3A_212] : memref<16x64xi32, #tpu.memory_space<vmem>> -> memref<1x64xi32, #tpu.memory_space<vmem>>
            %dma_start3A_214 = tpu.memref_squeeze %dma_start3A_213 : memref<1x64xi32, #tpu.memory_space<vmem>> -> memref<64xi32, #tpu.memory_space<vmem>>
            %dma_start3A_215 = arith.constant 0 : i32
            %dma_start3A_216 = arith.constant 0 : i32
            %dma_start3A_217 = tpu.memref_slice %arg6[%dma_start3A_215, %dma_start3A_216] : memref<10240x128xf32, #tpu.memory_space<vmem_shared>> -> memref<10240x128xf32, #tpu.memory_space<vmem_shared>>
            tpu.enqueue_indirect_dma source(%arg13 : memref<64x128xf32, #tpu.memory_space<vmem>>) target(%dma_start3A_217 : memref<10240x128xf32, #tpu.memory_space<vmem_shared>>) offsets(%dma_start3A_214 : memref<64xi32, #tpu.memory_space<vmem>>) semaphore(%run_scoped3A : memref<!tpu.dma_semaphore, #tpu.memory_space<semaphore_mem>>) {add = true}
            %dma_wait3A_218 = arith.constant 0 : i32
            %dma_wait3A_219 = tpu.memref_slice %arg8[%scan3A_101, %dma_wait3A_218] : memref<16x64xi32, #tpu.memory_space<vmem>> -> memref<1x64xi32, #tpu.memory_space<vmem>>
            %dma_wait3A_220 = tpu.memref_squeeze %dma_wait3A_219 : memref<1x64xi32, #tpu.memory_space<vmem>> -> memref<64xi32, #tpu.memory_space<vmem>>
            %dma_wait3A_221 = arith.constant 0 : i32
            %dma_wait3A_222 = arith.constant 0 : i32
            %dma_wait3A_223 = tpu.memref_slice %arg6[%dma_wait3A_221, %dma_wait3A_222] : memref<10240x128xf32, #tpu.memory_space<vmem_shared>> -> memref<10240x128xf32, #tpu.memory_space<vmem_shared>>
            tpu.wait_indirect_dma semaphore(%run_scoped3A : memref<!tpu.dma_semaphore, #tpu.memory_space<semaphore_mem>>) src(%arg13 : memref<64x128xf32, #tpu.memory_space<vmem>>) dst(%dma_wait3A_223 : memref<10240x128xf32, #tpu.memory_space<vmem_shared>>)
            tpu.yield
          }) : () -> ()
        } else {
        }
        %scan3A_199 = arith.constant 0 : i32
        scf.yield %scan3A_199 : i32
      }
      %scan3A_99 = arith.constant 16 : i32
      %scan3A_100 = arith.constant 0 : i32
      scf.yield %scan3A_100 : i32
    }
    %scan3A_53 = arith.constant 10 : i32
    %barrier3A_54 = arith.constant 0 : index
    tpu.barrier barrier_id(%barrier3A_54)
    %mul3A_55 = arith.constant 640 : i32
    %mul3A_56 = arith.muli %arg1, %mul3A_55 : i32
    %mul3A_57 = arith.constant 640 : i32
    %mul3A_58 = arith.muli %arg1, %mul3A_57 : i32
    "tpu.region"() ({
      %run_scoped3A = tpu.sem_alloc : memref<!tpu.dma_semaphore, #tpu.memory_space<semaphore_mem>>
      %dma_start3A = arith.constant 0 : i32
      %dma_start3A_59 = arith.constant 0 : i32
      %dma_start3A_60 = tpu.memref_slice %arg5[%arg0, %dma_start3A, %dma_start3A_59] : memref<2x10240x128xf32, #tpu.memory_space<hbm>> -> memref<1x10240x128xf32, #tpu.memory_space<hbm>>
      %dma_start3A_61 = tpu.memref_squeeze %dma_start3A_60 : memref<1x10240x128xf32, #tpu.memory_space<hbm>> -> memref<10240x128xf32, #tpu.memory_space<hbm>>
      %dma_start3A_62 = arith.constant 0 : i32
      %dma_start3A_63 = tpu.memref_slice %dma_start3A_61[%mul3A_58, %dma_start3A_62] : memref<10240x128xf32, #tpu.memory_space<hbm>> -> memref<640x128xf32, #tpu.memory_space<hbm>>
      %dma_start3A_64 = arith.constant 0 : i32
      %dma_start3A_65 = tpu.memref_slice %arg6[%mul3A_56, %dma_start3A_64] : memref<10240x128xf32, #tpu.memory_space<vmem_shared>> -> memref<640x128xf32, #tpu.memory_space<vmem_shared>>
      tpu.enqueue_dma source(%dma_start3A_65 : memref<640x128xf32, #tpu.memory_space<vmem_shared>>) target(%dma_start3A_63 : memref<640x128xf32, #tpu.memory_space<hbm>>) target_semaphore(%run_scoped3A : memref<!tpu.dma_semaphore, #tpu.memory_space<semaphore_mem>>)
      %dma_wait3A = arith.constant 0 : i32
      %dma_wait3A_66 = arith.constant 0 : i32
      %dma_wait3A_67 = tpu.memref_slice %arg5[%arg0, %dma_wait3A, %dma_wait3A_66] : memref<2x10240x128xf32, #tpu.memory_space<hbm>> -> memref<1x10240x128xf32, #tpu.memory_space<hbm>>
      %dma_wait3A_68 = tpu.memref_squeeze %dma_wait3A_67 : memref<1x10240x128xf32, #tpu.memory_space<hbm>> -> memref<10240x128xf32, #tpu.memory_space<hbm>>
      %dma_wait3A_69 = arith.constant 0 : i32
      %dma_wait3A_70 = tpu.memref_slice %dma_wait3A_68[%mul3A_58, %dma_wait3A_69] : memref<10240x128xf32, #tpu.memory_space<hbm>> -> memref<640x128xf32, #tpu.memory_space<hbm>>
      %dma_wait3A_71 = arith.constant 0 : i32
      %dma_wait3A_72 = tpu.memref_slice %arg6[%mul3A_56, %dma_wait3A_71] : memref<10240x128xf32, #tpu.memory_space<vmem_shared>> -> memref<640x128xf32, #tpu.memory_space<vmem_shared>>
      tpu.wait_dma2 semaphore(%run_scoped3A : memref<!tpu.dma_semaphore, #tpu.memory_space<semaphore_mem>>) src(%dma_wait3A_72 : memref<640x128xf32, #tpu.memory_space<vmem_shared>>) dst(%dma_wait3A_70 : memref<640x128xf32, #tpu.memory_space<hbm>>)
      tpu.yield
    }) : () -> ()
    return
  }
}

module attributes {stable_mosaic.version = 14 : i64} {
  func.func @_b1_body(%arg0: i32, %arg1: memref<512x128xf32, #tpu.memory_space<vmem>>, %arg2: memref<128x128xf32, #tpu.memory_space<vmem>>, %arg3: memref<128xf32, #tpu.memory_space<vmem>>, %arg4: memref<128xf32, #tpu.memory_space<vmem>>, %arg5: memref<128xf32, #tpu.memory_space<vmem>>, %arg6: memref<128x128xf32, #tpu.memory_space<vmem>>, %arg7: memref<128xf32, #tpu.memory_space<vmem>>, %arg8: memref<128x128xf32, #tpu.memory_space<vmem>>, %arg9: memref<128xf32, #tpu.memory_space<vmem>>, %arg10: memref<512x128xf32, #tpu.memory_space<vmem>>, %arg11: memref<512x128xf32, #tpu.memory_space<vmem>>, %arg12: memref<512x128xf32, #tpu.memory_space<vmem>>, %arg13: memref<128x128xf32, #tpu.memory_space<vmem>>, %arg14: memref<8x128xf32, #tpu.memory_space<vmem>>) attributes {dimension_semantics = [#tpu.dimension_semantics<arbitrary>], iteration_bounds = array<i64: 20>, scalar_prefetch = 0 : i64, scratch_operands = 0 : i64, tpu.core_type = #tpu.core_type<tc>, window_params = [{transform_indices = @transform_0, window_bounds = array<i64: 512, 128>}, {pipeline_mode = #tpu.pipeline_mode<synchronous>, transform_indices = @transform_1, window_bounds = array<i64: 128, 128>}, {pipeline_mode = #tpu.pipeline_mode<synchronous>, transform_indices = @transform_2, window_bounds = array<i64: 128>}, {pipeline_mode = #tpu.pipeline_mode<synchronous>, transform_indices = @transform_3, window_bounds = array<i64: 128>}, {pipeline_mode = #tpu.pipeline_mode<synchronous>, transform_indices = @transform_4, window_bounds = array<i64: 128>}, {pipeline_mode = #tpu.pipeline_mode<synchronous>, transform_indices = @transform_5, window_bounds = array<i64: 128, 128>}, {pipeline_mode = #tpu.pipeline_mode<synchronous>, transform_indices = @transform_6, window_bounds = array<i64: 128>}, {pipeline_mode = #tpu.pipeline_mode<synchronous>, transform_indices = @transform_7, window_bounds = array<i64: 128, 128>}, {pipeline_mode = #tpu.pipeline_mode<synchronous>, transform_indices = @transform_8, window_bounds = array<i64: 128>}, {transform_indices = @transform_9, window_bounds = array<i64: 512, 128>}, {transform_indices = @transform_10, window_bounds = array<i64: 512, 128>}, {transform_indices = @transform_11, window_bounds = array<i64: 512, 128>}, {pipeline_mode = #tpu.pipeline_mode<synchronous>, transform_indices = @transform_12, window_bounds = array<i64: 128, 128>}, {pipeline_mode = #tpu.pipeline_mode<synchronous>, transform_indices = @transform_13, window_bounds = array<i64: 8, 128>}]} {
    %eq3A = arith.constant 0 : i32
    %eq3A_0 = arith.cmpi eq, %arg0, %eq3A : i32
    %convert_element_type3A = arith.extui %eq3A_0 : i1 to i32
    %cond3A = arith.constant 0 : i32
    %cond3A_1 = arith.cmpi ne, %convert_element_type3A, %cond3A : i32
    scf.if %cond3A_1 {
      %broadcast_in_dim3A_106 = arith.constant 0.000000e+00 : f32
      %broadcast_in_dim3A_107 = vector.broadcast %broadcast_in_dim3A_106 : f32 to vector<128x128xf32>
      %swap3A_108 = arith.constant 0 : index
      %swap3A_109 = arith.constant 0 : index
      %swap3A_110 = vector.load %arg13[%swap3A_108, %swap3A_109] : memref<128x128xf32, #tpu.memory_space<vmem>>, vector<128x128xf32>
      tpu.vector_store %arg13[%swap3A_108, %swap3A_109], %broadcast_in_dim3A_107 {strides = array<i32>} : memref<128x128xf32, #tpu.memory_space<vmem>>, vector<128x128xf32>,
      %broadcast_in_dim3A_111 = arith.constant 0.000000e+00 : f32
      %broadcast_in_dim3A_112 = vector.broadcast %broadcast_in_dim3A_111 : f32 to vector<8x128xf32>
      %swap3A_113 = arith.constant 0 : index
      %swap3A_114 = arith.constant 0 : index
      %swap3A_115 = vector.load %arg14[%swap3A_113, %swap3A_114] : memref<8x128xf32, #tpu.memory_space<vmem>>, vector<8x128xf32>
      tpu.vector_store %arg14[%swap3A_113, %swap3A_114], %broadcast_in_dim3A_112 {strides = array<i32>} : memref<8x128xf32, #tpu.memory_space<vmem>>, vector<8x128xf32>,
    } else {
    }
    %get3A = arith.constant 0 : index
    %get3A_2 = arith.constant 0 : index
    %get3A_3 = vector.load %arg1[%get3A, %get3A_2] : memref<512x128xf32, #tpu.memory_space<vmem>>, vector<512x128xf32>
    %get3A_4 = arith.constant 0 : index
    %get3A_5 = arith.constant 0 : index
    %get3A_6 = vector.load %arg2[%get3A_4, %get3A_5] : memref<128x128xf32, #tpu.memory_space<vmem>>, vector<128x128xf32>
    %dot_general3A = arith.constant dense<0.000000e+00> : vector<512x128xf32>
    %dot_general3A_7 = tpu.matmul %get3A_3, %get3A_6, %dot_general3A {dimension_numbers = #tpu.dot_dimension_numbers<[1], [0], [0], [1], [0, 0, 1, 1], [], []>, transpose_lhs_hint = false} : vector<512x128xf32>, vector<128x128xf32>, vector<512x128xf32> -> vector<512x128xf32>
    %get3A_8 = arith.constant 0 : index
    %get3A_9 = vector.load %arg3[%get3A_8] : memref<128xf32, #tpu.memory_space<vmem>>, vector<128xf32>
    %broadcast_in_dim3A = vector.shape_cast %get3A_9 : vector<128xf32> to vector<1x128xf32>
    %add3A = vector.broadcast %broadcast_in_dim3A : vector<1x128xf32> to vector<512x128xf32>
    %add3A_10 = arith.addf %dot_general3A_7, %add3A : vector<512x128xf32>
    %get3A_11 = arith.constant 0 : index
    %get3A_12 = vector.load %arg4[%get3A_11] : memref<128xf32, #tpu.memory_space<vmem>>, vector<128xf32>
    %broadcast_in_dim3A_13 = vector.shape_cast %get3A_12 : vector<128xf32> to vector<1x128xf32>
    %mul3A = vector.broadcast %broadcast_in_dim3A_13 : vector<1x128xf32> to vector<512x128xf32>
    %mul3A_14 = arith.mulf %add3A_10, %mul3A : vector<512x128xf32>
    %div3A = arith.constant 1.00000501 : f32
    %div3A_15 = vector.broadcast %div3A : f32 to vector<512x128xf32>
    %div3A_16 = arith.divf %mul3A_14, %div3A_15 : vector<512x128xf32>
    %get3A_17 = arith.constant 0 : index
    %get3A_18 = vector.load %arg5[%get3A_17] : memref<128xf32, #tpu.memory_space<vmem>>, vector<128xf32>
    %broadcast_in_dim3A_19 = vector.shape_cast %get3A_18 : vector<128xf32> to vector<1x128xf32>
    %add3A_20 = vector.broadcast %broadcast_in_dim3A_19 : vector<1x128xf32> to vector<512x128xf32>
    %add3A_21 = arith.addf %div3A_16, %add3A_20 : vector<512x128xf32>
    %max3A = arith.constant 0.000000e+00 : f32
    %max3A_22 = vector.broadcast %max3A : f32 to vector<512x128xf32>
    %max3A_23 = arith.maximumf %add3A_21, %max3A_22 : vector<512x128xf32>
    %mul3A_24 = arith.constant 512 : i32
    %mul3A_25 = arith.muli %arg0, %mul3A_24 : i32
    %iota3A = tpu.iota {dimensions = array<i32: 0>} : vector<512x1xi32>
    %add3A_26 = vector.broadcast %mul3A_25 : i32 to vector<512x1xi32>
    %add3A_27 = arith.addi %add3A_26, %iota3A : vector<512x1xi32>
    %lt3A = arith.constant 10000 : i32
    %lt3A_28 = vector.broadcast %lt3A : i32 to vector<512x1xi32>
    %lt3A_29 = arith.cmpi slt, %add3A_27, %lt3A_28 : vector<512x1xi32>
    %jit3A = arith.constant 0.000000e+00 : f32
    %broadcast_in_dim3A_30 = vector.shape_cast %lt3A_29 : vector<512x1xi1> to vector<512x1xi1>
    %broadcast_in_dim3A_31 = vector.broadcast %broadcast_in_dim3A_30 : vector<512x1xi1> to vector<512x128xi1>
    %broadcast_in_dim3A_32 = vector.broadcast %jit3A : f32 to vector<512x128xf32>
    %select_n3A = arith.select %broadcast_in_dim3A_31, %max3A_23, %broadcast_in_dim3A_32 : vector<512x128xi1>, vector<512x128xf32>
    %get3A_33 = arith.constant 0 : index
    %get3A_34 = arith.constant 0 : index
    %get3A_35 = vector.load %arg6[%get3A_33, %get3A_34] : memref<128x128xf32, #tpu.memory_space<vmem>>, vector<128x128xf32>
    %dot_general3A_36 = arith.constant dense<0.000000e+00> : vector<512x128xf32>
    %dot_general3A_37 = tpu.matmul %select_n3A, %get3A_35, %dot_general3A_36 {dimension_numbers = #tpu.dot_dimension_numbers<[1], [0], [0], [1], [0, 0, 1, 1], [], []>, transpose_lhs_hint = false} : vector<512x128xf32>, vector<128x128xf32>, vector<512x128xf32> -> vector<512x128xf32>
    %get3A_38 = arith.constant 0 : index
    %get3A_39 = vector.load %arg7[%get3A_38] : memref<128xf32, #tpu.memory_space<vmem>>, vector<128xf32>
    %broadcast_in_dim3A_40 = vector.shape_cast %get3A_39 : vector<128xf32> to vector<1x128xf32>
    %add3A_41 = vector.broadcast %broadcast_in_dim3A_40 : vector<1x128xf32> to vector<512x128xf32>
    %add3A_42 = arith.addf %dot_general3A_37, %add3A_41 : vector<512x128xf32>
    %get3A_43 = arith.constant 0 : index
    %get3A_44 = arith.constant 0 : index
    %get3A_45 = vector.load %arg8[%get3A_43, %get3A_44] : memref<128x128xf32, #tpu.memory_space<vmem>>, vector<128x128xf32>
    %dot_general3A_46 = arith.constant dense<0.000000e+00> : vector<512x128xf32>
    %dot_general3A_47 = tpu.matmul %select_n3A, %get3A_45, %dot_general3A_46 {dimension_numbers = #tpu.dot_dimension_numbers<[1], [0], [0], [1], [0, 0, 1, 1], [], []>, transpose_lhs_hint = false} : vector<512x128xf32>, vector<128x128xf32>, vector<512x128xf32> -> vector<512x128xf32>
    %get3A_48 = arith.constant 0 : index
    %get3A_49 = vector.load %arg9[%get3A_48] : memref<128xf32, #tpu.memory_space<vmem>>, vector<128xf32>
    %broadcast_in_dim3A_50 = vector.shape_cast %get3A_49 : vector<128xf32> to vector<1x128xf32>
    %add3A_51 = vector.broadcast %broadcast_in_dim3A_50 : vector<1x128xf32> to vector<512x128xf32>
    %add3A_52 = arith.addf %dot_general3A_47, %add3A_51 : vector<512x128xf32>
    %mul3A_53 = arith.mulf %add3A_42, %add3A_42 : vector<512x128xf32>
    %reduce_sum3A = arith.constant dense<0.000000e+00> : vector<512xf32>
    %reduce_sum3A_54 = vector.multi_reduction <add>, %mul3A_53, %reduce_sum3A [1] : vector<512x128xf32> to vector<512xf32>
    %broadcast_in_dim3A_55 = vector.shape_cast %reduce_sum3A_54 : vector<512xf32> to vector<512x1xf32>
    %sqrt3A = math.sqrt %broadcast_in_dim3A_55 : vector<512x1xf32>
    %mul3A_56 = arith.mulf %add3A_52, %add3A_52 : vector<512x128xf32>
    %reduce_sum3A_57 = arith.constant dense<0.000000e+00> : vector<512xf32>
    %reduce_sum3A_58 = vector.multi_reduction <add>, %mul3A_56, %reduce_sum3A_57 [1] : vector<512x128xf32> to vector<512xf32>
    %broadcast_in_dim3A_59 = vector.shape_cast %reduce_sum3A_58 : vector<512xf32> to vector<512x1xf32>
    %sqrt3A_60 = math.sqrt %broadcast_in_dim3A_59 : vector<512x1xf32>
    %broadcast_in_dim3A_61 = vector.shape_cast %sqrt3A : vector<512x1xf32> to vector<512x1xf32>
    %broadcast_in_dim3A_62 = vector.broadcast %broadcast_in_dim3A_61 : vector<512x1xf32> to vector<512x128xf32>
    %div3A_63 = arith.divf %add3A_42, %broadcast_in_dim3A_62 : vector<512x128xf32>
    %jit3A_64 = arith.constant 0.000000e+00 : f32
    %broadcast_in_dim3A_65 = vector.shape_cast %lt3A_29 : vector<512x1xi1> to vector<512x1xi1>
    %broadcast_in_dim3A_66 = vector.broadcast %broadcast_in_dim3A_65 : vector<512x1xi1> to vector<512x128xi1>
    %broadcast_in_dim3A_67 = vector.broadcast %jit3A_64 : f32 to vector<512x128xf32>
    %select_n3A_68 = arith.select %broadcast_in_dim3A_66, %div3A_63, %broadcast_in_dim3A_67 : vector<512x128xi1>, vector<512x128xf32>
    %broadcast_in_dim3A_69 = vector.shape_cast %sqrt3A_60 : vector<512x1xf32> to vector<512x1xf32>
    %broadcast_in_dim3A_70 = vector.broadcast %broadcast_in_dim3A_69 : vector<512x1xf32> to vector<512x128xf32>
    %div3A_71 = arith.divf %add3A_52, %broadcast_in_dim3A_70 : vector<512x128xf32>
    %jit3A_72 = arith.constant 0.000000e+00 : f32
    %broadcast_in_dim3A_73 = vector.shape_cast %lt3A_29 : vector<512x1xi1> to vector<512x1xi1>
    %broadcast_in_dim3A_74 = vector.broadcast %broadcast_in_dim3A_73 : vector<512x1xi1> to vector<512x128xi1>
    %broadcast_in_dim3A_75 = vector.broadcast %jit3A_72 : f32 to vector<512x128xf32>
    %select_n3A_76 = arith.select %broadcast_in_dim3A_74, %div3A_71, %broadcast_in_dim3A_75 : vector<512x128xi1>, vector<512x128xf32>
    %swap3A = arith.constant 0 : index
    %swap3A_77 = arith.constant 0 : index
    %swap3A_78 = vector.load %arg10[%swap3A, %swap3A_77] : memref<512x128xf32, #tpu.memory_space<vmem>>, vector<512x128xf32>
    tpu.vector_store %arg10[%swap3A, %swap3A_77], %select_n3A {strides = array<i32>} : memref<512x128xf32, #tpu.memory_space<vmem>>, vector<512x128xf32>,
    %swap3A_79 = arith.constant 0 : index
    %swap3A_80 = arith.constant 0 : index
    %swap3A_81 = vector.load %arg11[%swap3A_79, %swap3A_80] : memref<512x128xf32, #tpu.memory_space<vmem>>, vector<512x128xf32>
    tpu.vector_store %arg11[%swap3A_79, %swap3A_80], %select_n3A_68 {strides = array<i32>} : memref<512x128xf32, #tpu.memory_space<vmem>>, vector<512x128xf32>,
    %swap3A_82 = arith.constant 0 : index
    %swap3A_83 = arith.constant 0 : index
    %swap3A_84 = vector.load %arg12[%swap3A_82, %swap3A_83] : memref<512x128xf32, #tpu.memory_space<vmem>>, vector<512x128xf32>
    tpu.vector_store %arg12[%swap3A_82, %swap3A_83], %select_n3A_76 {strides = array<i32>} : memref<512x128xf32, #tpu.memory_space<vmem>>, vector<512x128xf32>,
    %get3A_85 = arith.constant 0 : index
    %get3A_86 = arith.constant 0 : index
    %get3A_87 = vector.load %arg13[%get3A_85, %get3A_86] : memref<128x128xf32, #tpu.memory_space<vmem>>, vector<128x128xf32>
    %dot_general3A_88 = arith.constant dense<0.000000e+00> : vector<128x128xf32>
    %dot_general3A_89 = tpu.matmul %select_n3A_76, %select_n3A, %dot_general3A_88 {dimension_numbers = #tpu.dot_dimension_numbers<[0], [0], [1], [1], [0, 1, 1, 1], [], []>, transpose_lhs_hint = false} : vector<512x128xf32>, vector<512x128xf32>, vector<128x128xf32> -> vector<128x128xf32>
    %add3A_90 = arith.addf %get3A_87, %dot_general3A_89 : vector<128x128xf32>
    %swap3A_91 = arith.constant 0 : index
    %swap3A_92 = arith.constant 0 : index
    %swap3A_93 = vector.load %arg13[%swap3A_91, %swap3A_92] : memref<128x128xf32, #tpu.memory_space<vmem>>, vector<128x128xf32>
    tpu.vector_store %arg13[%swap3A_91, %swap3A_92], %add3A_90 {strides = array<i32>} : memref<128x128xf32, #tpu.memory_space<vmem>>, vector<128x128xf32>,
    %get3A_94 = arith.constant 0 : index
    %get3A_95 = arith.constant 0 : index
    %get3A_96 = vector.load %arg14[%get3A_94, %get3A_95] : memref<8x128xf32, #tpu.memory_space<vmem>>, vector<8x128xf32>
    %reduce_sum3A_97 = arith.constant dense<0.000000e+00> : vector<128xf32>
    %reduce_sum3A_98 = vector.multi_reduction <add>, %select_n3A, %reduce_sum3A_97 [0] : vector<512x128xf32> to vector<128xf32>
    %broadcast_in_dim3A_99 = vector.shape_cast %reduce_sum3A_98 : vector<128xf32> to vector<1x128xf32>
    %broadcast_in_dim3A_100 = vector.shape_cast %broadcast_in_dim3A_99 : vector<1x128xf32> to vector<1x128xf32>
    %broadcast_in_dim3A_101 = vector.broadcast %broadcast_in_dim3A_100 : vector<1x128xf32> to vector<8x128xf32>
    %add3A_102 = arith.addf %get3A_96, %broadcast_in_dim3A_101 : vector<8x128xf32>
    %swap3A_103 = arith.constant 0 : index
    %swap3A_104 = arith.constant 0 : index
    %swap3A_105 = vector.load %arg14[%swap3A_103, %swap3A_104] : memref<8x128xf32, #tpu.memory_space<vmem>>, vector<8x128xf32>
    tpu.vector_store %arg14[%swap3A_103, %swap3A_104], %add3A_102 {strides = array<i32>} : memref<8x128xf32, #tpu.memory_space<vmem>>, vector<8x128xf32>,
    return
  }
  func.func @transform_0(%arg0: i32) -> (i32, i32) {
    %c0_i32 = arith.constant 0 : i32
    %c0_i32_0 = arith.constant 0 : i32
    return %arg0, %c0_i32 : i32, i32
  }
  func.func @transform_1(%arg0: i32) -> (i32, i32) {
    %c0_i32 = arith.constant 0 : i32
    %c0_i32_0 = arith.constant 0 : i32
    %c0_i32_1 = arith.constant 0 : i32
    return %c0_i32, %c0_i32_0 : i32, i32
  }
  func.func @transform_2(%arg0: i32) -> i32 {
    %c0_i32 = arith.constant 0 : i32
    %c0_i32_0 = arith.constant 0 : i32
    return %c0_i32 : i32
  }
  func.func @transform_3(%arg0: i32) -> i32 {
    %c0_i32 = arith.constant 0 : i32
    %c0_i32_0 = arith.constant 0 : i32
    return %c0_i32 : i32
  }
  func.func @transform_4(%arg0: i32) -> i32 {
    %c0_i32 = arith.constant 0 : i32
    %c0_i32_0 = arith.constant 0 : i32
    return %c0_i32 : i32
  }
  func.func @transform_5(%arg0: i32) -> (i32, i32) {
    %c0_i32 = arith.constant 0 : i32
    %c0_i32_0 = arith.constant 0 : i32
    %c0_i32_1 = arith.constant 0 : i32
    return %c0_i32, %c0_i32_0 : i32, i32
  }
  func.func @transform_6(%arg0: i32) -> i32 {
    %c0_i32 = arith.constant 0 : i32
    %c0_i32_0 = arith.constant 0 : i32
    return %c0_i32 : i32
  }
  func.func @transform_7(%arg0: i32) -> (i32, i32) {
    %c0_i32 = arith.constant 0 : i32
    %c0_i32_0 = arith.constant 0 : i32
    %c0_i32_1 = arith.constant 0 : i32
    return %c0_i32, %c0_i32_0 : i32, i32
  }
  func.func @transform_8(%arg0: i32) -> i32 {
    %c0_i32 = arith.constant 0 : i32
    %c0_i32_0 = arith.constant 0 : i32
    return %c0_i32 : i32
  }
  func.func @transform_9(%arg0: i32) -> (i32, i32) {
    %c0_i32 = arith.constant 0 : i32
    %c0_i32_0 = arith.constant 0 : i32
    return %arg0, %c0_i32 : i32, i32
  }
  func.func @transform_10(%arg0: i32) -> (i32, i32) {
    %c0_i32 = arith.constant 0 : i32
    %c0_i32_0 = arith.constant 0 : i32
    return %arg0, %c0_i32 : i32, i32
  }
  func.func @transform_11(%arg0: i32) -> (i32, i32) {
    %c0_i32 = arith.constant 0 : i32
    %c0_i32_0 = arith.constant 0 : i32
    return %arg0, %c0_i32 : i32, i32
  }
  func.func @transform_12(%arg0: i32) -> (i32, i32) {
    %c0_i32 = arith.constant 0 : i32
    %c0_i32_0 = arith.constant 0 : i32
    %c0_i32_1 = arith.constant 0 : i32
    return %c0_i32, %c0_i32_0 : i32, i32
  }
  func.func @transform_13(%arg0: i32) -> (i32, i32) {
    %c0_i32 = arith.constant 0 : i32
    %c0_i32_0 = arith.constant 0 : i32
    %c0_i32_1 = arith.constant 0 : i32
    return %c0_i32, %c0_i32_0 : i32, i32
  }
}

module attributes {stable_mosaic.version = 14 : i64} {
  func.func @_b2_body(%arg0: i32, %arg1: memref<512x128xf32, #tpu.memory_space<vmem>>, %arg2: memref<512x128xf32, #tpu.memory_space<vmem>>, %arg3: memref<128x128xf32, #tpu.memory_space<vmem>>, %arg4: memref<128x128xf32, #tpu.memory_space<vmem>>, %arg5: memref<8x128xf32, #tpu.memory_space<vmem>>, %arg6: memref<2x512x128xf32, #tpu.memory_space<vmem>>, %arg7: memref<512x128xf32, #tpu.memory_space<vmem>>, %arg8: memref<512x128xf32, #tpu.memory_space<vmem>>, %arg9: memref<512x128xf32, #tpu.memory_space<vmem>>) attributes {dimension_semantics = [#tpu.dimension_semantics<arbitrary>], iteration_bounds = array<i64: 20>, scalar_prefetch = 0 : i64, scratch_operands = 0 : i64, tpu.core_type = #tpu.core_type<tc>, window_params = [{transform_indices = @transform_0, window_bounds = array<i64: 512, 128>}, {transform_indices = @transform_1, window_bounds = array<i64: 512, 128>}, {pipeline_mode = #tpu.pipeline_mode<synchronous>, transform_indices = @transform_2, window_bounds = array<i64: 128, 128>}, {pipeline_mode = #tpu.pipeline_mode<synchronous>, transform_indices = @transform_3, window_bounds = array<i64: 128, 128>}, {pipeline_mode = #tpu.pipeline_mode<synchronous>, transform_indices = @transform_4, window_bounds = array<i64: 8, 128>}, {transform_indices = @transform_5, window_bounds = array<i64: 2, 512, 128>}, {transform_indices = @transform_6, window_bounds = array<i64: 512, 128>}, {transform_indices = @transform_7, window_bounds = array<i64: 512, 128>}, {transform_indices = @transform_8, window_bounds = array<i64: 512, 128>}]} {
    %get3A = arith.constant 0 : index
    %get3A_0 = arith.constant 0 : index
    %get3A_1 = vector.load %arg1[%get3A, %get3A_0] : memref<512x128xf32, #tpu.memory_space<vmem>>, vector<512x128xf32>
    %get3A_2 = arith.constant 0 : index
    %get3A_3 = arith.constant 0 : index
    %get3A_4 = arith.constant 0 : index
    %get3A_5 = vector.load %arg6[%get3A_2, %get3A_3, %get3A_4] : memref<2x512x128xf32, #tpu.memory_space<vmem>>, vector<2x512x128xf32>
    %slice3A = vector.extract_strided_slice %get3A_5 {offsets = [0, 0, 0], sizes = [1, 512, 1], strides = [1, 1, 1]} : vector<2x512x128xf32> to vector<1x512x1xf32>
    %squeeze3A = vector.shape_cast %slice3A : vector<1x512x1xf32> to vector<512x1xf32>
    %slice3A_6 = vector.extract_strided_slice %get3A_5 {offsets = [1, 0, 0], sizes = [1, 512, 1], strides = [1, 1, 1]} : vector<2x512x128xf32> to vector<1x512x1xf32>
    %squeeze3A_7 = vector.shape_cast %slice3A_6 : vector<1x512x1xf32> to vector<512x1xf32>
    %add3A = arith.addf %squeeze3A, %squeeze3A_7 : vector<512x1xf32>
    %gt3A = arith.constant 0.000000e+00 : f32
    %gt3A_8 = vector.broadcast %gt3A : f32 to vector<512x1xf32>
    %gt3A_9 = arith.cmpf ogt, %add3A, %gt3A_8 : vector<512x1xf32>
    %max3A = arith.constant 1.000000e-30 : f32
    %max3A_10 = vector.broadcast %max3A : f32 to vector<512x1xf32>
    %max3A_11 = arith.maximumf %add3A, %max3A_10 : vector<512x1xf32>
    %rsqrt3A = math.rsqrt %max3A_11 : vector<512x1xf32>
    %jit3A = arith.constant 0.000000e+00 : f32
    %broadcast_in_dim3A = vector.broadcast %jit3A : f32 to vector<512x1xf32>
    %select_n3A = arith.select %gt3A_9, %rsqrt3A, %broadcast_in_dim3A : vector<512x1xi1>, vector<512x1xf32>
    %broadcast_in_dim3A_12 = vector.shape_cast %select_n3A : vector<512x1xf32> to vector<512x1xf32>
    %broadcast_in_dim3A_13 = vector.broadcast %broadcast_in_dim3A_12 : vector<512x1xf32> to vector<512x128xf32>
    %get3A_14 = arith.constant 0 : index
    %get3A_15 = arith.constant 0 : index
    %get3A_16 = vector.load %arg3[%get3A_14, %get3A_15] : memref<128x128xf32, #tpu.memory_space<vmem>>, vector<128x128xf32>
    %dot_general3A = arith.constant dense<0.000000e+00> : vector<512x128xf32>
    %dot_general3A_17 = tpu.matmul %get3A_1, %get3A_16, %dot_general3A {dimension_numbers = #tpu.dot_dimension_numbers<[1], [0], [0], [1], [0, 0, 1, 1], [], []>, transpose_lhs_hint = false} : vector<512x128xf32>, vector<128x128xf32>, vector<512x128xf32> -> vector<512x128xf32>
    %get3A_18 = arith.constant 0 : index
    %get3A_19 = arith.constant 0 : index
    %get3A_20 = vector.load %arg5[%get3A_18, %get3A_19] : memref<8x128xf32, #tpu.memory_space<vmem>>, vector<1x128xf32>
    %broadcast_in_dim3A_21 = vector.shape_cast %get3A_20 : vector<1x128xf32> to vector<1x128xf32>
    %broadcast_in_dim3A_22 = vector.broadcast %broadcast_in_dim3A_21 : vector<1x128xf32> to vector<512x128xf32>
    %add3A_23 = arith.addf %dot_general3A_17, %broadcast_in_dim3A_22 : vector<512x128xf32>
    %get3A_24 = arith.constant 0 : index
    %get3A_25 = arith.constant 0 : index
    %get3A_26 = vector.load %arg4[%get3A_24, %get3A_25] : memref<128x128xf32, #tpu.memory_space<vmem>>, vector<128x128xf32>
    %dot_general3A_27 = arith.constant dense<0.000000e+00> : vector<512x128xf32>
    %dot_general3A_28 = tpu.matmul %get3A_1, %get3A_26, %dot_general3A_27 {dimension_numbers = #tpu.dot_dimension_numbers<[1], [0], [0], [1], [0, 0, 1, 1], [], []>, transpose_lhs_hint = false} : vector<512x128xf32>, vector<128x128xf32>, vector<512x128xf32> -> vector<512x128xf32>
    %slice3A_29 = vector.extract_strided_slice %dot_general3A_28 {offsets = [0, 0], sizes = [512, 1], strides = [1, 1]} : vector<512x128xf32> to vector<512x1xf32>
    %add3A_30 = arith.constant 1.000000e+00 : f32
    %add3A_31 = vector.broadcast %add3A_30 : f32 to vector<512x1xf32>
    %add3A_32 = arith.addf %slice3A_29, %add3A_31 : vector<512x1xf32>
    %broadcast_in_dim3A_33 = vector.shape_cast %add3A_32 : vector<512x1xf32> to vector<512x1xf32>
    %broadcast_in_dim3A_34 = vector.broadcast %broadcast_in_dim3A_33 : vector<512x1xf32> to vector<512x128xf32>
    %div3A = arith.divf %add3A_23, %broadcast_in_dim3A_34 : vector<512x128xf32>
    %swap3A = arith.constant 0 : index
    %swap3A_35 = arith.constant 0 : index
    %swap3A_36 = vector.load %arg7[%swap3A, %swap3A_35] : memref<512x128xf32, #tpu.memory_space<vmem>>, vector<512x128xf32>
    tpu.vector_store %arg7[%swap3A, %swap3A_35], %div3A {strides = array<i32>} : memref<512x128xf32, #tpu.memory_space<vmem>>, vector<512x128xf32>,
    %swap3A_37 = arith.constant 0 : index
    %swap3A_38 = arith.constant 0 : index
    %swap3A_39 = vector.load %arg9[%swap3A_37, %swap3A_38] : memref<512x128xf32, #tpu.memory_space<vmem>>, vector<512x128xf32>
    tpu.vector_store %arg9[%swap3A_37, %swap3A_38], %broadcast_in_dim3A_13 {strides = array<i32>} : memref<512x128xf32, #tpu.memory_space<vmem>>, vector<512x128xf32>,
    %get3A_40 = arith.constant 0 : index
    %get3A_41 = arith.constant 0 : index
    %get3A_42 = vector.load %arg2[%get3A_40, %get3A_41] : memref<512x128xf32, #tpu.memory_space<vmem>>, vector<512x128xf32>
    %mul3A = arith.mulf %broadcast_in_dim3A_13, %get3A_42 : vector<512x128xf32>
    %swap3A_43 = arith.constant 0 : index
    %swap3A_44 = arith.constant 0 : index
    %swap3A_45 = vector.load %arg8[%swap3A_43, %swap3A_44] : memref<512x128xf32, #tpu.memory_space<vmem>>, vector<512x128xf32>
    tpu.vector_store %arg8[%swap3A_43, %swap3A_44], %mul3A {strides = array<i32>} : memref<512x128xf32, #tpu.memory_space<vmem>>, vector<512x128xf32>,
    return
  }
  func.func @transform_0(%arg0: i32) -> (i32, i32) {
    %c0_i32 = arith.constant 0 : i32
    %c0_i32_0 = arith.constant 0 : i32
    return %arg0, %c0_i32 : i32, i32
  }
  func.func @transform_1(%arg0: i32) -> (i32, i32) {
    %c0_i32 = arith.constant 0 : i32
    %c0_i32_0 = arith.constant 0 : i32
    return %arg0, %c0_i32 : i32, i32
  }
  func.func @transform_2(%arg0: i32) -> (i32, i32) {
    %c0_i32 = arith.constant 0 : i32
    %c0_i32_0 = arith.constant 0 : i32
    %c0_i32_1 = arith.constant 0 : i32
    return %c0_i32, %c0_i32_0 : i32, i32
  }
  func.func @transform_3(%arg0: i32) -> (i32, i32) {
    %c0_i32 = arith.constant 0 : i32
    %c0_i32_0 = arith.constant 0 : i32
    %c0_i32_1 = arith.constant 0 : i32
    return %c0_i32, %c0_i32_0 : i32, i32
  }
  func.func @transform_4(%arg0: i32) -> (i32, i32) {
    %c0_i32 = arith.constant 0 : i32
    %c0_i32_0 = arith.constant 0 : i32
    %c0_i32_1 = arith.constant 0 : i32
    return %c0_i32, %c0_i32_0 : i32, i32
  }
  func.func @transform_5(%arg0: i32) -> (i32, i32, i32) {
    %c0_i32 = arith.constant 0 : i32
    %c0_i32_0 = arith.constant 0 : i32
    %c0_i32_1 = arith.constant 0 : i32
    return %c0_i32, %arg0, %c0_i32_0 : i32, i32, i32
  }
  func.func @transform_6(%arg0: i32) -> (i32, i32) {
    %c0_i32 = arith.constant 0 : i32
    %c0_i32_0 = arith.constant 0 : i32
    return %arg0, %c0_i32 : i32, i32
  }
  func.func @transform_7(%arg0: i32) -> (i32, i32) {
    %c0_i32 = arith.constant 0 : i32
    %c0_i32_0 = arith.constant 0 : i32
    return %arg0, %c0_i32 : i32, i32
  }
  func.func @transform_8(%arg0: i32) -> (i32, i32) {
    %c0_i32 = arith.constant 0 : i32
    %c0_i32_0 = arith.constant 0 : i32
    return %arg0, %c0_i32 : i32, i32
  }
}

module attributes {stable_mosaic.version = 14 : i64} {
  func.func @_comb_body(%arg0: i32, %arg1: memref<512x128xf32, #tpu.memory_space<vmem>>, %arg2: memref<2x512x128xf32, #tpu.memory_space<vmem>>, %arg3: memref<512x128xf32, #tpu.memory_space<vmem>>, %arg4: memref<512x128xf32, #tpu.memory_space<vmem>>, %arg5: memref<512x128xf32, #tpu.memory_space<vmem>>, %arg6: memref<512x128xf32, #tpu.memory_space<vmem>>) attributes {dimension_semantics = [#tpu.dimension_semantics<arbitrary>], iteration_bounds = array<i64: 20>, scalar_prefetch = 0 : i64, scratch_operands = 0 : i64, tpu.core_type = #tpu.core_type<tc>, window_params = [{transform_indices = @transform_0, window_bounds = array<i64: 512, 128>}, {transform_indices = @transform_1, window_bounds = array<i64: 2, 512, 128>}, {transform_indices = @transform_2, window_bounds = array<i64: 512, 128>}, {transform_indices = @transform_3, window_bounds = array<i64: 512, 128>}, {transform_indices = @transform_4, window_bounds = array<i64: 512, 128>}, {transform_indices = @transform_5, window_bounds = array<i64: 512, 128>}]} {
    %get3A = arith.constant 0 : index
    %get3A_0 = arith.constant 0 : index
    %get3A_1 = arith.constant 0 : index
    %get3A_2 = vector.load %arg2[%get3A, %get3A_0, %get3A_1] : memref<2x512x128xf32, #tpu.memory_space<vmem>>, vector<2x512x128xf32>
    %get3A_3 = arith.constant 0 : index
    %get3A_4 = arith.constant 0 : index
    %get3A_5 = vector.load %arg4[%get3A_3, %get3A_4] : memref<512x128xf32, #tpu.memory_space<vmem>>, vector<512x128xf32>
    %slice3A = vector.extract_strided_slice %get3A_2 {offsets = [0, 0, 0], sizes = [1, 512, 128], strides = [1, 1, 1]} : vector<2x512x128xf32> to vector<1x512x128xf32>
    %squeeze3A = vector.shape_cast %slice3A : vector<1x512x128xf32> to vector<512x128xf32>
    %slice3A_6 = vector.extract_strided_slice %get3A_2 {offsets = [1, 0, 0], sizes = [1, 512, 128], strides = [1, 1, 1]} : vector<2x512x128xf32> to vector<1x512x128xf32>
    %squeeze3A_7 = vector.shape_cast %slice3A_6 : vector<1x512x128xf32> to vector<512x128xf32>
    %add3A = arith.addf %squeeze3A, %squeeze3A_7 : vector<512x128xf32>
    %mul3A = arith.mulf %get3A_5, %add3A : vector<512x128xf32>
    %get3A_8 = arith.constant 0 : index
    %get3A_9 = arith.constant 0 : index
    %get3A_10 = vector.load %arg1[%get3A_8, %get3A_9] : memref<512x128xf32, #tpu.memory_space<vmem>>, vector<512x128xf32>
    %mul3A_11 = arith.constant 5.000000e-01 : f32
    %mul3A_12 = vector.broadcast %mul3A_11 : f32 to vector<512x128xf32>
    %mul3A_13 = arith.mulf %mul3A_12, %mul3A : vector<512x128xf32>
    %add3A_14 = arith.addf %get3A_10, %mul3A_13 : vector<512x128xf32>
    %get3A_15 = arith.constant 0 : index
    %get3A_16 = arith.constant 0 : index
    %get3A_17 = vector.load %arg3[%get3A_15, %get3A_16] : memref<512x128xf32, #tpu.memory_space<vmem>>, vector<512x128xf32>
    %mul3A_18 = arith.constant 5.000000e-01 : f32
    %mul3A_19 = vector.broadcast %mul3A_18 : f32 to vector<512x128xf32>
    %mul3A_20 = arith.mulf %mul3A_19, %get3A_17 : vector<512x128xf32>
    %add3A_21 = arith.addf %add3A_14, %mul3A_20 : vector<512x128xf32>
    %swap3A = arith.constant 0 : index
    %swap3A_22 = arith.constant 0 : index
    %swap3A_23 = vector.load %arg5[%swap3A, %swap3A_22] : memref<512x128xf32, #tpu.memory_space<vmem>>, vector<512x128xf32>
    tpu.vector_store %arg5[%swap3A, %swap3A_22], %add3A_21 {strides = array<i32>} : memref<512x128xf32, #tpu.memory_space<vmem>>, vector<512x128xf32>,
    %mul3A_24 = arith.mulf %get3A_5, %add3A_21 : vector<512x128xf32>
    %swap3A_25 = arith.constant 0 : index
    %swap3A_26 = arith.constant 0 : index
    %swap3A_27 = vector.load %arg6[%swap3A_25, %swap3A_26] : memref<512x128xf32, #tpu.memory_space<vmem>>, vector<512x128xf32>
    tpu.vector_store %arg6[%swap3A_25, %swap3A_26], %mul3A_24 {strides = array<i32>} : memref<512x128xf32, #tpu.memory_space<vmem>>, vector<512x128xf32>,
    return
  }
  func.func @transform_0(%arg0: i32) -> (i32, i32) {
    %c0_i32 = arith.constant 0 : i32
    %c0_i32_0 = arith.constant 0 : i32
    return %arg0, %c0_i32 : i32, i32
  }
  func.func @transform_1(%arg0: i32) -> (i32, i32, i32) {
    %c0_i32 = arith.constant 0 : i32
    %c0_i32_0 = arith.constant 0 : i32
    %c0_i32_1 = arith.constant 0 : i32
    return %c0_i32, %arg0, %c0_i32_0 : i32, i32, i32
  }
  func.func @transform_2(%arg0: i32) -> (i32, i32) {
    %c0_i32 = arith.constant 0 : i32
    %c0_i32_0 = arith.constant 0 : i32
    return %arg0, %c0_i32 : i32, i32
  }
  func.func @transform_3(%arg0: i32) -> (i32, i32) {
    %c0_i32 = arith.constant 0 : i32
    %c0_i32_0 = arith.constant 0 : i32
    return %arg0, %c0_i32 : i32, i32
  }
  func.func @transform_4(%arg0: i32) -> (i32, i32) {
    %c0_i32 = arith.constant 0 : i32
    %c0_i32_0 = arith.constant 0 : i32
    return %arg0, %c0_i32 : i32, i32
  }
  func.func @transform_5(%arg0: i32) -> (i32, i32) {
    %c0_i32 = arith.constant 0 : i32
    %c0_i32_0 = arith.constant 0 : i32
    return %arg0, %c0_i32 : i32, i32
  }
}

module attributes {stable_mosaic.version = 14 : i64} {
  func.func @_final_body(%arg0: i32, %arg1: memref<400x128xf32, #tpu.memory_space<vmem>>, %arg2: memref<2x400x128xf32, #tpu.memory_space<vmem>>, %arg3: memref<400x128xf32, #tpu.memory_space<vmem>>, %arg4: memref<400x128xf32, #tpu.memory_space<vmem>>, %arg5: memref<400x128xf32, #tpu.memory_space<vmem>>, %arg6: memref<128x128xf32, #tpu.memory_space<vmem>>, %arg7: memref<128xf32, #tpu.memory_space<vmem>>, %arg8: memref<128xf32, #tpu.memory_space<vmem>>, %arg9: memref<128xf32, #tpu.memory_space<vmem>>, %arg10: memref<128x128xf32, #tpu.memory_space<vmem>>, %arg11: memref<128xf32, #tpu.memory_space<vmem>>, %arg12: memref<400x128xf32, #tpu.memory_space<vmem>>) attributes {dimension_semantics = [#tpu.dimension_semantics<arbitrary>], iteration_bounds = array<i64: 25>, scalar_prefetch = 0 : i64, scratch_operands = 0 : i64, tpu.core_type = #tpu.core_type<tc>, window_params = [{transform_indices = @transform_0, window_bounds = array<i64: 400, 128>}, {transform_indices = @transform_1, window_bounds = array<i64: 2, 400, 128>}, {transform_indices = @transform_2, window_bounds = array<i64: 400, 128>}, {transform_indices = @transform_3, window_bounds = array<i64: 400, 128>}, {transform_indices = @transform_4, window_bounds = array<i64: 400, 128>}, {pipeline_mode = #tpu.pipeline_mode<synchronous>, transform_indices = @transform_5, window_bounds = array<i64: 128, 128>}, {pipeline_mode = #tpu.pipeline_mode<synchronous>, transform_indices = @transform_6, window_bounds = array<i64: 128>}, {pipeline_mode = #tpu.pipeline_mode<synchronous>, transform_indices = @transform_7, window_bounds = array<i64: 128>}, {pipeline_mode = #tpu.pipeline_mode<synchronous>, transform_indices = @transform_8, window_bounds = array<i64: 128>}, {pipeline_mode = #tpu.pipeline_mode<synchronous>, transform_indices = @transform_9, window_bounds = array<i64: 128, 128>}, {pipeline_mode = #tpu.pipeline_mode<synchronous>, transform_indices = @transform_10, window_bounds = array<i64: 128>}, {transform_indices = @transform_11, window_bounds = array<i64: 400, 128>}]} {
    %get3A = arith.constant 0 : index
    %get3A_0 = arith.constant 0 : index
    %get3A_1 = arith.constant 0 : index
    %get3A_2 = vector.load %arg2[%get3A, %get3A_0, %get3A_1] : memref<2x400x128xf32, #tpu.memory_space<vmem>>, vector<2x400x128xf32>
    %get3A_3 = arith.constant 0 : index
    %get3A_4 = arith.constant 0 : index
    %get3A_5 = vector.load %arg4[%get3A_3, %get3A_4] : memref<400x128xf32, #tpu.memory_space<vmem>>, vector<400x128xf32>
    %slice3A = vector.extract_strided_slice %get3A_2 {offsets = [0, 0, 0], sizes = [1, 400, 128], strides = [1, 1, 1]} : vector<2x400x128xf32> to vector<1x400x128xf32>
    %squeeze3A = vector.shape_cast %slice3A : vector<1x400x128xf32> to vector<400x128xf32>
    %slice3A_6 = vector.extract_strided_slice %get3A_2 {offsets = [1, 0, 0], sizes = [1, 400, 128], strides = [1, 1, 1]} : vector<2x400x128xf32> to vector<1x400x128xf32>
    %squeeze3A_7 = vector.shape_cast %slice3A_6 : vector<1x400x128xf32> to vector<400x128xf32>
    %add3A = arith.addf %squeeze3A, %squeeze3A_7 : vector<400x128xf32>
    %mul3A = arith.mulf %get3A_5, %add3A : vector<400x128xf32>
    %get3A_8 = arith.constant 0 : index
    %get3A_9 = arith.constant 0 : index
    %get3A_10 = vector.load %arg1[%get3A_8, %get3A_9] : memref<400x128xf32, #tpu.memory_space<vmem>>, vector<400x128xf32>
    %mul3A_11 = arith.constant 5.000000e-01 : f32
    %mul3A_12 = vector.broadcast %mul3A_11 : f32 to vector<400x128xf32>
    %mul3A_13 = arith.mulf %mul3A_12, %mul3A : vector<400x128xf32>
    %add3A_14 = arith.addf %get3A_10, %mul3A_13 : vector<400x128xf32>
    %get3A_15 = arith.constant 0 : index
    %get3A_16 = arith.constant 0 : index
    %get3A_17 = vector.load %arg3[%get3A_15, %get3A_16] : memref<400x128xf32, #tpu.memory_space<vmem>>, vector<400x128xf32>
    %mul3A_18 = arith.constant 5.000000e-01 : f32
    %mul3A_19 = vector.broadcast %mul3A_18 : f32 to vector<400x128xf32>
    %mul3A_20 = arith.mulf %mul3A_19, %get3A_17 : vector<400x128xf32>
    %add3A_21 = arith.addf %add3A_14, %mul3A_20 : vector<400x128xf32>
    %get3A_22 = arith.constant 0 : index
    %get3A_23 = arith.constant 0 : index
    %get3A_24 = vector.load %arg6[%get3A_22, %get3A_23] : memref<128x128xf32, #tpu.memory_space<vmem>>, vector<128x128xf32>
    %dot_general3A = arith.constant dense<0.000000e+00> : vector<400x128xf32>
    %dot_general3A_25 = tpu.matmul %add3A_21, %get3A_24, %dot_general3A {dimension_numbers = #tpu.dot_dimension_numbers<[1], [0], [0], [1], [0, 0, 1, 1], [], []>, transpose_lhs_hint = false} : vector<400x128xf32>, vector<128x128xf32>, vector<400x128xf32> -> vector<400x128xf32>
    %get3A_26 = arith.constant 0 : index
    %get3A_27 = vector.load %arg7[%get3A_26] : memref<128xf32, #tpu.memory_space<vmem>>, vector<128xf32>
    %broadcast_in_dim3A = vector.shape_cast %get3A_27 : vector<128xf32> to vector<1x128xf32>
    %add3A_28 = vector.broadcast %broadcast_in_dim3A : vector<1x128xf32> to vector<400x128xf32>
    %add3A_29 = arith.addf %dot_general3A_25, %add3A_28 : vector<400x128xf32>
    %get3A_30 = arith.constant 0 : index
    %get3A_31 = vector.load %arg8[%get3A_30] : memref<128xf32, #tpu.memory_space<vmem>>, vector<128xf32>
    %broadcast_in_dim3A_32 = vector.shape_cast %get3A_31 : vector<128xf32> to vector<1x128xf32>
    %mul3A_33 = vector.broadcast %broadcast_in_dim3A_32 : vector<1x128xf32> to vector<400x128xf32>
    %mul3A_34 = arith.mulf %add3A_29, %mul3A_33 : vector<400x128xf32>
    %div3A = arith.constant 1.00000501 : f32
    %div3A_35 = vector.broadcast %div3A : f32 to vector<400x128xf32>
    %div3A_36 = arith.divf %mul3A_34, %div3A_35 : vector<400x128xf32>
    %get3A_37 = arith.constant 0 : index
    %get3A_38 = vector.load %arg9[%get3A_37] : memref<128xf32, #tpu.memory_space<vmem>>, vector<128xf32>
    %broadcast_in_dim3A_39 = vector.shape_cast %get3A_38 : vector<128xf32> to vector<1x128xf32>
    %add3A_40 = vector.broadcast %broadcast_in_dim3A_39 : vector<1x128xf32> to vector<400x128xf32>
    %add3A_41 = arith.addf %div3A_36, %add3A_40 : vector<400x128xf32>
    %get3A_42 = arith.constant 0 : index
    %get3A_43 = arith.constant 0 : index
    %get3A_44 = vector.load %arg5[%get3A_42, %get3A_43] : memref<400x128xf32, #tpu.memory_space<vmem>>, vector<400x128xf32>
    %add3A_45 = arith.addf %add3A_41, %get3A_44 : vector<400x128xf32>
    %max3A = arith.constant 0.000000e+00 : f32
    %max3A_46 = vector.broadcast %max3A : f32 to vector<400x128xf32>
    %max3A_47 = arith.maximumf %add3A_45, %max3A_46 : vector<400x128xf32>
    %get3A_48 = arith.constant 0 : index
    %get3A_49 = arith.constant 0 : index
    %get3A_50 = vector.load %arg10[%get3A_48, %get3A_49] : memref<128x128xf32, #tpu.memory_space<vmem>>, vector<128x128xf32>
    %dot_general3A_51 = arith.constant dense<0.000000e+00> : vector<400x128xf32>
    %dot_general3A_52 = tpu.matmul %max3A_47, %get3A_50, %dot_general3A_51 {dimension_numbers = #tpu.dot_dimension_numbers<[1], [0], [0], [1], [0, 0, 1, 1], [], []>, transpose_lhs_hint = false} : vector<400x128xf32>, vector<128x128xf32>, vector<400x128xf32> -> vector<400x128xf32>
    %get3A_53 = arith.constant 0 : index
    %get3A_54 = vector.load %arg11[%get3A_53] : memref<128xf32, #tpu.memory_space<vmem>>, vector<128xf32>
    %broadcast_in_dim3A_55 = vector.shape_cast %get3A_54 : vector<128xf32> to vector<1x128xf32>
    %add3A_56 = vector.broadcast %broadcast_in_dim3A_55 : vector<1x128xf32> to vector<400x128xf32>
    %add3A_57 = arith.addf %dot_general3A_52, %add3A_56 : vector<400x128xf32>
    %swap3A = arith.constant 0 : index
    %swap3A_58 = arith.constant 0 : index
    %swap3A_59 = vector.load %arg12[%swap3A, %swap3A_58] : memref<400x128xf32, #tpu.memory_space<vmem>>, vector<400x128xf32>
    tpu.vector_store %arg12[%swap3A, %swap3A_58], %add3A_57 {strides = array<i32>} : memref<400x128xf32, #tpu.memory_space<vmem>>, vector<400x128xf32>,
    return
  }
  func.func @transform_0(%arg0: i32) -> (i32, i32) {
    %c0_i32 = arith.constant 0 : i32
    %c0_i32_0 = arith.constant 0 : i32
    return %arg0, %c0_i32 : i32, i32
  }
  func.func @transform_1(%arg0: i32) -> (i32, i32, i32) {
    %c0_i32 = arith.constant 0 : i32
    %c0_i32_0 = arith.constant 0 : i32
    %c0_i32_1 = arith.constant 0 : i32
    return %c0_i32, %arg0, %c0_i32_0 : i32, i32, i32
  }
  func.func @transform_2(%arg0: i32) -> (i32, i32) {
    %c0_i32 = arith.constant 0 : i32
    %c0_i32_0 = arith.constant 0 : i32
    return %arg0, %c0_i32 : i32, i32
  }
  func.func @transform_3(%arg0: i32) -> (i32, i32) {
    %c0_i32 = arith.constant 0 : i32
    %c0_i32_0 = arith.constant 0 : i32
    return %arg0, %c0_i32 : i32, i32
  }
  func.func @transform_4(%arg0: i32) -> (i32, i32) {
    %c0_i32 = arith.constant 0 : i32
    %c0_i32_0 = arith.constant 0 : i32
    return %arg0, %c0_i32 : i32, i32
  }
  func.func @transform_5(%arg0: i32) -> (i32, i32) {
    %c0_i32 = arith.constant 0 : i32
    %c0_i32_0 = arith.constant 0 : i32
    %c0_i32_1 = arith.constant 0 : i32
    return %c0_i32, %c0_i32_0 : i32, i32
  }
  func.func @transform_6(%arg0: i32) -> i32 {
    %c0_i32 = arith.constant 0 : i32
    %c0_i32_0 = arith.constant 0 : i32
    return %c0_i32 : i32
  }
  func.func @transform_7(%arg0: i32) -> i32 {
    %c0_i32 = arith.constant 0 : i32
    %c0_i32_0 = arith.constant 0 : i32
    return %c0_i32 : i32
  }
  func.func @transform_8(%arg0: i32) -> i32 {
    %c0_i32 = arith.constant 0 : i32
    %c0_i32_0 = arith.constant 0 : i32
    return %c0_i32 : i32
  }
  func.func @transform_9(%arg0: i32) -> (i32, i32) {
    %c0_i32 = arith.constant 0 : i32
    %c0_i32_0 = arith.constant 0 : i32
    %c0_i32_1 = arith.constant 0 : i32
    return %c0_i32, %c0_i32_0 : i32, i32
  }
  func.func @transform_10(%arg0: i32) -> i32 {
    %c0_i32 = arith.constant 0 : i32
    %c0_i32_0 = arith.constant 0 : i32
    return %c0_i32 : i32
  }
  func.func @transform_11(%arg0: i32) -> (i32, i32) {
    %c0_i32 = arith.constant 0 : i32
    %c0_i32_0 = arith.constant 0 : i32
    return %arg0, %c0_i32 : i32, i32
  }
}

</mosaic_0001>

<sc_bundles>
// kernel: kernel.11.cloned.1.call-start
scs
__scs_entry_jumppad:
0x0: {  	(pc) =	sbr.rel $0x88, $3  }
0x1: {  	(tag) =	ssettag $0x0;
	lr =	simm.s32 $0x1  }
0x2: {  	[smem:$0x3F91] =	sst lr;
	_ =	strace $0xD0000000  }
0x3: {  	_ = 	snop  }
0x4: {  	_ = 	snop  }
0x5: {  	_ = 	snop  }
0x6: {  	_ = 	snop  }
0x7: {  	_ = 	snop  }
__scs_overlays_trampoline_lowered:
0x8: {  	[smem:$0x3FA0] =	sst s0  }
0x9: {  	[smem:$0x3FA1] =	sst s1  }
0xa: {  	[smem:$0x3FA2] =	sst s2  }
0xb: {  	[smem:$0x3FA3] =	sst s3  }
0xc: {  	[smem:$0x3FA4] =	sst s4  }
0xd: {  	[smem:$0x3FA5] =	sst s5  }
0xe: {  	[smem:$0x3FA6] =	sst s6  }
0xf: {  	[smem:$0x3FA7] =	sst s7  }
0x10: {  	[smem:$0x3FA8] =	sst s8  }
0x11: {  	[smem:$0x3FA9] =	sst s9;
	s0 =	simm.s32 @!p0 $0x0  }
0x12: {  	s1 =	sld [smem:$0x3F8F];
	s0 =	simm.s32 @p0 $0x1  }
0x13: {  	[smem:$0x3FAA] =	sst s0;
	s0 =	simm.s32 @!p1 $0x0  }
0x14: {  	s2 =	sld [smem:$0x3F8E];
	s0 =	simm.s32 @p1 $0x1  }
0x15: {  	[smem:$0x3FAB] =	sst s0;
	s0 =	simm.s32 @!p2 $0x0  }
0x16: {  	s3 =	sld [smem:$0x3FDB];
	s0 =	simm.s32 @p2 $0x1  }
0x17: {  	s4 =	simm.s32 $0x1BF5;
	[smem:$0x3FAD] =	sst s0  }
0x18: {  	s0 =	sld [smem:$0x3F90];
	_ =	swait.ge [sflag:s4], $0x0  }
0x19: {  	s7 =	sld [smem:$0x3F91]  }
0x1a: {  	s8 =	sadd.s32 $0xFFFFE003, lr  }
0x1b: {  	s9 =	sadd.s32 $0xFFFFFEF7, lr;
	s5 =	simm.s32 $0xFFFFFFFF;
	p2 =	slt.u32 s8, $0xFFFFF086  }
0x1c: {  	p1 =	slt.u32 s9, $0xF7A;
	s5 =	simm.s32 @!p2 $0x0  }
0x1d: {  	s5 =	simm.s32 @p1 $0x1;
	p0 =	seq.s32 s7, s2  }
0x1e: {  	s7 =	smul.u32 @!p0 $0xF7A, s2;
	p2 =	seq.s32 @!p0 s5, $0x0  }
0x1f: {  	s9 =	smul.u32 $0xF7A, s1;
	s8 =	simm.s32 @!p0 $0x1BF5;
	p2 =	por !p2, p0  }
0x20: {  	[sflag:s8] =	ssyncset.s32 @!p0 $0xFFFFF086;
	s6 =	sadd.s32 @!p0 s3, s7;
	s7 =	simm.s32 @!p0 $0x108  }
0x21: {  	s3 =	sadd.s32 s3, s9;
	s6 =	sadd.s32 @!p0 $0x88, s6;
	s7 =	simm.s32 @p2 $0x1082  }
0x22: {  	[simem:s7], [sflag:s8] =	dma.local @!p0 [hbm:s6], $0xF7A  }
0x23: {  	s9 =	sor.u32 $0xD0000000, s2;
	s6 =	simm.s32 $0x108;
	_ =	swait.ge @!p0 [sflag:s8], $0x0  }
0x24: {  	s3 =	sadd.s32 $0x88, s3;
	s6 =	simm.s32 @!p1 $0x1082;
	[sflag:s4] =	ssyncset.s32 $0xFFFFF086  }
0x25: {  	[simem:s6], [sflag:s4] =	dma.local [hbm:s3], $0xF7A  }
0x26: {  	[smem:$0x3F91] =	sst s1;
	(tag) =	ssettag s2;
	_ =	strace s9  }
0x27: {  	s1 =	sld [smem:$0x3FA1]  }
0x28: {  	s2 =	sld [smem:$0x3FA2]  }
0x29: {  	s4 =	sld [smem:$0x3FA4]  }
0x2a: {  	p0 =	seq.s32 s5, $0x0;
	s5 =	sld [smem:$0x3FA5]  }
0x2b: {  	s6 =	sld [smem:$0x3FA6]  }
0x2c: {  	s7 =	sld [smem:$0x3FA7]  }
0x2d: {  	s3 =	simm.s32 $0x108;
	s8 =	sld [smem:$0x3FA8]  }
0x2e: {  	s3 =	simm.s32 @!p0 $0x1082;
	s9 =	sld [smem:$0x3FA9]  }
0x2f: {  	lr =	sadd.s32 s0, s3;
	s0 =	sld [smem:$0x3FA0]  }
0x30: {  	s3 =	sld [smem:$0x3FA3]  }
0x31: {  	[smem:$0x3FAC] =	sst s10  }
0x32: {  	s10 =	sld [smem:$0x3FAA];
	_ =	sdelay $0x3  }
0x33: {  	p0 =	seq.s32 s10, $0x1;
	s10 =	sld [smem:$0x3FAC];
	_ =	sdelay $0x3  }
0x34: {  	[smem:$0x3FAC] =	sst s10  }
0x35: {  	s10 =	sld [smem:$0x3FAB];
	_ =	sdelay $0x3  }
0x36: {  	p1 =	seq.s32 s10, $0x1;
	s10 =	sld [smem:$0x3FAC];
	_ =	sdelay $0x3  }
0x37: {  	[smem:$0x3FAC] =	sst s10  }
0x38: {  	s10 =	sld [smem:$0x3FAD]  }
0x39: {  	_ = 	snop;
	(pc) =	sbr.ind lr, $3  }
0x3a: {  	_ = 	snop  }
0x3b: {  	_ = 	snop  }
0x3c: {  	p2 =	seq.s32 s10, $0x1;
	s10 =	sld [smem:$0x3FAC]  }
0x3d: {  	_ =	shalt  }
0x3e: {  	_ =	shalt  }
0x3f: {  	_ =	shalt  }
0x40: {  	_ =	shalt  }
0x41: {  	_ =	shalt  }
0x42: {  	_ =	shalt  }
0x43: {  	_ =	shalt  }
0x44: {  	_ =	shalt  }
0x45: {  	_ =	shalt  }
0x46: {  	_ =	shalt  }
0x47: {  	_ =	shalt  }
0x48: {  	_ =	shalt  }
0x49: {  	_ =	shalt  }
0x4a: {  	_ =	shalt  }
0x4b: {  	_ =	shalt  }
0x4c: {  	_ =	shalt  }
0x4d: {  	_ =	shalt  }
0x4e: {  	_ =	shalt  }
0x4f: {  	_ =	shalt  }
0x50: {  	_ =	shalt  }
0x51: {  	_ =	shalt  }
0x52: {  	_ =	shalt  }
0x53: {  	_ =	shalt  }
0x54: {  	_ =	shalt  }
0x55: {  	_ =	shalt  }
0x56: {  	_ =	shalt  }
0x57: {  	_ =	shalt  }
0x58: {  	_ =	shalt  }
0x59: {  	_ =	shalt  }
0x5a: {  	_ =	shalt  }
0x5b: {  	_ =	shalt  }
0x5c: {  	_ =	shalt  }
0x5d: {  	_ =	shalt  }
0x5e: {  	_ =	shalt  }
0x5f: {  	_ =	shalt  }
0x60: {  	_ =	shalt  }
0x61: {  	_ =	shalt  }
0x62: {  	_ =	shalt  }
0x63: {  	_ =	shalt  }
0x64: {  	_ =	shalt  }
0x65: {  	_ =	shalt  }
0x66: {  	_ =	shalt  }
0x67: {  	_ =	shalt  }
0x68: {  	_ =	shalt  }
0x69: {  	_ =	shalt  }
0x6a: {  	_ =	shalt  }
0x6b: {  	_ =	shalt  }
0x6c: {  	_ =	shalt  }
0x6d: {  	_ =	shalt  }
0x6e: {  	_ =	shalt  }
0x6f: {  	_ =	shalt  }
0x70: {  	_ =	shalt  }
0x71: {  	_ =	shalt  }
0x72: {  	_ =	shalt  }
0x73: {  	_ =	shalt  }
0x74: {  	_ =	shalt  }
0x75: {  	_ =	shalt  }
0x76: {  	_ =	shalt  }
0x77: {  	_ =	shalt  }
0x78: {  	_ =	shalt  }
0x79: {  	_ =	shalt  }
0x7a: {  	_ =	shalt  }
0x7b: {  	_ =	shalt  }
0x7c: {  	_ =	shalt  }
0x7d: {  	_ =	shalt  }
0x7e: {  	_ =	shalt  }
0x7f: {  	_ =	shalt  }
0x80: {  	_ =	shalt  }
0x81: {  	_ =	shalt  }
0x82: {  	_ =	shalt  }
0x83: {  	_ =	shalt  }
0x84: {  	_ =	shalt  }
0x85: {  	_ =	shalt  }
0x86: {  	_ =	shalt  }
0x87: {  	_ =	shalt  }
.Lfunc_end0:
.L_simem_size_0:
called_computation_lowered:
.L_overlay_start_0:
0x88: {  	s2 =	sld [smem:$0x3FD9]  }
0x89: {  	s3 =	sld [smem:$0x3FFE];
	_ =	sdelay $0x1  }
0x8a: {  	s1 =	srdreg.scid  }
0x8b: {  	s0 =	sand.u32 $0x1, s1  }
0x8c: {  	s16 =	sshll.u32 s0, $0xA;
	s2 =	sadd.s32 s3, s2  }
0x8d: {  	s2 =	sadd.s32 s2, s16  }
0x8e: {  	[smem:$0x3FB8] =	sst s2  }
0x8f: {  	_ = 	snop  }
0x90: {  	(tm) =	ssettm $0x1  }
0x91: {  	s17 =	sld [smem:$0x3FFB];
	_ =	sdelay $0x3  }
0x92: {  	_ =	strace s17  }
0x93: {  	s2 =	sld [smem:$0x3FFC];
	_ =	sdelay $0x3  }
0x94: {  	_ =	strace s2  }
0x95: {  	s2 =	sld [smem:$0x3FFD];
	_ =	sdelay $0x3  }
0x96: {  	_ =	strace s2  }
0x97: {  	_ =	strace $0x8FFFFFFF  }
0x98: {  	s18 =	sld [smem:$0x3FDB];
	_ =	sdelay $0x1  }
0x99: {  	s19 =	simm.s32 $_scs_section_size  }
0x9a: {  	s4 =	simm.s32 $_size__tile_overlayer_lowered;
	s5 =	simm.s32 $_tile_overlayer_lowered  }
0x9b: {  	s22 =	simm.s32 $0x1BFF;
	s21 =	sshll.u32 s5, $0x1;
	s2 =	sadd.s32 s19, s18  }
0x9c: {  	s6 =	simm.s32 $0x0;
	s20 =	sshll.u32 s4, $0x1;
	s4 =	sadd.s32 s21, s2  }
0x9d: {  	[timem:s6], [sflag:s22] =	dma.local [hbm:s4], s20  }
0x9e: {  	_ =	swait.ge [sflag:s22], s20  }
0x9f: {  	s3 =	ssub.s32 $0x0, s20;
	[sflag:s22] =	ssyncset.done $0x0  }
0xa0: {  	[sflag:s22] =	ssyncadd.s32 s3;
	_ =	sdelay $0x1  }
0xa1: {  	s23 =	simm.s32 $0x1B8B  }
0xa2: {  	_ =	swait.ge [sflag:s23], $0x1  }
0xa3: {  	[sflag:s23] =	ssyncset.done $0x0  }
0xa4: {  	s25 =	simm.s32 $0x1B8E;
	s24 =	sld [smem:$0x3FFE];
	[sflag:s23] =	ssyncadd.s32 $0xFFFFFFFF  }
0xa5: {  	s26 =	simm.s32 $execute0_lowered;
	[smem:$0x3FD2] =	sst s25  }
0xa6: {  	s4 =	sshll.u32 s26, $0x1;
	_ =	strace $0x80000046;
	[dreg:$0x1] =	wrdreg $0xFFFFFFFF  }
0xa7: {  	s28 =	simm.s32 $_size_execute0_lowered;
	s2 =	sadd.s32 s2, s4;
	[dreg:$0x0] =	wrdreg $0x0  }
0xa8: {  	s4 =	sshll.u32 s28, $0x1;
	[dreg:$0x2] =	wrdreg s2  }
0xa9: {  	[dreg:$0x3] =	wrdreg s4  }
0xaa: {  	[dreg:$0x4] =	wrdreg $0xC0  }
0xab: {  	_ =	task [dreg:s6], $0x5FFFF  }
0xac: {  	[dreg:$0x1] =	wrdreg $0xFFFFFFFF  }
0xad: {  	[dreg:$0x0] =	wrdreg $0x60  }
0xae: {  	[dreg:$0x2] =	wrdreg s24  }
0xaf: {  	[dreg:$0x3] =	wrdreg $0x0  }
0xb0: {  	[dreg:$0x4] =	wrdreg $0x9  }
0xb1: {  	_ =	task.clear_ibuf [dreg:s6], $0x5FFFF;
	_ =	strace $0x90000046  }
0xb2: {  	s29 =	simm.s32 $0x9;
	_ =	strace $0x80000048  }
0xb3: {  	_ =	swait.ge [sflag:s29], $0x1  }
0xb4: {  	[sflag:s29] =	ssyncadd.s32 $0xFFFFFFFF  }
0xb5: {  	_ =	strace $0x90000048  }
0xb6: {  	_ =	sfence  }
0xb7: {  	s30 =	sld [smem:$0x0];
	_ =	sdelay $0x2  }
0xb8: {  	s31 =	sshll.u32 s1, $0xD;
	s1 =	sshrl.u32 s1, $0x2  }
0xb9: {  	s3 =	sand.u32 $0x4000, s31;
	s1 =	sadd.s32 s1, s30  }
0xba: {  	s0 =	sor.u32 s3, s0;
	s1 =	sshll.u32 s1, $0x11  }
0xbb: {  	s0 =	sor.u32 s1, s0  }
0xbc: {  	s0 =	sadd.s32 $0x8F2B, s0  }
0xbd: {  	[sflag:s0] =	ssyncadd.remote.s32 $0x1  }
0xbe: {  	_ =	sfence.sel $0xFFFF  }
0xbf: {  	[dreg:$0x0] =	wrdreg $0xFFFFFFFF;
	(pc) =	sbr.abs _section_cstart, $3  }
0xc0: {  	[dreg:$0x1] =	wrdreg $0xFFFFFFFF  }
0xc1: {  	_ =	task.clear_ibuf [dreg:s6], $0x2FFFF;
	_ =	strace $0x9FFFFFFF  }
0xc2: {  	(tm) =	ssettm $0x7FFFFFFF  }
0xc3: {  	_ =	shalt  }
tec
execute0_lowered:
.L_overlay_start_1:
0x0: {  	(tag) =	ssettag $0x1  }
0x1: {  	s1 =	srdreg.scid;
	s4 =	rddreg [dreg:$0x0]  }
0x2: {  	s0 =	stileid.u32;
	s2 =	rddreg [dreg:$0x1];
	s3 =	simm.s32 $0x0  }
0x3: {  	s12 =	simm.s32 $0x1;
	s13 =	simm.s32 $0x14000;
	s14 =	simm.s32 $0x80  }
0x4: {  	s18 =	simm.s32 $0x0;
	s5 =	sand.u32 $0x1, s1;
	s7 =	smul.u32 $0x50000, s0  }
0x5: {  	s28 =	sshll.u32 s0, $0x1;
	s1 =	rddreg [dreg:$0x2];
	s16 =	smul.u32 $0x2800, s0  }
0x6: {  	[smem:$0x7FF] =	sst s3;
	s6 =	sor.u32 s5, s28;
	s8 =	smul.u32 $0x28000, s5  }
0x7: {  	s31 =	sshll.u32 s0, $0x6;
	s5 =	ssub.s32 $0x2, s5;
	s6 =	smul.u32 $0x500, s6  }
0x8: {  	_ =	strace $0x80000047;
	s29 =	sshrl.u32 s7, $0x2;
	s30 =	sshrl.u32 s5, $0x1  }
0x9: {  	s10 =	sadd.s32 s8, s4;
	s11 =	ssub.s32 s5, s30;
	s9 =	sadd.s32 s6, s4  }
0xa: {  	s4 =	sadd.s32 s29, s2;
	s15 =	sadd.s32 $0xE800, s10;
	s10 =	smax.u32 s11, $0x1  }
0xb: {  	s11 =	simm.s32 $0x16800;
	s5 =	sadd.s32 $0x4000, s4;
	s6 =	sadd.s32 $0x8000, s4  }
0xc: {  	s7 =	sadd.s32 $0xC000, s4;
	s8 =	sadd.s32 $0x10000, s4;
	s9 =	sadd.s32 $0x4800, s9  }
0xd: {  	v0 =	vimm.f32 $0.0e+00;
	v1 =	vimm.f32 $1.000000000e+00;
	s15 =	sadd.s32 s16, s15;
	s16 =	sor.u32 $0x1C01, s31;
	s17 =	sshrl.u32 s4, $0x3  }
.LBB2_1:
0xe: {  	s19 =	sand.u32 $0xFE00, s3  }
0xf: {  	s20 =	sand.u32 $0x70, s3;
	s21 =	sshrl.u32 s19, $0x2  }
0x10: {  	s19 =	simm.s32 $0x40;
	s21 =	sor.u32 s20, s21;
	s20 =	simm.s32 $0x0  }
.LBB2_2:
0x11: {  	p0 =	sne.s32 s19, $0xFFC0  }
0x12: {  	[tilespmem:s21+$0x16800] =	vst v0;
	s20 =	sadd.s32 $0x10, s20;
	s21 =	smov.u32 s19;
	s19 =	sadd.s32 $0x40, s19  }
.Ltmp0:
0x13: {  	(pc) =	sbr.rel @p0 .LBB2_2-.Ltmp0, $4  }
0x14: {  	_ = 	snop  }
0x15: {  	s21 =	sand.u32 $0xFE00, s21  }
0x16: {  	s22 =	sand.u32 $0x70, s20;
	s21 =	sshrl.u32 s21, $0x2  }
0x17: {  	s21 =	sor.u32 s22, s21  }
0x18: {  	[tilespmem:s21+$0x16800] =	vst v0  }
0x19: {  	[spmem:s4] =	stream.linear.scatter [tilespmem:s11], [sflag:$0x1], $0x4000, $0x38;
	[tilespmem:$0x1A800] =	vst v63  }
0x1a: {  	_ =	swait.ge [sflag:s12], $0x4000  }
0x1b: {  	[sflag:s12] =	ssyncset.done $0x0  }
0x1c: {  	[sflag:s12] =	ssyncadd.s32 $0xFFFFC000  }
0x1d: {  	[spmem:s5] =	stream.linear.scatter [tilespmem:s11], [sflag:$0x1], $0x4000, $0x38;
	[tilespmem:$0x1A800] =	vst v63  }
0x1e: {  	_ =	swait.ge [sflag:s12], $0x4000  }
0x1f: {  	[sflag:s12] =	ssyncset.done $0x0  }
0x20: {  	[sflag:s12] =	ssyncadd.s32 $0xFFFFC000  }
0x21: {  	[spmem:s6] =	stream.linear.scatter [tilespmem:s11], [sflag:$0x1], $0x4000, $0x38;
	[tilespmem:$0x1A800] =	vst v63  }
0x22: {  	_ =	swait.ge [sflag:s12], $0x4000  }
0x23: {  	[sflag:s12] =	ssyncset.done $0x0  }
0x24: {  	[sflag:s12] =	ssyncadd.s32 $0xFFFFC000  }
0x25: {  	[spmem:s7] =	stream.linear.scatter [tilespmem:s11], [sflag:$0x1], $0x4000, $0x38;
	[tilespmem:$0x1A800] =	vst v63  }
0x26: {  	_ =	swait.ge [sflag:s12], $0x4000  }
0x27: {  	[sflag:s12] =	ssyncset.done $0x0  }
0x28: {  	s19 =	simm.s32 $0x0;
	[sflag:s12] =	ssyncadd.s32 $0xFFFFC000  }
0x29: {  	[spmem:s8] =	stream.linear.scatter [tilespmem:s11], [sflag:$0x1], $0x4000, $0x38;
	[tilespmem:$0x1A800] =	vst v63  }
0x2a: {  	s20 =	sand.u32 $0xFE00, s19;
	_ =	swait.ge [sflag:s12], $0x4000  }
0x2b: {  	s31 =	sand.u32 $0x70, s19;
	s22 =	sshrl.u32 s20, $0x2;
	[sflag:s12] =	ssyncset.done $0x0  }
0x2c: {  	s20 =	simm.s32 $0x40;
	s21 =	sor.u32 s31, s22;
	[sflag:s12] =	ssyncadd.s32 $0xFFFFC000  }
.LBB2_4:
0x2d: {  	p0 =	sne.s32 s20, $0xFFC0  }
0x2e: {  	[tilespmem:s21+$0x16800] =	vst v1;
	s19 =	sadd.s32 $0x10, s19;
	s21 =	smov.u32 s20;
	s20 =	sadd.s32 $0x40, s20  }
.Ltmp1:
0x2f: {  	(pc) =	sbr.rel @p0 .LBB2_4-.Ltmp1, $4  }
0x30: {  	_ = 	snop  }
0x31: {  	s21 =	sand.u32 $0xFE00, s21  }
0x32: {  	s22 =	sand.u32 $0x70, s19;
	s21 =	sshrl.u32 s21, $0x2  }
0x33: {  	s21 =	sor.u32 s22, s21  }
0x34: {  	[tilespmem:s21+$0x16800] =	vst v1  }
0x35: {  	s19 =	simm.s32 $0x0;
	[bflag:$0x0] =	sbarrier.arrive $0xFFFF  }
0x36: {  	[tilespmem:s13], [sflag:$0x1] =	stream.linear.gather [hbm4b:s9+s19], $0x2800, $0x38;
	[tilespmem:$0x1A800] =	vst v63  }
0x37: {  	_ =	swait.ge [sflag:s12], $0x2800  }
0x38: {  	[sflag:s12] =	ssyncset.done $0x0  }
0x39: {  	s31 =	simm.s32 $0x14000;
	[sflag:s12] =	ssyncadd.s32 $0xFFFFD800  }
0x3a: {  	[spmem:s2] =	stream.indirect.scatter.add.f32 [tilespmem:s11], [sflag:$0x1], $0x80, s31, s14, $0xb8;
	[tilespmem:$0x1A800] =	vst v63  }
0x3b: {  	s19 =	simm.s32 $0x200;
	_ =	swait.ge [sflag:s12], $0x4000  }
.LBB2_6:
0x3c: {  	s20 =	sshra.s32 s19, $0x2;
	[sflag:s12] =	ssyncset.done $0x0;
	p0 =	sne.s32 s19, $0x9E00  }
.Ltmp2:
0x3d: {  	s20 =	sadd.s32 $0x14000, s20;
	[sflag:s12] =	ssyncadd.s32 $0xFFFFC000;
	(pc) =	sbr.rel @p0 .LBB2_6-.Ltmp2, $3  }
0x3e: {  	[spmem:s2] =	stream.indirect.scatter.add.f32 [tilespmem:s11], [sflag:$0x1], $0x80, s20, s14, $0xb8;
	[tilespmem:$0x1A800] =	vst v63  }
0x3f: {  	s19 =	sadd.s32 $0x200, s19;
	_ =	sdelay $0x1  }
0x40: {  	_ =	swait.ge [sflag:s12], $0x4000  }
0x41: {  	[sflag:s12] =	ssyncset.done $0x0;
	s18 =	sadd.s32 $0x1, s18  }
0x42: {  	[sflag:s12] =	ssyncadd.s32 $0xFFFFC000;
	p0 =	sne.s32 s18, s10  }
.Ltmp3:
0x43: {  	[bflag:$0x0] =	sbarrier.arrive $0xFFFF;
	(pc) =	sbr.rel @p0 .LBB2_1-.Ltmp3, $4  }
0x44: {  	[hbm:s15], [sflag:s16] =	dma.local [spmem:s17], $0x2800  }
0x45: {  	_ =	swait.ge [sflag:s12], $0x2800  }
0x46: {  	[sflag:s12] =	ssyncset.done $0x0  }
0x47: {  	[sflag:s12] =	ssyncadd.s32 $0xFFFFD800  }
0x48: {  	_ =	sfence.sel $0x180000  }
0x49: {  	[bflag:$0x0] =	sbarrier.arrive $0xFFFF  }
0x4a: {  	p0 =	sne.s32 s0, $0x0;
	_ =	strace $0x90000047  }
0x4b: {  	s0 =	sadd.s32 @!p0 $0x100000, s1;
	[bflag:$0x2] =	sbarrier.arrive $0xFFFF  }
0x4c: {  	[sflag:s0] =	ssyncadd.tile.s32 @!p0 $0x1;
	_ =	shalt  }
.Lfunc_end2:
_tile_overlayer_lowered:
.L_overlay_start_2:
0x4d: {  	(tag) =	ssettag $0x2  }
0x4e: {  	s0 =	rddreg [dreg:$0x0];
	s2 =	stileid.u32  }
0x4f: {  	s1 =	rddreg [dreg:$0x1];
	p0 =	sne.s32 s2, $0x0  }
0x50: {  	s3 =	rddreg [dreg:$0x2];
	[bflag:$0x3] =	sbarrier.arrive $0xFFFF;
	s2 =	simm.s32 @!p0 $0x1C01  }
0x51: {  	[timem:s3], [sflag:s2] =	dma.local @!p0 [hbm:s0], s1  }
0x52: {  	s0 =	simm.s32 @!p0 $0x1  }
0x53: {  	_ =	swait.ge @!p0 [sflag:s0], s1  }
0x54: {  	s1 =	ssub.s32 @!p0 $0x0, s1;
	[sflag:s0] =	ssyncset.done @!p0 $0x0  }
0x55: {  	[sflag:s0] =	ssyncadd.s32 @!p0 s1  }
0x56: {  	[bflag:$0x3] =	sbarrier.arrive $0xFFFF  }
0x57: {  	_ =	shalt  }

// kernel: kernel.14.cloned.1.call-start
scs
__scs_entry_jumppad:
0x0: {  	(pc) =	sbr.rel $0x88, $3  }
0x1: {  	(tag) =	ssettag $0x0;
	lr =	simm.s32 $0x1  }
0x2: {  	[smem:$0x3F91] =	sst lr;
	_ =	strace $0xD0000000  }
0x3: {  	_ = 	snop  }
0x4: {  	_ = 	snop  }
0x5: {  	_ = 	snop  }
0x6: {  	_ = 	snop  }
0x7: {  	_ = 	snop  }
__scs_overlays_trampoline_lowered:
0x8: {  	[smem:$0x3FA0] =	sst s0  }
0x9: {  	[smem:$0x3FA1] =	sst s1  }
0xa: {  	[smem:$0x3FA2] =	sst s2  }
0xb: {  	[smem:$0x3FA3] =	sst s3  }
0xc: {  	[smem:$0x3FA4] =	sst s4  }
0xd: {  	[smem:$0x3FA5] =	sst s5  }
0xe: {  	[smem:$0x3FA6] =	sst s6  }
0xf: {  	[smem:$0x3FA7] =	sst s7  }
0x10: {  	[smem:$0x3FA8] =	sst s8  }
0x11: {  	[smem:$0x3FA9] =	sst s9;
	s0 =	simm.s32 @!p0 $0x0  }
0x12: {  	s1 =	sld [smem:$0x3F8F];
	s0 =	simm.s32 @p0 $0x1  }
0x13: {  	[smem:$0x3FAA] =	sst s0;
	s0 =	simm.s32 @!p1 $0x0  }
0x14: {  	s2 =	sld [smem:$0x3F8E];
	s0 =	simm.s32 @p1 $0x1  }
0x15: {  	[smem:$0x3FAB] =	sst s0;
	s0 =	simm.s32 @!p2 $0x0  }
0x16: {  	s3 =	sld [smem:$0x3FDB];
	s0 =	simm.s32 @p2 $0x1  }
0x17: {  	s4 =	simm.s32 $0x1BF5;
	[smem:$0x3FAD] =	sst s0  }
0x18: {  	s0 =	sld [smem:$0x3F90];
	_ =	swait.ge [sflag:s4], $0x0  }
0x19: {  	s7 =	sld [smem:$0x3F91]  }
0x1a: {  	s8 =	sadd.s32 $0xFFFFE003, lr  }
0x1b: {  	s9 =	sadd.s32 $0xFFFFFEF7, lr;
	s5 =	simm.s32 $0xFFFFFFFF;
	p2 =	slt.u32 s8, $0xFFFFF086  }
0x1c: {  	p1 =	slt.u32 s9, $0xF7A;
	s5 =	simm.s32 @!p2 $0x0  }
0x1d: {  	s5 =	simm.s32 @p1 $0x1;
	p0 =	seq.s32 s7, s2  }
0x1e: {  	s7 =	smul.u32 @!p0 $0xF7A, s2;
	p2 =	seq.s32 @!p0 s5, $0x0  }
0x1f: {  	s9 =	smul.u32 $0xF7A, s1;
	s8 =	simm.s32 @!p0 $0x1BF5;
	p2 =	por !p2, p0  }
0x20: {  	[sflag:s8] =	ssyncset.s32 @!p0 $0xFFFFF086;
	s6 =	sadd.s32 @!p0 s3, s7;
	s7 =	simm.s32 @!p0 $0x108  }
0x21: {  	s3 =	sadd.s32 s3, s9;
	s6 =	sadd.s32 @!p0 $0x88, s6;
	s7 =	simm.s32 @p2 $0x1082  }
0x22: {  	[simem:s7], [sflag:s8] =	dma.local @!p0 [hbm:s6], $0xF7A  }
0x23: {  	s9 =	sor.u32 $0xD0000000, s2;
	s6 =	simm.s32 $0x108;
	_ =	swait.ge @!p0 [sflag:s8], $0x0  }
0x24: {  	s3 =	sadd.s32 $0x88, s3;
	s6 =	simm.s32 @!p1 $0x1082;
	[sflag:s4] =	ssyncset.s32 $0xFFFFF086  }
0x25: {  	[simem:s6], [sflag:s4] =	dma.local [hbm:s3], $0xF7A  }
0x26: {  	[smem:$0x3F91] =	sst s1;
	(tag) =	ssettag s2;
	_ =	strace s9  }
0x27: {  	s1 =	sld [smem:$0x3FA1]  }
0x28: {  	s2 =	sld [smem:$0x3FA2]  }
0x29: {  	s4 =	sld [smem:$0x3FA4]  }
0x2a: {  	p0 =	seq.s32 s5, $0x0;
	s5 =	sld [smem:$0x3FA5]  }
0x2b: {  	s6 =	sld [smem:$0x3FA6]  }
0x2c: {  	s7 =	sld [smem:$0x3FA7]  }
0x2d: {  	s3 =	simm.s32 $0x108;
	s8 =	sld [smem:$0x3FA8]  }
0x2e: {  	s3 =	simm.s32 @!p0 $0x1082;
	s9 =	sld [smem:$0x3FA9]  }
0x2f: {  	lr =	sadd.s32 s0, s3;
	s0 =	sld [smem:$0x3FA0]  }
0x30: {  	s3 =	sld [smem:$0x3FA3]  }
0x31: {  	[smem:$0x3FAC] =	sst s10  }
0x32: {  	s10 =	sld [smem:$0x3FAA];
	_ =	sdelay $0x3  }
0x33: {  	p0 =	seq.s32 s10, $0x1;
	s10 =	sld [smem:$0x3FAC];
	_ =	sdelay $0x3  }
0x34: {  	[smem:$0x3FAC] =	sst s10  }
0x35: {  	s10 =	sld [smem:$0x3FAB];
	_ =	sdelay $0x3  }
0x36: {  	p1 =	seq.s32 s10, $0x1;
	s10 =	sld [smem:$0x3FAC];
	_ =	sdelay $0x3  }
0x37: {  	[smem:$0x3FAC] =	sst s10  }
0x38: {  	s10 =	sld [smem:$0x3FAD]  }
0x39: {  	_ = 	snop;
	(pc) =	sbr.ind lr, $3  }
0x3a: {  	_ = 	snop  }
0x3b: {  	_ = 	snop  }
0x3c: {  	p2 =	seq.s32 s10, $0x1;
	s10 =	sld [smem:$0x3FAC]  }
0x3d: {  	_ =	shalt  }
0x3e: {  	_ =	shalt  }
0x3f: {  	_ =	shalt  }
0x40: {  	_ =	shalt  }
0x41: {  	_ =	shalt  }
0x42: {  	_ =	shalt  }
0x43: {  	_ =	shalt  }
0x44: {  	_ =	shalt  }
0x45: {  	_ =	shalt  }
0x46: {  	_ =	shalt  }
0x47: {  	_ =	shalt  }
0x48: {  	_ =	shalt  }
0x49: {  	_ =	shalt  }
0x4a: {  	_ =	shalt  }
0x4b: {  	_ =	shalt  }
0x4c: {  	_ =	shalt  }
0x4d: {  	_ =	shalt  }
0x4e: {  	_ =	shalt  }
0x4f: {  	_ =	shalt  }
0x50: {  	_ =	shalt  }
0x51: {  	_ =	shalt  }
0x52: {  	_ =	shalt  }
0x53: {  	_ =	shalt  }
0x54: {  	_ =	shalt  }
0x55: {  	_ =	shalt  }
0x56: {  	_ =	shalt  }
0x57: {  	_ =	shalt  }
0x58: {  	_ =	shalt  }
0x59: {  	_ =	shalt  }
0x5a: {  	_ =	shalt  }
0x5b: {  	_ =	shalt  }
0x5c: {  	_ =	shalt  }
0x5d: {  	_ =	shalt  }
0x5e: {  	_ =	shalt  }
0x5f: {  	_ =	shalt  }
0x60: {  	_ =	shalt  }
0x61: {  	_ =	shalt  }
0x62: {  	_ =	shalt  }
0x63: {  	_ =	shalt  }
0x64: {  	_ =	shalt  }
0x65: {  	_ =	shalt  }
0x66: {  	_ =	shalt  }
0x67: {  	_ =	shalt  }
0x68: {  	_ =	shalt  }
0x69: {  	_ =	shalt  }
0x6a: {  	_ =	shalt  }
0x6b: {  	_ =	shalt  }
0x6c: {  	_ =	shalt  }
0x6d: {  	_ =	shalt  }
0x6e: {  	_ =	shalt  }
0x6f: {  	_ =	shalt  }
0x70: {  	_ =	shalt  }
0x71: {  	_ =	shalt  }
0x72: {  	_ =	shalt  }
0x73: {  	_ =	shalt  }
0x74: {  	_ =	shalt  }
0x75: {  	_ =	shalt  }
0x76: {  	_ =	shalt  }
0x77: {  	_ =	shalt  }
0x78: {  	_ =	shalt  }
0x79: {  	_ =	shalt  }
0x7a: {  	_ =	shalt  }
0x7b: {  	_ =	shalt  }
0x7c: {  	_ =	shalt  }
0x7d: {  	_ =	shalt  }
0x7e: {  	_ =	shalt  }
0x7f: {  	_ =	shalt  }
0x80: {  	_ =	shalt  }
0x81: {  	_ =	shalt  }
0x82: {  	_ =	shalt  }
0x83: {  	_ =	shalt  }
0x84: {  	_ =	shalt  }
0x85: {  	_ =	shalt  }
0x86: {  	_ =	shalt  }
0x87: {  	_ =	shalt  }
.Lfunc_end0:
.L_simem_size_0:
called_computation.1_lowered:
.L_overlay_start_0:
0x88: {  	s2 =	sld [smem:$0x3FD9]  }
0x89: {  	s3 =	sld [smem:$0x3FFE];
	_ =	sdelay $0x1  }
0x8a: {  	s1 =	srdreg.scid  }
0x8b: {  	s0 =	sand.u32 $0x1, s1  }
0x8c: {  	s17 =	sshll.u32 s0, $0xA;
	s2 =	sadd.s32 s3, s2  }
0x8d: {  	s2 =	sadd.s32 s2, s17  }
0x8e: {  	[smem:$0x3FB8] =	sst s2  }
0x8f: {  	_ = 	snop  }
0x90: {  	s2 =	sld [smem:$0x3FD0];
	(tm) =	ssettm $0x1  }
0x91: {  	s18 =	sld [smem:$0x3FFB];
	_ =	sdelay $0x3  }
0x92: {  	_ =	strace s18  }
0x93: {  	s3 =	sld [smem:$0x3FFC];
	_ =	sdelay $0x3  }
0x94: {  	_ =	strace s3  }
0x95: {  	s3 =	sld [smem:$0x3FFD];
	_ =	sdelay $0x3  }
0x96: {  	_ =	strace s3  }
0x97: {  	_ =	strace $0x8FFFFFFF  }
0x98: {  	s19 =	sld [smem:$0x3FDB];
	_ =	sdelay $0x1  }
0x99: {  	s4 =	simm.s32 $_scs_section_size  }
0x9a: {  	s5 =	simm.s32 $_size__tile_overlayer_lowered;
	s6 =	simm.s32 $_tile_overlayer_lowered  }
0x9b: {  	s22 =	simm.s32 $0x1BFF;
	s21 =	sshll.u32 s6, $0x1;
	s3 =	sadd.s32 s4, s19  }
0x9c: {  	s7 =	simm.s32 $0x0;
	s20 =	sshll.u32 s5, $0x1;
	s5 =	sadd.s32 s21, s3  }
0x9d: {  	[timem:s7], [sflag:s22] =	dma.local [hbm:s5], s20  }
0x9e: {  	_ =	swait.ge [sflag:s22], s20  }
0x9f: {  	s4 =	ssub.s32 $0x0, s20;
	[sflag:s22] =	ssyncset.done $0x0  }
0xa0: {  	[sflag:s22] =	ssyncadd.s32 s4;
	_ =	sdelay $0x1  }
0xa1: {  	s23 =	simm.s32 $0x1B8B  }
0xa2: {  	_ =	swait.ge [sflag:s23], $0x1  }
0xa3: {  	[sflag:s23] =	ssyncset.done $0x0  }
0xa4: {  	s25 =	simm.s32 $0x1B8E;
	s24 =	sld [smem:$0x3FFE];
	[sflag:s23] =	ssyncadd.s32 $0xFFFFFFFF  }
0xa5: {  	s26 =	simm.s32 $execute0_lowered;
	[smem:$0x3FD2] =	sst s25  }
0xa6: {  	s5 =	sshll.u32 s26, $0x1;
	_ =	strace $0x80000049;
	[dreg:$0x1] =	wrdreg $0xFFFFFFFF  }
0xa7: {  	s28 =	simm.s32 $_size_execute0_lowered;
	s3 =	sadd.s32 s3, s5;
	[dreg:$0x0] =	wrdreg $0x0  }
0xa8: {  	s5 =	sshll.u32 s28, $0x1;
	[dreg:$0x2] =	wrdreg s3  }
0xa9: {  	[dreg:$0x3] =	wrdreg s5  }
0xaa: {  	[dreg:$0x4] =	wrdreg $0xC0  }
0xab: {  	_ =	task [dreg:s7], $0x5FFFF  }
0xac: {  	[dreg:$0x1] =	wrdreg $0xFFFFFFFF  }
0xad: {  	[dreg:$0x0] =	wrdreg $0x60  }
0xae: {  	[dreg:$0x2] =	wrdreg s24  }
0xaf: {  	[dreg:$0x3] =	wrdreg s2  }
0xb0: {  	[dreg:$0x4] =	wrdreg $0x0  }
0xb1: {  	[dreg:$0x5] =	wrdreg $0x9  }
0xb2: {  	_ =	task.clear_ibuf [dreg:s7], $0x6FFFF;
	_ =	strace $0x90000049  }
0xb3: {  	s29 =	simm.s32 $0x9;
	_ =	strace $0x8000004B  }
0xb4: {  	_ =	swait.ge [sflag:s29], $0x1  }
0xb5: {  	[sflag:s29] =	ssyncadd.s32 $0xFFFFFFFF  }
0xb6: {  	_ =	strace $0x9000004B  }
0xb7: {  	_ =	sfence  }
0xb8: {  	s30 =	sld [smem:$0x0];
	_ =	sdelay $0x2  }
0xb9: {  	s31 =	sshll.u32 s1, $0xD;
	s1 =	sshrl.u32 s1, $0x2  }
0xba: {  	s3 =	sand.u32 $0x4000, s31;
	s1 =	sadd.s32 s1, s30  }
0xbb: {  	s0 =	sor.u32 s3, s0;
	s1 =	sshll.u32 s1, $0x11  }
0xbc: {  	s0 =	sor.u32 s1, s0  }
0xbd: {  	s0 =	sadd.s32 $0x8F2B, s0  }
0xbe: {  	[sflag:s0] =	ssyncadd.remote.s32 $0x1  }
0xbf: {  	_ =	sfence.sel $0xFFFF  }
0xc0: {  	[dreg:$0x0] =	wrdreg $0xFFFFFFFF;
	(pc) =	sbr.abs _section_cstart, $3  }
0xc1: {  	[dreg:$0x1] =	wrdreg $0xFFFFFFFF  }
0xc2: {  	_ =	task.clear_ibuf [dreg:s7], $0x2FFFF;
	_ =	strace $0x9FFFFFFF  }
0xc3: {  	(tm) =	ssettm $0x7FFFFFFF  }
tec
execute0_lowered:
.L_overlay_start_1:
0x0: {  	(tag) =	ssettag $0x1  }
0x1: {  	s0 =	rddreg [dreg:$0x0]  }
0x2: {  	s1 =	rddreg [dreg:$0x1]  }
0x3: {  	s2 =	rddreg [dreg:$0x2];
	s3 =	srdreg.scid  }
0x4: {  	s5 =	simm.s32 $0x0;
	s10 =	stileid.u32;
	s19 =	simm.s32 $0x15000  }
0x5: {  	s28 =	simm.s32 $0x19000;
	s29 =	simm.s32 $0x14180;
	s30 =	simm.s32 $0x1B000  }
0x6: {  	s31 =	simm.s32 $0x0;
	s3 =	sand.u32 $0x1, s3;
	s7 =	smul.u32 $0x50000, s10  }
0x7: {  	[smem:$0x7FF] =	sst s5;
	s5 =	sadd.s32 $0x72800, s0;
	s26 =	smul.u32 $0x2800, s10  }
0x8: {  	s6 =	sadd.s32 $0x5E800, s0;
	s9 =	sshll.u32 s10, $0x1;
	s4 =	smul.u32 $0x28000, s3  }
0x9: {  	_ =	strace $0x8000004A;
	s20 =	ssub.s32 $0x2, s3;
	s3 =	sor.u32 s3, s9  }
0xa: {  	s7 =	sshrl.u32 s7, $0x2;
	s8 =	sshrl.u32 s20, $0x1;
	s17 =	smul.u32 $0x5000, s3  }
0xb: {  	s0 =	sadd.s32 s4, s0;
	s7 =	sadd.s32 s7, s2;
	s4 =	ssub.s32 s20, s8  }
0xc: {  	s20 =	simm.s32 $0x6;
	s21 =	sadd.s32 $0x2000, s7;
	s22 =	sadd.s32 $0x4000, s7  }
0xd: {  	s23 =	sadd.s32 $0x6000, s7;
	s24 =	sadd.s32 $0x8000, s7;
	[dreg:$0x4] =	wrdreg s21  }
0xe: {  	s25 =	sadd.s32 $0xA000, s7;
	s13 =	sadd.s32 $0xC000, s7;
	[dreg:$0x5] =	wrdreg s22  }
.Ltmp0:
0xf: {  	s14 =	sadd.s32 $0xE000, s7;
	[dreg:$0x6] =	wrdreg s23;
	(pc) =	sbr.rel .LBB2_1-.Ltmp0, $4  }
0x10: {  	s15 =	sadd.s32 $0x10000, s7;
	s16 =	sadd.s32 $0x12000, s7;
	[dreg:$0x7] =	wrdreg s24  }
0x11: {  	s0 =	sadd.s32 $0xC2800, s0;
	s18 =	smax.u32 s4, $0x1;
	[dreg:$0x8] =	wrdreg s25  }
0x12: {  	s21 =	simm.s32 $0x14000;
	s22 =	simm.s32 $0x40;
	s23 =	simm.s32 $0x14080  }
0x13: {  	v0 =	vimm.f32 $0.0e+00;
	s24 =	sadd.s32 s26, s0;
	s25 =	simm.s32 $0x17000;
	s26 =	simm.s32 $0x14100  }
.LBB2_10:
0x14: {  	s0 =	stileid.u32;
	s31 =	sadd.s32 $0x1, s31  }
0x15: {  	[bflag:$0x0] =	sbarrier.arrive $0xFFFF;
	s0 =	sshll.u32 s0, $0x6;
	p0 =	sne.s32 s31, s18  }
.Ltmp1:
0x16: {  	s3 =	sshrl.u32 s7, $0x3;
	s0 =	sor.u32 $0x1C06, s0;
	(pc) =	sbr.rel @!p0 .LBB2_11-.Ltmp1, $4  }
0x17: {  	[hbm:s24], [sflag:s0] =	dma.local [spmem:s3], $0x2800  }
0x18: {  	_ =	swait.ge [sflag:s20], $0x2800  }
0x19: {  	[sflag:s20] =	ssyncset.done $0x0  }
0x1a: {  	[sflag:s20] =	ssyncadd.s32 $0xFFFFD800  }
.LBB2_1:
0x1b: {  	s3 =	simm.s32 $0x0  }
0x1c: {  	s0 =	sand.u32 $0x7E00, s3  }
0x1d: {  	s3 =	sand.u32 $0x70, s3;
	s4 =	sshrl.u32 s0, $0x2  }
0x1e: {  	s0 =	simm.s32 $0x40;
	s4 =	sor.u32 s3, s4;
	s3 =	simm.s32 $0x0  }
.LBB2_2:
0x1f: {  	p0 =	sne.s32 s0, $0x7FC0  }
0x20: {  	[tilespmem:s4+$0x15000] =	vst v0;
	s3 =	sadd.s32 $0x10, s3;
	s4 =	smov.u32 s0;
	s0 =	sadd.s32 $0x40, s0  }
.Ltmp2:
0x21: {  	(pc) =	sbr.rel @p0 .LBB2_2-.Ltmp2, $4  }
0x22: {  	_ = 	snop  }
0x23: {  	s4 =	sand.u32 $0x7E00, s4  }
0x24: {  	s8 =	sand.u32 $0x70, s3;
	s4 =	sshrl.u32 s4, $0x2  }
0x25: {  	s4 =	sor.u32 s8, s4  }
0x26: {  	[tilespmem:s4+$0x15000] =	vst v0  }
0x27: {  	[spmem:s7] =	stream.linear.scatter [tilespmem:s19], [sflag:$0x6], $0x2000, $0x38;
	[tilespmem:$0x1F000] =	vst v63  }
0x28: {  	_ =	swait.ge [sflag:s20], $0x2000  }
0x29: {  	[sflag:s20] =	ssyncset.done $0x0  }
0x2a: {  	s0 =	rddreg [dreg:$0x4];
	[sflag:s20] =	ssyncadd.s32 $0xFFFFE000  }
0x2b: {  	[spmem:s0] =	stream.linear.scatter [tilespmem:s19], [sflag:$0x6], $0x2000, $0x38;
	[tilespmem:$0x1F000] =	vst v63  }
0x2c: {  	_ =	swait.ge [sflag:s20], $0x2000  }
0x2d: {  	[sflag:s20] =	ssyncset.done $0x0  }
0x2e: {  	s9 =	rddreg [dreg:$0x5];
	[sflag:s20] =	ssyncadd.s32 $0xFFFFE000  }
0x2f: {  	[spmem:s9] =	stream.linear.scatter [tilespmem:s19], [sflag:$0x6], $0x2000, $0x38;
	[tilespmem:$0x1F000] =	vst v63  }
0x30: {  	_ =	swait.ge [sflag:s20], $0x2000  }
0x31: {  	[sflag:s20] =	ssyncset.done $0x0  }
0x32: {  	s10 =	rddreg [dreg:$0x6];
	[sflag:s20] =	ssyncadd.s32 $0xFFFFE000  }
0x33: {  	[spmem:s10] =	stream.linear.scatter [tilespmem:s19], [sflag:$0x6], $0x2000, $0x38;
	[tilespmem:$0x1F000] =	vst v63  }
0x34: {  	_ =	swait.ge [sflag:s20], $0x2000  }
0x35: {  	[sflag:s20] =	ssyncset.done $0x0  }
0x36: {  	s11 =	rddreg [dreg:$0x7];
	[sflag:s20] =	ssyncadd.s32 $0xFFFFE000  }
0x37: {  	[spmem:s11] =	stream.linear.scatter [tilespmem:s19], [sflag:$0x6], $0x2000, $0x38;
	[tilespmem:$0x1F000] =	vst v63  }
0x38: {  	_ =	swait.ge [sflag:s20], $0x2000  }
0x39: {  	[sflag:s20] =	ssyncset.done $0x0  }
0x3a: {  	s12 =	rddreg [dreg:$0x8];
	[sflag:s20] =	ssyncadd.s32 $0xFFFFE000  }
0x3b: {  	[spmem:s12] =	stream.linear.scatter [tilespmem:s19], [sflag:$0x6], $0x2000, $0x38;
	[tilespmem:$0x1F000] =	vst v63  }
0x3c: {  	_ =	swait.ge [sflag:s20], $0x2000  }
0x3d: {  	[sflag:s20] =	ssyncset.done $0x0  }
0x3e: {  	[sflag:s20] =	ssyncadd.s32 $0xFFFFE000  }
0x3f: {  	[spmem:s13] =	stream.linear.scatter [tilespmem:s19], [sflag:$0x6], $0x2000, $0x38;
	[tilespmem:$0x1F000] =	vst v63  }
0x40: {  	_ =	swait.ge [sflag:s20], $0x2000  }
0x41: {  	[sflag:s20] =	ssyncset.done $0x0  }
0x42: {  	[sflag:s20] =	ssyncadd.s32 $0xFFFFE000  }
0x43: {  	[spmem:s14] =	stream.linear.scatter [tilespmem:s19], [sflag:$0x6], $0x2000, $0x38;
	[tilespmem:$0x1F000] =	vst v63  }
0x44: {  	_ =	swait.ge [sflag:s20], $0x2000  }
0x45: {  	[sflag:s20] =	ssyncset.done $0x0  }
0x46: {  	[sflag:s20] =	ssyncadd.s32 $0xFFFFE000  }
0x47: {  	[spmem:s15] =	stream.linear.scatter [tilespmem:s19], [sflag:$0x6], $0x2000, $0x38;
	[tilespmem:$0x1F000] =	vst v63  }
0x48: {  	_ =	swait.ge [sflag:s20], $0x2000  }
0x49: {  	[sflag:s20] =	ssyncset.done $0x0  }
0x4a: {  	[sflag:s20] =	ssyncadd.s32 $0xFFFFE000  }
0x4b: {  	[spmem:s16] =	stream.linear.scatter [tilespmem:s19], [sflag:$0x6], $0x2000, $0x38;
	[tilespmem:$0x1F000] =	vst v63  }
.Ltmp3:
0x4c: {  	_ =	swait.ge [sflag:s20], $0x2000;
	(pc) =	sbr.rel .LBB2_4-.Ltmp3, $4  }
0x4d: {  	[sflag:s20] =	ssyncset.done $0x0  }
0x4e: {  	[sflag:s20] =	ssyncadd.s32 $0xFFFFE000  }
0x4f: {  	[bflag:$0x0] =	sbarrier.arrive $0xFFFF  }
0x50: {  	s3 =	simm.s32 $0x0;
	s0 =	simm.s32 $0x0  }
.LBB2_9:
0x51: {  	s3 =	sadd.s32 $0x1, s3  }
0x52: {  	p0 =	sne.s32 s3, $0xA  }
.Ltmp4:
0x53: {  	_ = 	snop;
	(pc) =	sbr.rel @!p0 .LBB2_10-.Ltmp4, $1  }
0x54: {  	_ =	sdelay $0x3  }
.LBB2_4:
0x55: {  	s4 =	sshll.u32 s3, $0xB  }
0x56: {  	s4 =	sadd.s32 s17, s4  }
0x57: {  	s4 =	sshrl.u32 s4, $0x3  }
0x58: {  	s8 =	sadd.s32 s1, s4  }
0x59: {  	[tilespmem:s21], [sflag:$0x6] =	stream.linear.gather [hbm4b:s8+s0], $0x800, $0x38;
	[tilespmem:$0x1F000] =	vst v63  }
0x5a: {  	_ =	swait.ge [sflag:s20], $0x800  }
0x5b: {  	[sflag:s20] =	ssyncset.done $0x0  }
0x5c: {  	s12 =	sadd.s32 s6, s4;
	s4 =	simm.s32 $0x14800;
	[sflag:s20] =	ssyncadd.s32 $0xFFFFF800  }
0x5d: {  	[tilespmem:s4], [sflag:$0x6] =	stream.linear.gather [hbm4b:s12+s0], $0x800, $0x38;
	[tilespmem:$0x1F000] =	vst v63  }
0x5e: {  	_ =	swait.ge [sflag:s20], $0x800  }
0x5f: {  	[sflag:s20] =	ssyncset.done $0x0  }
0x60: {  	[sflag:s20] =	ssyncadd.s32 $0xFFFFF800  }
0x61: {  	[tilespmem:s19], [sflag:$0x1] =	stream.indirect.gather [hbm4b:s5+s22], $0x80, s21, s22, $0xb8;
	[tilespmem:$0x1F000] =	vst v63  }
0x62: {  	_ = 	snop  }
0x63: {  	[tilespmem:s25], [sflag:$0x2] =	stream.indirect.gather [hbm4b:s5+s22], $0x80, s23, s22, $0xb8;
	[tilespmem:$0x1F000] =	vst v63  }
.Ltmp5:
0x64: {  	_ = 	snop;
	(pc) =	sbr.rel .LBB2_5-.Ltmp5, $4  }
0x65: {  	_ = 	snop  }
0x66: {  	[tilespmem:s28], [sflag:$0x3] =	stream.indirect.gather [hbm4b:s5+s22], $0x80, s26, s22, $0xb8;
	[tilespmem:$0x1F000] =	vst v63  }
0x67: {  	s9 =	simm.s32 $0x0;
	s8 =	simm.s32 $0x14200  }
0x68: {  	[tilespmem:s30], [sflag:$0x4] =	stream.indirect.gather [hbm4b:s5+s22], $0x80, s29, s22, $0xb8;
	[tilespmem:$0x1F000] =	vst v63  }
.LBB2_7:
0x69: {  	p0 =	seq.s32 s10, $0x2  }
0x6a: {  	p1 =	sgt.u32 @p0 s9, $0xB  }
0x6b: {  	p1 =	por p1, !p0  }
0x6c: {  	p2 =	seq.s32 @!p0 s10, $0x3;
	s11 =	simm.s32 @!p1 $0x40;
	s12 =	simm.s32 @!p1 $0x17000  }
0x6d: {  	[tilespmem:s12], [sflag:$0x2] =	stream.indirect.gather @!p1 [hbm4b:s5+s11], $0x80, s8, s11, $0xb8;
	[tilespmem:$0x1F000] =	vst v63  }
0x6e: {  	s11 =	simm.s32 @p0 $0x3;
	p1 =	por !p2, p0  }
0x6f: {  	_ =	swait.ge @p0 [sflag:s11], $0x2000;
	p3 =	sgt.u32 @!p1 s9, $0xB  }
0x70: {  	s12 =	simm.s32 @p0 $0x19000;
	[sflag:s11] =	ssyncset.done @p0 $0x0;
	p3 =	por @!p0 p3, !p2  }
0x71: {  	[sflag:s11] =	ssyncadd.s32 @p0 $0xFFFFE000;
	s11 =	simm.s32 @p0 $0x40;
	p3 =	por p3, p0  }
0x72: {  	[spmem:s2] =	stream.indirect.scatter.add.f32 @p0 [tilespmem:s12], [sflag:$0x7], $0x80, s4, s11, $0xb8;
	[tilespmem:$0x1F000] =	vst v63  }
0x73: {  	s10 =	simm.s32 @!p3 $0x40;
	s11 =	simm.s32 @!p3 $0x19000  }
0x74: {  	[tilespmem:s11], [sflag:$0x3] =	stream.indirect.gather @!p3 [hbm4b:s5+s10], $0x80, s8, s10, $0xb8;
	[tilespmem:$0x1F000] =	vst v63  }
0x75: {  	s10 =	simm.s32 @!p1 $0x4;
	p3 =	por p2, p0  }
0x76: {  	_ =	swait.ge @!p1 [sflag:s10], $0x2000;
	p4 =	sgt.u32 @!p3 s9, $0xB  }
0x77: {  	s11 =	simm.s32 @!p1 $0x1B000;
	[sflag:s10] =	ssyncset.done @!p1 $0x0;
	p2 =	por @!p0 p4, p2  }
0x78: {  	[sflag:s10] =	ssyncadd.s32 @!p1 $0xFFFFE000;
	s10 =	simm.s32 @!p1 $0x40;
	p2 =	por p2, p0  }
0x79: {  	[spmem:s2] =	stream.indirect.scatter.add.f32 @!p1 [tilespmem:s11], [sflag:$0x7], $0x80, s4, s10, $0xb8;
	[tilespmem:$0x1F000] =	vst v63  }
0x7a: {  	s10 =	simm.s32 @!p2 $0x40;
	s11 =	simm.s32 @!p2 $0x1B000  }
0x7b: {  	[tilespmem:s11], [sflag:$0x4] =	stream.indirect.gather @!p2 [hbm4b:s5+s10], $0x80, s8, s10, $0xb8;
	[tilespmem:$0x1F000] =	vst v63  }
0x7c: {  	s11 =	simm.s32 @!p3 $0x5  }
0x7d: {  	s10 =	simm.s32 @!p1 $0x7;
	_ =	swait.ge @!p3 [sflag:s11], $0x2000  }
0x7e: {  	s12 =	simm.s32 @!p3 $0x1D000;
	s10 =	simm.s32 @p1 $0x6;
	[sflag:s11] =	ssyncset.done @!p3 $0x0  }
0x7f: {  	s10 =	simm.s32 @p0 $0x7;
	[sflag:s11] =	ssyncadd.s32 @!p3 $0xFFFFE000;
	s11 =	simm.s32 @!p3 $0x40  }
0x80: {  	[spmem:s2] =	stream.indirect.scatter.add.f32 @!p3 [tilespmem:s12], [sflag:$0x6], $0x80, s4, s11, $0xb8;
	[tilespmem:$0x1F000] =	vst v63  }
.LBB2_8:
0x81: {  	s9 =	sadd.s32 $0x1, s9  }
0x82: {  	p0 =	sne.s32 s9, $0x10  }
.Ltmp6:
0x83: {  	_ = 	snop;
	(pc) =	sbr.rel @!p0 .LBB2_9-.Ltmp6, $4  }
0x84: {  	_ = 	snop  }
0x85: {  	_ =	swait.ge [sflag:s10], $0x2000  }
0x86: {  	[sflag:s10] =	ssyncset.done $0x0  }
0x87: {  	s8 =	sadd.s32 $0x80, s8;
	s4 =	sadd.s32 $0x80, s4;
	[sflag:s10] =	ssyncadd.s32 $0xFFFFE000  }
.LBB2_5:
0x88: {  	s10 =	smul.u32 $0xCD, s9;
	_ =	sdelay $0x1  }
0x89: {  	s10 =	sshrl.u32 s10, $0xA  }
0x8a: {  	s10 =	sand.u32 $0x3F, s10  }
0x8b: {  	s10 =	smul.u32 $0x5, s10;
	_ =	sdelay $0x1  }
0x8c: {  	s10 =	ssub.s32 s9, s10  }
0x8d: {  	s10 =	sand.u32 $0xFF, s10  }
0x8e: {  	p0 =	sgt.s32 s10, $0x1  }
.Ltmp7:
0x8f: {  	_ = 	snop;
	(pc) =	sbr.rel @p0 .LBB2_7-.Ltmp7, $1  }
0x90: {  	_ =	sdelay $0x3  }
0x91: {  	p0 =	seq.s32 s10, $0x0  }
0x92: {  	p1 =	sgt.u32 @p0 s9, $0xB  }
0x93: {  	p1 =	por p1, !p0  }
0x94: {  	s10 =	simm.s32 @!p1 $0x40;
	s11 =	simm.s32 @!p1 $0x1D000  }
0x95: {  	[tilespmem:s11], [sflag:$0x5] =	stream.indirect.gather @!p1 [hbm4b:s5+s10], $0x80, s8, s10, $0xb8;
	[tilespmem:$0x1F000] =	vst v63  }
0x96: {  	s10 =	simm.s32 @p0 $0x1  }
0x97: {  	_ =	swait.ge @p0 [sflag:s10], $0x2000  }
0x98: {  	s11 =	simm.s32 @p0 $0x15000;
	p1 =	sgt.u32 @!p0 s9, $0xB;
	[sflag:s10] =	ssyncset.done @p0 $0x0  }
0x99: {  	p1 =	por p1, p0;
	[sflag:s10] =	ssyncadd.s32 @p0 $0xFFFFE000;
	s10 =	simm.s32 @p0 $0x40  }
0x9a: {  	[spmem:s2] =	stream.indirect.scatter.add.f32 @p0 [tilespmem:s11], [sflag:$0x7], $0x80, s4, s10, $0xb8;
	[tilespmem:$0x1F000] =	vst v63  }
0x9b: {  	s10 =	simm.s32 @!p1 $0x40;
	s11 =	simm.s32 @!p1 $0x15000  }
0x9c: {  	[tilespmem:s11], [sflag:$0x1] =	stream.indirect.gather @!p1 [hbm4b:s5+s10], $0x80, s8, s10, $0xb8;
	[tilespmem:$0x1F000] =	vst v63  }
0x9d: {  	s10 =	simm.s32 @!p0 $0x2  }
0x9e: {  	_ =	swait.ge @!p0 [sflag:s10], $0x2000  }
.Ltmp8:
0x9f: {  	[sflag:s10] =	ssyncset.done @!p0 $0x0;
	(pc) =	sbr.rel .LBB2_8-.Ltmp8, $4  }
0xa0: {  	s11 =	simm.s32 @!p0 $0x17000;
	[sflag:s10] =	ssyncadd.s32 @!p0 $0xFFFFE000;
	s10 =	simm.s32 @!p0 $0x40  }
0xa1: {  	[spmem:s2] =	stream.indirect.scatter.add.f32 @!p0 [tilespmem:s11], [sflag:$0x7], $0x80, s4, s10, $0xb8;
	[tilespmem:$0x1F000] =	vst v63  }
0xa2: {  	s10 =	simm.s32 @!p0 $0x7  }
0xa3: {  	s10 =	simm.s32 @p0 $0x7  }
.LBB2_11:
0xa4: {  	_ =	sfence.sel $0x180000  }
0xa5: {  	[bflag:$0x0] =	sbarrier.arrive $0xFFFF  }
0xa6: {  	_ =	strace $0x9000004A  }
0xa7: {  	s0 =	stileid.u32;
	[bflag:$0x2] =	sbarrier.arrive $0xFFFF  }
0xa8: {  	p0 =	sne.s32 s0, $0x0;
	s0 =	rddreg [dreg:$0x3]  }
0xa9: {  	s0 =	sadd.s32 @!p0 $0x100000, s0  }
0xaa: {  	[sflag:s0] =	ssyncadd.tile.s32 @!p0 $0x1;
	_ =	shalt  }
.Lfunc_end2:
_tile_overlayer_lowered:
.L_overlay_start_2:
0xab: {  	(tag) =	ssettag $0x2  }
0xac: {  	s0 =	rddreg [dreg:$0x0];
	s2 =	stileid.u32  }
0xad: {  	s1 =	rddreg [dreg:$0x1];
	p0 =	sne.s32 s2, $0x0  }
0xae: {  	s3 =	rddreg [dreg:$0x2];
	[bflag:$0x3] =	sbarrier.arrive $0xFFFF;
	s2 =	simm.s32 @!p0 $0x1C06  }
0xaf: {  	[timem:s3], [sflag:s2] =	dma.local @!p0 [hbm:s0], s1  }
0xb0: {  	s0 =	simm.s32 @!p0 $0x6  }
0xb1: {  	_ =	swait.ge @!p0 [sflag:s0], s1  }
0xb2: {  	s1 =	ssub.s32 @!p0 $0x0, s1;
	[sflag:s0] =	ssyncset.done @!p0 $0x0  }
0xb3: {  	[sflag:s0] =	ssyncadd.s32 @!p0 s1  }
0xb4: {  	[bflag:$0x3] =	sbarrier.arrive $0xFFFF  }
0xb5: {  	_ =	shalt  }

// kernel: kernel.17.cloned.1.call-start
scs
__scs_entry_jumppad:
0x0: {  	(pc) =	sbr.rel $0x88, $3  }
0x1: {  	(tag) =	ssettag $0x0;
	lr =	simm.s32 $0x1  }
0x2: {  	[smem:$0x3F91] =	sst lr;
	_ =	strace $0xD0000000  }
0x3: {  	_ = 	snop  }
0x4: {  	_ = 	snop  }
0x5: {  	_ = 	snop  }
0x6: {  	_ = 	snop  }
0x7: {  	_ = 	snop  }
__scs_overlays_trampoline_lowered:
0x8: {  	[smem:$0x3FA0] =	sst s0  }
0x9: {  	[smem:$0x3FA1] =	sst s1  }
0xa: {  	[smem:$0x3FA2] =	sst s2  }
0xb: {  	[smem:$0x3FA3] =	sst s3  }
0xc: {  	[smem:$0x3FA4] =	sst s4  }
0xd: {  	[smem:$0x3FA5] =	sst s5  }
0xe: {  	[smem:$0x3FA6] =	sst s6  }
0xf: {  	[smem:$0x3FA7] =	sst s7  }
0x10: {  	[smem:$0x3FA8] =	sst s8  }
0x11: {  	[smem:$0x3FA9] =	sst s9;
	s0 =	simm.s32 @!p0 $0x0  }
0x12: {  	s1 =	sld [smem:$0x3F8F];
	s0 =	simm.s32 @p0 $0x1  }
0x13: {  	[smem:$0x3FAA] =	sst s0;
	s0 =	simm.s32 @!p1 $0x0  }
0x14: {  	s2 =	sld [smem:$0x3F8E];
	s0 =	simm.s32 @p1 $0x1  }
0x15: {  	[smem:$0x3FAB] =	sst s0;
	s0 =	simm.s32 @!p2 $0x0  }
0x16: {  	s3 =	sld [smem:$0x3FDB];
	s0 =	simm.s32 @p2 $0x1  }
0x17: {  	s4 =	simm.s32 $0x1BF5;
	[smem:$0x3FAD] =	sst s0  }
0x18: {  	s0 =	sld [smem:$0x3F90];
	_ =	swait.ge [sflag:s4], $0x0  }
0x19: {  	s7 =	sld [smem:$0x3F91]  }
0x1a: {  	s8 =	sadd.s32 $0xFFFFE003, lr  }
0x1b: {  	s9 =	sadd.s32 $0xFFFFFEF7, lr;
	s5 =	simm.s32 $0xFFFFFFFF;
	p2 =	slt.u32 s8, $0xFFFFF086  }
0x1c: {  	p1 =	slt.u32 s9, $0xF7A;
	s5 =	simm.s32 @!p2 $0x0  }
0x1d: {  	s5 =	simm.s32 @p1 $0x1;
	p0 =	seq.s32 s7, s2  }
0x1e: {  	s7 =	smul.u32 @!p0 $0xF7A, s2;
	p2 =	seq.s32 @!p0 s5, $0x0  }
0x1f: {  	s9 =	smul.u32 $0xF7A, s1;
	s8 =	simm.s32 @!p0 $0x1BF5;
	p2 =	por !p2, p0  }
0x20: {  	[sflag:s8] =	ssyncset.s32 @!p0 $0xFFFFF086;
	s6 =	sadd.s32 @!p0 s3, s7;
	s7 =	simm.s32 @!p0 $0x108  }
0x21: {  	s3 =	sadd.s32 s3, s9;
	s6 =	sadd.s32 @!p0 $0x88, s6;
	s7 =	simm.s32 @p2 $0x1082  }
0x22: {  	[simem:s7], [sflag:s8] =	dma.local @!p0 [hbm:s6], $0xF7A  }
0x23: {  	s9 =	sor.u32 $0xD0000000, s2;
	s6 =	simm.s32 $0x108;
	_ =	swait.ge @!p0 [sflag:s8], $0x0  }
0x24: {  	s3 =	sadd.s32 $0x88, s3;
	s6 =	simm.s32 @!p1 $0x1082;
	[sflag:s4] =	ssyncset.s32 $0xFFFFF086  }
0x25: {  	[simem:s6], [sflag:s4] =	dma.local [hbm:s3], $0xF7A  }
0x26: {  	[smem:$0x3F91] =	sst s1;
	(tag) =	ssettag s2;
	_ =	strace s9  }
0x27: {  	s1 =	sld [smem:$0x3FA1]  }
0x28: {  	s2 =	sld [smem:$0x3FA2]  }
0x29: {  	s4 =	sld [smem:$0x3FA4]  }
0x2a: {  	p0 =	seq.s32 s5, $0x0;
	s5 =	sld [smem:$0x3FA5]  }
0x2b: {  	s6 =	sld [smem:$0x3FA6]  }
0x2c: {  	s7 =	sld [smem:$0x3FA7]  }
0x2d: {  	s3 =	simm.s32 $0x108;
	s8 =	sld [smem:$0x3FA8]  }
0x2e: {  	s3 =	simm.s32 @!p0 $0x1082;
	s9 =	sld [smem:$0x3FA9]  }
0x2f: {  	lr =	sadd.s32 s0, s3;
	s0 =	sld [smem:$0x3FA0]  }
0x30: {  	s3 =	sld [smem:$0x3FA3]  }
0x31: {  	[smem:$0x3FAC] =	sst s10  }
0x32: {  	s10 =	sld [smem:$0x3FAA];
	_ =	sdelay $0x3  }
0x33: {  	p0 =	seq.s32 s10, $0x1;
	s10 =	sld [smem:$0x3FAC];
	_ =	sdelay $0x3  }
0x34: {  	[smem:$0x3FAC] =	sst s10  }
0x35: {  	s10 =	sld [smem:$0x3FAB];
	_ =	sdelay $0x3  }
0x36: {  	p1 =	seq.s32 s10, $0x1;
	s10 =	sld [smem:$0x3FAC];
	_ =	sdelay $0x3  }
0x37: {  	[smem:$0x3FAC] =	sst s10  }
0x38: {  	s10 =	sld [smem:$0x3FAD]  }
0x39: {  	_ = 	snop;
	(pc) =	sbr.ind lr, $3  }
0x3a: {  	_ = 	snop  }
0x3b: {  	_ = 	snop  }
0x3c: {  	p2 =	seq.s32 s10, $0x1;
	s10 =	sld [smem:$0x3FAC]  }
0x3d: {  	_ =	shalt  }
0x3e: {  	_ =	shalt  }
0x3f: {  	_ =	shalt  }
0x40: {  	_ =	shalt  }
0x41: {  	_ =	shalt  }
0x42: {  	_ =	shalt  }
0x43: {  	_ =	shalt  }
0x44: {  	_ =	shalt  }
0x45: {  	_ =	shalt  }
0x46: {  	_ =	shalt  }
0x47: {  	_ =	shalt  }
0x48: {  	_ =	shalt  }
0x49: {  	_ =	shalt  }
0x4a: {  	_ =	shalt  }
0x4b: {  	_ =	shalt  }
0x4c: {  	_ =	shalt  }
0x4d: {  	_ =	shalt  }
0x4e: {  	_ =	shalt  }
0x4f: {  	_ =	shalt  }
0x50: {  	_ =	shalt  }
0x51: {  	_ =	shalt  }
0x52: {  	_ =	shalt  }
0x53: {  	_ =	shalt  }
0x54: {  	_ =	shalt  }
0x55: {  	_ =	shalt  }
0x56: {  	_ =	shalt  }
0x57: {  	_ =	shalt  }
0x58: {  	_ =	shalt  }
0x59: {  	_ =	shalt  }
0x5a: {  	_ =	shalt  }
0x5b: {  	_ =	shalt  }
0x5c: {  	_ =	shalt  }
0x5d: {  	_ =	shalt  }
0x5e: {  	_ =	shalt  }
0x5f: {  	_ =	shalt  }
0x60: {  	_ =	shalt  }
0x61: {  	_ =	shalt  }
0x62: {  	_ =	shalt  }
0x63: {  	_ =	shalt  }
0x64: {  	_ =	shalt  }
0x65: {  	_ =	shalt  }
0x66: {  	_ =	shalt  }
0x67: {  	_ =	shalt  }
0x68: {  	_ =	shalt  }
0x69: {  	_ =	shalt  }
0x6a: {  	_ =	shalt  }
0x6b: {  	_ =	shalt  }
0x6c: {  	_ =	shalt  }
0x6d: {  	_ =	shalt  }
0x6e: {  	_ =	shalt  }
0x6f: {  	_ =	shalt  }
0x70: {  	_ =	shalt  }
0x71: {  	_ =	shalt  }
0x72: {  	_ =	shalt  }
0x73: {  	_ =	shalt  }
0x74: {  	_ =	shalt  }
0x75: {  	_ =	shalt  }
0x76: {  	_ =	shalt  }
0x77: {  	_ =	shalt  }
0x78: {  	_ =	shalt  }
0x79: {  	_ =	shalt  }
0x7a: {  	_ =	shalt  }
0x7b: {  	_ =	shalt  }
0x7c: {  	_ =	shalt  }
0x7d: {  	_ =	shalt  }
0x7e: {  	_ =	shalt  }
0x7f: {  	_ =	shalt  }
0x80: {  	_ =	shalt  }
0x81: {  	_ =	shalt  }
0x82: {  	_ =	shalt  }
0x83: {  	_ =	shalt  }
0x84: {  	_ =	shalt  }
0x85: {  	_ =	shalt  }
0x86: {  	_ =	shalt  }
0x87: {  	_ =	shalt  }
.Lfunc_end0:
.L_simem_size_0:
called_computation.2_lowered:
.L_overlay_start_0:
0x88: {  	s2 =	sld [smem:$0x3FD9]  }
0x89: {  	s3 =	sld [smem:$0x3FFE];
	_ =	sdelay $0x1  }
0x8a: {  	s1 =	srdreg.scid  }
0x8b: {  	s0 =	sand.u32 $0x1, s1  }
0x8c: {  	s17 =	sshll.u32 s0, $0xA;
	s2 =	sadd.s32 s3, s2  }
0x8d: {  	s2 =	sadd.s32 s2, s17  }
0x8e: {  	[smem:$0x3FB8] =	sst s2  }
0x8f: {  	_ = 	snop  }
0x90: {  	s2 =	sld [smem:$0x3FD0];
	(tm) =	ssettm $0x1  }
0x91: {  	s18 =	sld [smem:$0x3FFB];
	_ =	sdelay $0x3  }
0x92: {  	_ =	strace s18  }
0x93: {  	s3 =	sld [smem:$0x3FFC];
	_ =	sdelay $0x3  }
0x94: {  	_ =	strace s3  }
0x95: {  	s3 =	sld [smem:$0x3FFD];
	_ =	sdelay $0x3  }
0x96: {  	_ =	strace s3  }
0x97: {  	_ =	strace $0x8FFFFFFF  }
0x98: {  	s19 =	sld [smem:$0x3FDB];
	_ =	sdelay $0x1  }
0x99: {  	s4 =	simm.s32 $_scs_section_size  }
0x9a: {  	s5 =	simm.s32 $_size__tile_overlayer_lowered;
	s6 =	simm.s32 $_tile_overlayer_lowered  }
0x9b: {  	s22 =	simm.s32 $0x1BFF;
	s21 =	sshll.u32 s6, $0x1;
	s3 =	sadd.s32 s4, s19  }
0x9c: {  	s7 =	simm.s32 $0x0;
	s20 =	sshll.u32 s5, $0x1;
	s5 =	sadd.s32 s21, s3  }
0x9d: {  	[timem:s7], [sflag:s22] =	dma.local [hbm:s5], s20  }
0x9e: {  	_ =	swait.ge [sflag:s22], s20  }
0x9f: {  	s4 =	ssub.s32 $0x0, s20;
	[sflag:s22] =	ssyncset.done $0x0  }
0xa0: {  	[sflag:s22] =	ssyncadd.s32 s4;
	_ =	sdelay $0x1  }
0xa1: {  	s23 =	simm.s32 $0x1B8B  }
0xa2: {  	_ =	swait.ge [sflag:s23], $0x1  }
0xa3: {  	[sflag:s23] =	ssyncset.done $0x0  }
0xa4: {  	s25 =	simm.s32 $0x1B8E;
	s24 =	sld [smem:$0x3FFE];
	[sflag:s23] =	ssyncadd.s32 $0xFFFFFFFF  }
0xa5: {  	s26 =	simm.s32 $execute0_lowered;
	[smem:$0x3FD2] =	sst s25  }
0xa6: {  	s5 =	sshll.u32 s26, $0x1;
	_ =	strace $0x8000004C;
	[dreg:$0x1] =	wrdreg $0xFFFFFFFF  }
0xa7: {  	s28 =	simm.s32 $_size_execute0_lowered;
	s3 =	sadd.s32 s3, s5;
	[dreg:$0x0] =	wrdreg $0x0  }
0xa8: {  	s5 =	sshll.u32 s28, $0x1;
	[dreg:$0x2] =	wrdreg s3  }
0xa9: {  	[dreg:$0x3] =	wrdreg s5  }
0xaa: {  	[dreg:$0x4] =	wrdreg $0xC0  }
0xab: {  	_ =	task [dreg:s7], $0x5FFFF  }
0xac: {  	[dreg:$0x1] =	wrdreg $0xFFFFFFFF  }
0xad: {  	[dreg:$0x0] =	wrdreg $0x60  }
0xae: {  	[dreg:$0x2] =	wrdreg s24  }
0xaf: {  	[dreg:$0x3] =	wrdreg s2  }
0xb0: {  	[dreg:$0x4] =	wrdreg $0x0  }
0xb1: {  	[dreg:$0x5] =	wrdreg $0x9  }
0xb2: {  	_ =	task.clear_ibuf [dreg:s7], $0x6FFFF;
	_ =	strace $0x9000004C  }
0xb3: {  	s29 =	simm.s32 $0x9;
	_ =	strace $0x8000004E  }
0xb4: {  	_ =	swait.ge [sflag:s29], $0x1  }
0xb5: {  	[sflag:s29] =	ssyncadd.s32 $0xFFFFFFFF  }
0xb6: {  	_ =	strace $0x9000004E  }
0xb7: {  	_ =	sfence  }
0xb8: {  	s30 =	sld [smem:$0x0];
	_ =	sdelay $0x2  }
0xb9: {  	s31 =	sshll.u32 s1, $0xD;
	s1 =	sshrl.u32 s1, $0x2  }
0xba: {  	s3 =	sand.u32 $0x4000, s31;
	s1 =	sadd.s32 s1, s30  }
0xbb: {  	s0 =	sor.u32 s3, s0;
	s1 =	sshll.u32 s1, $0x11  }
0xbc: {  	s0 =	sor.u32 s1, s0  }
0xbd: {  	s0 =	sadd.s32 $0x8F2B, s0  }
0xbe: {  	[sflag:s0] =	ssyncadd.remote.s32 $0x1  }
0xbf: {  	_ =	sfence.sel $0xFFFF  }
0xc0: {  	[dreg:$0x0] =	wrdreg $0xFFFFFFFF;
	(pc) =	sbr.abs _section_cstart, $3  }
0xc1: {  	[dreg:$0x1] =	wrdreg $0xFFFFFFFF  }
0xc2: {  	_ =	task.clear_ibuf [dreg:s7], $0x2FFFF;
	_ =	strace $0x9FFFFFFF  }
0xc3: {  	(tm) =	ssettm $0x7FFFFFFF  }
tec
execute0_lowered:
.L_overlay_start_1:
0x0: {  	(tag) =	ssettag $0x1  }
0x1: {  	s0 =	rddreg [dreg:$0x0]  }
0x2: {  	s1 =	rddreg [dreg:$0x1]  }
0x3: {  	s2 =	rddreg [dreg:$0x2];
	s3 =	srdreg.scid  }
0x4: {  	s5 =	simm.s32 $0x0;
	s10 =	stileid.u32;
	s19 =	simm.s32 $0x15000  }
0x5: {  	s28 =	simm.s32 $0x19000;
	s29 =	simm.s32 $0x14180;
	s30 =	simm.s32 $0x1B000  }
0x6: {  	s31 =	simm.s32 $0x0;
	s3 =	sand.u32 $0x1, s3;
	s7 =	smul.u32 $0x50000, s10  }
0x7: {  	[smem:$0x7FF] =	sst s5;
	s5 =	sadd.s32 $0x2C800, s0;
	s26 =	smul.u32 $0x2800, s10  }
0x8: {  	s6 =	sadd.s32 $0x5E800, s0;
	s9 =	sshll.u32 s10, $0x1;
	s4 =	smul.u32 $0x28000, s3  }
0x9: {  	_ =	strace $0x8000004D;
	s20 =	ssub.s32 $0x2, s3;
	s3 =	sor.u32 s3, s9  }
0xa: {  	s7 =	sshrl.u32 s7, $0x2;
	s8 =	sshrl.u32 s20, $0x1;
	s17 =	smul.u32 $0x5000, s3  }
0xb: {  	s0 =	sadd.s32 s4, s0;
	s7 =	sadd.s32 s7, s2;
	s4 =	ssub.s32 s20, s8  }
0xc: {  	s20 =	simm.s32 $0x6;
	s21 =	sadd.s32 $0x2000, s7;
	s22 =	sadd.s32 $0x4000, s7  }
0xd: {  	s23 =	sadd.s32 $0x6000, s7;
	s24 =	sadd.s32 $0x8000, s7;
	[dreg:$0x4] =	wrdreg s21  }
0xe: {  	s25 =	sadd.s32 $0xA000, s7;
	s13 =	sadd.s32 $0xC000, s7;
	[dreg:$0x5] =	wrdreg s22  }
.Ltmp0:
0xf: {  	s14 =	sadd.s32 $0xE000, s7;
	[dreg:$0x6] =	wrdreg s23;
	(pc) =	sbr.rel .LBB2_1-.Ltmp0, $4  }
0x10: {  	s15 =	sadd.s32 $0x10000, s7;
	s16 =	sadd.s32 $0x12000, s7;
	[dreg:$0x7] =	wrdreg s24  }
0x11: {  	s0 =	sadd.s32 $0x72800, s0;
	s18 =	smax.u32 s4, $0x1;
	[dreg:$0x8] =	wrdreg s25  }
0x12: {  	s21 =	simm.s32 $0x14000;
	s22 =	simm.s32 $0x40;
	s23 =	simm.s32 $0x14080  }
0x13: {  	v0 =	vimm.f32 $0.0e+00;
	s24 =	sadd.s32 s26, s0;
	s25 =	simm.s32 $0x17000;
	s26 =	simm.s32 $0x14100  }
.LBB2_10:
0x14: {  	s0 =	stileid.u32;
	s31 =	sadd.s32 $0x1, s31  }
0x15: {  	[bflag:$0x0] =	sbarrier.arrive $0xFFFF;
	s0 =	sshll.u32 s0, $0x6;
	p0 =	sne.s32 s31, s18  }
.Ltmp1:
0x16: {  	s3 =	sshrl.u32 s7, $0x3;
	s0 =	sor.u32 $0x1C06, s0;
	(pc) =	sbr.rel @!p0 .LBB2_11-.Ltmp1, $4  }
0x17: {  	[hbm:s24], [sflag:s0] =	dma.local [spmem:s3], $0x2800  }
0x18: {  	_ =	swait.ge [sflag:s20], $0x2800  }
0x19: {  	[sflag:s20] =	ssyncset.done $0x0  }
0x1a: {  	[sflag:s20] =	ssyncadd.s32 $0xFFFFD800  }
.LBB2_1:
0x1b: {  	s3 =	simm.s32 $0x0  }
0x1c: {  	s0 =	sand.u32 $0x7E00, s3  }
0x1d: {  	s3 =	sand.u32 $0x70, s3;
	s4 =	sshrl.u32 s0, $0x2  }
0x1e: {  	s0 =	simm.s32 $0x40;
	s4 =	sor.u32 s3, s4;
	s3 =	simm.s32 $0x0  }
.LBB2_2:
0x1f: {  	p0 =	sne.s32 s0, $0x7FC0  }
0x20: {  	[tilespmem:s4+$0x15000] =	vst v0;
	s3 =	sadd.s32 $0x10, s3;
	s4 =	smov.u32 s0;
	s0 =	sadd.s32 $0x40, s0  }
.Ltmp2:
0x21: {  	(pc) =	sbr.rel @p0 .LBB2_2-.Ltmp2, $4  }
0x22: {  	_ = 	snop  }
0x23: {  	s4 =	sand.u32 $0x7E00, s4  }
0x24: {  	s8 =	sand.u32 $0x70, s3;
	s4 =	sshrl.u32 s4, $0x2  }
0x25: {  	s4 =	sor.u32 s8, s4  }
0x26: {  	[tilespmem:s4+$0x15000] =	vst v0  }
0x27: {  	[spmem:s7] =	stream.linear.scatter [tilespmem:s19], [sflag:$0x6], $0x2000, $0x38;
	[tilespmem:$0x1F000] =	vst v63  }
0x28: {  	_ =	swait.ge [sflag:s20], $0x2000  }
0x29: {  	[sflag:s20] =	ssyncset.done $0x0  }
0x2a: {  	s0 =	rddreg [dreg:$0x4];
	[sflag:s20] =	ssyncadd.s32 $0xFFFFE000  }
0x2b: {  	[spmem:s0] =	stream.linear.scatter [tilespmem:s19], [sflag:$0x6], $0x2000, $0x38;
	[tilespmem:$0x1F000] =	vst v63  }
0x2c: {  	_ =	swait.ge [sflag:s20], $0x2000  }
0x2d: {  	[sflag:s20] =	ssyncset.done $0x0  }
0x2e: {  	s9 =	rddreg [dreg:$0x5];
	[sflag:s20] =	ssyncadd.s32 $0xFFFFE000  }
0x2f: {  	[spmem:s9] =	stream.linear.scatter [tilespmem:s19], [sflag:$0x6], $0x2000, $0x38;
	[tilespmem:$0x1F000] =	vst v63  }
0x30: {  	_ =	swait.ge [sflag:s20], $0x2000  }
0x31: {  	[sflag:s20] =	ssyncset.done $0x0  }
0x32: {  	s10 =	rddreg [dreg:$0x6];
	[sflag:s20] =	ssyncadd.s32 $0xFFFFE000  }
0x33: {  	[spmem:s10] =	stream.linear.scatter [tilespmem:s19], [sflag:$0x6], $0x2000, $0x38;
	[tilespmem:$0x1F000] =	vst v63  }
0x34: {  	_ =	swait.ge [sflag:s20], $0x2000  }
0x35: {  	[sflag:s20] =	ssyncset.done $0x0  }
0x36: {  	s11 =	rddreg [dreg:$0x7];
	[sflag:s20] =	ssyncadd.s32 $0xFFFFE000  }
0x37: {  	[spmem:s11] =	stream.linear.scatter [tilespmem:s19], [sflag:$0x6], $0x2000, $0x38;
	[tilespmem:$0x1F000] =	vst v63  }
0x38: {  	_ =	swait.ge [sflag:s20], $0x2000  }
0x39: {  	[sflag:s20] =	ssyncset.done $0x0  }
0x3a: {  	s12 =	rddreg [dreg:$0x8];
	[sflag:s20] =	ssyncadd.s32 $0xFFFFE000  }
0x3b: {  	[spmem:s12] =	stream.linear.scatter [tilespmem:s19], [sflag:$0x6], $0x2000, $0x38;
	[tilespmem:$0x1F000] =	vst v63  }
0x3c: {  	_ =	swait.ge [sflag:s20], $0x2000  }
0x3d: {  	[sflag:s20] =	ssyncset.done $0x0  }
0x3e: {  	[sflag:s20] =	ssyncadd.s32 $0xFFFFE000  }
0x3f: {  	[spmem:s13] =	stream.linear.scatter [tilespmem:s19], [sflag:$0x6], $0x2000, $0x38;
	[tilespmem:$0x1F000] =	vst v63  }
0x40: {  	_ =	swait.ge [sflag:s20], $0x2000  }
0x41: {  	[sflag:s20] =	ssyncset.done $0x0  }
0x42: {  	[sflag:s20] =	ssyncadd.s32 $0xFFFFE000  }
0x43: {  	[spmem:s14] =	stream.linear.scatter [tilespmem:s19], [sflag:$0x6], $0x2000, $0x38;
	[tilespmem:$0x1F000] =	vst v63  }
0x44: {  	_ =	swait.ge [sflag:s20], $0x2000  }
0x45: {  	[sflag:s20] =	ssyncset.done $0x0  }
0x46: {  	[sflag:s20] =	ssyncadd.s32 $0xFFFFE000  }
0x47: {  	[spmem:s15] =	stream.linear.scatter [tilespmem:s19], [sflag:$0x6], $0x2000, $0x38;
	[tilespmem:$0x1F000] =	vst v63  }
0x48: {  	_ =	swait.ge [sflag:s20], $0x2000  }
0x49: {  	[sflag:s20] =	ssyncset.done $0x0  }
0x4a: {  	[sflag:s20] =	ssyncadd.s32 $0xFFFFE000  }
0x4b: {  	[spmem:s16] =	stream.linear.scatter [tilespmem:s19], [sflag:$0x6], $0x2000, $0x38;
	[tilespmem:$0x1F000] =	vst v63  }
.Ltmp3:
0x4c: {  	_ =	swait.ge [sflag:s20], $0x2000;
	(pc) =	sbr.rel .LBB2_4-.Ltmp3, $4  }
0x4d: {  	[sflag:s20] =	ssyncset.done $0x0  }
0x4e: {  	[sflag:s20] =	ssyncadd.s32 $0xFFFFE000  }
0x4f: {  	[bflag:$0x0] =	sbarrier.arrive $0xFFFF  }
0x50: {  	s3 =	simm.s32 $0x0;
	s0 =	simm.s32 $0x0  }
.LBB2_9:
0x51: {  	s3 =	sadd.s32 $0x1, s3  }
0x52: {  	p0 =	sne.s32 s3, $0xA  }
.Ltmp4:
0x53: {  	_ = 	snop;
	(pc) =	sbr.rel @!p0 .LBB2_10-.Ltmp4, $1  }
0x54: {  	_ =	sdelay $0x3  }
.LBB2_4:
0x55: {  	s4 =	sshll.u32 s3, $0xB  }
0x56: {  	s4 =	sadd.s32 s17, s4  }
0x57: {  	s4 =	sshrl.u32 s4, $0x3  }
0x58: {  	s8 =	sadd.s32 s1, s4  }
0x59: {  	[tilespmem:s21], [sflag:$0x6] =	stream.linear.gather [hbm4b:s8+s0], $0x800, $0x38;
	[tilespmem:$0x1F000] =	vst v63  }
0x5a: {  	_ =	swait.ge [sflag:s20], $0x800  }
0x5b: {  	[sflag:s20] =	ssyncset.done $0x0  }
0x5c: {  	s12 =	sadd.s32 s6, s4;
	s4 =	simm.s32 $0x14800;
	[sflag:s20] =	ssyncadd.s32 $0xFFFFF800  }
0x5d: {  	[tilespmem:s4], [sflag:$0x6] =	stream.linear.gather [hbm4b:s12+s0], $0x800, $0x38;
	[tilespmem:$0x1F000] =	vst v63  }
0x5e: {  	_ =	swait.ge [sflag:s20], $0x800  }
0x5f: {  	[sflag:s20] =	ssyncset.done $0x0  }
0x60: {  	[sflag:s20] =	ssyncadd.s32 $0xFFFFF800  }
0x61: {  	[tilespmem:s19], [sflag:$0x1] =	stream.indirect.gather [hbm4b:s5+s22], $0x80, s21, s22, $0xb8;
	[tilespmem:$0x1F000] =	vst v63  }
0x62: {  	_ = 	snop  }
0x63: {  	[tilespmem:s25], [sflag:$0x2] =	stream.indirect.gather [hbm4b:s5+s22], $0x80, s23, s22, $0xb8;
	[tilespmem:$0x1F000] =	vst v63  }
.Ltmp5:
0x64: {  	_ = 	snop;
	(pc) =	sbr.rel .LBB2_5-.Ltmp5, $4  }
0x65: {  	_ = 	snop  }
0x66: {  	[tilespmem:s28], [sflag:$0x3] =	stream.indirect.gather [hbm4b:s5+s22], $0x80, s26, s22, $0xb8;
	[tilespmem:$0x1F000] =	vst v63  }
0x67: {  	s9 =	simm.s32 $0x0;
	s8 =	simm.s32 $0x14200  }
0x68: {  	[tilespmem:s30], [sflag:$0x4] =	stream.indirect.gather [hbm4b:s5+s22], $0x80, s29, s22, $0xb8;
	[tilespmem:$0x1F000] =	vst v63  }
.LBB2_7:
0x69: {  	p0 =	seq.s32 s10, $0x2  }
0x6a: {  	p1 =	sgt.u32 @p0 s9, $0xB  }
0x6b: {  	p1 =	por p1, !p0  }
0x6c: {  	p2 =	seq.s32 @!p0 s10, $0x3;
	s11 =	simm.s32 @!p1 $0x40;
	s12 =	simm.s32 @!p1 $0x17000  }
0x6d: {  	[tilespmem:s12], [sflag:$0x2] =	stream.indirect.gather @!p1 [hbm4b:s5+s11], $0x80, s8, s11, $0xb8;
	[tilespmem:$0x1F000] =	vst v63  }
0x6e: {  	s11 =	simm.s32 @p0 $0x3;
	p1 =	por !p2, p0  }
0x6f: {  	_ =	swait.ge @p0 [sflag:s11], $0x2000;
	p3 =	sgt.u32 @!p1 s9, $0xB  }
0x70: {  	s12 =	simm.s32 @p0 $0x19000;
	[sflag:s11] =	ssyncset.done @p0 $0x0;
	p3 =	por @!p0 p3, !p2  }
0x71: {  	[sflag:s11] =	ssyncadd.s32 @p0 $0xFFFFE000;
	s11 =	simm.s32 @p0 $0x40;
	p3 =	por p3, p0  }
0x72: {  	[spmem:s2] =	stream.indirect.scatter.add.f32 @p0 [tilespmem:s12], [sflag:$0x7], $0x80, s4, s11, $0xb8;
	[tilespmem:$0x1F000] =	vst v63  }
0x73: {  	s10 =	simm.s32 @!p3 $0x40;
	s11 =	simm.s32 @!p3 $0x19000  }
0x74: {  	[tilespmem:s11], [sflag:$0x3] =	stream.indirect.gather @!p3 [hbm4b:s5+s10], $0x80, s8, s10, $0xb8;
	[tilespmem:$0x1F000] =	vst v63  }
0x75: {  	s10 =	simm.s32 @!p1 $0x4;
	p3 =	por p2, p0  }
0x76: {  	_ =	swait.ge @!p1 [sflag:s10], $0x2000;
	p4 =	sgt.u32 @!p3 s9, $0xB  }
0x77: {  	s11 =	simm.s32 @!p1 $0x1B000;
	[sflag:s10] =	ssyncset.done @!p1 $0x0;
	p2 =	por @!p0 p4, p2  }
0x78: {  	[sflag:s10] =	ssyncadd.s32 @!p1 $0xFFFFE000;
	s10 =	simm.s32 @!p1 $0x40;
	p2 =	por p2, p0  }
0x79: {  	[spmem:s2] =	stream.indirect.scatter.add.f32 @!p1 [tilespmem:s11], [sflag:$0x7], $0x80, s4, s10, $0xb8;
	[tilespmem:$0x1F000] =	vst v63  }
0x7a: {  	s10 =	simm.s32 @!p2 $0x40;
	s11 =	simm.s32 @!p2 $0x1B000  }
0x7b: {  	[tilespmem:s11], [sflag:$0x4] =	stream.indirect.gather @!p2 [hbm4b:s5+s10], $0x80, s8, s10, $0xb8;
	[tilespmem:$0x1F000] =	vst v63  }
0x7c: {  	s11 =	simm.s32 @!p3 $0x5  }
0x7d: {  	s10 =	simm.s32 @!p1 $0x7;
	_ =	swait.ge @!p3 [sflag:s11], $0x2000  }
0x7e: {  	s12 =	simm.s32 @!p3 $0x1D000;
	s10 =	simm.s32 @p1 $0x6;
	[sflag:s11] =	ssyncset.done @!p3 $0x0  }
0x7f: {  	s10 =	simm.s32 @p0 $0x7;
	[sflag:s11] =	ssyncadd.s32 @!p3 $0xFFFFE000;
	s11 =	simm.s32 @!p3 $0x40  }
0x80: {  	[spmem:s2] =	stream.indirect.scatter.add.f32 @!p3 [tilespmem:s12], [sflag:$0x6], $0x80, s4, s11, $0xb8;
	[tilespmem:$0x1F000] =	vst v63  }
.LBB2_8:
0x81: {  	s9 =	sadd.s32 $0x1, s9  }
0x82: {  	p0 =	sne.s32 s9, $0x10  }
.Ltmp6:
0x83: {  	_ = 	snop;
	(pc) =	sbr.rel @!p0 .LBB2_9-.Ltmp6, $4  }
0x84: {  	_ = 	snop  }
0x85: {  	_ =	swait.ge [sflag:s10], $0x2000  }
0x86: {  	[sflag:s10] =	ssyncset.done $0x0  }
0x87: {  	s8 =	sadd.s32 $0x80, s8;
	s4 =	sadd.s32 $0x80, s4;
	[sflag:s10] =	ssyncadd.s32 $0xFFFFE000  }
.LBB2_5:
0x88: {  	s10 =	smul.u32 $0xCD, s9;
	_ =	sdelay $0x1  }
0x89: {  	s10 =	sshrl.u32 s10, $0xA  }
0x8a: {  	s10 =	sand.u32 $0x3F, s10  }
0x8b: {  	s10 =	smul.u32 $0x5, s10;
	_ =	sdelay $0x1  }
0x8c: {  	s10 =	ssub.s32 s9, s10  }
0x8d: {  	s10 =	sand.u32 $0xFF, s10  }
0x8e: {  	p0 =	sgt.s32 s10, $0x1  }
.Ltmp7:
0x8f: {  	_ = 	snop;
	(pc) =	sbr.rel @p0 .LBB2_7-.Ltmp7, $1  }
0x90: {  	_ =	sdelay $0x3  }
0x91: {  	p0 =	seq.s32 s10, $0x0  }
0x92: {  	p1 =	sgt.u32 @p0 s9, $0xB  }
0x93: {  	p1 =	por p1, !p0  }
0x94: {  	s10 =	simm.s32 @!p1 $0x40;
	s11 =	simm.s32 @!p1 $0x1D000  }
0x95: {  	[tilespmem:s11], [sflag:$0x5] =	stream.indirect.gather @!p1 [hbm4b:s5+s10], $0x80, s8, s10, $0xb8;
	[tilespmem:$0x1F000] =	vst v63  }
0x96: {  	s10 =	simm.s32 @p0 $0x1  }
0x97: {  	_ =	swait.ge @p0 [sflag:s10], $0x2000  }
0x98: {  	s11 =	simm.s32 @p0 $0x15000;
	p1 =	sgt.u32 @!p0 s9, $0xB;
	[sflag:s10] =	ssyncset.done @p0 $0x0  }
0x99: {  	p1 =	por p1, p0;
	[sflag:s10] =	ssyncadd.s32 @p0 $0xFFFFE000;
	s10 =	simm.s32 @p0 $0x40  }
0x9a: {  	[spmem:s2] =	stream.indirect.scatter.add.f32 @p0 [tilespmem:s11], [sflag:$0x7], $0x80, s4, s10, $0xb8;
	[tilespmem:$0x1F000] =	vst v63  }
0x9b: {  	s10 =	simm.s32 @!p1 $0x40;
	s11 =	simm.s32 @!p1 $0x15000  }
0x9c: {  	[tilespmem:s11], [sflag:$0x1] =	stream.indirect.gather @!p1 [hbm4b:s5+s10], $0x80, s8, s10, $0xb8;
	[tilespmem:$0x1F000] =	vst v63  }
0x9d: {  	s10 =	simm.s32 @!p0 $0x2  }
0x9e: {  	_ =	swait.ge @!p0 [sflag:s10], $0x2000  }
.Ltmp8:
0x9f: {  	[sflag:s10] =	ssyncset.done @!p0 $0x0;
	(pc) =	sbr.rel .LBB2_8-.Ltmp8, $4  }
0xa0: {  	s11 =	simm.s32 @!p0 $0x17000;
	[sflag:s10] =	ssyncadd.s32 @!p0 $0xFFFFE000;
	s10 =	simm.s32 @!p0 $0x40  }
0xa1: {  	[spmem:s2] =	stream.indirect.scatter.add.f32 @!p0 [tilespmem:s11], [sflag:$0x7], $0x80, s4, s10, $0xb8;
	[tilespmem:$0x1F000] =	vst v63  }
0xa2: {  	s10 =	simm.s32 @!p0 $0x7  }
0xa3: {  	s10 =	simm.s32 @p0 $0x7  }
.LBB2_11:
0xa4: {  	_ =	sfence.sel $0x180000  }
0xa5: {  	[bflag:$0x0] =	sbarrier.arrive $0xFFFF  }
0xa6: {  	_ =	strace $0x9000004D  }
0xa7: {  	s0 =	stileid.u32;
	[bflag:$0x2] =	sbarrier.arrive $0xFFFF  }
0xa8: {  	p0 =	sne.s32 s0, $0x0;
	s0 =	rddreg [dreg:$0x3]  }
0xa9: {  	s0 =	sadd.s32 @!p0 $0x100000, s0  }
0xaa: {  	[sflag:s0] =	ssyncadd.tile.s32 @!p0 $0x1;
	_ =	shalt  }
.Lfunc_end2:
_tile_overlayer_lowered:
.L_overlay_start_2:
0xab: {  	(tag) =	ssettag $0x2  }
0xac: {  	s0 =	rddreg [dreg:$0x0];
	s2 =	stileid.u32  }
0xad: {  	s1 =	rddreg [dreg:$0x1];
	p0 =	sne.s32 s2, $0x0  }
0xae: {  	s3 =	rddreg [dreg:$0x2];
	[bflag:$0x3] =	sbarrier.arrive $0xFFFF;
	s2 =	simm.s32 @!p0 $0x1C06  }
0xaf: {  	[timem:s3], [sflag:s2] =	dma.local @!p0 [hbm:s0], s1  }
0xb0: {  	s0 =	simm.s32 @!p0 $0x6  }
0xb1: {  	_ =	swait.ge @!p0 [sflag:s0], s1  }
0xb2: {  	s1 =	ssub.s32 @!p0 $0x0, s1;
	[sflag:s0] =	ssyncset.done @!p0 $0x0  }
0xb3: {  	[sflag:s0] =	ssyncadd.s32 @!p0 s1  }
0xb4: {  	[bflag:$0x3] =	sbarrier.arrive $0xFFFF  }
0xb5: {  	_ =	shalt  }

// kernel: kernel.20.cloned.1.call-start
scs
__scs_entry_jumppad:
0x0: {  	(pc) =	sbr.rel $0x88, $3  }
0x1: {  	(tag) =	ssettag $0x0;
	lr =	simm.s32 $0x1  }
0x2: {  	[smem:$0x3F91] =	sst lr;
	_ =	strace $0xD0000000  }
0x3: {  	_ = 	snop  }
0x4: {  	_ = 	snop  }
0x5: {  	_ = 	snop  }
0x6: {  	_ = 	snop  }
0x7: {  	_ = 	snop  }
__scs_overlays_trampoline_lowered:
0x8: {  	[smem:$0x3FA0] =	sst s0  }
0x9: {  	[smem:$0x3FA1] =	sst s1  }
0xa: {  	[smem:$0x3FA2] =	sst s2  }
0xb: {  	[smem:$0x3FA3] =	sst s3  }
0xc: {  	[smem:$0x3FA4] =	sst s4  }
0xd: {  	[smem:$0x3FA5] =	sst s5  }
0xe: {  	[smem:$0x3FA6] =	sst s6  }
0xf: {  	[smem:$0x3FA7] =	sst s7  }
0x10: {  	[smem:$0x3FA8] =	sst s8  }
0x11: {  	[smem:$0x3FA9] =	sst s9;
	s0 =	simm.s32 @!p0 $0x0  }
0x12: {  	s1 =	sld [smem:$0x3F8F];
	s0 =	simm.s32 @p0 $0x1  }
0x13: {  	[smem:$0x3FAA] =	sst s0;
	s0 =	simm.s32 @!p1 $0x0  }
0x14: {  	s2 =	sld [smem:$0x3F8E];
	s0 =	simm.s32 @p1 $0x1  }
0x15: {  	[smem:$0x3FAB] =	sst s0;
	s0 =	simm.s32 @!p2 $0x0  }
0x16: {  	s3 =	sld [smem:$0x3FDB];
	s0 =	simm.s32 @p2 $0x1  }
0x17: {  	s4 =	simm.s32 $0x1BF5;
	[smem:$0x3FAD] =	sst s0  }
0x18: {  	s0 =	sld [smem:$0x3F90];
	_ =	swait.ge [sflag:s4], $0x0  }
0x19: {  	s7 =	sld [smem:$0x3F91]  }
0x1a: {  	s8 =	sadd.s32 $0xFFFFE003, lr  }
0x1b: {  	s9 =	sadd.s32 $0xFFFFFEF7, lr;
	s5 =	simm.s32 $0xFFFFFFFF;
	p2 =	slt.u32 s8, $0xFFFFF086  }
0x1c: {  	p1 =	slt.u32 s9, $0xF7A;
	s5 =	simm.s32 @!p2 $0x0  }
0x1d: {  	s5 =	simm.s32 @p1 $0x1;
	p0 =	seq.s32 s7, s2  }
0x1e: {  	s7 =	smul.u32 @!p0 $0xF7A, s2;
	p2 =	seq.s32 @!p0 s5, $0x0  }
0x1f: {  	s9 =	smul.u32 $0xF7A, s1;
	s8 =	simm.s32 @!p0 $0x1BF5;
	p2 =	por !p2, p0  }
0x20: {  	[sflag:s8] =	ssyncset.s32 @!p0 $0xFFFFF086;
	s6 =	sadd.s32 @!p0 s3, s7;
	s7 =	simm.s32 @!p0 $0x108  }
0x21: {  	s3 =	sadd.s32 s3, s9;
	s6 =	sadd.s32 @!p0 $0x88, s6;
	s7 =	simm.s32 @p2 $0x1082  }
0x22: {  	[simem:s7], [sflag:s8] =	dma.local @!p0 [hbm:s6], $0xF7A  }
0x23: {  	s9 =	sor.u32 $0xD0000000, s2;
	s6 =	simm.s32 $0x108;
	_ =	swait.ge @!p0 [sflag:s8], $0x0  }
0x24: {  	s3 =	sadd.s32 $0x88, s3;
	s6 =	simm.s32 @!p1 $0x1082;
	[sflag:s4] =	ssyncset.s32 $0xFFFFF086  }
0x25: {  	[simem:s6], [sflag:s4] =	dma.local [hbm:s3], $0xF7A  }
0x26: {  	[smem:$0x3F91] =	sst s1;
	(tag) =	ssettag s2;
	_ =	strace s9  }
0x27: {  	s1 =	sld [smem:$0x3FA1]  }
0x28: {  	s2 =	sld [smem:$0x3FA2]  }
0x29: {  	s4 =	sld [smem:$0x3FA4]  }
0x2a: {  	p0 =	seq.s32 s5, $0x0;
	s5 =	sld [smem:$0x3FA5]  }
0x2b: {  	s6 =	sld [smem:$0x3FA6]  }
0x2c: {  	s7 =	sld [smem:$0x3FA7]  }
0x2d: {  	s3 =	simm.s32 $0x108;
	s8 =	sld [smem:$0x3FA8]  }
0x2e: {  	s3 =	simm.s32 @!p0 $0x1082;
	s9 =	sld [smem:$0x3FA9]  }
0x2f: {  	lr =	sadd.s32 s0, s3;
	s0 =	sld [smem:$0x3FA0]  }
0x30: {  	s3 =	sld [smem:$0x3FA3]  }
0x31: {  	[smem:$0x3FAC] =	sst s10  }
0x32: {  	s10 =	sld [smem:$0x3FAA];
	_ =	sdelay $0x3  }
0x33: {  	p0 =	seq.s32 s10, $0x1;
	s10 =	sld [smem:$0x3FAC];
	_ =	sdelay $0x3  }
0x34: {  	[smem:$0x3FAC] =	sst s10  }
0x35: {  	s10 =	sld [smem:$0x3FAB];
	_ =	sdelay $0x3  }
0x36: {  	p1 =	seq.s32 s10, $0x1;
	s10 =	sld [smem:$0x3FAC];
	_ =	sdelay $0x3  }
0x37: {  	[smem:$0x3FAC] =	sst s10  }
0x38: {  	s10 =	sld [smem:$0x3FAD]  }
0x39: {  	_ = 	snop;
	(pc) =	sbr.ind lr, $3  }
0x3a: {  	_ = 	snop  }
0x3b: {  	_ = 	snop  }
0x3c: {  	p2 =	seq.s32 s10, $0x1;
	s10 =	sld [smem:$0x3FAC]  }
0x3d: {  	_ =	shalt  }
0x3e: {  	_ =	shalt  }
0x3f: {  	_ =	shalt  }
0x40: {  	_ =	shalt  }
0x41: {  	_ =	shalt  }
0x42: {  	_ =	shalt  }
0x43: {  	_ =	shalt  }
0x44: {  	_ =	shalt  }
0x45: {  	_ =	shalt  }
0x46: {  	_ =	shalt  }
0x47: {  	_ =	shalt  }
0x48: {  	_ =	shalt  }
0x49: {  	_ =	shalt  }
0x4a: {  	_ =	shalt  }
0x4b: {  	_ =	shalt  }
0x4c: {  	_ =	shalt  }
0x4d: {  	_ =	shalt  }
0x4e: {  	_ =	shalt  }
0x4f: {  	_ =	shalt  }
0x50: {  	_ =	shalt  }
0x51: {  	_ =	shalt  }
0x52: {  	_ =	shalt  }
0x53: {  	_ =	shalt  }
0x54: {  	_ =	shalt  }
0x55: {  	_ =	shalt  }
0x56: {  	_ =	shalt  }
0x57: {  	_ =	shalt  }
0x58: {  	_ =	shalt  }
0x59: {  	_ =	shalt  }
0x5a: {  	_ =	shalt  }
0x5b: {  	_ =	shalt  }
0x5c: {  	_ =	shalt  }
0x5d: {  	_ =	shalt  }
0x5e: {  	_ =	shalt  }
0x5f: {  	_ =	shalt  }
0x60: {  	_ =	shalt  }
0x61: {  	_ =	shalt  }
0x62: {  	_ =	shalt  }
0x63: {  	_ =	shalt  }
0x64: {  	_ =	shalt  }
0x65: {  	_ =	shalt  }
0x66: {  	_ =	shalt  }
0x67: {  	_ =	shalt  }
0x68: {  	_ =	shalt  }
0x69: {  	_ =	shalt  }
0x6a: {  	_ =	shalt  }
0x6b: {  	_ =	shalt  }
0x6c: {  	_ =	shalt  }
0x6d: {  	_ =	shalt  }
0x6e: {  	_ =	shalt  }
0x6f: {  	_ =	shalt  }
0x70: {  	_ =	shalt  }
0x71: {  	_ =	shalt  }
0x72: {  	_ =	shalt  }
0x73: {  	_ =	shalt  }
0x74: {  	_ =	shalt  }
0x75: {  	_ =	shalt  }
0x76: {  	_ =	shalt  }
0x77: {  	_ =	shalt  }
0x78: {  	_ =	shalt  }
0x79: {  	_ =	shalt  }
0x7a: {  	_ =	shalt  }
0x7b: {  	_ =	shalt  }
0x7c: {  	_ =	shalt  }
0x7d: {  	_ =	shalt  }
0x7e: {  	_ =	shalt  }
0x7f: {  	_ =	shalt  }
0x80: {  	_ =	shalt  }
0x81: {  	_ =	shalt  }
0x82: {  	_ =	shalt  }
0x83: {  	_ =	shalt  }
0x84: {  	_ =	shalt  }
0x85: {  	_ =	shalt  }
0x86: {  	_ =	shalt  }
0x87: {  	_ =	shalt  }
.Lfunc_end0:
.L_simem_size_0:
called_computation.3_lowered:
.L_overlay_start_0:
0x88: {  	s2 =	sld [smem:$0x3FD9]  }
0x89: {  	s3 =	sld [smem:$0x3FFE];
	_ =	sdelay $0x1  }
0x8a: {  	s1 =	srdreg.scid  }
0x8b: {  	s0 =	sand.u32 $0x1, s1  }
0x8c: {  	s17 =	sshll.u32 s0, $0xA;
	s2 =	sadd.s32 s3, s2  }
0x8d: {  	s2 =	sadd.s32 s2, s17  }
0x8e: {  	[smem:$0x3FB8] =	sst s2  }
0x8f: {  	_ = 	snop  }
0x90: {  	s2 =	sld [smem:$0x3FD0];
	(tm) =	ssettm $0x1  }
0x91: {  	s18 =	sld [smem:$0x3FFB];
	_ =	sdelay $0x3  }
0x92: {  	_ =	strace s18  }
0x93: {  	s3 =	sld [smem:$0x3FFC];
	_ =	sdelay $0x3  }
0x94: {  	_ =	strace s3  }
0x95: {  	s3 =	sld [smem:$0x3FFD];
	_ =	sdelay $0x3  }
0x96: {  	_ =	strace s3  }
0x97: {  	_ =	strace $0x8FFFFFFF  }
0x98: {  	s19 =	sld [smem:$0x3FDB];
	_ =	sdelay $0x1  }
0x99: {  	s4 =	simm.s32 $_scs_section_size  }
0x9a: {  	s5 =	simm.s32 $_size__tile_overlayer_lowered;
	s6 =	simm.s32 $_tile_overlayer_lowered  }
0x9b: {  	s22 =	simm.s32 $0x1BFF;
	s21 =	sshll.u32 s6, $0x1;
	s3 =	sadd.s32 s4, s19  }
0x9c: {  	s7 =	simm.s32 $0x0;
	s20 =	sshll.u32 s5, $0x1;
	s5 =	sadd.s32 s21, s3  }
0x9d: {  	[timem:s7], [sflag:s22] =	dma.local [hbm:s5], s20  }
0x9e: {  	_ =	swait.ge [sflag:s22], s20  }
0x9f: {  	s4 =	ssub.s32 $0x0, s20;
	[sflag:s22] =	ssyncset.done $0x0  }
0xa0: {  	[sflag:s22] =	ssyncadd.s32 s4;
	_ =	sdelay $0x1  }
0xa1: {  	s23 =	simm.s32 $0x1B8B  }
0xa2: {  	_ =	swait.ge [sflag:s23], $0x1  }
0xa3: {  	[sflag:s23] =	ssyncset.done $0x0  }
0xa4: {  	s25 =	simm.s32 $0x1B8E;
	s24 =	sld [smem:$0x3FFE];
	[sflag:s23] =	ssyncadd.s32 $0xFFFFFFFF  }
0xa5: {  	s26 =	simm.s32 $execute0_lowered;
	[smem:$0x3FD2] =	sst s25  }
0xa6: {  	s5 =	sshll.u32 s26, $0x1;
	_ =	strace $0x8000004F;
	[dreg:$0x1] =	wrdreg $0xFFFFFFFF  }
0xa7: {  	s28 =	simm.s32 $_size_execute0_lowered;
	s3 =	sadd.s32 s3, s5;
	[dreg:$0x0] =	wrdreg $0x0  }
0xa8: {  	s5 =	sshll.u32 s28, $0x1;
	[dreg:$0x2] =	wrdreg s3  }
0xa9: {  	[dreg:$0x3] =	wrdreg s5  }
0xaa: {  	[dreg:$0x4] =	wrdreg $0xC0  }
0xab: {  	_ =	task [dreg:s7], $0x5FFFF  }
0xac: {  	[dreg:$0x1] =	wrdreg $0xFFFFFFFF  }
0xad: {  	[dreg:$0x0] =	wrdreg $0x60  }
0xae: {  	[dreg:$0x2] =	wrdreg s24  }
0xaf: {  	[dreg:$0x3] =	wrdreg s2  }
0xb0: {  	[dreg:$0x4] =	wrdreg $0x0  }
0xb1: {  	[dreg:$0x5] =	wrdreg $0x9  }
0xb2: {  	_ =	task.clear_ibuf [dreg:s7], $0x6FFFF;
	_ =	strace $0x9000004F  }
0xb3: {  	s29 =	simm.s32 $0x9;
	_ =	strace $0x80000051  }
0xb4: {  	_ =	swait.ge [sflag:s29], $0x1  }
0xb5: {  	[sflag:s29] =	ssyncadd.s32 $0xFFFFFFFF  }
0xb6: {  	_ =	strace $0x90000051  }
0xb7: {  	_ =	sfence  }
0xb8: {  	s30 =	sld [smem:$0x0];
	_ =	sdelay $0x2  }
0xb9: {  	s31 =	sshll.u32 s1, $0xD;
	s1 =	sshrl.u32 s1, $0x2  }
0xba: {  	s3 =	sand.u32 $0x4000, s31;
	s1 =	sadd.s32 s1, s30  }
0xbb: {  	s0 =	sor.u32 s3, s0;
	s1 =	sshll.u32 s1, $0x11  }
0xbc: {  	s0 =	sor.u32 s1, s0  }
0xbd: {  	s0 =	sadd.s32 $0x8F2B, s0  }
0xbe: {  	[sflag:s0] =	ssyncadd.remote.s32 $0x1  }
0xbf: {  	_ =	sfence.sel $0xFFFF  }
0xc0: {  	[dreg:$0x0] =	wrdreg $0xFFFFFFFF;
	(pc) =	sbr.abs _section_cstart, $3  }
0xc1: {  	[dreg:$0x1] =	wrdreg $0xFFFFFFFF  }
0xc2: {  	_ =	task.clear_ibuf [dreg:s7], $0x2FFFF;
	_ =	strace $0x9FFFFFFF  }
0xc3: {  	(tm) =	ssettm $0x7FFFFFFF  }
tec
execute0_lowered:
.L_overlay_start_1:
0x0: {  	(tag) =	ssettag $0x1  }
0x1: {  	s0 =	rddreg [dreg:$0x0]  }
0x2: {  	s1 =	rddreg [dreg:$0x1]  }
0x3: {  	s2 =	rddreg [dreg:$0x2];
	s3 =	srdreg.scid  }
0x4: {  	s5 =	simm.s32 $0x0;
	s10 =	stileid.u32;
	s19 =	simm.s32 $0x15000  }
0x5: {  	s28 =	simm.s32 $0x19000;
	s29 =	simm.s32 $0x14180;
	s30 =	simm.s32 $0x1B000  }
0x6: {  	s31 =	simm.s32 $0x0;
	s3 =	sand.u32 $0x1, s3;
	s7 =	smul.u32 $0x50000, s10  }
0x7: {  	[smem:$0x7FF] =	sst s5;
	s5 =	sadd.s32 $0x2C800, s0;
	s26 =	smul.u32 $0x2800, s10  }
0x8: {  	s6 =	sadd.s32 $0x5E800, s0;
	s9 =	sshll.u32 s10, $0x1;
	s4 =	smul.u32 $0x28000, s3  }
0x9: {  	_ =	strace $0x80000050;
	s20 =	ssub.s32 $0x2, s3;
	s3 =	sor.u32 s3, s9  }
0xa: {  	s7 =	sshrl.u32 s7, $0x2;
	s8 =	sshrl.u32 s20, $0x1;
	s17 =	smul.u32 $0x5000, s3  }
0xb: {  	s0 =	sadd.s32 s4, s0;
	s7 =	sadd.s32 s7, s2;
	s4 =	ssub.s32 s20, s8  }
0xc: {  	s20 =	simm.s32 $0x6;
	s21 =	sadd.s32 $0x2000, s7;
	s22 =	sadd.s32 $0x4000, s7  }
0xd: {  	s23 =	sadd.s32 $0x6000, s7;
	s24 =	sadd.s32 $0x8000, s7;
	[dreg:$0x4] =	wrdreg s21  }
0xe: {  	s25 =	sadd.s32 $0xA000, s7;
	s13 =	sadd.s32 $0xC000, s7;
	[dreg:$0x5] =	wrdreg s22  }
.Ltmp0:
0xf: {  	s14 =	sadd.s32 $0xE000, s7;
	[dreg:$0x6] =	wrdreg s23;
	(pc) =	sbr.rel .LBB2_1-.Ltmp0, $4  }
0x10: {  	s15 =	sadd.s32 $0x10000, s7;
	s16 =	sadd.s32 $0x12000, s7;
	[dreg:$0x7] =	wrdreg s24  }
0x11: {  	s0 =	sadd.s32 $0x72800, s0;
	s18 =	smax.u32 s4, $0x1;
	[dreg:$0x8] =	wrdreg s25  }
0x12: {  	s21 =	simm.s32 $0x14000;
	s22 =	simm.s32 $0x40;
	s23 =	simm.s32 $0x14080  }
0x13: {  	v0 =	vimm.f32 $0.0e+00;
	s24 =	sadd.s32 s26, s0;
	s25 =	simm.s32 $0x17000;
	s26 =	simm.s32 $0x14100  }
.LBB2_10:
0x14: {  	s0 =	stileid.u32;
	s31 =	sadd.s32 $0x1, s31  }
0x15: {  	[bflag:$0x0] =	sbarrier.arrive $0xFFFF;
	s0 =	sshll.u32 s0, $0x6;
	p0 =	sne.s32 s31, s18  }
.Ltmp1:
0x16: {  	s3 =	sshrl.u32 s7, $0x3;
	s0 =	sor.u32 $0x1C06, s0;
	(pc) =	sbr.rel @!p0 .LBB2_11-.Ltmp1, $4  }
0x17: {  	[hbm:s24], [sflag:s0] =	dma.local [spmem:s3], $0x2800  }
0x18: {  	_ =	swait.ge [sflag:s20], $0x2800  }
0x19: {  	[sflag:s20] =	ssyncset.done $0x0  }
0x1a: {  	[sflag:s20] =	ssyncadd.s32 $0xFFFFD800  }
.LBB2_1:
0x1b: {  	s3 =	simm.s32 $0x0  }
0x1c: {  	s0 =	sand.u32 $0x7E00, s3  }
0x1d: {  	s3 =	sand.u32 $0x70, s3;
	s4 =	sshrl.u32 s0, $0x2  }
0x1e: {  	s0 =	simm.s32 $0x40;
	s4 =	sor.u32 s3, s4;
	s3 =	simm.s32 $0x0  }
.LBB2_2:
0x1f: {  	p0 =	sne.s32 s0, $0x7FC0  }
0x20: {  	[tilespmem:s4+$0x15000] =	vst v0;
	s3 =	sadd.s32 $0x10, s3;
	s4 =	smov.u32 s0;
	s0 =	sadd.s32 $0x40, s0  }
.Ltmp2:
0x21: {  	(pc) =	sbr.rel @p0 .LBB2_2-.Ltmp2, $4  }
0x22: {  	_ = 	snop  }
0x23: {  	s4 =	sand.u32 $0x7E00, s4  }
0x24: {  	s8 =	sand.u32 $0x70, s3;
	s4 =	sshrl.u32 s4, $0x2  }
0x25: {  	s4 =	sor.u32 s8, s4  }
0x26: {  	[tilespmem:s4+$0x15000] =	vst v0  }
0x27: {  	[spmem:s7] =	stream.linear.scatter [tilespmem:s19], [sflag:$0x6], $0x2000, $0x38;
	[tilespmem:$0x1F000] =	vst v63  }
0x28: {  	_ =	swait.ge [sflag:s20], $0x2000  }
0x29: {  	[sflag:s20] =	ssyncset.done $0x0  }
0x2a: {  	s0 =	rddreg [dreg:$0x4];
	[sflag:s20] =	ssyncadd.s32 $0xFFFFE000  }
0x2b: {  	[spmem:s0] =	stream.linear.scatter [tilespmem:s19], [sflag:$0x6], $0x2000, $0x38;
	[tilespmem:$0x1F000] =	vst v63  }
0x2c: {  	_ =	swait.ge [sflag:s20], $0x2000  }
0x2d: {  	[sflag:s20] =	ssyncset.done $0x0  }
0x2e: {  	s9 =	rddreg [dreg:$0x5];
	[sflag:s20] =	ssyncadd.s32 $0xFFFFE000  }
0x2f: {  	[spmem:s9] =	stream.linear.scatter [tilespmem:s19], [sflag:$0x6], $0x2000, $0x38;
	[tilespmem:$0x1F000] =	vst v63  }
0x30: {  	_ =	swait.ge [sflag:s20], $0x2000  }
0x31: {  	[sflag:s20] =	ssyncset.done $0x0  }
0x32: {  	s10 =	rddreg [dreg:$0x6];
	[sflag:s20] =	ssyncadd.s32 $0xFFFFE000  }
0x33: {  	[spmem:s10] =	stream.linear.scatter [tilespmem:s19], [sflag:$0x6], $0x2000, $0x38;
	[tilespmem:$0x1F000] =	vst v63  }
0x34: {  	_ =	swait.ge [sflag:s20], $0x2000  }
0x35: {  	[sflag:s20] =	ssyncset.done $0x0  }
0x36: {  	s11 =	rddreg [dreg:$0x7];
	[sflag:s20] =	ssyncadd.s32 $0xFFFFE000  }
0x37: {  	[spmem:s11] =	stream.linear.scatter [tilespmem:s19], [sflag:$0x6], $0x2000, $0x38;
	[tilespmem:$0x1F000] =	vst v63  }
0x38: {  	_ =	swait.ge [sflag:s20], $0x2000  }
0x39: {  	[sflag:s20] =	ssyncset.done $0x0  }
0x3a: {  	s12 =	rddreg [dreg:$0x8];
	[sflag:s20] =	ssyncadd.s32 $0xFFFFE000  }
0x3b: {  	[spmem:s12] =	stream.linear.scatter [tilespmem:s19], [sflag:$0x6], $0x2000, $0x38;
	[tilespmem:$0x1F000] =	vst v63  }
0x3c: {  	_ =	swait.ge [sflag:s20], $0x2000  }
0x3d: {  	[sflag:s20] =	ssyncset.done $0x0  }
0x3e: {  	[sflag:s20] =	ssyncadd.s32 $0xFFFFE000  }
0x3f: {  	[spmem:s13] =	stream.linear.scatter [tilespmem:s19], [sflag:$0x6], $0x2000, $0x38;
	[tilespmem:$0x1F000] =	vst v63  }
0x40: {  	_ =	swait.ge [sflag:s20], $0x2000  }
0x41: {  	[sflag:s20] =	ssyncset.done $0x0  }
0x42: {  	[sflag:s20] =	ssyncadd.s32 $0xFFFFE000  }
0x43: {  	[spmem:s14] =	stream.linear.scatter [tilespmem:s19], [sflag:$0x6], $0x2000, $0x38;
	[tilespmem:$0x1F000] =	vst v63  }
0x44: {  	_ =	swait.ge [sflag:s20], $0x2000  }
0x45: {  	[sflag:s20] =	ssyncset.done $0x0  }
0x46: {  	[sflag:s20] =	ssyncadd.s32 $0xFFFFE000  }
0x47: {  	[spmem:s15] =	stream.linear.scatter [tilespmem:s19], [sflag:$0x6], $0x2000, $0x38;
	[tilespmem:$0x1F000] =	vst v63  }
0x48: {  	_ =	swait.ge [sflag:s20], $0x2000  }
0x49: {  	[sflag:s20] =	ssyncset.done $0x0  }
0x4a: {  	[sflag:s20] =	ssyncadd.s32 $0xFFFFE000  }
0x4b: {  	[spmem:s16] =	stream.linear.scatter [tilespmem:s19], [sflag:$0x6], $0x2000, $0x38;
	[tilespmem:$0x1F000] =	vst v63  }
.Ltmp3:
0x4c: {  	_ =	swait.ge [sflag:s20], $0x2000;
	(pc) =	sbr.rel .LBB2_4-.Ltmp3, $4  }
0x4d: {  	[sflag:s20] =	ssyncset.done $0x0  }
0x4e: {  	[sflag:s20] =	ssyncadd.s32 $0xFFFFE000  }
0x4f: {  	[bflag:$0x0] =	sbarrier.arrive $0xFFFF  }
0x50: {  	s3 =	simm.s32 $0x0;
	s0 =	simm.s32 $0x0  }
.LBB2_9:
0x51: {  	s3 =	sadd.s32 $0x1, s3  }
0x52: {  	p0 =	sne.s32 s3, $0xA  }
.Ltmp4:
0x53: {  	_ = 	snop;
	(pc) =	sbr.rel @!p0 .LBB2_10-.Ltmp4, $1  }
0x54: {  	_ =	sdelay $0x3  }
.LBB2_4:
0x55: {  	s4 =	sshll.u32 s3, $0xB  }
0x56: {  	s4 =	sadd.s32 s17, s4  }
0x57: {  	s4 =	sshrl.u32 s4, $0x3  }
0x58: {  	s8 =	sadd.s32 s1, s4  }
0x59: {  	[tilespmem:s21], [sflag:$0x6] =	stream.linear.gather [hbm4b:s8+s0], $0x800, $0x38;
	[tilespmem:$0x1F000] =	vst v63  }
0x5a: {  	_ =	swait.ge [sflag:s20], $0x800  }
0x5b: {  	[sflag:s20] =	ssyncset.done $0x0  }
0x5c: {  	s12 =	sadd.s32 s6, s4;
	s4 =	simm.s32 $0x14800;
	[sflag:s20] =	ssyncadd.s32 $0xFFFFF800  }
0x5d: {  	[tilespmem:s4], [sflag:$0x6] =	stream.linear.gather [hbm4b:s12+s0], $0x800, $0x38;
	[tilespmem:$0x1F000] =	vst v63  }
0x5e: {  	_ =	swait.ge [sflag:s20], $0x800  }
0x5f: {  	[sflag:s20] =	ssyncset.done $0x0  }
0x60: {  	[sflag:s20] =	ssyncadd.s32 $0xFFFFF800  }
0x61: {  	[tilespmem:s19], [sflag:$0x1] =	stream.indirect.gather [hbm4b:s5+s22], $0x80, s21, s22, $0xb8;
	[tilespmem:$0x1F000] =	vst v63  }
0x62: {  	_ = 	snop  }
0x63: {  	[tilespmem:s25], [sflag:$0x2] =	stream.indirect.gather [hbm4b:s5+s22], $0x80, s23, s22, $0xb8;
	[tilespmem:$0x1F000] =	vst v63  }
.Ltmp5:
0x64: {  	_ = 	snop;
	(pc) =	sbr.rel .LBB2_5-.Ltmp5, $4  }
0x65: {  	_ = 	snop  }
0x66: {  	[tilespmem:s28], [sflag:$0x3] =	stream.indirect.gather [hbm4b:s5+s22], $0x80, s26, s22, $0xb8;
	[tilespmem:$0x1F000] =	vst v63  }
0x67: {  	s9 =	simm.s32 $0x0;
	s8 =	simm.s32 $0x14200  }
0x68: {  	[tilespmem:s30], [sflag:$0x4] =	stream.indirect.gather [hbm4b:s5+s22], $0x80, s29, s22, $0xb8;
	[tilespmem:$0x1F000] =	vst v63  }
.LBB2_7:
0x69: {  	p0 =	seq.s32 s10, $0x2  }
0x6a: {  	p1 =	sgt.u32 @p0 s9, $0xB  }
0x6b: {  	p1 =	por p1, !p0  }
0x6c: {  	p2 =	seq.s32 @!p0 s10, $0x3;
	s11 =	simm.s32 @!p1 $0x40;
	s12 =	simm.s32 @!p1 $0x17000  }
0x6d: {  	[tilespmem:s12], [sflag:$0x2] =	stream.indirect.gather @!p1 [hbm4b:s5+s11], $0x80, s8, s11, $0xb8;
	[tilespmem:$0x1F000] =	vst v63  }
0x6e: {  	s11 =	simm.s32 @p0 $0x3;
	p1 =	por !p2, p0  }
0x6f: {  	_ =	swait.ge @p0 [sflag:s11], $0x2000;
	p3 =	sgt.u32 @!p1 s9, $0xB  }
0x70: {  	s12 =	simm.s32 @p0 $0x19000;
	[sflag:s11] =	ssyncset.done @p0 $0x0;
	p3 =	por @!p0 p3, !p2  }
0x71: {  	[sflag:s11] =	ssyncadd.s32 @p0 $0xFFFFE000;
	s11 =	simm.s32 @p0 $0x40;
	p3 =	por p3, p0  }
0x72: {  	[spmem:s2] =	stream.indirect.scatter.add.f32 @p0 [tilespmem:s12], [sflag:$0x7], $0x80, s4, s11, $0xb8;
	[tilespmem:$0x1F000] =	vst v63  }
0x73: {  	s10 =	simm.s32 @!p3 $0x40;
	s11 =	simm.s32 @!p3 $0x19000  }
0x74: {  	[tilespmem:s11], [sflag:$0x3] =	stream.indirect.gather @!p3 [hbm4b:s5+s10], $0x80, s8, s10, $0xb8;
	[tilespmem:$0x1F000] =	vst v63  }
0x75: {  	s10 =	simm.s32 @!p1 $0x4;
	p3 =	por p2, p0  }
0x76: {  	_ =	swait.ge @!p1 [sflag:s10], $0x2000;
	p4 =	sgt.u32 @!p3 s9, $0xB  }
0x77: {  	s11 =	simm.s32 @!p1 $0x1B000;
	[sflag:s10] =	ssyncset.done @!p1 $0x0;
	p2 =	por @!p0 p4, p2  }
0x78: {  	[sflag:s10] =	ssyncadd.s32 @!p1 $0xFFFFE000;
	s10 =	simm.s32 @!p1 $0x40;
	p2 =	por p2, p0  }
0x79: {  	[spmem:s2] =	stream.indirect.scatter.add.f32 @!p1 [tilespmem:s11], [sflag:$0x7], $0x80, s4, s10, $0xb8;
	[tilespmem:$0x1F000] =	vst v63  }
0x7a: {  	s10 =	simm.s32 @!p2 $0x40;
	s11 =	simm.s32 @!p2 $0x1B000  }
0x7b: {  	[tilespmem:s11], [sflag:$0x4] =	stream.indirect.gather @!p2 [hbm4b:s5+s10], $0x80, s8, s10, $0xb8;
	[tilespmem:$0x1F000] =	vst v63  }
0x7c: {  	s11 =	simm.s32 @!p3 $0x5  }
0x7d: {  	s10 =	simm.s32 @!p1 $0x7;
	_ =	swait.ge @!p3 [sflag:s11], $0x2000  }
0x7e: {  	s12 =	simm.s32 @!p3 $0x1D000;
	s10 =	simm.s32 @p1 $0x6;
	[sflag:s11] =	ssyncset.done @!p3 $0x0  }
0x7f: {  	s10 =	simm.s32 @p0 $0x7;
	[sflag:s11] =	ssyncadd.s32 @!p3 $0xFFFFE000;
	s11 =	simm.s32 @!p3 $0x40  }
0x80: {  	[spmem:s2] =	stream.indirect.scatter.add.f32 @!p3 [tilespmem:s12], [sflag:$0x6], $0x80, s4, s11, $0xb8;
	[tilespmem:$0x1F000] =	vst v63  }
.LBB2_8:
0x81: {  	s9 =	sadd.s32 $0x1, s9  }
0x82: {  	p0 =	sne.s32 s9, $0x10  }
.Ltmp6:
0x83: {  	_ = 	snop;
	(pc) =	sbr.rel @!p0 .LBB2_9-.Ltmp6, $4  }
0x84: {  	_ = 	snop  }
0x85: {  	_ =	swait.ge [sflag:s10], $0x2000  }
0x86: {  	[sflag:s10] =	ssyncset.done $0x0  }
0x87: {  	s8 =	sadd.s32 $0x80, s8;
	s4 =	sadd.s32 $0x80, s4;
	[sflag:s10] =	ssyncadd.s32 $0xFFFFE000  }
.LBB2_5:
0x88: {  	s10 =	smul.u32 $0xCD, s9;
	_ =	sdelay $0x1  }
0x89: {  	s10 =	sshrl.u32 s10, $0xA  }
0x8a: {  	s10 =	sand.u32 $0x3F, s10  }
0x8b: {  	s10 =	smul.u32 $0x5, s10;
	_ =	sdelay $0x1  }
0x8c: {  	s10 =	ssub.s32 s9, s10  }
0x8d: {  	s10 =	sand.u32 $0xFF, s10  }
0x8e: {  	p0 =	sgt.s32 s10, $0x1  }
.Ltmp7:
0x8f: {  	_ = 	snop;
	(pc) =	sbr.rel @p0 .LBB2_7-.Ltmp7, $1  }
0x90: {  	_ =	sdelay $0x3  }
0x91: {  	p0 =	seq.s32 s10, $0x0  }
0x92: {  	p1 =	sgt.u32 @p0 s9, $0xB  }
0x93: {  	p1 =	por p1, !p0  }
0x94: {  	s10 =	simm.s32 @!p1 $0x40;
	s11 =	simm.s32 @!p1 $0x1D000  }
0x95: {  	[tilespmem:s11], [sflag:$0x5] =	stream.indirect.gather @!p1 [hbm4b:s5+s10], $0x80, s8, s10, $0xb8;
	[tilespmem:$0x1F000] =	vst v63  }
0x96: {  	s10 =	simm.s32 @p0 $0x1  }
0x97: {  	_ =	swait.ge @p0 [sflag:s10], $0x2000  }
0x98: {  	s11 =	simm.s32 @p0 $0x15000;
	p1 =	sgt.u32 @!p0 s9, $0xB;
	[sflag:s10] =	ssyncset.done @p0 $0x0  }
0x99: {  	p1 =	por p1, p0;
	[sflag:s10] =	ssyncadd.s32 @p0 $0xFFFFE000;
	s10 =	simm.s32 @p0 $0x40  }
0x9a: {  	[spmem:s2] =	stream.indirect.scatter.add.f32 @p0 [tilespmem:s11], [sflag:$0x7], $0x80, s4, s10, $0xb8;
	[tilespmem:$0x1F000] =	vst v63  }
0x9b: {  	s10 =	simm.s32 @!p1 $0x40;
	s11 =	simm.s32 @!p1 $0x15000  }
0x9c: {  	[tilespmem:s11], [sflag:$0x1] =	stream.indirect.gather @!p1 [hbm4b:s5+s10], $0x80, s8, s10, $0xb8;
	[tilespmem:$0x1F000] =	vst v63  }
0x9d: {  	s10 =	simm.s32 @!p0 $0x2  }
0x9e: {  	_ =	swait.ge @!p0 [sflag:s10], $0x2000  }
.Ltmp8:
0x9f: {  	[sflag:s10] =	ssyncset.done @!p0 $0x0;
	(pc) =	sbr.rel .LBB2_8-.Ltmp8, $4  }
0xa0: {  	s11 =	simm.s32 @!p0 $0x17000;
	[sflag:s10] =	ssyncadd.s32 @!p0 $0xFFFFE000;
	s10 =	simm.s32 @!p0 $0x40  }
0xa1: {  	[spmem:s2] =	stream.indirect.scatter.add.f32 @!p0 [tilespmem:s11], [sflag:$0x7], $0x80, s4, s10, $0xb8;
	[tilespmem:$0x1F000] =	vst v63  }
0xa2: {  	s10 =	simm.s32 @!p0 $0x7  }
0xa3: {  	s10 =	simm.s32 @p0 $0x7  }
.LBB2_11:
0xa4: {  	_ =	sfence.sel $0x180000  }
0xa5: {  	[bflag:$0x0] =	sbarrier.arrive $0xFFFF  }
0xa6: {  	_ =	strace $0x90000050  }
0xa7: {  	s0 =	stileid.u32;
	[bflag:$0x2] =	sbarrier.arrive $0xFFFF  }
0xa8: {  	p0 =	sne.s32 s0, $0x0;
	s0 =	rddreg [dreg:$0x3]  }
0xa9: {  	s0 =	sadd.s32 @!p0 $0x100000, s0  }
0xaa: {  	[sflag:s0] =	ssyncadd.tile.s32 @!p0 $0x1;
	_ =	shalt  }
.Lfunc_end2:
_tile_overlayer_lowered:
.L_overlay_start_2:
0xab: {  	(tag) =	ssettag $0x2  }
0xac: {  	s0 =	rddreg [dreg:$0x0];
	s2 =	stileid.u32  }
0xad: {  	s1 =	rddreg [dreg:$0x1];
	p0 =	sne.s32 s2, $0x0  }
0xae: {  	s3 =	rddreg [dreg:$0x2];
	[bflag:$0x3] =	sbarrier.arrive $0xFFFF;
	s2 =	simm.s32 @!p0 $0x1C06  }
0xaf: {  	[timem:s3], [sflag:s2] =	dma.local @!p0 [hbm:s0], s1  }
0xb0: {  	s0 =	simm.s32 @!p0 $0x6  }
0xb1: {  	_ =	swait.ge @!p0 [sflag:s0], s1  }
0xb2: {  	s1 =	ssub.s32 @!p0 $0x0, s1;
	[sflag:s0] =	ssyncset.done @!p0 $0x0  }
0xb3: {  	[sflag:s0] =	ssyncadd.s32 @!p0 s1  }
0xb4: {  	[bflag:$0x3] =	sbarrier.arrive $0xFFFF  }
0xb5: {  	_ =	shalt  }

</sc_bundles>
